<compile_context>
chip_gen: v7x
topology: tpu7x:2x2x1
jax: 0.10.2.dev20260603
libtpu: 0.0.44.dev20260713+nightly
codegen_flags: <defaults>
</compile_context>

<pallas_src>
import functools

import jax
import jax.numpy as jnp
from jax import lax
from jax.experimental import pallas as pl
from jax.experimental.pallas import tpu as pltpu
from jax.experimental.pallas import tpu_sc as plsc

N = 10000
D = 128
C = 16
E = 320000
NC = 2
NS = 16
NW = NC * NS
EDGES_PER_TILE = E // NW
CHUNK = 80
N_CHUNKS = EDGES_PER_TILE // CHUNK
U = 4
RS = 3
RSP = 5
NSB = 6
TAIL = 5
NP = 10240
ROWS_PER_TILE = NP // NS
ZROWS = 16

_MESH = plsc.VectorSubcoreMesh(core_axis_name="c", subcore_axis_name="s")
_SC_PARAMS = pltpu.CompilerParams(use_tc_tiling_on_sc=False)


def _zero_fill(buf, rows, width):
    @pl.loop(0, rows)
    def _(r):
        @pl.loop(0, width // 16)
        def _(j):
            buf[r, pl.ds(j * 16, 16)] = jnp.zeros((16,), jnp.float32)


def _zero_acc_slice(zbuf, acc_sh, row0, sem_z):
    nz = ROWS_PER_TILE // ZROWS

    @pl.loop(0, nz)
    def _(k):
        pltpu.make_async_copy(
            zbuf, acc_sh.at[pl.ds(row0 + k * ZROWS, ZROWS)], sem_z).start()

    @pl.loop(0, nz)
    def _(k):
        pltpu.make_async_copy(
            zbuf, acc_sh.at[pl.ds(row0 + k * ZROWS, ZROWS)], sem_z).wait()


def _make_sc_agg(width, stage_in_spmem, preload_src=False):

    rs = RSP if preload_src else RS
    src_scr = (pltpu.VMEM((EDGES_PER_TILE,), jnp.int32) if preload_src else
               [pltpu.VMEM((CHUNK,), jnp.int32) for _ in range(NSB)])
    scratch = [
        src_scr,
        pltpu.VMEM((EDGES_PER_TILE,), jnp.int32),
        [pltpu.VMEM((CHUNK, width), jnp.float32) for _ in range(rs)],
        pltpu.VMEM((ZROWS, width), jnp.float32),
        pltpu.VMEM_SHARED((NP, width), jnp.float32),
        pltpu.SemaphoreType.DMA((NSB,)),
        pltpu.SemaphoreType.DMA((rs,)),
        pltpu.SemaphoreType.DMA((rs,)),
        pltpu.SemaphoreType.DMA,
    ]
    if stage_in_spmem:
        scratch.append(pltpu.VMEM_SHARED((N, width), jnp.float32))

    @functools.partial(
        pl.kernel,
        out_type=jax.ShapeDtypeStruct((NC, NP, width), jnp.float32),
        mesh=_MESH,
        scratch_types=scratch,
        compiler_params=_SC_PARAMS,
    )
    def agg(g_hbm, src_hbm, dst_hbm, out_hbm, srcb, dst_all, rows, zbuf,
            acc_sh, sem_i, sem_g, sem_s, sem_z, *rest):
        c = lax.axis_index("c")
        s = lax.axis_index("s")
        wid = c * NS + s
        row0 = s * ROWS_PER_TILE

        if stage_in_spmem:
            g_tab = rest[0]

            @pl.when(s == 0)
            def _():
                pltpu.sync_copy(g_hbm, g_tab)
        else:
            g_tab = g_hbm

        e0 = wid * EDGES_PER_TILE
        pltpu.sync_copy(dst_hbm.at[pl.ds(e0, EDGES_PER_TILE)], dst_all)

        _zero_fill(zbuf, ZROWS, width)
        _zero_acc_slice(zbuf, acc_sh, row0, sem_z)
        plsc.subcore_barrier()

        def s_desc(i, b):
            return pltpu.make_async_copy(
                rows[b], acc_sh.at[dst_all.at[pl.ds(i * CHUNK, CHUNK)]],
                sem_s.at[b])

        if preload_src:
            src_all = srcb
            pltpu.sync_copy(src_hbm.at[pl.ds(e0, EDGES_PER_TILE)], src_all)

            def g_desc(i, b):
                return pltpu.make_async_copy(
                    g_tab.at[src_all.at[pl.ds(i * CHUNK, CHUNK)]], rows[b],
                    sem_g.at[b])

            @pl.loop(0, N_CHUNKS // RSP)
            def _(it):
                i0 = it * RSP
                for u in range(RSP):
                    i = i0 + u

                    @pl.when(i >= RSP)
                    def _():
                        s_desc(i - RSP, u).wait()

                    g_desc(i, u).start()

                    @pl.when(i >= 2)
                    def _():
                        g_desc(i - 2, (u - 2) % RSP).wait()
                        s_desc(i - 2, (u - 2) % RSP).start(add=True)

            for k in (N_CHUNKS - 2, N_CHUNKS - 1):
                g_desc(k, k % RSP).wait()
                s_desc(k, k % RSP).start(add=True)
            for k in range(N_CHUNKS - RSP, N_CHUNKS):
                s_desc(k, k % RSP).wait()
        else:
            def i_desc(i, v):
                return pltpu.make_async_copy(
                    src_hbm.at[pl.ds(e0 + i * CHUNK, CHUNK)], srcb[v],
                    sem_i.at[v])

            def g_desc(i, b, v):
                return pltpu.make_async_copy(g_tab.at[srcb[v]], rows[b],
                                             sem_g.at[b])

            i_desc(0, 0).start()
            i_desc(1, 1).start()

            @pl.loop(0, (N_CHUNKS - TAIL) // NSB)
            def _(it):
                i0 = it * NSB
                for u in range(NSB):
                    i = i0 + u
                    b = u % RS
                    v = u

                    @pl.when(i >= RS)
                    def _():
                        s_desc(i - RS, b).wait()

                    i_desc(i + 2, (u + 2) % NSB).start()
                    i_desc(i, v).wait()
                    g_desc(i, b, v).start()

                    @pl.when(i >= 2)
                    def _():
                        g_desc(i - 2, (u - 2) % RS, (u - 2) % NSB).wait()
                        s_desc(i - 2, (u - 2) % RS).start(add=True)

            for k in range(N_CHUNKS - TAIL, N_CHUNKS):
                b = k % RS
                v = k % NSB
                s_desc(k - RS, b).wait()
                if k + 2 < N_CHUNKS:
                    i_desc(k + 2, (k + 2) % NSB).start()
                i_desc(k, v).wait()
                g_desc(k, b, v).start()
                g_desc(k - 2, (k - 2) % RS, (k - 2) % NSB).wait()
                s_desc(k - 2, (k - 2) % RS).start(add=True)

            for k in (N_CHUNKS - 2, N_CHUNKS - 1):
                g_desc(k, k % RS, k % NSB).wait()
                s_desc(k, k % RS).start(add=True)
            for k in range(N_CHUNKS - RS, N_CHUNKS):
                s_desc(k, k % RS).wait()

        plsc.subcore_barrier()
        pltpu.sync_copy(acc_sh.at[pl.ds(row0, ROWS_PER_TILE)],
                        out_hbm.at[c].at[pl.ds(row0, ROWS_PER_TILE)])

    return agg


_sc_agg128 = _make_sc_agg(D, stage_in_spmem=False)
_sc_agg16 = _make_sc_agg(C, stage_in_spmem=True, preload_src=True)


@functools.partial(
    pl.kernel,
    out_type=jax.ShapeDtypeStruct((NC, NP, 16), jnp.float32),
    mesh=_MESH,
    scratch_types=[
        pltpu.VMEM((EDGES_PER_TILE,), jnp.int32),
        pltpu.VMEM((CHUNK, 16), jnp.float32),
        pltpu.VMEM((ZROWS, 16), jnp.float32),
        pltpu.VMEM_SHARED((NP, 16), jnp.float32),
        pltpu.SemaphoreType.DMA((U,)),
        pltpu.SemaphoreType.DMA,
    ],
    compiler_params=_SC_PARAMS,
)
def _sc_deg(dst_hbm, out_hbm, dst_all, ones_v, zbuf, acc_sh, sem_s, sem_z):
    c = lax.axis_index("c")
    s = lax.axis_index("s")
    wid = c * NS + s
    row0 = s * ROWS_PER_TILE

    pltpu.sync_copy(dst_hbm.at[pl.ds(wid * EDGES_PER_TILE, EDGES_PER_TILE)], dst_all)

    _zero_fill(zbuf, ZROWS, 16)

    @pl.loop(0, CHUNK)
    def _(r):
        ones_v[r, pl.ds(0, 16)] = jnp.ones((16,), jnp.float32)

    _zero_acc_slice(zbuf, acc_sh, row0, sem_z)
    plsc.subcore_barrier()

    def s_desc(i, b):
        return pltpu.make_async_copy(
            ones_v, acc_sh.at[dst_all.at[pl.ds(i * CHUNK, CHUNK)]],
            sem_s.at[b])

    @pl.loop(0, (N_CHUNKS - 1) // U)
    def _(it):
        i0 = it * U
        for b in range(U):
            i = i0 + b

            @pl.when(i >= U)
            def _():
                s_desc(i - U, b).wait()

            s_desc(i, b).start(add=True)

    kl = N_CHUNKS - 1
    s_desc(kl - U, 0).wait()
    s_desc(kl, 0).start(add=True)
    for k in range(N_CHUNKS - U, N_CHUNKS):
        s_desc(k, k % U).wait()

    plsc.subcore_barrier()
    pltpu.sync_copy(acc_sh.at[pl.ds(row0, ROWS_PER_TILE)],
                    out_hbm.at[c].at[pl.ds(row0, ROWS_PER_TILE)])


def _dinv_from(dp_ref):
    deg = dp_ref[0, 0:N, 0:1] + dp_ref[1, 0:N, 0:1] + 1.0
    return lax.rsqrt(deg)


def _tc1a_body(x_ref, w_ref, o_ref):
    o_ref[...] = jnp.dot(x_ref[...], w_ref[...],
                         preferred_element_type=jnp.float32)


def _tc1b_body(h_ref, dp_ref, o_ref, dinv_ref):
    dinv = _dinv_from(dp_ref)
    dinv_ref[...] = dinv
    o_ref[...] = h_ref[...] * dinv


def _tc2_body(p_ref, g_ref, dinv_ref, w_ref, b_ref, o_ref):
    dinv = dinv_ref[...]
    h1 = dinv * (p_ref[0, 0:N] + p_ref[1, 0:N] + g_ref[...]) + b_ref[...]
    h1 = jnp.maximum(h1, 0.0)
    z = jnp.dot(h1, w_ref[...], preferred_element_type=jnp.float32)
    o_ref[...] = z * dinv


def _tc3_body(p_ref, g_ref, dinv_ref, b_ref, o_ref):
    dinv = dinv_ref[...]
    logits = dinv * (p_ref[0, 0:N] + p_ref[1, 0:N] + g_ref[...]) + b_ref[...]
    m = jnp.max(logits, axis=-1, keepdims=True)
    e = jnp.exp(logits - m)
    o_ref[...] = e * (1.0 / jnp.sum(e, axis=-1, keepdims=True))


def kernel(x, edge_index, W1, b1, W2, b2):
    ei = edge_index.astype(jnp.int32)
    src = ei[0]
    dst = ei[1]

    degp = _sc_deg(dst)

    h = pl.pallas_call(
        _tc1a_body,
        out_shape=jax.ShapeDtypeStruct((N, D), jnp.float32),
    )(x, W1)

    g1, dinv = pl.pallas_call(
        _tc1b_body,
        out_shape=(jax.ShapeDtypeStruct((N, D), jnp.float32),
                   jax.ShapeDtypeStruct((N, 1), jnp.float32)),
    )(h, degp)

    p1 = _sc_agg128(g1, src, dst)

    g2 = pl.pallas_call(
        _tc2_body,
        out_shape=jax.ShapeDtypeStruct((N, C), jnp.float32),
    )(p1, g1, dinv, W2, b1.reshape(1, D))

    p2 = _sc_agg16(g2, src, dst)

    out = pl.pallas_call(
        _tc3_body,
        out_shape=jax.ShapeDtypeStruct((N, C), jnp.float32),
    )(p2, g2, dinv, b2.reshape(1, C))

    return out

# --- scband reference (transcript-rebuilt; emitter-appended) ---
"""Pipeline reference for scband-dmo-nmodel-66039417143756 (READ-ONLY COPY).

The authoritative reference and input builder live on the scoring server;
editing this copy changes nothing except your own understanding.
"""

import jax, jax.numpy as jnp
import numpy as np

N_NODES = 10000
IN_DIM = 128
HIDDEN_DIM = 128
NUM_CLUSTERS = 16
N_EDGES = 320000


def gcn_conv(x, edge_index, W, b):
    # Faithful re-implementation of torch_geometric GCNConv (add_self_loops=True, normalize=True, bias=True)
    num_nodes = x.shape[0]
    src = edge_index[0]
    dst = edge_index[1]
    loop = jnp.arange(num_nodes, dtype=edge_index.dtype)
    src = jnp.concatenate([src, loop])
    dst = jnp.concatenate([dst, loop])
    # symmetric normalization: deg computed on dst with unit edge weights (incl. self loops)
    deg = jnp.zeros((num_nodes,), dtype=x.dtype).at[dst].add(1.0)
    dinv = jnp.where(deg > 0, deg ** -0.5, 0.0)
    norm = dinv[src] * dinv[dst]
    h = x @ W
    msg = h[src] * norm[:, None]
    out = jnp.zeros((num_nodes, W.shape[1]), dtype=x.dtype).at[dst].add(msg)
    return out + b


def setup_inputs(seed: int = 0) -> dict:
    key = jax.random.key(seed)
    k1, k2, k3, k4, k5 = jax.random.split(key, 5)
    x = jax.random.normal(k1, (N_NODES, IN_DIM), dtype=jnp.float32)
    edge_index = jax.random.randint(k2, (2, N_EDGES), 0, N_NODES, dtype=jnp.int64)
    # glorot-style init like PyG GCNConv
    s1 = (6.0 / (IN_DIM + HIDDEN_DIM)) ** 0.5
    W1 = jax.random.uniform(k3, (IN_DIM, HIDDEN_DIM), minval=-s1, maxval=s1, dtype=jnp.float32)
    b1 = jnp.zeros((HIDDEN_DIM,), dtype=jnp.float32)
    s2 = (6.0 / (HIDDEN_DIM + NUM_CLUSTERS)) ** 0.5
    W2 = jax.random.uniform(k4, (HIDDEN_DIM, NUM_CLUSTERS), minval=-s2, maxval=s2, dtype=jnp.float32)
    b2 = jnp.zeros((NUM_CLUSTERS,), dtype=jnp.float32)
    return {"x": x, "edge_index": edge_index, "W1": W1, "b1": b1, "W2": W2, "b2": b2}


def reference(x, edge_index, W1, b1, W2, b2):
    h = jax.nn.relu(gcn_conv(x, edge_index, W1, b1))
    # dropout p=0.0 / eval mode -> identity
    logits = gcn_conv(h, edge_index, W2, b2)
    cluster_assignments = jax.nn.softmax(logits, axis=-1)
    return cluster_assignments

if __name__ == "__main__":
    import jax
    _d = setup_inputs()
    print(jax.jit(kernel)(*tuple(_d.values())))

</pallas_src>

<mosaic_0001>
#map = affine_map<(d0, d1) -> (0, 0)>
#map1 = affine_map<(d0, d1) -> (0)>
#map2 = affine_map<(d0, d1) -> (0, 0, 0)>
module attributes {stable_mosaic.version = 14 : i64} {
  func.func @agg(%arg0: i32, %arg1: i32, %arg2: memref<10000x128xf32, #tpu.memory_space<hbm>>, %arg3: memref<320000xi32, #tpu.memory_space<hbm>>, %arg4: memref<320000xi32, #tpu.memory_space<hbm>>, %arg5: memref<2x10240x128xf32, #tpu.memory_space<hbm>>, %arg6: memref<80xi32, #tpu.memory_space<vmem>>, %arg7: memref<80xi32, #tpu.memory_space<vmem>>, %arg8: memref<80xi32, #tpu.memory_space<vmem>>, %arg9: memref<80xi32, #tpu.memory_space<vmem>>, %arg10: memref<80xi32, #tpu.memory_space<vmem>>, %arg11: memref<80xi32, #tpu.memory_space<vmem>>, %arg12: memref<10000xi32, #tpu.memory_space<vmem>>, %arg13: memref<80x128xf32, #tpu.memory_space<vmem>>, %arg14: memref<80x128xf32, #tpu.memory_space<vmem>>, %arg15: memref<80x128xf32, #tpu.memory_space<vmem>>, %arg16: memref<16x128xf32, #tpu.memory_space<vmem>>, %arg17: memref<10240x128xf32, #tpu.memory_space<vmem_shared>>, %arg18: memref<6x!tpu.dma_semaphore, #tpu.memory_space<semaphore_mem>>, %arg19: memref<3x!tpu.dma_semaphore, #tpu.memory_space<semaphore_mem>>, %arg20: memref<3x!tpu.dma_semaphore, #tpu.memory_space<semaphore_mem>>, %arg21: memref<!tpu.dma_semaphore, #tpu.memory_space<semaphore_mem>>) attributes {dimension_semantics = [#tpu.dimension_semantics<core_parallel>, #tpu.dimension_semantics<subcore_parallel>], iteration_bounds = array<i64: 2, 16>, scalar_prefetch = 0 : i64, scratch_operands = 16 : i64, tpu.core_type = #tpu.core_type<sc_vector_subcore>, window_params = [{transform_indices = #map}, {transform_indices = #map1}, {transform_indices = #map1}, {transform_indices = #map2}]} {
    %mul3A = arith.constant 16 : i32
    %mul3A_0 = arith.muli %arg0, %mul3A : i32
    %add3A = arith.addi %mul3A_0, %arg1 : i32
    %mul3A_1 = arith.constant 640 : i32
    %mul3A_2 = arith.muli %arg1, %mul3A_1 : i32
    %mul3A_3 = arith.constant 10000 : i32
    %mul3A_4 = arith.muli %add3A, %mul3A_3 : i32
    "tpu.region"() ({
      %run_scoped3A = tpu.sem_alloc : memref<!tpu.dma_semaphore, #tpu.memory_space<semaphore_mem>>
      %dma_start3A_285 = tpu.memref_slice %arg4[%mul3A_4] : memref<320000xi32, #tpu.memory_space<hbm>> -> memref<10000xi32, #tpu.memory_space<hbm>>
      %dma_start3A_286 = tpu.memref_slice %arg4[%mul3A_4] : memref<320000xi32, #tpu.memory_space<hbm>> -> memref<10000xi32, #tpu.memory_space<hbm>>
      tpu.enqueue_dma source(%dma_start3A_286 : memref<10000xi32, #tpu.memory_space<hbm>>) target(%arg12 : memref<10000xi32, #tpu.memory_space<vmem>>) target_semaphore(%run_scoped3A : memref<!tpu.dma_semaphore, #tpu.memory_space<semaphore_mem>>)
      %dma_wait3A_287 = tpu.memref_slice %arg4[%mul3A_4] : memref<320000xi32, #tpu.memory_space<hbm>> -> memref<10000xi32, #tpu.memory_space<hbm>>
      %dma_wait3A_288 = tpu.memref_slice %arg4[%mul3A_4] : memref<320000xi32, #tpu.memory_space<hbm>> -> memref<10000xi32, #tpu.memory_space<hbm>>
      tpu.wait_dma2 semaphore(%run_scoped3A : memref<!tpu.dma_semaphore, #tpu.memory_space<semaphore_mem>>) src(%dma_wait3A_288 : memref<10000xi32, #tpu.memory_space<hbm>>) dst(%arg12 : memref<10000xi32, #tpu.memory_space<vmem>>)
      tpu.yield
    }) : () -> ()
    %scan3A = arith.constant 0 : i32
    %scan3A_5 = arith.constant 16 : i32
    %scan3A_6 = arith.addi %scan3A, %scan3A_5 : i32
    %scan3A_7 = arith.constant 1 : i32
    scf.for %scan3A_285 = %scan3A to %scan3A_6 step %scan3A_7  : i32 {
      %mul3A_286 = arith.constant 1 : i32
      %mul3A_287 = arith.muli %scan3A_285, %mul3A_286 : i32
      %add3A_288 = arith.constant 0 : i32
      %add3A_289 = arith.addi %add3A_288, %mul3A_287 : i32
      %scan3A_290 = arith.constant 0 : i32
      %scan3A_291 = arith.constant 8 : i32
      %scan3A_292 = arith.addi %scan3A_290, %scan3A_291 : i32
      %scan3A_293 = arith.constant 1 : i32
      scf.for %scan3A_295 = %scan3A_290 to %scan3A_292 step %scan3A_293  : i32 {
        %mul3A_296 = arith.constant 1 : i32
        %mul3A_297 = arith.muli %scan3A_295, %mul3A_296 : i32
        %add3A_298 = arith.constant 0 : i32
        %add3A_299 = arith.addi %add3A_298, %mul3A_297 : i32
        %broadcast_in_dim3A = arith.constant 0.000000e+00 : f32
        %broadcast_in_dim3A_300 = vector.broadcast %broadcast_in_dim3A : f32 to vector<16xf32>
        %mul3A_301 = arith.constant 16 : i32
        %mul3A_302 = arith.muli %add3A_299, %mul3A_301 : i32
        %swap3A = arith.index_cast %add3A_289 : i32 to index
        %swap3A_303 = arith.index_cast %mul3A_302 : i32 to index
        %swap3A_304 = tpu.vector_load %arg16[%swap3A, %swap3A_303] {strides = array<i32>} : memref<16x128xf32, #tpu.memory_space<vmem>>, vector<1x16xf32>,
        %swap3A_305 = vector.shape_cast %swap3A_304 : vector<1x16xf32> to vector<16xf32>
        %swap3A_306 = vector.shape_cast %broadcast_in_dim3A_300 : vector<16xf32> to vector<1x16xf32>
        tpu.vector_store %arg16[%swap3A, %swap3A_303], %swap3A_306 {strides = array<i32>} : memref<16x128xf32, #tpu.memory_space<vmem>>, vector<1x16xf32>,
      }
      %scan3A_294 = arith.constant 8 : i32
    }
    %scan3A_8 = arith.constant 16 : i32
    %scan3A_9 = arith.constant 0 : i32
    %scan3A_10 = arith.constant 40 : i32
    %scan3A_11 = arith.addi %scan3A_9, %scan3A_10 : i32
    %scan3A_12 = arith.constant 1 : i32
    scf.for %scan3A_285 = %scan3A_9 to %scan3A_11 step %scan3A_12  : i32 {
      %mul3A_286 = arith.constant 1 : i32
      %mul3A_287 = arith.muli %scan3A_285, %mul3A_286 : i32
      %add3A_288 = arith.constant 0 : i32
      %add3A_289 = arith.addi %add3A_288, %mul3A_287 : i32
      %mul3A_290 = arith.constant 16 : i32
      %mul3A_291 = arith.muli %add3A_289, %mul3A_290 : i32
      %add3A_292 = arith.addi %mul3A_2, %mul3A_291 : i32
      %dma_start3A_293 = arith.constant 0 : i32
      %dma_start3A_294 = tpu.memref_slice %arg17[%add3A_292, %dma_start3A_293] : memref<10240x128xf32, #tpu.memory_space<vmem_shared>> -> memref<16x128xf32, #tpu.memory_space<vmem_shared>>
      %dma_start3A_295 = arith.constant 0 : i32
      %dma_start3A_296 = tpu.memref_slice %arg17[%add3A_292, %dma_start3A_295] : memref<10240x128xf32, #tpu.memory_space<vmem_shared>> -> memref<16x128xf32, #tpu.memory_space<vmem_shared>>
      tpu.enqueue_dma source(%arg16 : memref<16x128xf32, #tpu.memory_space<vmem>>) target(%dma_start3A_296 : memref<16x128xf32, #tpu.memory_space<vmem_shared>>) target_semaphore(%arg21 : memref<!tpu.dma_semaphore, #tpu.memory_space<semaphore_mem>>)
    }
    %scan3A_13 = arith.constant 40 : i32
    %scan3A_14 = arith.constant 0 : i32
    %scan3A_15 = arith.constant 40 : i32
    %scan3A_16 = arith.addi %scan3A_14, %scan3A_15 : i32
    %scan3A_17 = arith.constant 1 : i32
    scf.for %scan3A_285 = %scan3A_14 to %scan3A_16 step %scan3A_17  : i32 {
      %mul3A_286 = arith.constant 1 : i32
      %mul3A_287 = arith.muli %scan3A_285, %mul3A_286 : i32
      %add3A_288 = arith.constant 0 : i32
      %add3A_289 = arith.addi %add3A_288, %mul3A_287 : i32
      %mul3A_290 = arith.constant 16 : i32
      %mul3A_291 = arith.muli %add3A_289, %mul3A_290 : i32
      %add3A_292 = arith.addi %mul3A_2, %mul3A_291 : i32
      %dma_wait3A_293 = arith.constant 0 : i32
      %dma_wait3A_294 = tpu.memref_slice %arg17[%add3A_292, %dma_wait3A_293] : memref<10240x128xf32, #tpu.memory_space<vmem_shared>> -> memref<16x128xf32, #tpu.memory_space<vmem_shared>>
      %dma_wait3A_295 = arith.constant 0 : i32
      %dma_wait3A_296 = tpu.memref_slice %arg17[%add3A_292, %dma_wait3A_295] : memref<10240x128xf32, #tpu.memory_space<vmem_shared>> -> memref<16x128xf32, #tpu.memory_space<vmem_shared>>
      tpu.wait_dma2 semaphore(%arg21 : memref<!tpu.dma_semaphore, #tpu.memory_space<semaphore_mem>>) src(%arg16 : memref<16x128xf32, #tpu.memory_space<vmem>>) dst(%dma_wait3A_296 : memref<16x128xf32, #tpu.memory_space<vmem_shared>>)
    }
    %scan3A_18 = arith.constant 40 : i32
    %barrier3A = arith.constant 0 : index
    tpu.barrier barrier_id(%barrier3A)
    %add3A_19 = arith.constant 0 : i32
    %add3A_20 = arith.addi %mul3A_4, %add3A_19 : i32
    %dma_start3A = arith.constant 0 : i32
    %dma_start3A_21 = tpu.memref_slice %arg3[%add3A_20] : memref<320000xi32, #tpu.memory_space<hbm>> -> memref<80xi32, #tpu.memory_space<hbm>>
    %dma_start3A_22 = tpu.memref_slice %arg18[%dma_start3A] : memref<6x!tpu.dma_semaphore, #tpu.memory_space<semaphore_mem>> -> memref<1x!tpu.dma_semaphore, #tpu.memory_space<semaphore_mem>>
    %dma_start3A_23 = tpu.memref_squeeze %dma_start3A_22 : memref<1x!tpu.dma_semaphore, #tpu.memory_space<semaphore_mem>> -> memref<!tpu.dma_semaphore, #tpu.memory_space<semaphore_mem>>
    %dma_start3A_24 = tpu.memref_slice %arg3[%add3A_20] : memref<320000xi32, #tpu.memory_space<hbm>> -> memref<80xi32, #tpu.memory_space<hbm>>
    tpu.enqueue_dma source(%dma_start3A_24 : memref<80xi32, #tpu.memory_space<hbm>>) target(%arg6 : memref<80xi32, #tpu.memory_space<vmem>>) target_semaphore(%dma_start3A_23 : memref<!tpu.dma_semaphore, #tpu.memory_space<semaphore_mem>>)
    %add3A_25 = arith.constant 80 : i32
    %add3A_26 = arith.addi %mul3A_4, %add3A_25 : i32
    %dma_start3A_27 = arith.constant 1 : i32
    %dma_start3A_28 = tpu.memref_slice %arg3[%add3A_26] : memref<320000xi32, #tpu.memory_space<hbm>> -> memref<80xi32, #tpu.memory_space<hbm>>
    %dma_start3A_29 = tpu.memref_slice %arg18[%dma_start3A_27] : memref<6x!tpu.dma_semaphore, #tpu.memory_space<semaphore_mem>> -> memref<1x!tpu.dma_semaphore, #tpu.memory_space<semaphore_mem>>
    %dma_start3A_30 = tpu.memref_squeeze %dma_start3A_29 : memref<1x!tpu.dma_semaphore, #tpu.memory_space<semaphore_mem>> -> memref<!tpu.dma_semaphore, #tpu.memory_space<semaphore_mem>>
    %dma_start3A_31 = tpu.memref_slice %arg3[%add3A_26] : memref<320000xi32, #tpu.memory_space<hbm>> -> memref<80xi32, #tpu.memory_space<hbm>>
    tpu.enqueue_dma source(%dma_start3A_31 : memref<80xi32, #tpu.memory_space<hbm>>) target(%arg7 : memref<80xi32, #tpu.memory_space<vmem>>) target_semaphore(%dma_start3A_30 : memref<!tpu.dma_semaphore, #tpu.memory_space<semaphore_mem>>)
    %scan3A_32 = arith.constant 0 : i32
    %scan3A_33 = arith.constant 20 : i32
    %scan3A_34 = arith.addi %scan3A_32, %scan3A_33 : i32
    %scan3A_35 = arith.constant 1 : i32
    scf.for %scan3A_285 = %scan3A_32 to %scan3A_34 step %scan3A_35  : i32 {
      %mul3A_286 = arith.constant 1 : i32
      %mul3A_287 = arith.muli %scan3A_285, %mul3A_286 : i32
      %add3A_288 = arith.constant 0 : i32
      %add3A_289 = arith.addi %add3A_288, %mul3A_287 : i32
      %mul3A_290 = arith.constant 6 : i32
      %mul3A_291 = arith.muli %add3A_289, %mul3A_290 : i32
      %add3A_292 = arith.constant 0 : i32
      %add3A_293 = arith.addi %mul3A_291, %add3A_292 : i32
      %ge3A = arith.constant 3 : i32
      %ge3A_294 = arith.cmpi sge, %add3A_293, %ge3A : i32
      %convert_element_type3A = arith.extui %ge3A_294 : i1 to i32
      %cond3A = arith.constant 0 : i32
      %cond3A_295 = arith.cmpi ne, %convert_element_type3A, %cond3A : i32
      scf.if %cond3A_295 {
        %sub3A = arith.constant 3 : i32
        %sub3A_505 = arith.subi %add3A_293, %sub3A : i32
        %mul3A_506 = arith.constant 80 : i32
        %mul3A_507 = arith.muli %sub3A_505, %mul3A_506 : i32
        %dma_wait3A_508 = arith.constant 0 : i32
        %dma_wait3A_509 = tpu.memref_slice %arg12[%mul3A_507] : memref<10000xi32, #tpu.memory_space<vmem>> -> memref<80xi32, #tpu.memory_space<vmem>>
        %dma_wait3A_510 = arith.constant 0 : i32
        %dma_wait3A_511 = arith.constant 0 : i32
        %dma_wait3A_512 = tpu.memref_slice %arg17[%dma_wait3A_510, %dma_wait3A_511] : memref<10240x128xf32, #tpu.memory_space<vmem_shared>> -> memref<10240x128xf32, #tpu.memory_space<vmem_shared>>
        %dma_wait3A_513 = tpu.memref_slice %arg20[%dma_wait3A_508] : memref<3x!tpu.dma_semaphore, #tpu.memory_space<semaphore_mem>> -> memref<1x!tpu.dma_semaphore, #tpu.memory_space<semaphore_mem>>
        %dma_wait3A_514 = tpu.memref_squeeze %dma_wait3A_513 : memref<1x!tpu.dma_semaphore, #tpu.memory_space<semaphore_mem>> -> memref<!tpu.dma_semaphore, #tpu.memory_space<semaphore_mem>>
        tpu.wait_indirect_dma semaphore(%dma_wait3A_514 : memref<!tpu.dma_semaphore, #tpu.memory_space<semaphore_mem>>) src(%arg13 : memref<80x128xf32, #tpu.memory_space<vmem>>) dst(%dma_wait3A_512 : memref<10240x128xf32, #tpu.memory_space<vmem_shared>>)
      } else {
      }
      %add3A_296 = arith.constant 2 : i32
      %add3A_297 = arith.addi %add3A_293, %add3A_296 : i32
      %mul3A_298 = arith.constant 80 : i32
      %mul3A_299 = arith.muli %add3A_297, %mul3A_298 : i32
      %add3A_300 = arith.addi %mul3A_4, %mul3A_299 : i32
      %dma_start3A_301 = arith.constant 2 : i32
      %dma_start3A_302 = tpu.memref_slice %arg3[%add3A_300] : memref<320000xi32, #tpu.memory_space<hbm>> -> memref<80xi32, #tpu.memory_space<hbm>>
      %dma_start3A_303 = tpu.memref_slice %arg18[%dma_start3A_301] : memref<6x!tpu.dma_semaphore, #tpu.memory_space<semaphore_mem>> -> memref<1x!tpu.dma_semaphore, #tpu.memory_space<semaphore_mem>>
      %dma_start3A_304 = tpu.memref_squeeze %dma_start3A_303 : memref<1x!tpu.dma_semaphore, #tpu.memory_space<semaphore_mem>> -> memref<!tpu.dma_semaphore, #tpu.memory_space<semaphore_mem>>
      %dma_start3A_305 = tpu.memref_slice %arg3[%add3A_300] : memref<320000xi32, #tpu.memory_space<hbm>> -> memref<80xi32, #tpu.memory_space<hbm>>
      tpu.enqueue_dma source(%dma_start3A_305 : memref<80xi32, #tpu.memory_space<hbm>>) target(%arg8 : memref<80xi32, #tpu.memory_space<vmem>>) target_semaphore(%dma_start3A_304 : memref<!tpu.dma_semaphore, #tpu.memory_space<semaphore_mem>>)
      %mul3A_306 = arith.constant 80 : i32
      %mul3A_307 = arith.muli %add3A_293, %mul3A_306 : i32
      %add3A_308 = arith.addi %mul3A_4, %mul3A_307 : i32
      %dma_wait3A_309 = arith.constant 0 : i32
      %dma_wait3A_310 = tpu.memref_slice %arg3[%add3A_308] : memref<320000xi32, #tpu.memory_space<hbm>> -> memref<80xi32, #tpu.memory_space<hbm>>
      %dma_wait3A_311 = tpu.memref_slice %arg18[%dma_wait3A_309] : memref<6x!tpu.dma_semaphore, #tpu.memory_space<semaphore_mem>> -> memref<1x!tpu.dma_semaphore, #tpu.memory_space<semaphore_mem>>
      %dma_wait3A_312 = tpu.memref_squeeze %dma_wait3A_311 : memref<1x!tpu.dma_semaphore, #tpu.memory_space<semaphore_mem>> -> memref<!tpu.dma_semaphore, #tpu.memory_space<semaphore_mem>>
      %dma_wait3A_313 = tpu.memref_slice %arg3[%add3A_308] : memref<320000xi32, #tpu.memory_space<hbm>> -> memref<80xi32, #tpu.memory_space<hbm>>
      tpu.wait_dma2 semaphore(%dma_wait3A_312 : memref<!tpu.dma_semaphore, #tpu.memory_space<semaphore_mem>>) src(%dma_wait3A_313 : memref<80xi32, #tpu.memory_space<hbm>>) dst(%arg6 : memref<80xi32, #tpu.memory_space<vmem>>)
      %dma_start3A_314 = arith.constant 0 : i32
      %dma_start3A_315 = arith.constant 0 : i32
      %dma_start3A_316 = arith.constant 0 : i32
      %dma_start3A_317 = tpu.memref_slice %arg2[%dma_start3A_315, %dma_start3A_316] : memref<10000x128xf32, #tpu.memory_space<hbm>> -> memref<10000x128xf32, #tpu.memory_space<hbm>>
      %dma_start3A_318 = tpu.memref_slice %arg19[%dma_start3A_314] : memref<3x!tpu.dma_semaphore, #tpu.memory_space<semaphore_mem>> -> memref<1x!tpu.dma_semaphore, #tpu.memory_space<semaphore_mem>>
      %dma_start3A_319 = tpu.memref_squeeze %dma_start3A_318 : memref<1x!tpu.dma_semaphore, #tpu.memory_space<semaphore_mem>> -> memref<!tpu.dma_semaphore, #tpu.memory_space<semaphore_mem>>
      tpu.enqueue_indirect_dma source(%dma_start3A_317 : memref<10000x128xf32, #tpu.memory_space<hbm>>) target(%arg13 : memref<80x128xf32, #tpu.memory_space<vmem>>) offsets(%arg6 : memref<80xi32, #tpu.memory_space<vmem>>) semaphore(%dma_start3A_319 : memref<!tpu.dma_semaphore, #tpu.memory_space<semaphore_mem>>)
      %ge3A_320 = arith.constant 2 : i32
      %ge3A_321 = arith.cmpi sge, %add3A_293, %ge3A_320 : i32
      %convert_element_type3A_322 = arith.extui %ge3A_321 : i1 to i32
      %cond3A_323 = arith.constant 0 : i32
      %cond3A_324 = arith.cmpi ne, %convert_element_type3A_322, %cond3A_323 : i32
      scf.if %cond3A_324 {
        %sub3A = arith.constant 2 : i32
        %sub3A_505 = arith.subi %add3A_293, %sub3A : i32
        %dma_wait3A_506 = arith.constant 1 : i32
        %dma_wait3A_507 = arith.constant 0 : i32
        %dma_wait3A_508 = arith.constant 0 : i32
        %dma_wait3A_509 = tpu.memref_slice %arg2[%dma_wait3A_507, %dma_wait3A_508] : memref<10000x128xf32, #tpu.memory_space<hbm>> -> memref<10000x128xf32, #tpu.memory_space<hbm>>
        %dma_wait3A_510 = tpu.memref_slice %arg19[%dma_wait3A_506] : memref<3x!tpu.dma_semaphore, #tpu.memory_space<semaphore_mem>> -> memref<1x!tpu.dma_semaphore, #tpu.memory_space<semaphore_mem>>
        %dma_wait3A_511 = tpu.memref_squeeze %dma_wait3A_510 : memref<1x!tpu.dma_semaphore, #tpu.memory_space<semaphore_mem>> -> memref<!tpu.dma_semaphore, #tpu.memory_space<semaphore_mem>>
        tpu.wait_indirect_dma semaphore(%dma_wait3A_511 : memref<!tpu.dma_semaphore, #tpu.memory_space<semaphore_mem>>) src(%dma_wait3A_509 : memref<10000x128xf32, #tpu.memory_space<hbm>>) dst(%arg14 : memref<80x128xf32, #tpu.memory_space<vmem>>)
        %sub3A_512 = arith.constant 2 : i32
        %sub3A_513 = arith.subi %add3A_293, %sub3A_512 : i32
        %mul3A_514 = arith.constant 80 : i32
        %mul3A_515 = arith.muli %sub3A_513, %mul3A_514 : i32
        %dma_start3A_516 = arith.constant 1 : i32
        %dma_start3A_517 = tpu.memref_slice %arg12[%mul3A_515] : memref<10000xi32, #tpu.memory_space<vmem>> -> memref<80xi32, #tpu.memory_space<vmem>>
        %dma_start3A_518 = arith.constant 0 : i32
        %dma_start3A_519 = arith.constant 0 : i32
        %dma_start3A_520 = tpu.memref_slice %arg17[%dma_start3A_518, %dma_start3A_519] : memref<10240x128xf32, #tpu.memory_space<vmem_shared>> -> memref<10240x128xf32, #tpu.memory_space<vmem_shared>>
        %dma_start3A_521 = tpu.memref_slice %arg20[%dma_start3A_516] : memref<3x!tpu.dma_semaphore, #tpu.memory_space<semaphore_mem>> -> memref<1x!tpu.dma_semaphore, #tpu.memory_space<semaphore_mem>>
        %dma_start3A_522 = tpu.memref_squeeze %dma_start3A_521 : memref<1x!tpu.dma_semaphore, #tpu.memory_space<semaphore_mem>> -> memref<!tpu.dma_semaphore, #tpu.memory_space<semaphore_mem>>
        tpu.enqueue_indirect_dma source(%arg14 : memref<80x128xf32, #tpu.memory_space<vmem>>) target(%dma_start3A_520 : memref<10240x128xf32, #tpu.memory_space<vmem_shared>>) offsets(%dma_start3A_517 : memref<80xi32, #tpu.memory_space<vmem>>) semaphore(%dma_start3A_522 : memref<!tpu.dma_semaphore, #tpu.memory_space<semaphore_mem>>) {add = true}
      } else {
      }
      %add3A_325 = arith.constant 1 : i32
      %add3A_326 = arith.addi %mul3A_291, %add3A_325 : i32
      %ge3A_327 = arith.constant 3 : i32
      %ge3A_328 = arith.cmpi sge, %add3A_326, %ge3A_327 : i32
      %convert_element_type3A_329 = arith.extui %ge3A_328 : i1 to i32
      %cond3A_330 = arith.constant 0 : i32
      %cond3A_331 = arith.cmpi ne, %convert_element_type3A_329, %cond3A_330 : i32
      scf.if %cond3A_331 {
        %sub3A = arith.constant 3 : i32
        %sub3A_505 = arith.subi %add3A_326, %sub3A : i32
        %mul3A_506 = arith.constant 80 : i32
        %mul3A_507 = arith.muli %sub3A_505, %mul3A_506 : i32
        %dma_wait3A_508 = arith.constant 1 : i32
        %dma_wait3A_509 = tpu.memref_slice %arg12[%mul3A_507] : memref<10000xi32, #tpu.memory_space<vmem>> -> memref<80xi32, #tpu.memory_space<vmem>>
        %dma_wait3A_510 = arith.constant 0 : i32
        %dma_wait3A_511 = arith.constant 0 : i32
        %dma_wait3A_512 = tpu.memref_slice %arg17[%dma_wait3A_510, %dma_wait3A_511] : memref<10240x128xf32, #tpu.memory_space<vmem_shared>> -> memref<10240x128xf32, #tpu.memory_space<vmem_shared>>
        %dma_wait3A_513 = tpu.memref_slice %arg20[%dma_wait3A_508] : memref<3x!tpu.dma_semaphore, #tpu.memory_space<semaphore_mem>> -> memref<1x!tpu.dma_semaphore, #tpu.memory_space<semaphore_mem>>
        %dma_wait3A_514 = tpu.memref_squeeze %dma_wait3A_513 : memref<1x!tpu.dma_semaphore, #tpu.memory_space<semaphore_mem>> -> memref<!tpu.dma_semaphore, #tpu.memory_space<semaphore_mem>>
        tpu.wait_indirect_dma semaphore(%dma_wait3A_514 : memref<!tpu.dma_semaphore, #tpu.memory_space<semaphore_mem>>) src(%arg14 : memref<80x128xf32, #tpu.memory_space<vmem>>) dst(%dma_wait3A_512 : memref<10240x128xf32, #tpu.memory_space<vmem_shared>>)
      } else {
      }
      %add3A_332 = arith.constant 2 : i32
      %add3A_333 = arith.addi %add3A_326, %add3A_332 : i32
      %mul3A_334 = arith.constant 80 : i32
      %mul3A_335 = arith.muli %add3A_333, %mul3A_334 : i32
      %add3A_336 = arith.addi %mul3A_4, %mul3A_335 : i32
      %dma_start3A_337 = arith.constant 3 : i32
      %dma_start3A_338 = tpu.memref_slice %arg3[%add3A_336] : memref<320000xi32, #tpu.memory_space<hbm>> -> memref<80xi32, #tpu.memory_space<hbm>>
      %dma_start3A_339 = tpu.memref_slice %arg18[%dma_start3A_337] : memref<6x!tpu.dma_semaphore, #tpu.memory_space<semaphore_mem>> -> memref<1x!tpu.dma_semaphore, #tpu.memory_space<semaphore_mem>>
      %dma_start3A_340 = tpu.memref_squeeze %dma_start3A_339 : memref<1x!tpu.dma_semaphore, #tpu.memory_space<semaphore_mem>> -> memref<!tpu.dma_semaphore, #tpu.memory_space<semaphore_mem>>
      %dma_start3A_341 = tpu.memref_slice %arg3[%add3A_336] : memref<320000xi32, #tpu.memory_space<hbm>> -> memref<80xi32, #tpu.memory_space<hbm>>
      tpu.enqueue_dma source(%dma_start3A_341 : memref<80xi32, #tpu.memory_space<hbm>>) target(%arg9 : memref<80xi32, #tpu.memory_space<vmem>>) target_semaphore(%dma_start3A_340 : memref<!tpu.dma_semaphore, #tpu.memory_space<semaphore_mem>>)
      %mul3A_342 = arith.constant 80 : i32
      %mul3A_343 = arith.muli %add3A_326, %mul3A_342 : i32
      %add3A_344 = arith.addi %mul3A_4, %mul3A_343 : i32
      %dma_wait3A_345 = arith.constant 1 : i32
      %dma_wait3A_346 = tpu.memref_slice %arg3[%add3A_344] : memref<320000xi32, #tpu.memory_space<hbm>> -> memref<80xi32, #tpu.memory_space<hbm>>
      %dma_wait3A_347 = tpu.memref_slice %arg18[%dma_wait3A_345] : memref<6x!tpu.dma_semaphore, #tpu.memory_space<semaphore_mem>> -> memref<1x!tpu.dma_semaphore, #tpu.memory_space<semaphore_mem>>
      %dma_wait3A_348 = tpu.memref_squeeze %dma_wait3A_347 : memref<1x!tpu.dma_semaphore, #tpu.memory_space<semaphore_mem>> -> memref<!tpu.dma_semaphore, #tpu.memory_space<semaphore_mem>>
      %dma_wait3A_349 = tpu.memref_slice %arg3[%add3A_344] : memref<320000xi32, #tpu.memory_space<hbm>> -> memref<80xi32, #tpu.memory_space<hbm>>
      tpu.wait_dma2 semaphore(%dma_wait3A_348 : memref<!tpu.dma_semaphore, #tpu.memory_space<semaphore_mem>>) src(%dma_wait3A_349 : memref<80xi32, #tpu.memory_space<hbm>>) dst(%arg7 : memref<80xi32, #tpu.memory_space<vmem>>)
      %dma_start3A_350 = arith.constant 1 : i32
      %dma_start3A_351 = arith.constant 0 : i32
      %dma_start3A_352 = arith.constant 0 : i32
      %dma_start3A_353 = tpu.memref_slice %arg2[%dma_start3A_351, %dma_start3A_352] : memref<10000x128xf32, #tpu.memory_space<hbm>> -> memref<10000x128xf32, #tpu.memory_space<hbm>>
      %dma_start3A_354 = tpu.memref_slice %arg19[%dma_start3A_350] : memref<3x!tpu.dma_semaphore, #tpu.memory_space<semaphore_mem>> -> memref<1x!tpu.dma_semaphore, #tpu.memory_space<semaphore_mem>>
      %dma_start3A_355 = tpu.memref_squeeze %dma_start3A_354 : memref<1x!tpu.dma_semaphore, #tpu.memory_space<semaphore_mem>> -> memref<!tpu.dma_semaphore, #tpu.memory_space<semaphore_mem>>
      tpu.enqueue_indirect_dma source(%dma_start3A_353 : memref<10000x128xf32, #tpu.memory_space<hbm>>) target(%arg14 : memref<80x128xf32, #tpu.memory_space<vmem>>) offsets(%arg7 : memref<80xi32, #tpu.memory_space<vmem>>) semaphore(%dma_start3A_355 : memref<!tpu.dma_semaphore, #tpu.memory_space<semaphore_mem>>)
      %ge3A_356 = arith.constant 2 : i32
      %ge3A_357 = arith.cmpi sge, %add3A_326, %ge3A_356 : i32
      %convert_element_type3A_358 = arith.extui %ge3A_357 : i1 to i32
      %cond3A_359 = arith.constant 0 : i32
      %cond3A_360 = arith.cmpi ne, %convert_element_type3A_358, %cond3A_359 : i32
      scf.if %cond3A_360 {
        %sub3A = arith.constant 2 : i32
        %sub3A_505 = arith.subi %add3A_326, %sub3A : i32
        %dma_wait3A_506 = arith.constant 2 : i32
        %dma_wait3A_507 = arith.constant 0 : i32
        %dma_wait3A_508 = arith.constant 0 : i32
        %dma_wait3A_509 = tpu.memref_slice %arg2[%dma_wait3A_507, %dma_wait3A_508] : memref<10000x128xf32, #tpu.memory_space<hbm>> -> memref<10000x128xf32, #tpu.memory_space<hbm>>
        %dma_wait3A_510 = tpu.memref_slice %arg19[%dma_wait3A_506] : memref<3x!tpu.dma_semaphore, #tpu.memory_space<semaphore_mem>> -> memref<1x!tpu.dma_semaphore, #tpu.memory_space<semaphore_mem>>
        %dma_wait3A_511 = tpu.memref_squeeze %dma_wait3A_510 : memref<1x!tpu.dma_semaphore, #tpu.memory_space<semaphore_mem>> -> memref<!tpu.dma_semaphore, #tpu.memory_space<semaphore_mem>>
        tpu.wait_indirect_dma semaphore(%dma_wait3A_511 : memref<!tpu.dma_semaphore, #tpu.memory_space<semaphore_mem>>) src(%dma_wait3A_509 : memref<10000x128xf32, #tpu.memory_space<hbm>>) dst(%arg15 : memref<80x128xf32, #tpu.memory_space<vmem>>)
        %sub3A_512 = arith.constant 2 : i32
        %sub3A_513 = arith.subi %add3A_326, %sub3A_512 : i32
        %mul3A_514 = arith.constant 80 : i32
        %mul3A_515 = arith.muli %sub3A_513, %mul3A_514 : i32
        %dma_start3A_516 = arith.constant 2 : i32
        %dma_start3A_517 = tpu.memref_slice %arg12[%mul3A_515] : memref<10000xi32, #tpu.memory_space<vmem>> -> memref<80xi32, #tpu.memory_space<vmem>>
        %dma_start3A_518 = arith.constant 0 : i32
        %dma_start3A_519 = arith.constant 0 : i32
        %dma_start3A_520 = tpu.memref_slice %arg17[%dma_start3A_518, %dma_start3A_519] : memref<10240x128xf32, #tpu.memory_space<vmem_shared>> -> memref<10240x128xf32, #tpu.memory_space<vmem_shared>>
        %dma_start3A_521 = tpu.memref_slice %arg20[%dma_start3A_516] : memref<3x!tpu.dma_semaphore, #tpu.memory_space<semaphore_mem>> -> memref<1x!tpu.dma_semaphore, #tpu.memory_space<semaphore_mem>>
        %dma_start3A_522 = tpu.memref_squeeze %dma_start3A_521 : memref<1x!tpu.dma_semaphore, #tpu.memory_space<semaphore_mem>> -> memref<!tpu.dma_semaphore, #tpu.memory_space<semaphore_mem>>
        tpu.enqueue_indirect_dma source(%arg15 : memref<80x128xf32, #tpu.memory_space<vmem>>) target(%dma_start3A_520 : memref<10240x128xf32, #tpu.memory_space<vmem_shared>>) offsets(%dma_start3A_517 : memref<80xi32, #tpu.memory_space<vmem>>) semaphore(%dma_start3A_522 : memref<!tpu.dma_semaphore, #tpu.memory_space<semaphore_mem>>) {add = true}
      } else {
      }
      %add3A_361 = arith.constant 2 : i32
      %add3A_362 = arith.addi %mul3A_291, %add3A_361 : i32
      %ge3A_363 = arith.constant 3 : i32
      %ge3A_364 = arith.cmpi sge, %add3A_362, %ge3A_363 : i32
      %convert_element_type3A_365 = arith.extui %ge3A_364 : i1 to i32
      %cond3A_366 = arith.constant 0 : i32
      %cond3A_367 = arith.cmpi ne, %convert_element_type3A_365, %cond3A_366 : i32
      scf.if %cond3A_367 {
        %sub3A = arith.constant 3 : i32
        %sub3A_505 = arith.subi %add3A_362, %sub3A : i32
        %mul3A_506 = arith.constant 80 : i32
        %mul3A_507 = arith.muli %sub3A_505, %mul3A_506 : i32
        %dma_wait3A_508 = arith.constant 2 : i32
        %dma_wait3A_509 = tpu.memref_slice %arg12[%mul3A_507] : memref<10000xi32, #tpu.memory_space<vmem>> -> memref<80xi32, #tpu.memory_space<vmem>>
        %dma_wait3A_510 = arith.constant 0 : i32
        %dma_wait3A_511 = arith.constant 0 : i32
        %dma_wait3A_512 = tpu.memref_slice %arg17[%dma_wait3A_510, %dma_wait3A_511] : memref<10240x128xf32, #tpu.memory_space<vmem_shared>> -> memref<10240x128xf32, #tpu.memory_space<vmem_shared>>
        %dma_wait3A_513 = tpu.memref_slice %arg20[%dma_wait3A_508] : memref<3x!tpu.dma_semaphore, #tpu.memory_space<semaphore_mem>> -> memref<1x!tpu.dma_semaphore, #tpu.memory_space<semaphore_mem>>
        %dma_wait3A_514 = tpu.memref_squeeze %dma_wait3A_513 : memref<1x!tpu.dma_semaphore, #tpu.memory_space<semaphore_mem>> -> memref<!tpu.dma_semaphore, #tpu.memory_space<semaphore_mem>>
        tpu.wait_indirect_dma semaphore(%dma_wait3A_514 : memref<!tpu.dma_semaphore, #tpu.memory_space<semaphore_mem>>) src(%arg15 : memref<80x128xf32, #tpu.memory_space<vmem>>) dst(%dma_wait3A_512 : memref<10240x128xf32, #tpu.memory_space<vmem_shared>>)
      } else {
      }
      %add3A_368 = arith.constant 2 : i32
      %add3A_369 = arith.addi %add3A_362, %add3A_368 : i32
      %mul3A_370 = arith.constant 80 : i32
      %mul3A_371 = arith.muli %add3A_369, %mul3A_370 : i32
      %add3A_372 = arith.addi %mul3A_4, %mul3A_371 : i32
      %dma_start3A_373 = arith.constant 4 : i32
      %dma_start3A_374 = tpu.memref_slice %arg3[%add3A_372] : memref<320000xi32, #tpu.memory_space<hbm>> -> memref<80xi32, #tpu.memory_space<hbm>>
      %dma_start3A_375 = tpu.memref_slice %arg18[%dma_start3A_373] : memref<6x!tpu.dma_semaphore, #tpu.memory_space<semaphore_mem>> -> memref<1x!tpu.dma_semaphore, #tpu.memory_space<semaphore_mem>>
      %dma_start3A_376 = tpu.memref_squeeze %dma_start3A_375 : memref<1x!tpu.dma_semaphore, #tpu.memory_space<semaphore_mem>> -> memref<!tpu.dma_semaphore, #tpu.memory_space<semaphore_mem>>
      %dma_start3A_377 = tpu.memref_slice %arg3[%add3A_372] : memref<320000xi32, #tpu.memory_space<hbm>> -> memref<80xi32, #tpu.memory_space<hbm>>
      tpu.enqueue_dma source(%dma_start3A_377 : memref<80xi32, #tpu.memory_space<hbm>>) target(%arg10 : memref<80xi32, #tpu.memory_space<vmem>>) target_semaphore(%dma_start3A_376 : memref<!tpu.dma_semaphore, #tpu.memory_space<semaphore_mem>>)
      %mul3A_378 = arith.constant 80 : i32
      %mul3A_379 = arith.muli %add3A_362, %mul3A_378 : i32
      %add3A_380 = arith.addi %mul3A_4, %mul3A_379 : i32
      %dma_wait3A_381 = arith.constant 2 : i32
      %dma_wait3A_382 = tpu.memref_slice %arg3[%add3A_380] : memref<320000xi32, #tpu.memory_space<hbm>> -> memref<80xi32, #tpu.memory_space<hbm>>
      %dma_wait3A_383 = tpu.memref_slice %arg18[%dma_wait3A_381] : memref<6x!tpu.dma_semaphore, #tpu.memory_space<semaphore_mem>> -> memref<1x!tpu.dma_semaphore, #tpu.memory_space<semaphore_mem>>
      %dma_wait3A_384 = tpu.memref_squeeze %dma_wait3A_383 : memref<1x!tpu.dma_semaphore, #tpu.memory_space<semaphore_mem>> -> memref<!tpu.dma_semaphore, #tpu.memory_space<semaphore_mem>>
      %dma_wait3A_385 = tpu.memref_slice %arg3[%add3A_380] : memref<320000xi32, #tpu.memory_space<hbm>> -> memref<80xi32, #tpu.memory_space<hbm>>
      tpu.wait_dma2 semaphore(%dma_wait3A_384 : memref<!tpu.dma_semaphore, #tpu.memory_space<semaphore_mem>>) src(%dma_wait3A_385 : memref<80xi32, #tpu.memory_space<hbm>>) dst(%arg8 : memref<80xi32, #tpu.memory_space<vmem>>)
      %dma_start3A_386 = arith.constant 2 : i32
      %dma_start3A_387 = arith.constant 0 : i32
      %dma_start3A_388 = arith.constant 0 : i32
      %dma_start3A_389 = tpu.memref_slice %arg2[%dma_start3A_387, %dma_start3A_388] : memref<10000x128xf32, #tpu.memory_space<hbm>> -> memref<10000x128xf32, #tpu.memory_space<hbm>>
      %dma_start3A_390 = tpu.memref_slice %arg19[%dma_start3A_386] : memref<3x!tpu.dma_semaphore, #tpu.memory_space<semaphore_mem>> -> memref<1x!tpu.dma_semaphore, #tpu.memory_space<semaphore_mem>>
      %dma_start3A_391 = tpu.memref_squeeze %dma_start3A_390 : memref<1x!tpu.dma_semaphore, #tpu.memory_space<semaphore_mem>> -> memref<!tpu.dma_semaphore, #tpu.memory_space<semaphore_mem>>
      tpu.enqueue_indirect_dma source(%dma_start3A_389 : memref<10000x128xf32, #tpu.memory_space<hbm>>) target(%arg15 : memref<80x128xf32, #tpu.memory_space<vmem>>) offsets(%arg8 : memref<80xi32, #tpu.memory_space<vmem>>) semaphore(%dma_start3A_391 : memref<!tpu.dma_semaphore, #tpu.memory_space<semaphore_mem>>)
      %ge3A_392 = arith.constant 2 : i32
      %ge3A_393 = arith.cmpi sge, %add3A_362, %ge3A_392 : i32
      %convert_element_type3A_394 = arith.extui %ge3A_393 : i1 to i32
      %cond3A_395 = arith.constant 0 : i32
      %cond3A_396 = arith.cmpi ne, %convert_element_type3A_394, %cond3A_395 : i32
      scf.if %cond3A_396 {
        %sub3A = arith.constant 2 : i32
        %sub3A_505 = arith.subi %add3A_362, %sub3A : i32
        %dma_wait3A_506 = arith.constant 0 : i32
        %dma_wait3A_507 = arith.constant 0 : i32
        %dma_wait3A_508 = arith.constant 0 : i32
        %dma_wait3A_509 = tpu.memref_slice %arg2[%dma_wait3A_507, %dma_wait3A_508] : memref<10000x128xf32, #tpu.memory_space<hbm>> -> memref<10000x128xf32, #tpu.memory_space<hbm>>
        %dma_wait3A_510 = tpu.memref_slice %arg19[%dma_wait3A_506] : memref<3x!tpu.dma_semaphore, #tpu.memory_space<semaphore_mem>> -> memref<1x!tpu.dma_semaphore, #tpu.memory_space<semaphore_mem>>
        %dma_wait3A_511 = tpu.memref_squeeze %dma_wait3A_510 : memref<1x!tpu.dma_semaphore, #tpu.memory_space<semaphore_mem>> -> memref<!tpu.dma_semaphore, #tpu.memory_space<semaphore_mem>>
        tpu.wait_indirect_dma semaphore(%dma_wait3A_511 : memref<!tpu.dma_semaphore, #tpu.memory_space<semaphore_mem>>) src(%dma_wait3A_509 : memref<10000x128xf32, #tpu.memory_space<hbm>>) dst(%arg13 : memref<80x128xf32, #tpu.memory_space<vmem>>)
        %sub3A_512 = arith.constant 2 : i32
        %sub3A_513 = arith.subi %add3A_362, %sub3A_512 : i32
        %mul3A_514 = arith.constant 80 : i32
        %mul3A_515 = arith.muli %sub3A_513, %mul3A_514 : i32
        %dma_start3A_516 = arith.constant 0 : i32
        %dma_start3A_517 = tpu.memref_slice %arg12[%mul3A_515] : memref<10000xi32, #tpu.memory_space<vmem>> -> memref<80xi32, #tpu.memory_space<vmem>>
        %dma_start3A_518 = arith.constant 0 : i32
        %dma_start3A_519 = arith.constant 0 : i32
        %dma_start3A_520 = tpu.memref_slice %arg17[%dma_start3A_518, %dma_start3A_519] : memref<10240x128xf32, #tpu.memory_space<vmem_shared>> -> memref<10240x128xf32, #tpu.memory_space<vmem_shared>>
        %dma_start3A_521 = tpu.memref_slice %arg20[%dma_start3A_516] : memref<3x!tpu.dma_semaphore, #tpu.memory_space<semaphore_mem>> -> memref<1x!tpu.dma_semaphore, #tpu.memory_space<semaphore_mem>>
        %dma_start3A_522 = tpu.memref_squeeze %dma_start3A_521 : memref<1x!tpu.dma_semaphore, #tpu.memory_space<semaphore_mem>> -> memref<!tpu.dma_semaphore, #tpu.memory_space<semaphore_mem>>
        tpu.enqueue_indirect_dma source(%arg13 : memref<80x128xf32, #tpu.memory_space<vmem>>) target(%dma_start3A_520 : memref<10240x128xf32, #tpu.memory_space<vmem_shared>>) offsets(%dma_start3A_517 : memref<80xi32, #tpu.memory_space<vmem>>) semaphore(%dma_start3A_522 : memref<!tpu.dma_semaphore, #tpu.memory_space<semaphore_mem>>) {add = true}
      } else {
      }
      %add3A_397 = arith.constant 3 : i32
      %add3A_398 = arith.addi %mul3A_291, %add3A_397 : i32
      %ge3A_399 = arith.constant 3 : i32
      %ge3A_400 = arith.cmpi sge, %add3A_398, %ge3A_399 : i32
      %convert_element_type3A_401 = arith.extui %ge3A_400 : i1 to i32
      %cond3A_402 = arith.constant 0 : i32
      %cond3A_403 = arith.cmpi ne, %convert_element_type3A_401, %cond3A_402 : i32
      scf.if %cond3A_403 {
        %sub3A = arith.constant 3 : i32
        %sub3A_505 = arith.subi %add3A_398, %sub3A : i32
        %mul3A_506 = arith.constant 80 : i32
        %mul3A_507 = arith.muli %sub3A_505, %mul3A_506 : i32
        %dma_wait3A_508 = arith.constant 0 : i32
        %dma_wait3A_509 = tpu.memref_slice %arg12[%mul3A_507] : memref<10000xi32, #tpu.memory_space<vmem>> -> memref<80xi32, #tpu.memory_space<vmem>>
        %dma_wait3A_510 = arith.constant 0 : i32
        %dma_wait3A_511 = arith.constant 0 : i32
        %dma_wait3A_512 = tpu.memref_slice %arg17[%dma_wait3A_510, %dma_wait3A_511] : memref<10240x128xf32, #tpu.memory_space<vmem_shared>> -> memref<10240x128xf32, #tpu.memory_space<vmem_shared>>
        %dma_wait3A_513 = tpu.memref_slice %arg20[%dma_wait3A_508] : memref<3x!tpu.dma_semaphore, #tpu.memory_space<semaphore_mem>> -> memref<1x!tpu.dma_semaphore, #tpu.memory_space<semaphore_mem>>
        %dma_wait3A_514 = tpu.memref_squeeze %dma_wait3A_513 : memref<1x!tpu.dma_semaphore, #tpu.memory_space<semaphore_mem>> -> memref<!tpu.dma_semaphore, #tpu.memory_space<semaphore_mem>>
        tpu.wait_indirect_dma semaphore(%dma_wait3A_514 : memref<!tpu.dma_semaphore, #tpu.memory_space<semaphore_mem>>) src(%arg13 : memref<80x128xf32, #tpu.memory_space<vmem>>) dst(%dma_wait3A_512 : memref<10240x128xf32, #tpu.memory_space<vmem_shared>>)
      } else {
      }
      %add3A_404 = arith.constant 2 : i32
      %add3A_405 = arith.addi %add3A_398, %add3A_404 : i32
      %mul3A_406 = arith.constant 80 : i32
      %mul3A_407 = arith.muli %add3A_405, %mul3A_406 : i32
      %add3A_408 = arith.addi %mul3A_4, %mul3A_407 : i32
      %dma_start3A_409 = arith.constant 5 : i32
      %dma_start3A_410 = tpu.memref_slice %arg3[%add3A_408] : memref<320000xi32, #tpu.memory_space<hbm>> -> memref<80xi32, #tpu.memory_space<hbm>>
      %dma_start3A_411 = tpu.memref_slice %arg18[%dma_start3A_409] : memref<6x!tpu.dma_semaphore, #tpu.memory_space<semaphore_mem>> -> memref<1x!tpu.dma_semaphore, #tpu.memory_space<semaphore_mem>>
      %dma_start3A_412 = tpu.memref_squeeze %dma_start3A_411 : memref<1x!tpu.dma_semaphore, #tpu.memory_space<semaphore_mem>> -> memref<!tpu.dma_semaphore, #tpu.memory_space<semaphore_mem>>
      %dma_start3A_413 = tpu.memref_slice %arg3[%add3A_408] : memref<320000xi32, #tpu.memory_space<hbm>> -> memref<80xi32, #tpu.memory_space<hbm>>
      tpu.enqueue_dma source(%dma_start3A_413 : memref<80xi32, #tpu.memory_space<hbm>>) target(%arg11 : memref<80xi32, #tpu.memory_space<vmem>>) target_semaphore(%dma_start3A_412 : memref<!tpu.dma_semaphore, #tpu.memory_space<semaphore_mem>>)
      %mul3A_414 = arith.constant 80 : i32
      %mul3A_415 = arith.muli %add3A_398, %mul3A_414 : i32
      %add3A_416 = arith.addi %mul3A_4, %mul3A_415 : i32
      %dma_wait3A_417 = arith.constant 3 : i32
      %dma_wait3A_418 = tpu.memref_slice %arg3[%add3A_416] : memref<320000xi32, #tpu.memory_space<hbm>> -> memref<80xi32, #tpu.memory_space<hbm>>
      %dma_wait3A_419 = tpu.memref_slice %arg18[%dma_wait3A_417] : memref<6x!tpu.dma_semaphore, #tpu.memory_space<semaphore_mem>> -> memref<1x!tpu.dma_semaphore, #tpu.memory_space<semaphore_mem>>
      %dma_wait3A_420 = tpu.memref_squeeze %dma_wait3A_419 : memref<1x!tpu.dma_semaphore, #tpu.memory_space<semaphore_mem>> -> memref<!tpu.dma_semaphore, #tpu.memory_space<semaphore_mem>>
      %dma_wait3A_421 = tpu.memref_slice %arg3[%add3A_416] : memref<320000xi32, #tpu.memory_space<hbm>> -> memref<80xi32, #tpu.memory_space<hbm>>
      tpu.wait_dma2 semaphore(%dma_wait3A_420 : memref<!tpu.dma_semaphore, #tpu.memory_space<semaphore_mem>>) src(%dma_wait3A_421 : memref<80xi32, #tpu.memory_space<hbm>>) dst(%arg9 : memref<80xi32, #tpu.memory_space<vmem>>)
      %dma_start3A_422 = arith.constant 0 : i32
      %dma_start3A_423 = arith.constant 0 : i32
      %dma_start3A_424 = arith.constant 0 : i32
      %dma_start3A_425 = tpu.memref_slice %arg2[%dma_start3A_423, %dma_start3A_424] : memref<10000x128xf32, #tpu.memory_space<hbm>> -> memref<10000x128xf32, #tpu.memory_space<hbm>>
      %dma_start3A_426 = tpu.memref_slice %arg19[%dma_start3A_422] : memref<3x!tpu.dma_semaphore, #tpu.memory_space<semaphore_mem>> -> memref<1x!tpu.dma_semaphore, #tpu.memory_space<semaphore_mem>>
      %dma_start3A_427 = tpu.memref_squeeze %dma_start3A_426 : memref<1x!tpu.dma_semaphore, #tpu.memory_space<semaphore_mem>> -> memref<!tpu.dma_semaphore, #tpu.memory_space<semaphore_mem>>
      tpu.enqueue_indirect_dma source(%dma_start3A_425 : memref<10000x128xf32, #tpu.memory_space<hbm>>) target(%arg13 : memref<80x128xf32, #tpu.memory_space<vmem>>) offsets(%arg9 : memref<80xi32, #tpu.memory_space<vmem>>) semaphore(%dma_start3A_427 : memref<!tpu.dma_semaphore, #tpu.memory_space<semaphore_mem>>)
      %ge3A_428 = arith.constant 2 : i32
      %ge3A_429 = arith.cmpi sge, %add3A_398, %ge3A_428 : i32
      %convert_element_type3A_430 = arith.extui %ge3A_429 : i1 to i32
      %cond3A_431 = arith.constant 0 : i32
      %cond3A_432 = arith.cmpi ne, %convert_element_type3A_430, %cond3A_431 : i32
      scf.if %cond3A_432 {
        %sub3A = arith.constant 2 : i32
        %sub3A_505 = arith.subi %add3A_398, %sub3A : i32
        %dma_wait3A_506 = arith.constant 1 : i32
        %dma_wait3A_507 = arith.constant 0 : i32
        %dma_wait3A_508 = arith.constant 0 : i32
        %dma_wait3A_509 = tpu.memref_slice %arg2[%dma_wait3A_507, %dma_wait3A_508] : memref<10000x128xf32, #tpu.memory_space<hbm>> -> memref<10000x128xf32, #tpu.memory_space<hbm>>
        %dma_wait3A_510 = tpu.memref_slice %arg19[%dma_wait3A_506] : memref<3x!tpu.dma_semaphore, #tpu.memory_space<semaphore_mem>> -> memref<1x!tpu.dma_semaphore, #tpu.memory_space<semaphore_mem>>
        %dma_wait3A_511 = tpu.memref_squeeze %dma_wait3A_510 : memref<1x!tpu.dma_semaphore, #tpu.memory_space<semaphore_mem>> -> memref<!tpu.dma_semaphore, #tpu.memory_space<semaphore_mem>>
        tpu.wait_indirect_dma semaphore(%dma_wait3A_511 : memref<!tpu.dma_semaphore, #tpu.memory_space<semaphore_mem>>) src(%dma_wait3A_509 : memref<10000x128xf32, #tpu.memory_space<hbm>>) dst(%arg14 : memref<80x128xf32, #tpu.memory_space<vmem>>)
        %sub3A_512 = arith.constant 2 : i32
        %sub3A_513 = arith.subi %add3A_398, %sub3A_512 : i32
        %mul3A_514 = arith.constant 80 : i32
        %mul3A_515 = arith.muli %sub3A_513, %mul3A_514 : i32
        %dma_start3A_516 = arith.constant 1 : i32
        %dma_start3A_517 = tpu.memref_slice %arg12[%mul3A_515] : memref<10000xi32, #tpu.memory_space<vmem>> -> memref<80xi32, #tpu.memory_space<vmem>>
        %dma_start3A_518 = arith.constant 0 : i32
        %dma_start3A_519 = arith.constant 0 : i32
        %dma_start3A_520 = tpu.memref_slice %arg17[%dma_start3A_518, %dma_start3A_519] : memref<10240x128xf32, #tpu.memory_space<vmem_shared>> -> memref<10240x128xf32, #tpu.memory_space<vmem_shared>>
        %dma_start3A_521 = tpu.memref_slice %arg20[%dma_start3A_516] : memref<3x!tpu.dma_semaphore, #tpu.memory_space<semaphore_mem>> -> memref<1x!tpu.dma_semaphore, #tpu.memory_space<semaphore_mem>>
        %dma_start3A_522 = tpu.memref_squeeze %dma_start3A_521 : memref<1x!tpu.dma_semaphore, #tpu.memory_space<semaphore_mem>> -> memref<!tpu.dma_semaphore, #tpu.memory_space<semaphore_mem>>
        tpu.enqueue_indirect_dma source(%arg14 : memref<80x128xf32, #tpu.memory_space<vmem>>) target(%dma_start3A_520 : memref<10240x128xf32, #tpu.memory_space<vmem_shared>>) offsets(%dma_start3A_517 : memref<80xi32, #tpu.memory_space<vmem>>) semaphore(%dma_start3A_522 : memref<!tpu.dma_semaphore, #tpu.memory_space<semaphore_mem>>) {add = true}
      } else {
      }
      %add3A_433 = arith.constant 4 : i32
      %add3A_434 = arith.addi %mul3A_291, %add3A_433 : i32
      %ge3A_435 = arith.constant 3 : i32
      %ge3A_436 = arith.cmpi sge, %add3A_434, %ge3A_435 : i32
      %convert_element_type3A_437 = arith.extui %ge3A_436 : i1 to i32
      %cond3A_438 = arith.constant 0 : i32
      %cond3A_439 = arith.cmpi ne, %convert_element_type3A_437, %cond3A_438 : i32
      scf.if %cond3A_439 {
        %sub3A = arith.constant 3 : i32
        %sub3A_505 = arith.subi %add3A_434, %sub3A : i32
        %mul3A_506 = arith.constant 80 : i32
        %mul3A_507 = arith.muli %sub3A_505, %mul3A_506 : i32
        %dma_wait3A_508 = arith.constant 1 : i32
        %dma_wait3A_509 = tpu.memref_slice %arg12[%mul3A_507] : memref<10000xi32, #tpu.memory_space<vmem>> -> memref<80xi32, #tpu.memory_space<vmem>>
        %dma_wait3A_510 = arith.constant 0 : i32
        %dma_wait3A_511 = arith.constant 0 : i32
        %dma_wait3A_512 = tpu.memref_slice %arg17[%dma_wait3A_510, %dma_wait3A_511] : memref<10240x128xf32, #tpu.memory_space<vmem_shared>> -> memref<10240x128xf32, #tpu.memory_space<vmem_shared>>
        %dma_wait3A_513 = tpu.memref_slice %arg20[%dma_wait3A_508] : memref<3x!tpu.dma_semaphore, #tpu.memory_space<semaphore_mem>> -> memref<1x!tpu.dma_semaphore, #tpu.memory_space<semaphore_mem>>
        %dma_wait3A_514 = tpu.memref_squeeze %dma_wait3A_513 : memref<1x!tpu.dma_semaphore, #tpu.memory_space<semaphore_mem>> -> memref<!tpu.dma_semaphore, #tpu.memory_space<semaphore_mem>>
        tpu.wait_indirect_dma semaphore(%dma_wait3A_514 : memref<!tpu.dma_semaphore, #tpu.memory_space<semaphore_mem>>) src(%arg14 : memref<80x128xf32, #tpu.memory_space<vmem>>) dst(%dma_wait3A_512 : memref<10240x128xf32, #tpu.memory_space<vmem_shared>>)
      } else {
      }
      %add3A_440 = arith.constant 2 : i32
      %add3A_441 = arith.addi %add3A_434, %add3A_440 : i32
      %mul3A_442 = arith.constant 80 : i32
      %mul3A_443 = arith.muli %add3A_441, %mul3A_442 : i32
      %add3A_444 = arith.addi %mul3A_4, %mul3A_443 : i32
      %dma_start3A_445 = arith.constant 0 : i32
      %dma_start3A_446 = tpu.memref_slice %arg3[%add3A_444] : memref<320000xi32, #tpu.memory_space<hbm>> -> memref<80xi32, #tpu.memory_space<hbm>>
      %dma_start3A_447 = tpu.memref_slice %arg18[%dma_start3A_445] : memref<6x!tpu.dma_semaphore, #tpu.memory_space<semaphore_mem>> -> memref<1x!tpu.dma_semaphore, #tpu.memory_space<semaphore_mem>>
      %dma_start3A_448 = tpu.memref_squeeze %dma_start3A_447 : memref<1x!tpu.dma_semaphore, #tpu.memory_space<semaphore_mem>> -> memref<!tpu.dma_semaphore, #tpu.memory_space<semaphore_mem>>
      %dma_start3A_449 = tpu.memref_slice %arg3[%add3A_444] : memref<320000xi32, #tpu.memory_space<hbm>> -> memref<80xi32, #tpu.memory_space<hbm>>
      tpu.enqueue_dma source(%dma_start3A_449 : memref<80xi32, #tpu.memory_space<hbm>>) target(%arg6 : memref<80xi32, #tpu.memory_space<vmem>>) target_semaphore(%dma_start3A_448 : memref<!tpu.dma_semaphore, #tpu.memory_space<semaphore_mem>>)
      %mul3A_450 = arith.constant 80 : i32
      %mul3A_451 = arith.muli %add3A_434, %mul3A_450 : i32
      %add3A_452 = arith.addi %mul3A_4, %mul3A_451 : i32
      %dma_wait3A_453 = arith.constant 4 : i32
      %dma_wait3A_454 = tpu.memref_slice %arg3[%add3A_452] : memref<320000xi32, #tpu.memory_space<hbm>> -> memref<80xi32, #tpu.memory_space<hbm>>
      %dma_wait3A_455 = tpu.memref_slice %arg18[%dma_wait3A_453] : memref<6x!tpu.dma_semaphore, #tpu.memory_space<semaphore_mem>> -> memref<1x!tpu.dma_semaphore, #tpu.memory_space<semaphore_mem>>
      %dma_wait3A_456 = tpu.memref_squeeze %dma_wait3A_455 : memref<1x!tpu.dma_semaphore, #tpu.memory_space<semaphore_mem>> -> memref<!tpu.dma_semaphore, #tpu.memory_space<semaphore_mem>>
      %dma_wait3A_457 = tpu.memref_slice %arg3[%add3A_452] : memref<320000xi32, #tpu.memory_space<hbm>> -> memref<80xi32, #tpu.memory_space<hbm>>
      tpu.wait_dma2 semaphore(%dma_wait3A_456 : memref<!tpu.dma_semaphore, #tpu.memory_space<semaphore_mem>>) src(%dma_wait3A_457 : memref<80xi32, #tpu.memory_space<hbm>>) dst(%arg10 : memref<80xi32, #tpu.memory_space<vmem>>)
      %dma_start3A_458 = arith.constant 1 : i32
      %dma_start3A_459 = arith.constant 0 : i32
      %dma_start3A_460 = arith.constant 0 : i32
      %dma_start3A_461 = tpu.memref_slice %arg2[%dma_start3A_459, %dma_start3A_460] : memref<10000x128xf32, #tpu.memory_space<hbm>> -> memref<10000x128xf32, #tpu.memory_space<hbm>>
      %dma_start3A_462 = tpu.memref_slice %arg19[%dma_start3A_458] : memref<3x!tpu.dma_semaphore, #tpu.memory_space<semaphore_mem>> -> memref<1x!tpu.dma_semaphore, #tpu.memory_space<semaphore_mem>>
      %dma_start3A_463 = tpu.memref_squeeze %dma_start3A_462 : memref<1x!tpu.dma_semaphore, #tpu.memory_space<semaphore_mem>> -> memref<!tpu.dma_semaphore, #tpu.memory_space<semaphore_mem>>
      tpu.enqueue_indirect_dma source(%dma_start3A_461 : memref<10000x128xf32, #tpu.memory_space<hbm>>) target(%arg14 : memref<80x128xf32, #tpu.memory_space<vmem>>) offsets(%arg10 : memref<80xi32, #tpu.memory_space<vmem>>) semaphore(%dma_start3A_463 : memref<!tpu.dma_semaphore, #tpu.memory_space<semaphore_mem>>)
      %ge3A_464 = arith.constant 2 : i32
      %ge3A_465 = arith.cmpi sge, %add3A_434, %ge3A_464 : i32
      %convert_element_type3A_466 = arith.extui %ge3A_465 : i1 to i32
      %cond3A_467 = arith.constant 0 : i32
      %cond3A_468 = arith.cmpi ne, %convert_element_type3A_466, %cond3A_467 : i32
      scf.if %cond3A_468 {
        %sub3A = arith.constant 2 : i32
        %sub3A_505 = arith.subi %add3A_434, %sub3A : i32
        %dma_wait3A_506 = arith.constant 2 : i32
        %dma_wait3A_507 = arith.constant 0 : i32
        %dma_wait3A_508 = arith.constant 0 : i32
        %dma_wait3A_509 = tpu.memref_slice %arg2[%dma_wait3A_507, %dma_wait3A_508] : memref<10000x128xf32, #tpu.memory_space<hbm>> -> memref<10000x128xf32, #tpu.memory_space<hbm>>
        %dma_wait3A_510 = tpu.memref_slice %arg19[%dma_wait3A_506] : memref<3x!tpu.dma_semaphore, #tpu.memory_space<semaphore_mem>> -> memref<1x!tpu.dma_semaphore, #tpu.memory_space<semaphore_mem>>
        %dma_wait3A_511 = tpu.memref_squeeze %dma_wait3A_510 : memref<1x!tpu.dma_semaphore, #tpu.memory_space<semaphore_mem>> -> memref<!tpu.dma_semaphore, #tpu.memory_space<semaphore_mem>>
        tpu.wait_indirect_dma semaphore(%dma_wait3A_511 : memref<!tpu.dma_semaphore, #tpu.memory_space<semaphore_mem>>) src(%dma_wait3A_509 : memref<10000x128xf32, #tpu.memory_space<hbm>>) dst(%arg15 : memref<80x128xf32, #tpu.memory_space<vmem>>)
        %sub3A_512 = arith.constant 2 : i32
        %sub3A_513 = arith.subi %add3A_434, %sub3A_512 : i32
        %mul3A_514 = arith.constant 80 : i32
        %mul3A_515 = arith.muli %sub3A_513, %mul3A_514 : i32
        %dma_start3A_516 = arith.constant 2 : i32
        %dma_start3A_517 = tpu.memref_slice %arg12[%mul3A_515] : memref<10000xi32, #tpu.memory_space<vmem>> -> memref<80xi32, #tpu.memory_space<vmem>>
        %dma_start3A_518 = arith.constant 0 : i32
        %dma_start3A_519 = arith.constant 0 : i32
        %dma_start3A_520 = tpu.memref_slice %arg17[%dma_start3A_518, %dma_start3A_519] : memref<10240x128xf32, #tpu.memory_space<vmem_shared>> -> memref<10240x128xf32, #tpu.memory_space<vmem_shared>>
        %dma_start3A_521 = tpu.memref_slice %arg20[%dma_start3A_516] : memref<3x!tpu.dma_semaphore, #tpu.memory_space<semaphore_mem>> -> memref<1x!tpu.dma_semaphore, #tpu.memory_space<semaphore_mem>>
        %dma_start3A_522 = tpu.memref_squeeze %dma_start3A_521 : memref<1x!tpu.dma_semaphore, #tpu.memory_space<semaphore_mem>> -> memref<!tpu.dma_semaphore, #tpu.memory_space<semaphore_mem>>
        tpu.enqueue_indirect_dma source(%arg15 : memref<80x128xf32, #tpu.memory_space<vmem>>) target(%dma_start3A_520 : memref<10240x128xf32, #tpu.memory_space<vmem_shared>>) offsets(%dma_start3A_517 : memref<80xi32, #tpu.memory_space<vmem>>) semaphore(%dma_start3A_522 : memref<!tpu.dma_semaphore, #tpu.memory_space<semaphore_mem>>) {add = true}
      } else {
      }
      %add3A_469 = arith.constant 5 : i32
      %add3A_470 = arith.addi %mul3A_291, %add3A_469 : i32
      %ge3A_471 = arith.constant 3 : i32
      %ge3A_472 = arith.cmpi sge, %add3A_470, %ge3A_471 : i32
      %convert_element_type3A_473 = arith.extui %ge3A_472 : i1 to i32
      %cond3A_474 = arith.constant 0 : i32
      %cond3A_475 = arith.cmpi ne, %convert_element_type3A_473, %cond3A_474 : i32
      scf.if %cond3A_475 {
        %sub3A = arith.constant 3 : i32
        %sub3A_505 = arith.subi %add3A_470, %sub3A : i32
        %mul3A_506 = arith.constant 80 : i32
        %mul3A_507 = arith.muli %sub3A_505, %mul3A_506 : i32
        %dma_wait3A_508 = arith.constant 2 : i32
        %dma_wait3A_509 = tpu.memref_slice %arg12[%mul3A_507] : memref<10000xi32, #tpu.memory_space<vmem>> -> memref<80xi32, #tpu.memory_space<vmem>>
        %dma_wait3A_510 = arith.constant 0 : i32
        %dma_wait3A_511 = arith.constant 0 : i32
        %dma_wait3A_512 = tpu.memref_slice %arg17[%dma_wait3A_510, %dma_wait3A_511] : memref<10240x128xf32, #tpu.memory_space<vmem_shared>> -> memref<10240x128xf32, #tpu.memory_space<vmem_shared>>
        %dma_wait3A_513 = tpu.memref_slice %arg20[%dma_wait3A_508] : memref<3x!tpu.dma_semaphore, #tpu.memory_space<semaphore_mem>> -> memref<1x!tpu.dma_semaphore, #tpu.memory_space<semaphore_mem>>
        %dma_wait3A_514 = tpu.memref_squeeze %dma_wait3A_513 : memref<1x!tpu.dma_semaphore, #tpu.memory_space<semaphore_mem>> -> memref<!tpu.dma_semaphore, #tpu.memory_space<semaphore_mem>>
        tpu.wait_indirect_dma semaphore(%dma_wait3A_514 : memref<!tpu.dma_semaphore, #tpu.memory_space<semaphore_mem>>) src(%arg15 : memref<80x128xf32, #tpu.memory_space<vmem>>) dst(%dma_wait3A_512 : memref<10240x128xf32, #tpu.memory_space<vmem_shared>>)
      } else {
      }
      %add3A_476 = arith.constant 2 : i32
      %add3A_477 = arith.addi %add3A_470, %add3A_476 : i32
      %mul3A_478 = arith.constant 80 : i32
      %mul3A_479 = arith.muli %add3A_477, %mul3A_478 : i32
      %add3A_480 = arith.addi %mul3A_4, %mul3A_479 : i32
      %dma_start3A_481 = arith.constant 1 : i32
      %dma_start3A_482 = tpu.memref_slice %arg3[%add3A_480] : memref<320000xi32, #tpu.memory_space<hbm>> -> memref<80xi32, #tpu.memory_space<hbm>>
      %dma_start3A_483 = tpu.memref_slice %arg18[%dma_start3A_481] : memref<6x!tpu.dma_semaphore, #tpu.memory_space<semaphore_mem>> -> memref<1x!tpu.dma_semaphore, #tpu.memory_space<semaphore_mem>>
      %dma_start3A_484 = tpu.memref_squeeze %dma_start3A_483 : memref<1x!tpu.dma_semaphore, #tpu.memory_space<semaphore_mem>> -> memref<!tpu.dma_semaphore, #tpu.memory_space<semaphore_mem>>
      %dma_start3A_485 = tpu.memref_slice %arg3[%add3A_480] : memref<320000xi32, #tpu.memory_space<hbm>> -> memref<80xi32, #tpu.memory_space<hbm>>
      tpu.enqueue_dma source(%dma_start3A_485 : memref<80xi32, #tpu.memory_space<hbm>>) target(%arg7 : memref<80xi32, #tpu.memory_space<vmem>>) target_semaphore(%dma_start3A_484 : memref<!tpu.dma_semaphore, #tpu.memory_space<semaphore_mem>>)
      %mul3A_486 = arith.constant 80 : i32
      %mul3A_487 = arith.muli %add3A_470, %mul3A_486 : i32
      %add3A_488 = arith.addi %mul3A_4, %mul3A_487 : i32
      %dma_wait3A_489 = arith.constant 5 : i32
      %dma_wait3A_490 = tpu.memref_slice %arg3[%add3A_488] : memref<320000xi32, #tpu.memory_space<hbm>> -> memref<80xi32, #tpu.memory_space<hbm>>
      %dma_wait3A_491 = tpu.memref_slice %arg18[%dma_wait3A_489] : memref<6x!tpu.dma_semaphore, #tpu.memory_space<semaphore_mem>> -> memref<1x!tpu.dma_semaphore, #tpu.memory_space<semaphore_mem>>
      %dma_wait3A_492 = tpu.memref_squeeze %dma_wait3A_491 : memref<1x!tpu.dma_semaphore, #tpu.memory_space<semaphore_mem>> -> memref<!tpu.dma_semaphore, #tpu.memory_space<semaphore_mem>>
      %dma_wait3A_493 = tpu.memref_slice %arg3[%add3A_488] : memref<320000xi32, #tpu.memory_space<hbm>> -> memref<80xi32, #tpu.memory_space<hbm>>
      tpu.wait_dma2 semaphore(%dma_wait3A_492 : memref<!tpu.dma_semaphore, #tpu.memory_space<semaphore_mem>>) src(%dma_wait3A_493 : memref<80xi32, #tpu.memory_space<hbm>>) dst(%arg11 : memref<80xi32, #tpu.memory_space<vmem>>)
      %dma_start3A_494 = arith.constant 2 : i32
      %dma_start3A_495 = arith.constant 0 : i32
      %dma_start3A_496 = arith.constant 0 : i32
      %dma_start3A_497 = tpu.memref_slice %arg2[%dma_start3A_495, %dma_start3A_496] : memref<10000x128xf32, #tpu.memory_space<hbm>> -> memref<10000x128xf32, #tpu.memory_space<hbm>>
      %dma_start3A_498 = tpu.memref_slice %arg19[%dma_start3A_494] : memref<3x!tpu.dma_semaphore, #tpu.memory_space<semaphore_mem>> -> memref<1x!tpu.dma_semaphore, #tpu.memory_space<semaphore_mem>>
      %dma_start3A_499 = tpu.memref_squeeze %dma_start3A_498 : memref<1x!tpu.dma_semaphore, #tpu.memory_space<semaphore_mem>> -> memref<!tpu.dma_semaphore, #tpu.memory_space<semaphore_mem>>
      tpu.enqueue_indirect_dma source(%dma_start3A_497 : memref<10000x128xf32, #tpu.memory_space<hbm>>) target(%arg15 : memref<80x128xf32, #tpu.memory_space<vmem>>) offsets(%arg11 : memref<80xi32, #tpu.memory_space<vmem>>) semaphore(%dma_start3A_499 : memref<!tpu.dma_semaphore, #tpu.memory_space<semaphore_mem>>)
      %ge3A_500 = arith.constant 2 : i32
      %ge3A_501 = arith.cmpi sge, %add3A_470, %ge3A_500 : i32
      %convert_element_type3A_502 = arith.extui %ge3A_501 : i1 to i32
      %cond3A_503 = arith.constant 0 : i32
      %cond3A_504 = arith.cmpi ne, %convert_element_type3A_502, %cond3A_503 : i32
      scf.if %cond3A_504 {
        %sub3A = arith.constant 2 : i32
        %sub3A_505 = arith.subi %add3A_470, %sub3A : i32
        %dma_wait3A_506 = arith.constant 0 : i32
        %dma_wait3A_507 = arith.constant 0 : i32
        %dma_wait3A_508 = arith.constant 0 : i32
        %dma_wait3A_509 = tpu.memref_slice %arg2[%dma_wait3A_507, %dma_wait3A_508] : memref<10000x128xf32, #tpu.memory_space<hbm>> -> memref<10000x128xf32, #tpu.memory_space<hbm>>
        %dma_wait3A_510 = tpu.memref_slice %arg19[%dma_wait3A_506] : memref<3x!tpu.dma_semaphore, #tpu.memory_space<semaphore_mem>> -> memref<1x!tpu.dma_semaphore, #tpu.memory_space<semaphore_mem>>
        %dma_wait3A_511 = tpu.memref_squeeze %dma_wait3A_510 : memref<1x!tpu.dma_semaphore, #tpu.memory_space<semaphore_mem>> -> memref<!tpu.dma_semaphore, #tpu.memory_space<semaphore_mem>>
        tpu.wait_indirect_dma semaphore(%dma_wait3A_511 : memref<!tpu.dma_semaphore, #tpu.memory_space<semaphore_mem>>) src(%dma_wait3A_509 : memref<10000x128xf32, #tpu.memory_space<hbm>>) dst(%arg13 : memref<80x128xf32, #tpu.memory_space<vmem>>)
        %sub3A_512 = arith.constant 2 : i32
        %sub3A_513 = arith.subi %add3A_470, %sub3A_512 : i32
        %mul3A_514 = arith.constant 80 : i32
        %mul3A_515 = arith.muli %sub3A_513, %mul3A_514 : i32
        %dma_start3A_516 = arith.constant 0 : i32
        %dma_start3A_517 = tpu.memref_slice %arg12[%mul3A_515] : memref<10000xi32, #tpu.memory_space<vmem>> -> memref<80xi32, #tpu.memory_space<vmem>>
        %dma_start3A_518 = arith.constant 0 : i32
        %dma_start3A_519 = arith.constant 0 : i32
        %dma_start3A_520 = tpu.memref_slice %arg17[%dma_start3A_518, %dma_start3A_519] : memref<10240x128xf32, #tpu.memory_space<vmem_shared>> -> memref<10240x128xf32, #tpu.memory_space<vmem_shared>>
        %dma_start3A_521 = tpu.memref_slice %arg20[%dma_start3A_516] : memref<3x!tpu.dma_semaphore, #tpu.memory_space<semaphore_mem>> -> memref<1x!tpu.dma_semaphore, #tpu.memory_space<semaphore_mem>>
        %dma_start3A_522 = tpu.memref_squeeze %dma_start3A_521 : memref<1x!tpu.dma_semaphore, #tpu.memory_space<semaphore_mem>> -> memref<!tpu.dma_semaphore, #tpu.memory_space<semaphore_mem>>
        tpu.enqueue_indirect_dma source(%arg13 : memref<80x128xf32, #tpu.memory_space<vmem>>) target(%dma_start3A_520 : memref<10240x128xf32, #tpu.memory_space<vmem_shared>>) offsets(%dma_start3A_517 : memref<80xi32, #tpu.memory_space<vmem>>) semaphore(%dma_start3A_522 : memref<!tpu.dma_semaphore, #tpu.memory_space<semaphore_mem>>) {add = true}
      } else {
      }
    }
    %scan3A_36 = arith.constant 20 : i32
    %dma_wait3A = arith.constant 0 : i32
    %dma_wait3A_37 = arith.constant 9360 : i32
    %dma_wait3A_38 = tpu.memref_slice %arg12[%dma_wait3A_37] : memref<10000xi32, #tpu.memory_space<vmem>> -> memref<80xi32, #tpu.memory_space<vmem>>
    %dma_wait3A_39 = arith.constant 0 : i32
    %dma_wait3A_40 = arith.constant 0 : i32
    %dma_wait3A_41 = tpu.memref_slice %arg17[%dma_wait3A_39, %dma_wait3A_40] : memref<10240x128xf32, #tpu.memory_space<vmem_shared>> -> memref<10240x128xf32, #tpu.memory_space<vmem_shared>>
    %dma_wait3A_42 = tpu.memref_slice %arg20[%dma_wait3A] : memref<3x!tpu.dma_semaphore, #tpu.memory_space<semaphore_mem>> -> memref<1x!tpu.dma_semaphore, #tpu.memory_space<semaphore_mem>>
    %dma_wait3A_43 = tpu.memref_squeeze %dma_wait3A_42 : memref<1x!tpu.dma_semaphore, #tpu.memory_space<semaphore_mem>> -> memref<!tpu.dma_semaphore, #tpu.memory_space<semaphore_mem>>
    tpu.wait_indirect_dma semaphore(%dma_wait3A_43 : memref<!tpu.dma_semaphore, #tpu.memory_space<semaphore_mem>>) src(%arg13 : memref<80x128xf32, #tpu.memory_space<vmem>>) dst(%dma_wait3A_41 : memref<10240x128xf32, #tpu.memory_space<vmem_shared>>)
    %add3A_44 = arith.constant 9760 : i32
    %add3A_45 = arith.addi %mul3A_4, %add3A_44 : i32
    %dma_start3A_46 = arith.constant 2 : i32
    %dma_start3A_47 = tpu.memref_slice %arg3[%add3A_45] : memref<320000xi32, #tpu.memory_space<hbm>> -> memref<80xi32, #tpu.memory_space<hbm>>
    %dma_start3A_48 = tpu.memref_slice %arg18[%dma_start3A_46] : memref<6x!tpu.dma_semaphore, #tpu.memory_space<semaphore_mem>> -> memref<1x!tpu.dma_semaphore, #tpu.memory_space<semaphore_mem>>
    %dma_start3A_49 = tpu.memref_squeeze %dma_start3A_48 : memref<1x!tpu.dma_semaphore, #tpu.memory_space<semaphore_mem>> -> memref<!tpu.dma_semaphore, #tpu.memory_space<semaphore_mem>>
    %dma_start3A_50 = tpu.memref_slice %arg3[%add3A_45] : memref<320000xi32, #tpu.memory_space<hbm>> -> memref<80xi32, #tpu.memory_space<hbm>>
    tpu.enqueue_dma source(%dma_start3A_50 : memref<80xi32, #tpu.memory_space<hbm>>) target(%arg8 : memref<80xi32, #tpu.memory_space<vmem>>) target_semaphore(%dma_start3A_49 : memref<!tpu.dma_semaphore, #tpu.memory_space<semaphore_mem>>)
    %add3A_51 = arith.constant 9600 : i32
    %add3A_52 = arith.addi %mul3A_4, %add3A_51 : i32
    %dma_wait3A_53 = arith.constant 0 : i32
    %dma_wait3A_54 = tpu.memref_slice %arg3[%add3A_52] : memref<320000xi32, #tpu.memory_space<hbm>> -> memref<80xi32, #tpu.memory_space<hbm>>
    %dma_wait3A_55 = tpu.memref_slice %arg18[%dma_wait3A_53] : memref<6x!tpu.dma_semaphore, #tpu.memory_space<semaphore_mem>> -> memref<1x!tpu.dma_semaphore, #tpu.memory_space<semaphore_mem>>
    %dma_wait3A_56 = tpu.memref_squeeze %dma_wait3A_55 : memref<1x!tpu.dma_semaphore, #tpu.memory_space<semaphore_mem>> -> memref<!tpu.dma_semaphore, #tpu.memory_space<semaphore_mem>>
    %dma_wait3A_57 = tpu.memref_slice %arg3[%add3A_52] : memref<320000xi32, #tpu.memory_space<hbm>> -> memref<80xi32, #tpu.memory_space<hbm>>
    tpu.wait_dma2 semaphore(%dma_wait3A_56 : memref<!tpu.dma_semaphore, #tpu.memory_space<semaphore_mem>>) src(%dma_wait3A_57 : memref<80xi32, #tpu.memory_space<hbm>>) dst(%arg6 : memref<80xi32, #tpu.memory_space<vmem>>)
    %dma_start3A_58 = arith.constant 0 : i32
    %dma_start3A_59 = arith.constant 0 : i32
    %dma_start3A_60 = arith.constant 0 : i32
    %dma_start3A_61 = tpu.memref_slice %arg2[%dma_start3A_59, %dma_start3A_60] : memref<10000x128xf32, #tpu.memory_space<hbm>> -> memref<10000x128xf32, #tpu.memory_space<hbm>>
    %dma_start3A_62 = tpu.memref_slice %arg19[%dma_start3A_58] : memref<3x!tpu.dma_semaphore, #tpu.memory_space<semaphore_mem>> -> memref<1x!tpu.dma_semaphore, #tpu.memory_space<semaphore_mem>>
    %dma_start3A_63 = tpu.memref_squeeze %dma_start3A_62 : memref<1x!tpu.dma_semaphore, #tpu.memory_space<semaphore_mem>> -> memref<!tpu.dma_semaphore, #tpu.memory_space<semaphore_mem>>
    tpu.enqueue_indirect_dma source(%dma_start3A_61 : memref<10000x128xf32, #tpu.memory_space<hbm>>) target(%arg13 : memref<80x128xf32, #tpu.memory_space<vmem>>) offsets(%arg6 : memref<80xi32, #tpu.memory_space<vmem>>) semaphore(%dma_start3A_63 : memref<!tpu.dma_semaphore, #tpu.memory_space<semaphore_mem>>)
    %dma_wait3A_64 = arith.constant 1 : i32
    %dma_wait3A_65 = arith.constant 0 : i32
    %dma_wait3A_66 = arith.constant 0 : i32
    %dma_wait3A_67 = tpu.memref_slice %arg2[%dma_wait3A_65, %dma_wait3A_66] : memref<10000x128xf32, #tpu.memory_space<hbm>> -> memref<10000x128xf32, #tpu.memory_space<hbm>>
    %dma_wait3A_68 = tpu.memref_slice %arg19[%dma_wait3A_64] : memref<3x!tpu.dma_semaphore, #tpu.memory_space<semaphore_mem>> -> memref<1x!tpu.dma_semaphore, #tpu.memory_space<semaphore_mem>>
    %dma_wait3A_69 = tpu.memref_squeeze %dma_wait3A_68 : memref<1x!tpu.dma_semaphore, #tpu.memory_space<semaphore_mem>> -> memref<!tpu.dma_semaphore, #tpu.memory_space<semaphore_mem>>
    tpu.wait_indirect_dma semaphore(%dma_wait3A_69 : memref<!tpu.dma_semaphore, #tpu.memory_space<semaphore_mem>>) src(%dma_wait3A_67 : memref<10000x128xf32, #tpu.memory_space<hbm>>) dst(%arg14 : memref<80x128xf32, #tpu.memory_space<vmem>>)
    %dma_start3A_70 = arith.constant 1 : i32
    %dma_start3A_71 = arith.constant 9440 : i32
    %dma_start3A_72 = tpu.memref_slice %arg12[%dma_start3A_71] : memref<10000xi32, #tpu.memory_space<vmem>> -> memref<80xi32, #tpu.memory_space<vmem>>
    %dma_start3A_73 = arith.constant 0 : i32
    %dma_start3A_74 = arith.constant 0 : i32
    %dma_start3A_75 = tpu.memref_slice %arg17[%dma_start3A_73, %dma_start3A_74] : memref<10240x128xf32, #tpu.memory_space<vmem_shared>> -> memref<10240x128xf32, #tpu.memory_space<vmem_shared>>
    %dma_start3A_76 = tpu.memref_slice %arg20[%dma_start3A_70] : memref<3x!tpu.dma_semaphore, #tpu.memory_space<semaphore_mem>> -> memref<1x!tpu.dma_semaphore, #tpu.memory_space<semaphore_mem>>
    %dma_start3A_77 = tpu.memref_squeeze %dma_start3A_76 : memref<1x!tpu.dma_semaphore, #tpu.memory_space<semaphore_mem>> -> memref<!tpu.dma_semaphore, #tpu.memory_space<semaphore_mem>>
    tpu.enqueue_indirect_dma source(%arg14 : memref<80x128xf32, #tpu.memory_space<vmem>>) target(%dma_start3A_75 : memref<10240x128xf32, #tpu.memory_space<vmem_shared>>) offsets(%dma_start3A_72 : memref<80xi32, #tpu.memory_space<vmem>>) semaphore(%dma_start3A_77 : memref<!tpu.dma_semaphore, #tpu.memory_space<semaphore_mem>>) {add = true}
    %dma_wait3A_78 = arith.constant 1 : i32
    %dma_wait3A_79 = arith.constant 9440 : i32
    %dma_wait3A_80 = tpu.memref_slice %arg12[%dma_wait3A_79] : memref<10000xi32, #tpu.memory_space<vmem>> -> memref<80xi32, #tpu.memory_space<vmem>>
    %dma_wait3A_81 = arith.constant 0 : i32
    %dma_wait3A_82 = arith.constant 0 : i32
    %dma_wait3A_83 = tpu.memref_slice %arg17[%dma_wait3A_81, %dma_wait3A_82] : memref<10240x128xf32, #tpu.memory_space<vmem_shared>> -> memref<10240x128xf32, #tpu.memory_space<vmem_shared>>
    %dma_wait3A_84 = tpu.memref_slice %arg20[%dma_wait3A_78] : memref<3x!tpu.dma_semaphore, #tpu.memory_space<semaphore_mem>> -> memref<1x!tpu.dma_semaphore, #tpu.memory_space<semaphore_mem>>
    %dma_wait3A_85 = tpu.memref_squeeze %dma_wait3A_84 : memref<1x!tpu.dma_semaphore, #tpu.memory_space<semaphore_mem>> -> memref<!tpu.dma_semaphore, #tpu.memory_space<semaphore_mem>>
    tpu.wait_indirect_dma semaphore(%dma_wait3A_85 : memref<!tpu.dma_semaphore, #tpu.memory_space<semaphore_mem>>) src(%arg14 : memref<80x128xf32, #tpu.memory_space<vmem>>) dst(%dma_wait3A_83 : memref<10240x128xf32, #tpu.memory_space<vmem_shared>>)
    %add3A_86 = arith.constant 9840 : i32
    %add3A_87 = arith.addi %mul3A_4, %add3A_86 : i32
    %dma_start3A_88 = arith.constant 3 : i32
    %dma_start3A_89 = tpu.memref_slice %arg3[%add3A_87] : memref<320000xi32, #tpu.memory_space<hbm>> -> memref<80xi32, #tpu.memory_space<hbm>>
    %dma_start3A_90 = tpu.memref_slice %arg18[%dma_start3A_88] : memref<6x!tpu.dma_semaphore, #tpu.memory_space<semaphore_mem>> -> memref<1x!tpu.dma_semaphore, #tpu.memory_space<semaphore_mem>>
    %dma_start3A_91 = tpu.memref_squeeze %dma_start3A_90 : memref<1x!tpu.dma_semaphore, #tpu.memory_space<semaphore_mem>> -> memref<!tpu.dma_semaphore, #tpu.memory_space<semaphore_mem>>
    %dma_start3A_92 = tpu.memref_slice %arg3[%add3A_87] : memref<320000xi32, #tpu.memory_space<hbm>> -> memref<80xi32, #tpu.memory_space<hbm>>
    tpu.enqueue_dma source(%dma_start3A_92 : memref<80xi32, #tpu.memory_space<hbm>>) target(%arg9 : memref<80xi32, #tpu.memory_space<vmem>>) target_semaphore(%dma_start3A_91 : memref<!tpu.dma_semaphore, #tpu.memory_space<semaphore_mem>>)
    %add3A_93 = arith.constant 9680 : i32
    %add3A_94 = arith.addi %mul3A_4, %add3A_93 : i32
    %dma_wait3A_95 = arith.constant 1 : i32
    %dma_wait3A_96 = tpu.memref_slice %arg3[%add3A_94] : memref<320000xi32, #tpu.memory_space<hbm>> -> memref<80xi32, #tpu.memory_space<hbm>>
    %dma_wait3A_97 = tpu.memref_slice %arg18[%dma_wait3A_95] : memref<6x!tpu.dma_semaphore, #tpu.memory_space<semaphore_mem>> -> memref<1x!tpu.dma_semaphore, #tpu.memory_space<semaphore_mem>>
    %dma_wait3A_98 = tpu.memref_squeeze %dma_wait3A_97 : memref<1x!tpu.dma_semaphore, #tpu.memory_space<semaphore_mem>> -> memref<!tpu.dma_semaphore, #tpu.memory_space<semaphore_mem>>
    %dma_wait3A_99 = tpu.memref_slice %arg3[%add3A_94] : memref<320000xi32, #tpu.memory_space<hbm>> -> memref<80xi32, #tpu.memory_space<hbm>>
    tpu.wait_dma2 semaphore(%dma_wait3A_98 : memref<!tpu.dma_semaphore, #tpu.memory_space<semaphore_mem>>) src(%dma_wait3A_99 : memref<80xi32, #tpu.memory_space<hbm>>) dst(%arg7 : memref<80xi32, #tpu.memory_space<vmem>>)
    %dma_start3A_100 = arith.constant 1 : i32
    %dma_start3A_101 = arith.constant 0 : i32
    %dma_start3A_102 = arith.constant 0 : i32
    %dma_start3A_103 = tpu.memref_slice %arg2[%dma_start3A_101, %dma_start3A_102] : memref<10000x128xf32, #tpu.memory_space<hbm>> -> memref<10000x128xf32, #tpu.memory_space<hbm>>
    %dma_start3A_104 = tpu.memref_slice %arg19[%dma_start3A_100] : memref<3x!tpu.dma_semaphore, #tpu.memory_space<semaphore_mem>> -> memref<1x!tpu.dma_semaphore, #tpu.memory_space<semaphore_mem>>
    %dma_start3A_105 = tpu.memref_squeeze %dma_start3A_104 : memref<1x!tpu.dma_semaphore, #tpu.memory_space<semaphore_mem>> -> memref<!tpu.dma_semaphore, #tpu.memory_space<semaphore_mem>>
    tpu.enqueue_indirect_dma source(%dma_start3A_103 : memref<10000x128xf32, #tpu.memory_space<hbm>>) target(%arg14 : memref<80x128xf32, #tpu.memory_space<vmem>>) offsets(%arg7 : memref<80xi32, #tpu.memory_space<vmem>>) semaphore(%dma_start3A_105 : memref<!tpu.dma_semaphore, #tpu.memory_space<semaphore_mem>>)
    %dma_wait3A_106 = arith.constant 2 : i32
    %dma_wait3A_107 = arith.constant 0 : i32
    %dma_wait3A_108 = arith.constant 0 : i32
    %dma_wait3A_109 = tpu.memref_slice %arg2[%dma_wait3A_107, %dma_wait3A_108] : memref<10000x128xf32, #tpu.memory_space<hbm>> -> memref<10000x128xf32, #tpu.memory_space<hbm>>
    %dma_wait3A_110 = tpu.memref_slice %arg19[%dma_wait3A_106] : memref<3x!tpu.dma_semaphore, #tpu.memory_space<semaphore_mem>> -> memref<1x!tpu.dma_semaphore, #tpu.memory_space<semaphore_mem>>
    %dma_wait3A_111 = tpu.memref_squeeze %dma_wait3A_110 : memref<1x!tpu.dma_semaphore, #tpu.memory_space<semaphore_mem>> -> memref<!tpu.dma_semaphore, #tpu.memory_space<semaphore_mem>>
    tpu.wait_indirect_dma semaphore(%dma_wait3A_111 : memref<!tpu.dma_semaphore, #tpu.memory_space<semaphore_mem>>) src(%dma_wait3A_109 : memref<10000x128xf32, #tpu.memory_space<hbm>>) dst(%arg15 : memref<80x128xf32, #tpu.memory_space<vmem>>)
    %dma_start3A_112 = arith.constant 2 : i32
    %dma_start3A_113 = arith.constant 9520 : i32
    %dma_start3A_114 = tpu.memref_slice %arg12[%dma_start3A_113] : memref<10000xi32, #tpu.memory_space<vmem>> -> memref<80xi32, #tpu.memory_space<vmem>>
    %dma_start3A_115 = arith.constant 0 : i32
    %dma_start3A_116 = arith.constant 0 : i32
    %dma_start3A_117 = tpu.memref_slice %arg17[%dma_start3A_115, %dma_start3A_116] : memref<10240x128xf32, #tpu.memory_space<vmem_shared>> -> memref<10240x128xf32, #tpu.memory_space<vmem_shared>>
    %dma_start3A_118 = tpu.memref_slice %arg20[%dma_start3A_112] : memref<3x!tpu.dma_semaphore, #tpu.memory_space<semaphore_mem>> -> memref<1x!tpu.dma_semaphore, #tpu.memory_space<semaphore_mem>>
    %dma_start3A_119 = tpu.memref_squeeze %dma_start3A_118 : memref<1x!tpu.dma_semaphore, #tpu.memory_space<semaphore_mem>> -> memref<!tpu.dma_semaphore, #tpu.memory_space<semaphore_mem>>
    tpu.enqueue_indirect_dma source(%arg15 : memref<80x128xf32, #tpu.memory_space<vmem>>) target(%dma_start3A_117 : memref<10240x128xf32, #tpu.memory_space<vmem_shared>>) offsets(%dma_start3A_114 : memref<80xi32, #tpu.memory_space<vmem>>) semaphore(%dma_start3A_119 : memref<!tpu.dma_semaphore, #tpu.memory_space<semaphore_mem>>) {add = true}
    %dma_wait3A_120 = arith.constant 2 : i32
    %dma_wait3A_121 = arith.constant 9520 : i32
    %dma_wait3A_122 = tpu.memref_slice %arg12[%dma_wait3A_121] : memref<10000xi32, #tpu.memory_space<vmem>> -> memref<80xi32, #tpu.memory_space<vmem>>
    %dma_wait3A_123 = arith.constant 0 : i32
    %dma_wait3A_124 = arith.constant 0 : i32
    %dma_wait3A_125 = tpu.memref_slice %arg17[%dma_wait3A_123, %dma_wait3A_124] : memref<10240x128xf32, #tpu.memory_space<vmem_shared>> -> memref<10240x128xf32, #tpu.memory_space<vmem_shared>>
    %dma_wait3A_126 = tpu.memref_slice %arg20[%dma_wait3A_120] : memref<3x!tpu.dma_semaphore, #tpu.memory_space<semaphore_mem>> -> memref<1x!tpu.dma_semaphore, #tpu.memory_space<semaphore_mem>>
    %dma_wait3A_127 = tpu.memref_squeeze %dma_wait3A_126 : memref<1x!tpu.dma_semaphore, #tpu.memory_space<semaphore_mem>> -> memref<!tpu.dma_semaphore, #tpu.memory_space<semaphore_mem>>
    tpu.wait_indirect_dma semaphore(%dma_wait3A_127 : memref<!tpu.dma_semaphore, #tpu.memory_space<semaphore_mem>>) src(%arg15 : memref<80x128xf32, #tpu.memory_space<vmem>>) dst(%dma_wait3A_125 : memref<10240x128xf32, #tpu.memory_space<vmem_shared>>)
    %add3A_128 = arith.constant 9920 : i32
    %add3A_129 = arith.addi %mul3A_4, %add3A_128 : i32
    %dma_start3A_130 = arith.constant 4 : i32
    %dma_start3A_131 = tpu.memref_slice %arg3[%add3A_129] : memref<320000xi32, #tpu.memory_space<hbm>> -> memref<80xi32, #tpu.memory_space<hbm>>
    %dma_start3A_132 = tpu.memref_slice %arg18[%dma_start3A_130] : memref<6x!tpu.dma_semaphore, #tpu.memory_space<semaphore_mem>> -> memref<1x!tpu.dma_semaphore, #tpu.memory_space<semaphore_mem>>
    %dma_start3A_133 = tpu.memref_squeeze %dma_start3A_132 : memref<1x!tpu.dma_semaphore, #tpu.memory_space<semaphore_mem>> -> memref<!tpu.dma_semaphore, #tpu.memory_space<semaphore_mem>>
    %dma_start3A_134 = tpu.memref_slice %arg3[%add3A_129] : memref<320000xi32, #tpu.memory_space<hbm>> -> memref<80xi32, #tpu.memory_space<hbm>>
    tpu.enqueue_dma source(%dma_start3A_134 : memref<80xi32, #tpu.memory_space<hbm>>) target(%arg10 : memref<80xi32, #tpu.memory_space<vmem>>) target_semaphore(%dma_start3A_133 : memref<!tpu.dma_semaphore, #tpu.memory_space<semaphore_mem>>)
    %add3A_135 = arith.constant 9760 : i32
    %add3A_136 = arith.addi %mul3A_4, %add3A_135 : i32
    %dma_wait3A_137 = arith.constant 2 : i32
    %dma_wait3A_138 = tpu.memref_slice %arg3[%add3A_136] : memref<320000xi32, #tpu.memory_space<hbm>> -> memref<80xi32, #tpu.memory_space<hbm>>
    %dma_wait3A_139 = tpu.memref_slice %arg18[%dma_wait3A_137] : memref<6x!tpu.dma_semaphore, #tpu.memory_space<semaphore_mem>> -> memref<1x!tpu.dma_semaphore, #tpu.memory_space<semaphore_mem>>
    %dma_wait3A_140 = tpu.memref_squeeze %dma_wait3A_139 : memref<1x!tpu.dma_semaphore, #tpu.memory_space<semaphore_mem>> -> memref<!tpu.dma_semaphore, #tpu.memory_space<semaphore_mem>>
    %dma_wait3A_141 = tpu.memref_slice %arg3[%add3A_136] : memref<320000xi32, #tpu.memory_space<hbm>> -> memref<80xi32, #tpu.memory_space<hbm>>
    tpu.wait_dma2 semaphore(%dma_wait3A_140 : memref<!tpu.dma_semaphore, #tpu.memory_space<semaphore_mem>>) src(%dma_wait3A_141 : memref<80xi32, #tpu.memory_space<hbm>>) dst(%arg8 : memref<80xi32, #tpu.memory_space<vmem>>)
    %dma_start3A_142 = arith.constant 2 : i32
    %dma_start3A_143 = arith.constant 0 : i32
    %dma_start3A_144 = arith.constant 0 : i32
    %dma_start3A_145 = tpu.memref_slice %arg2[%dma_start3A_143, %dma_start3A_144] : memref<10000x128xf32, #tpu.memory_space<hbm>> -> memref<10000x128xf32, #tpu.memory_space<hbm>>
    %dma_start3A_146 = tpu.memref_slice %arg19[%dma_start3A_142] : memref<3x!tpu.dma_semaphore, #tpu.memory_space<semaphore_mem>> -> memref<1x!tpu.dma_semaphore, #tpu.memory_space<semaphore_mem>>
    %dma_start3A_147 = tpu.memref_squeeze %dma_start3A_146 : memref<1x!tpu.dma_semaphore, #tpu.memory_space<semaphore_mem>> -> memref<!tpu.dma_semaphore, #tpu.memory_space<semaphore_mem>>
    tpu.enqueue_indirect_dma source(%dma_start3A_145 : memref<10000x128xf32, #tpu.memory_space<hbm>>) target(%arg15 : memref<80x128xf32, #tpu.memory_space<vmem>>) offsets(%arg8 : memref<80xi32, #tpu.memory_space<vmem>>) semaphore(%dma_start3A_147 : memref<!tpu.dma_semaphore, #tpu.memory_space<semaphore_mem>>)
    %dma_wait3A_148 = arith.constant 0 : i32
    %dma_wait3A_149 = arith.constant 0 : i32
    %dma_wait3A_150 = arith.constant 0 : i32
    %dma_wait3A_151 = tpu.memref_slice %arg2[%dma_wait3A_149, %dma_wait3A_150] : memref<10000x128xf32, #tpu.memory_space<hbm>> -> memref<10000x128xf32, #tpu.memory_space<hbm>>
    %dma_wait3A_152 = tpu.memref_slice %arg19[%dma_wait3A_148] : memref<3x!tpu.dma_semaphore, #tpu.memory_space<semaphore_mem>> -> memref<1x!tpu.dma_semaphore, #tpu.memory_space<semaphore_mem>>
    %dma_wait3A_153 = tpu.memref_squeeze %dma_wait3A_152 : memref<1x!tpu.dma_semaphore, #tpu.memory_space<semaphore_mem>> -> memref<!tpu.dma_semaphore, #tpu.memory_space<semaphore_mem>>
    tpu.wait_indirect_dma semaphore(%dma_wait3A_153 : memref<!tpu.dma_semaphore, #tpu.memory_space<semaphore_mem>>) src(%dma_wait3A_151 : memref<10000x128xf32, #tpu.memory_space<hbm>>) dst(%arg13 : memref<80x128xf32, #tpu.memory_space<vmem>>)
    %dma_start3A_154 = arith.constant 0 : i32
    %dma_start3A_155 = arith.constant 9600 : i32
    %dma_start3A_156 = tpu.memref_slice %arg12[%dma_start3A_155] : memref<10000xi32, #tpu.memory_space<vmem>> -> memref<80xi32, #tpu.memory_space<vmem>>
    %dma_start3A_157 = arith.constant 0 : i32
    %dma_start3A_158 = arith.constant 0 : i32
    %dma_start3A_159 = tpu.memref_slice %arg17[%dma_start3A_157, %dma_start3A_158] : memref<10240x128xf32, #tpu.memory_space<vmem_shared>> -> memref<10240x128xf32, #tpu.memory_space<vmem_shared>>
    %dma_start3A_160 = tpu.memref_slice %arg20[%dma_start3A_154] : memref<3x!tpu.dma_semaphore, #tpu.memory_space<semaphore_mem>> -> memref<1x!tpu.dma_semaphore, #tpu.memory_space<semaphore_mem>>
    %dma_start3A_161 = tpu.memref_squeeze %dma_start3A_160 : memref<1x!tpu.dma_semaphore, #tpu.memory_space<semaphore_mem>> -> memref<!tpu.dma_semaphore, #tpu.memory_space<semaphore_mem>>
    tpu.enqueue_indirect_dma source(%arg13 : memref<80x128xf32, #tpu.memory_space<vmem>>) target(%dma_start3A_159 : memref<10240x128xf32, #tpu.memory_space<vmem_shared>>) offsets(%dma_start3A_156 : memref<80xi32, #tpu.memory_space<vmem>>) semaphore(%dma_start3A_161 : memref<!tpu.dma_semaphore, #tpu.memory_space<semaphore_mem>>) {add = true}
    %dma_wait3A_162 = arith.constant 0 : i32
    %dma_wait3A_163 = arith.constant 9600 : i32
    %dma_wait3A_164 = tpu.memref_slice %arg12[%dma_wait3A_163] : memref<10000xi32, #tpu.memory_space<vmem>> -> memref<80xi32, #tpu.memory_space<vmem>>
    %dma_wait3A_165 = arith.constant 0 : i32
    %dma_wait3A_166 = arith.constant 0 : i32
    %dma_wait3A_167 = tpu.memref_slice %arg17[%dma_wait3A_165, %dma_wait3A_166] : memref<10240x128xf32, #tpu.memory_space<vmem_shared>> -> memref<10240x128xf32, #tpu.memory_space<vmem_shared>>
    %dma_wait3A_168 = tpu.memref_slice %arg20[%dma_wait3A_162] : memref<3x!tpu.dma_semaphore, #tpu.memory_space<semaphore_mem>> -> memref<1x!tpu.dma_semaphore, #tpu.memory_space<semaphore_mem>>
    %dma_wait3A_169 = tpu.memref_squeeze %dma_wait3A_168 : memref<1x!tpu.dma_semaphore, #tpu.memory_space<semaphore_mem>> -> memref<!tpu.dma_semaphore, #tpu.memory_space<semaphore_mem>>
    tpu.wait_indirect_dma semaphore(%dma_wait3A_169 : memref<!tpu.dma_semaphore, #tpu.memory_space<semaphore_mem>>) src(%arg13 : memref<80x128xf32, #tpu.memory_space<vmem>>) dst(%dma_wait3A_167 : memref<10240x128xf32, #tpu.memory_space<vmem_shared>>)
    %add3A_170 = arith.constant 9840 : i32
    %add3A_171 = arith.addi %mul3A_4, %add3A_170 : i32
    %dma_wait3A_172 = arith.constant 3 : i32
    %dma_wait3A_173 = tpu.memref_slice %arg3[%add3A_171] : memref<320000xi32, #tpu.memory_space<hbm>> -> memref<80xi32, #tpu.memory_space<hbm>>
    %dma_wait3A_174 = tpu.memref_slice %arg18[%dma_wait3A_172] : memref<6x!tpu.dma_semaphore, #tpu.memory_space<semaphore_mem>> -> memref<1x!tpu.dma_semaphore, #tpu.memory_space<semaphore_mem>>
    %dma_wait3A_175 = tpu.memref_squeeze %dma_wait3A_174 : memref<1x!tpu.dma_semaphore, #tpu.memory_space<semaphore_mem>> -> memref<!tpu.dma_semaphore, #tpu.memory_space<semaphore_mem>>
    %dma_wait3A_176 = tpu.memref_slice %arg3[%add3A_171] : memref<320000xi32, #tpu.memory_space<hbm>> -> memref<80xi32, #tpu.memory_space<hbm>>
    tpu.wait_dma2 semaphore(%dma_wait3A_175 : memref<!tpu.dma_semaphore, #tpu.memory_space<semaphore_mem>>) src(%dma_wait3A_176 : memref<80xi32, #tpu.memory_space<hbm>>) dst(%arg9 : memref<80xi32, #tpu.memory_space<vmem>>)
    %dma_start3A_177 = arith.constant 0 : i32
    %dma_start3A_178 = arith.constant 0 : i32
    %dma_start3A_179 = arith.constant 0 : i32
    %dma_start3A_180 = tpu.memref_slice %arg2[%dma_start3A_178, %dma_start3A_179] : memref<10000x128xf32, #tpu.memory_space<hbm>> -> memref<10000x128xf32, #tpu.memory_space<hbm>>
    %dma_start3A_181 = tpu.memref_slice %arg19[%dma_start3A_177] : memref<3x!tpu.dma_semaphore, #tpu.memory_space<semaphore_mem>> -> memref<1x!tpu.dma_semaphore, #tpu.memory_space<semaphore_mem>>
    %dma_start3A_182 = tpu.memref_squeeze %dma_start3A_181 : memref<1x!tpu.dma_semaphore, #tpu.memory_space<semaphore_mem>> -> memref<!tpu.dma_semaphore, #tpu.memory_space<semaphore_mem>>
    tpu.enqueue_indirect_dma source(%dma_start3A_180 : memref<10000x128xf32, #tpu.memory_space<hbm>>) target(%arg13 : memref<80x128xf32, #tpu.memory_space<vmem>>) offsets(%arg9 : memref<80xi32, #tpu.memory_space<vmem>>) semaphore(%dma_start3A_182 : memref<!tpu.dma_semaphore, #tpu.memory_space<semaphore_mem>>)
    %dma_wait3A_183 = arith.constant 1 : i32
    %dma_wait3A_184 = arith.constant 0 : i32
    %dma_wait3A_185 = arith.constant 0 : i32
    %dma_wait3A_186 = tpu.memref_slice %arg2[%dma_wait3A_184, %dma_wait3A_185] : memref<10000x128xf32, #tpu.memory_space<hbm>> -> memref<10000x128xf32, #tpu.memory_space<hbm>>
    %dma_wait3A_187 = tpu.memref_slice %arg19[%dma_wait3A_183] : memref<3x!tpu.dma_semaphore, #tpu.memory_space<semaphore_mem>> -> memref<1x!tpu.dma_semaphore, #tpu.memory_space<semaphore_mem>>
    %dma_wait3A_188 = tpu.memref_squeeze %dma_wait3A_187 : memref<1x!tpu.dma_semaphore, #tpu.memory_space<semaphore_mem>> -> memref<!tpu.dma_semaphore, #tpu.memory_space<semaphore_mem>>
    tpu.wait_indirect_dma semaphore(%dma_wait3A_188 : memref<!tpu.dma_semaphore, #tpu.memory_space<semaphore_mem>>) src(%dma_wait3A_186 : memref<10000x128xf32, #tpu.memory_space<hbm>>) dst(%arg14 : memref<80x128xf32, #tpu.memory_space<vmem>>)
    %dma_start3A_189 = arith.constant 1 : i32
    %dma_start3A_190 = arith.constant 9680 : i32
    %dma_start3A_191 = tpu.memref_slice %arg12[%dma_start3A_190] : memref<10000xi32, #tpu.memory_space<vmem>> -> memref<80xi32, #tpu.memory_space<vmem>>
    %dma_start3A_192 = arith.constant 0 : i32
    %dma_start3A_193 = arith.constant 0 : i32
    %dma_start3A_194 = tpu.memref_slice %arg17[%dma_start3A_192, %dma_start3A_193] : memref<10240x128xf32, #tpu.memory_space<vmem_shared>> -> memref<10240x128xf32, #tpu.memory_space<vmem_shared>>
    %dma_start3A_195 = tpu.memref_slice %arg20[%dma_start3A_189] : memref<3x!tpu.dma_semaphore, #tpu.memory_space<semaphore_mem>> -> memref<1x!tpu.dma_semaphore, #tpu.memory_space<semaphore_mem>>
    %dma_start3A_196 = tpu.memref_squeeze %dma_start3A_195 : memref<1x!tpu.dma_semaphore, #tpu.memory_space<semaphore_mem>> -> memref<!tpu.dma_semaphore, #tpu.memory_space<semaphore_mem>>
    tpu.enqueue_indirect_dma source(%arg14 : memref<80x128xf32, #tpu.memory_space<vmem>>) target(%dma_start3A_194 : memref<10240x128xf32, #tpu.memory_space<vmem_shared>>) offsets(%dma_start3A_191 : memref<80xi32, #tpu.memory_space<vmem>>) semaphore(%dma_start3A_196 : memref<!tpu.dma_semaphore, #tpu.memory_space<semaphore_mem>>) {add = true}
    %dma_wait3A_197 = arith.constant 1 : i32
    %dma_wait3A_198 = arith.constant 9680 : i32
    %dma_wait3A_199 = tpu.memref_slice %arg12[%dma_wait3A_198] : memref<10000xi32, #tpu.memory_space<vmem>> -> memref<80xi32, #tpu.memory_space<vmem>>
    %dma_wait3A_200 = arith.constant 0 : i32
    %dma_wait3A_201 = arith.constant 0 : i32
    %dma_wait3A_202 = tpu.memref_slice %arg17[%dma_wait3A_200, %dma_wait3A_201] : memref<10240x128xf32, #tpu.memory_space<vmem_shared>> -> memref<10240x128xf32, #tpu.memory_space<vmem_shared>>
    %dma_wait3A_203 = tpu.memref_slice %arg20[%dma_wait3A_197] : memref<3x!tpu.dma_semaphore, #tpu.memory_space<semaphore_mem>> -> memref<1x!tpu.dma_semaphore, #tpu.memory_space<semaphore_mem>>
    %dma_wait3A_204 = tpu.memref_squeeze %dma_wait3A_203 : memref<1x!tpu.dma_semaphore, #tpu.memory_space<semaphore_mem>> -> memref<!tpu.dma_semaphore, #tpu.memory_space<semaphore_mem>>
    tpu.wait_indirect_dma semaphore(%dma_wait3A_204 : memref<!tpu.dma_semaphore, #tpu.memory_space<semaphore_mem>>) src(%arg14 : memref<80x128xf32, #tpu.memory_space<vmem>>) dst(%dma_wait3A_202 : memref<10240x128xf32, #tpu.memory_space<vmem_shared>>)
    %add3A_205 = arith.constant 9920 : i32
    %add3A_206 = arith.addi %mul3A_4, %add3A_205 : i32
    %dma_wait3A_207 = arith.constant 4 : i32
    %dma_wait3A_208 = tpu.memref_slice %arg3[%add3A_206] : memref<320000xi32, #tpu.memory_space<hbm>> -> memref<80xi32, #tpu.memory_space<hbm>>
    %dma_wait3A_209 = tpu.memref_slice %arg18[%dma_wait3A_207] : memref<6x!tpu.dma_semaphore, #tpu.memory_space<semaphore_mem>> -> memref<1x!tpu.dma_semaphore, #tpu.memory_space<semaphore_mem>>
    %dma_wait3A_210 = tpu.memref_squeeze %dma_wait3A_209 : memref<1x!tpu.dma_semaphore, #tpu.memory_space<semaphore_mem>> -> memref<!tpu.dma_semaphore, #tpu.memory_space<semaphore_mem>>
    %dma_wait3A_211 = tpu.memref_slice %arg3[%add3A_206] : memref<320000xi32, #tpu.memory_space<hbm>> -> memref<80xi32, #tpu.memory_space<hbm>>
    tpu.wait_dma2 semaphore(%dma_wait3A_210 : memref<!tpu.dma_semaphore, #tpu.memory_space<semaphore_mem>>) src(%dma_wait3A_211 : memref<80xi32, #tpu.memory_space<hbm>>) dst(%arg10 : memref<80xi32, #tpu.memory_space<vmem>>)
    %dma_start3A_212 = arith.constant 1 : i32
    %dma_start3A_213 = arith.constant 0 : i32
    %dma_start3A_214 = arith.constant 0 : i32
    %dma_start3A_215 = tpu.memref_slice %arg2[%dma_start3A_213, %dma_start3A_214] : memref<10000x128xf32, #tpu.memory_space<hbm>> -> memref<10000x128xf32, #tpu.memory_space<hbm>>
    %dma_start3A_216 = tpu.memref_slice %arg19[%dma_start3A_212] : memref<3x!tpu.dma_semaphore, #tpu.memory_space<semaphore_mem>> -> memref<1x!tpu.dma_semaphore, #tpu.memory_space<semaphore_mem>>
    %dma_start3A_217 = tpu.memref_squeeze %dma_start3A_216 : memref<1x!tpu.dma_semaphore, #tpu.memory_space<semaphore_mem>> -> memref<!tpu.dma_semaphore, #tpu.memory_space<semaphore_mem>>
    tpu.enqueue_indirect_dma source(%dma_start3A_215 : memref<10000x128xf32, #tpu.memory_space<hbm>>) target(%arg14 : memref<80x128xf32, #tpu.memory_space<vmem>>) offsets(%arg10 : memref<80xi32, #tpu.memory_space<vmem>>) semaphore(%dma_start3A_217 : memref<!tpu.dma_semaphore, #tpu.memory_space<semaphore_mem>>)
    %dma_wait3A_218 = arith.constant 2 : i32
    %dma_wait3A_219 = arith.constant 0 : i32
    %dma_wait3A_220 = arith.constant 0 : i32
    %dma_wait3A_221 = tpu.memref_slice %arg2[%dma_wait3A_219, %dma_wait3A_220] : memref<10000x128xf32, #tpu.memory_space<hbm>> -> memref<10000x128xf32, #tpu.memory_space<hbm>>
    %dma_wait3A_222 = tpu.memref_slice %arg19[%dma_wait3A_218] : memref<3x!tpu.dma_semaphore, #tpu.memory_space<semaphore_mem>> -> memref<1x!tpu.dma_semaphore, #tpu.memory_space<semaphore_mem>>
    %dma_wait3A_223 = tpu.memref_squeeze %dma_wait3A_222 : memref<1x!tpu.dma_semaphore, #tpu.memory_space<semaphore_mem>> -> memref<!tpu.dma_semaphore, #tpu.memory_space<semaphore_mem>>
    tpu.wait_indirect_dma semaphore(%dma_wait3A_223 : memref<!tpu.dma_semaphore, #tpu.memory_space<semaphore_mem>>) src(%dma_wait3A_221 : memref<10000x128xf32, #tpu.memory_space<hbm>>) dst(%arg15 : memref<80x128xf32, #tpu.memory_space<vmem>>)
    %dma_start3A_224 = arith.constant 2 : i32
    %dma_start3A_225 = arith.constant 9760 : i32
    %dma_start3A_226 = tpu.memref_slice %arg12[%dma_start3A_225] : memref<10000xi32, #tpu.memory_space<vmem>> -> memref<80xi32, #tpu.memory_space<vmem>>
    %dma_start3A_227 = arith.constant 0 : i32
    %dma_start3A_228 = arith.constant 0 : i32
    %dma_start3A_229 = tpu.memref_slice %arg17[%dma_start3A_227, %dma_start3A_228] : memref<10240x128xf32, #tpu.memory_space<vmem_shared>> -> memref<10240x128xf32, #tpu.memory_space<vmem_shared>>
    %dma_start3A_230 = tpu.memref_slice %arg20[%dma_start3A_224] : memref<3x!tpu.dma_semaphore, #tpu.memory_space<semaphore_mem>> -> memref<1x!tpu.dma_semaphore, #tpu.memory_space<semaphore_mem>>
    %dma_start3A_231 = tpu.memref_squeeze %dma_start3A_230 : memref<1x!tpu.dma_semaphore, #tpu.memory_space<semaphore_mem>> -> memref<!tpu.dma_semaphore, #tpu.memory_space<semaphore_mem>>
    tpu.enqueue_indirect_dma source(%arg15 : memref<80x128xf32, #tpu.memory_space<vmem>>) target(%dma_start3A_229 : memref<10240x128xf32, #tpu.memory_space<vmem_shared>>) offsets(%dma_start3A_226 : memref<80xi32, #tpu.memory_space<vmem>>) semaphore(%dma_start3A_231 : memref<!tpu.dma_semaphore, #tpu.memory_space<semaphore_mem>>) {add = true}
    %dma_wait3A_232 = arith.constant 0 : i32
    %dma_wait3A_233 = arith.constant 0 : i32
    %dma_wait3A_234 = arith.constant 0 : i32
    %dma_wait3A_235 = tpu.memref_slice %arg2[%dma_wait3A_233, %dma_wait3A_234] : memref<10000x128xf32, #tpu.memory_space<hbm>> -> memref<10000x128xf32, #tpu.memory_space<hbm>>
    %dma_wait3A_236 = tpu.memref_slice %arg19[%dma_wait3A_232] : memref<3x!tpu.dma_semaphore, #tpu.memory_space<semaphore_mem>> -> memref<1x!tpu.dma_semaphore, #tpu.memory_space<semaphore_mem>>
    %dma_wait3A_237 = tpu.memref_squeeze %dma_wait3A_236 : memref<1x!tpu.dma_semaphore, #tpu.memory_space<semaphore_mem>> -> memref<!tpu.dma_semaphore, #tpu.memory_space<semaphore_mem>>
    tpu.wait_indirect_dma semaphore(%dma_wait3A_237 : memref<!tpu.dma_semaphore, #tpu.memory_space<semaphore_mem>>) src(%dma_wait3A_235 : memref<10000x128xf32, #tpu.memory_space<hbm>>) dst(%arg13 : memref<80x128xf32, #tpu.memory_space<vmem>>)
    %dma_start3A_238 = arith.constant 0 : i32
    %dma_start3A_239 = arith.constant 9840 : i32
    %dma_start3A_240 = tpu.memref_slice %arg12[%dma_start3A_239] : memref<10000xi32, #tpu.memory_space<vmem>> -> memref<80xi32, #tpu.memory_space<vmem>>
    %dma_start3A_241 = arith.constant 0 : i32
    %dma_start3A_242 = arith.constant 0 : i32
    %dma_start3A_243 = tpu.memref_slice %arg17[%dma_start3A_241, %dma_start3A_242] : memref<10240x128xf32, #tpu.memory_space<vmem_shared>> -> memref<10240x128xf32, #tpu.memory_space<vmem_shared>>
    %dma_start3A_244 = tpu.memref_slice %arg20[%dma_start3A_238] : memref<3x!tpu.dma_semaphore, #tpu.memory_space<semaphore_mem>> -> memref<1x!tpu.dma_semaphore, #tpu.memory_space<semaphore_mem>>
    %dma_start3A_245 = tpu.memref_squeeze %dma_start3A_244 : memref<1x!tpu.dma_semaphore, #tpu.memory_space<semaphore_mem>> -> memref<!tpu.dma_semaphore, #tpu.memory_space<semaphore_mem>>
    tpu.enqueue_indirect_dma source(%arg13 : memref<80x128xf32, #tpu.memory_space<vmem>>) target(%dma_start3A_243 : memref<10240x128xf32, #tpu.memory_space<vmem_shared>>) offsets(%dma_start3A_240 : memref<80xi32, #tpu.memory_space<vmem>>) semaphore(%dma_start3A_245 : memref<!tpu.dma_semaphore, #tpu.memory_space<semaphore_mem>>) {add = true}
    %dma_wait3A_246 = arith.constant 1 : i32
    %dma_wait3A_247 = arith.constant 0 : i32
    %dma_wait3A_248 = arith.constant 0 : i32
    %dma_wait3A_249 = tpu.memref_slice %arg2[%dma_wait3A_247, %dma_wait3A_248] : memref<10000x128xf32, #tpu.memory_space<hbm>> -> memref<10000x128xf32, #tpu.memory_space<hbm>>
    %dma_wait3A_250 = tpu.memref_slice %arg19[%dma_wait3A_246] : memref<3x!tpu.dma_semaphore, #tpu.memory_space<semaphore_mem>> -> memref<1x!tpu.dma_semaphore, #tpu.memory_space<semaphore_mem>>
    %dma_wait3A_251 = tpu.memref_squeeze %dma_wait3A_250 : memref<1x!tpu.dma_semaphore, #tpu.memory_space<semaphore_mem>> -> memref<!tpu.dma_semaphore, #tpu.memory_space<semaphore_mem>>
    tpu.wait_indirect_dma semaphore(%dma_wait3A_251 : memref<!tpu.dma_semaphore, #tpu.memory_space<semaphore_mem>>) src(%dma_wait3A_249 : memref<10000x128xf32, #tpu.memory_space<hbm>>) dst(%arg14 : memref<80x128xf32, #tpu.memory_space<vmem>>)
    %dma_start3A_252 = arith.constant 1 : i32
    %dma_start3A_253 = arith.constant 9920 : i32
    %dma_start3A_254 = tpu.memref_slice %arg12[%dma_start3A_253] : memref<10000xi32, #tpu.memory_space<vmem>> -> memref<80xi32, #tpu.memory_space<vmem>>
    %dma_start3A_255 = arith.constant 0 : i32
    %dma_start3A_256 = arith.constant 0 : i32
    %dma_start3A_257 = tpu.memref_slice %arg17[%dma_start3A_255, %dma_start3A_256] : memref<10240x128xf32, #tpu.memory_space<vmem_shared>> -> memref<10240x128xf32, #tpu.memory_space<vmem_shared>>
    %dma_start3A_258 = tpu.memref_slice %arg20[%dma_start3A_252] : memref<3x!tpu.dma_semaphore, #tpu.memory_space<semaphore_mem>> -> memref<1x!tpu.dma_semaphore, #tpu.memory_space<semaphore_mem>>
    %dma_start3A_259 = tpu.memref_squeeze %dma_start3A_258 : memref<1x!tpu.dma_semaphore, #tpu.memory_space<semaphore_mem>> -> memref<!tpu.dma_semaphore, #tpu.memory_space<semaphore_mem>>
    tpu.enqueue_indirect_dma source(%arg14 : memref<80x128xf32, #tpu.memory_space<vmem>>) target(%dma_start3A_257 : memref<10240x128xf32, #tpu.memory_space<vmem_shared>>) offsets(%dma_start3A_254 : memref<80xi32, #tpu.memory_space<vmem>>) semaphore(%dma_start3A_259 : memref<!tpu.dma_semaphore, #tpu.memory_space<semaphore_mem>>) {add = true}
    %dma_wait3A_260 = arith.constant 2 : i32
    %dma_wait3A_261 = arith.constant 9760 : i32
    %dma_wait3A_262 = tpu.memref_slice %arg12[%dma_wait3A_261] : memref<10000xi32, #tpu.memory_space<vmem>> -> memref<80xi32, #tpu.memory_space<vmem>>
    %dma_wait3A_263 = arith.constant 0 : i32
    %dma_wait3A_264 = arith.constant 0 : i32
    %dma_wait3A_265 = tpu.memref_slice %arg17[%dma_wait3A_263, %dma_wait3A_264] : memref<10240x128xf32, #tpu.memory_space<vmem_shared>> -> memref<10240x128xf32, #tpu.memory_space<vmem_shared>>
    %dma_wait3A_266 = tpu.memref_slice %arg20[%dma_wait3A_260] : memref<3x!tpu.dma_semaphore, #tpu.memory_space<semaphore_mem>> -> memref<1x!tpu.dma_semaphore, #tpu.memory_space<semaphore_mem>>
    %dma_wait3A_267 = tpu.memref_squeeze %dma_wait3A_266 : memref<1x!tpu.dma_semaphore, #tpu.memory_space<semaphore_mem>> -> memref<!tpu.dma_semaphore, #tpu.memory_space<semaphore_mem>>
    tpu.wait_indirect_dma semaphore(%dma_wait3A_267 : memref<!tpu.dma_semaphore, #tpu.memory_space<semaphore_mem>>) src(%arg15 : memref<80x128xf32, #tpu.memory_space<vmem>>) dst(%dma_wait3A_265 : memref<10240x128xf32, #tpu.memory_space<vmem_shared>>)
    %dma_wait3A_268 = arith.constant 0 : i32
    %dma_wait3A_269 = arith.constant 9840 : i32
    %dma_wait3A_270 = tpu.memref_slice %arg12[%dma_wait3A_269] : memref<10000xi32, #tpu.memory_space<vmem>> -> memref<80xi32, #tpu.memory_space<vmem>>
    %dma_wait3A_271 = arith.constant 0 : i32
    %dma_wait3A_272 = arith.constant 0 : i32
    %dma_wait3A_273 = tpu.memref_slice %arg17[%dma_wait3A_271, %dma_wait3A_272] : memref<10240x128xf32, #tpu.memory_space<vmem_shared>> -> memref<10240x128xf32, #tpu.memory_space<vmem_shared>>
    %dma_wait3A_274 = tpu.memref_slice %arg20[%dma_wait3A_268] : memref<3x!tpu.dma_semaphore, #tpu.memory_space<semaphore_mem>> -> memref<1x!tpu.dma_semaphore, #tpu.memory_space<semaphore_mem>>
    %dma_wait3A_275 = tpu.memref_squeeze %dma_wait3A_274 : memref<1x!tpu.dma_semaphore, #tpu.memory_space<semaphore_mem>> -> memref<!tpu.dma_semaphore, #tpu.memory_space<semaphore_mem>>
    tpu.wait_indirect_dma semaphore(%dma_wait3A_275 : memref<!tpu.dma_semaphore, #tpu.memory_space<semaphore_mem>>) src(%arg13 : memref<80x128xf32, #tpu.memory_space<vmem>>) dst(%dma_wait3A_273 : memref<10240x128xf32, #tpu.memory_space<vmem_shared>>)
    %dma_wait3A_276 = arith.constant 1 : i32
    %dma_wait3A_277 = arith.constant 9920 : i32
    %dma_wait3A_278 = tpu.memref_slice %arg12[%dma_wait3A_277] : memref<10000xi32, #tpu.memory_space<vmem>> -> memref<80xi32, #tpu.memory_space<vmem>>
    %dma_wait3A_279 = arith.constant 0 : i32
    %dma_wait3A_280 = arith.constant 0 : i32
    %dma_wait3A_281 = tpu.memref_slice %arg17[%dma_wait3A_279, %dma_wait3A_280] : memref<10240x128xf32, #tpu.memory_space<vmem_shared>> -> memref<10240x128xf32, #tpu.memory_space<vmem_shared>>
    %dma_wait3A_282 = tpu.memref_slice %arg20[%dma_wait3A_276] : memref<3x!tpu.dma_semaphore, #tpu.memory_space<semaphore_mem>> -> memref<1x!tpu.dma_semaphore, #tpu.memory_space<semaphore_mem>>
    %dma_wait3A_283 = tpu.memref_squeeze %dma_wait3A_282 : memref<1x!tpu.dma_semaphore, #tpu.memory_space<semaphore_mem>> -> memref<!tpu.dma_semaphore, #tpu.memory_space<semaphore_mem>>
    tpu.wait_indirect_dma semaphore(%dma_wait3A_283 : memref<!tpu.dma_semaphore, #tpu.memory_space<semaphore_mem>>) src(%arg14 : memref<80x128xf32, #tpu.memory_space<vmem>>) dst(%dma_wait3A_281 : memref<10240x128xf32, #tpu.memory_space<vmem_shared>>)
    %barrier3A_284 = arith.constant 0 : index
    tpu.barrier barrier_id(%barrier3A_284)
    "tpu.region"() ({
      %run_scoped3A = tpu.sem_alloc : memref<!tpu.dma_semaphore, #tpu.memory_space<semaphore_mem>>
      %dma_start3A_285 = arith.constant 0 : i32
      %dma_start3A_286 = arith.constant 0 : i32
      %dma_start3A_287 = tpu.memref_slice %arg5[%arg0, %dma_start3A_285, %dma_start3A_286] : memref<2x10240x128xf32, #tpu.memory_space<hbm>> -> memref<1x10240x128xf32, #tpu.memory_space<hbm>>
      %dma_start3A_288 = tpu.memref_squeeze %dma_start3A_287 : memref<1x10240x128xf32, #tpu.memory_space<hbm>> -> memref<10240x128xf32, #tpu.memory_space<hbm>>
      %dma_start3A_289 = arith.constant 0 : i32
      %dma_start3A_290 = tpu.memref_slice %dma_start3A_288[%mul3A_2, %dma_start3A_289] : memref<10240x128xf32, #tpu.memory_space<hbm>> -> memref<640x128xf32, #tpu.memory_space<hbm>>
      %dma_start3A_291 = arith.constant 0 : i32
      %dma_start3A_292 = tpu.memref_slice %arg17[%mul3A_2, %dma_start3A_291] : memref<10240x128xf32, #tpu.memory_space<vmem_shared>> -> memref<640x128xf32, #tpu.memory_space<vmem_shared>>
      tpu.enqueue_dma source(%dma_start3A_292 : memref<640x128xf32, #tpu.memory_space<vmem_shared>>) target(%dma_start3A_290 : memref<640x128xf32, #tpu.memory_space<hbm>>) target_semaphore(%run_scoped3A : memref<!tpu.dma_semaphore, #tpu.memory_space<semaphore_mem>>)
      %dma_wait3A_293 = arith.constant 0 : i32
      %dma_wait3A_294 = arith.constant 0 : i32
      %dma_wait3A_295 = tpu.memref_slice %arg5[%arg0, %dma_wait3A_293, %dma_wait3A_294] : memref<2x10240x128xf32, #tpu.memory_space<hbm>> -> memref<1x10240x128xf32, #tpu.memory_space<hbm>>
      %dma_wait3A_296 = tpu.memref_squeeze %dma_wait3A_295 : memref<1x10240x128xf32, #tpu.memory_space<hbm>> -> memref<10240x128xf32, #tpu.memory_space<hbm>>
      %dma_wait3A_297 = arith.constant 0 : i32
      %dma_wait3A_298 = tpu.memref_slice %dma_wait3A_296[%mul3A_2, %dma_wait3A_297] : memref<10240x128xf32, #tpu.memory_space<hbm>> -> memref<640x128xf32, #tpu.memory_space<hbm>>
      %dma_wait3A_299 = arith.constant 0 : i32
      %dma_wait3A_300 = tpu.memref_slice %arg17[%mul3A_2, %dma_wait3A_299] : memref<10240x128xf32, #tpu.memory_space<vmem_shared>> -> memref<640x128xf32, #tpu.memory_space<vmem_shared>>
      tpu.wait_dma2 semaphore(%run_scoped3A : memref<!tpu.dma_semaphore, #tpu.memory_space<semaphore_mem>>) src(%dma_wait3A_300 : memref<640x128xf32, #tpu.memory_space<vmem_shared>>) dst(%dma_wait3A_298 : memref<640x128xf32, #tpu.memory_space<hbm>>)
      tpu.yield
    }) : () -> ()
    return
  }
}

#map = affine_map<(d0, d1) -> (0)>
#map1 = affine_map<(d0, d1) -> (0, 0, 0)>
module attributes {stable_mosaic.version = 14 : i64} {
  func.func @_sc_deg(%arg0: i32, %arg1: i32, %arg2: memref<320000xi32, #tpu.memory_space<hbm>>, %arg3: memref<2x10240x16xf32, #tpu.memory_space<hbm>>, %arg4: memref<10000xi32, #tpu.memory_space<vmem>>, %arg5: memref<80x16xf32, #tpu.memory_space<vmem>>, %arg6: memref<16x16xf32, #tpu.memory_space<vmem>>, %arg7: memref<10240x16xf32, #tpu.memory_space<vmem_shared>>, %arg8: memref<4x!tpu.dma_semaphore, #tpu.memory_space<semaphore_mem>>, %arg9: memref<!tpu.dma_semaphore, #tpu.memory_space<semaphore_mem>>) attributes {dimension_semantics = [#tpu.dimension_semantics<core_parallel>, #tpu.dimension_semantics<subcore_parallel>], iteration_bounds = array<i64: 2, 16>, scalar_prefetch = 0 : i64, scratch_operands = 6 : i64, tpu.core_type = #tpu.core_type<sc_vector_subcore>, window_params = [{transform_indices = #map}, {transform_indices = #map1}]} {
    %mul3A = arith.constant 16 : i32
    %mul3A_0 = arith.muli %arg0, %mul3A : i32
    %add3A = arith.addi %mul3A_0, %arg1 : i32
    %mul3A_1 = arith.constant 640 : i32
    %mul3A_2 = arith.muli %arg1, %mul3A_1 : i32
    %mul3A_3 = arith.constant 10000 : i32
    %mul3A_4 = arith.muli %add3A, %mul3A_3 : i32
    "tpu.region"() ({
      %run_scoped3A = tpu.sem_alloc : memref<!tpu.dma_semaphore, #tpu.memory_space<semaphore_mem>>
      %dma_start3A_76 = tpu.memref_slice %arg2[%mul3A_4] : memref<320000xi32, #tpu.memory_space<hbm>> -> memref<10000xi32, #tpu.memory_space<hbm>>
      %dma_start3A_77 = tpu.memref_slice %arg2[%mul3A_4] : memref<320000xi32, #tpu.memory_space<hbm>> -> memref<10000xi32, #tpu.memory_space<hbm>>
      tpu.enqueue_dma source(%dma_start3A_77 : memref<10000xi32, #tpu.memory_space<hbm>>) target(%arg4 : memref<10000xi32, #tpu.memory_space<vmem>>) target_semaphore(%run_scoped3A : memref<!tpu.dma_semaphore, #tpu.memory_space<semaphore_mem>>)
      %dma_wait3A_78 = tpu.memref_slice %arg2[%mul3A_4] : memref<320000xi32, #tpu.memory_space<hbm>> -> memref<10000xi32, #tpu.memory_space<hbm>>
      %dma_wait3A_79 = tpu.memref_slice %arg2[%mul3A_4] : memref<320000xi32, #tpu.memory_space<hbm>> -> memref<10000xi32, #tpu.memory_space<hbm>>
      tpu.wait_dma2 semaphore(%run_scoped3A : memref<!tpu.dma_semaphore, #tpu.memory_space<semaphore_mem>>) src(%dma_wait3A_79 : memref<10000xi32, #tpu.memory_space<hbm>>) dst(%arg4 : memref<10000xi32, #tpu.memory_space<vmem>>)
      tpu.yield
    }) : () -> ()
    %scan3A = arith.constant 0 : i32
    %scan3A_5 = arith.constant 16 : i32
    %scan3A_6 = arith.addi %scan3A, %scan3A_5 : i32
    %scan3A_7 = arith.constant 1 : i32
    scf.for %scan3A_76 = %scan3A to %scan3A_6 step %scan3A_7  : i32 {
      %mul3A_77 = arith.constant 1 : i32
      %mul3A_78 = arith.muli %scan3A_76, %mul3A_77 : i32
      %add3A_79 = arith.constant 0 : i32
      %add3A_80 = arith.addi %add3A_79, %mul3A_78 : i32
      %scan3A_81 = arith.constant 0 : i32
      %mul3A_82 = arith.constant 1 : i32
      %mul3A_83 = arith.muli %scan3A_81, %mul3A_82 : i32
      %add3A_84 = arith.constant 0 : i32
      %add3A_85 = arith.addi %add3A_84, %mul3A_83 : i32
      %broadcast_in_dim3A = arith.constant 0.000000e+00 : f32
      %broadcast_in_dim3A_86 = vector.broadcast %broadcast_in_dim3A : f32 to vector<16xf32>
      %mul3A_87 = arith.constant 16 : i32
      %mul3A_88 = arith.muli %add3A_85, %mul3A_87 : i32
      %swap3A = arith.index_cast %add3A_80 : i32 to index
      %swap3A_89 = arith.index_cast %mul3A_88 : i32 to index
      %swap3A_90 = tpu.vector_load %arg6[%swap3A, %swap3A_89] {strides = array<i32>} : memref<16x16xf32, #tpu.memory_space<vmem>>, vector<1x16xf32>,
      %swap3A_91 = vector.shape_cast %swap3A_90 : vector<1x16xf32> to vector<16xf32>
      %swap3A_92 = vector.shape_cast %broadcast_in_dim3A_86 : vector<16xf32> to vector<1x16xf32>
      tpu.vector_store %arg6[%swap3A, %swap3A_89], %swap3A_92 {strides = array<i32>} : memref<16x16xf32, #tpu.memory_space<vmem>>, vector<1x16xf32>,
      %scan3A_93 = arith.constant 1 : i32
    }
    %scan3A_8 = arith.constant 16 : i32
    %scan3A_9 = arith.constant 0 : i32
    %scan3A_10 = arith.constant 80 : i32
    %scan3A_11 = arith.addi %scan3A_9, %scan3A_10 : i32
    %scan3A_12 = arith.constant 1 : i32
    scf.for %scan3A_76 = %scan3A_9 to %scan3A_11 step %scan3A_12  : i32 {
      %mul3A_77 = arith.constant 1 : i32
      %mul3A_78 = arith.muli %scan3A_76, %mul3A_77 : i32
      %add3A_79 = arith.constant 0 : i32
      %add3A_80 = arith.addi %add3A_79, %mul3A_78 : i32
      %broadcast_in_dim3A = arith.constant 1.000000e+00 : f32
      %broadcast_in_dim3A_81 = vector.broadcast %broadcast_in_dim3A : f32 to vector<16xf32>
      %swap3A = arith.index_cast %add3A_80 : i32 to index
      %swap3A_82 = arith.constant 0 : index
      %swap3A_83 = tpu.vector_load %arg5[%swap3A, %swap3A_82] {strides = array<i32>} : memref<80x16xf32, #tpu.memory_space<vmem>>, vector<1x16xf32>,
      %swap3A_84 = vector.shape_cast %swap3A_83 : vector<1x16xf32> to vector<16xf32>
      %swap3A_85 = vector.shape_cast %broadcast_in_dim3A_81 : vector<16xf32> to vector<1x16xf32>
      tpu.vector_store %arg5[%swap3A, %swap3A_82], %swap3A_85 {strides = array<i32>} : memref<80x16xf32, #tpu.memory_space<vmem>>, vector<1x16xf32>,
    }
    %scan3A_13 = arith.constant 80 : i32
    %scan3A_14 = arith.constant 0 : i32
    %scan3A_15 = arith.constant 40 : i32
    %scan3A_16 = arith.addi %scan3A_14, %scan3A_15 : i32
    %scan3A_17 = arith.constant 1 : i32
    scf.for %scan3A_76 = %scan3A_14 to %scan3A_16 step %scan3A_17  : i32 {
      %mul3A_77 = arith.constant 1 : i32
      %mul3A_78 = arith.muli %scan3A_76, %mul3A_77 : i32
      %add3A_79 = arith.constant 0 : i32
      %add3A_80 = arith.addi %add3A_79, %mul3A_78 : i32
      %mul3A_81 = arith.constant 16 : i32
      %mul3A_82 = arith.muli %add3A_80, %mul3A_81 : i32
      %add3A_83 = arith.addi %mul3A_2, %mul3A_82 : i32
      %dma_start3A_84 = arith.constant 0 : i32
      %dma_start3A_85 = tpu.memref_slice %arg7[%add3A_83, %dma_start3A_84] : memref<10240x16xf32, #tpu.memory_space<vmem_shared>> -> memref<16x16xf32, #tpu.memory_space<vmem_shared>>
      %dma_start3A_86 = arith.constant 0 : i32
      %dma_start3A_87 = tpu.memref_slice %arg7[%add3A_83, %dma_start3A_86] : memref<10240x16xf32, #tpu.memory_space<vmem_shared>> -> memref<16x16xf32, #tpu.memory_space<vmem_shared>>
      tpu.enqueue_dma source(%arg6 : memref<16x16xf32, #tpu.memory_space<vmem>>) target(%dma_start3A_87 : memref<16x16xf32, #tpu.memory_space<vmem_shared>>) target_semaphore(%arg9 : memref<!tpu.dma_semaphore, #tpu.memory_space<semaphore_mem>>)
    }
    %scan3A_18 = arith.constant 40 : i32
    %scan3A_19 = arith.constant 0 : i32
    %scan3A_20 = arith.constant 40 : i32
    %scan3A_21 = arith.addi %scan3A_19, %scan3A_20 : i32
    %scan3A_22 = arith.constant 1 : i32
    scf.for %scan3A_76 = %scan3A_19 to %scan3A_21 step %scan3A_22  : i32 {
      %mul3A_77 = arith.constant 1 : i32
      %mul3A_78 = arith.muli %scan3A_76, %mul3A_77 : i32
      %add3A_79 = arith.constant 0 : i32
      %add3A_80 = arith.addi %add3A_79, %mul3A_78 : i32
      %mul3A_81 = arith.constant 16 : i32
      %mul3A_82 = arith.muli %add3A_80, %mul3A_81 : i32
      %add3A_83 = arith.addi %mul3A_2, %mul3A_82 : i32
      %dma_wait3A_84 = arith.constant 0 : i32
      %dma_wait3A_85 = tpu.memref_slice %arg7[%add3A_83, %dma_wait3A_84] : memref<10240x16xf32, #tpu.memory_space<vmem_shared>> -> memref<16x16xf32, #tpu.memory_space<vmem_shared>>
      %dma_wait3A_86 = arith.constant 0 : i32
      %dma_wait3A_87 = tpu.memref_slice %arg7[%add3A_83, %dma_wait3A_86] : memref<10240x16xf32, #tpu.memory_space<vmem_shared>> -> memref<16x16xf32, #tpu.memory_space<vmem_shared>>
      tpu.wait_dma2 semaphore(%arg9 : memref<!tpu.dma_semaphore, #tpu.memory_space<semaphore_mem>>) src(%arg6 : memref<16x16xf32, #tpu.memory_space<vmem>>) dst(%dma_wait3A_87 : memref<16x16xf32, #tpu.memory_space<vmem_shared>>)
    }
    %scan3A_23 = arith.constant 40 : i32
    %barrier3A = arith.constant 0 : index
    tpu.barrier barrier_id(%barrier3A)
    %scan3A_24 = arith.constant 0 : i32
    %scan3A_25 = arith.constant 31 : i32
    %scan3A_26 = arith.addi %scan3A_24, %scan3A_25 : i32
    %scan3A_27 = arith.constant 1 : i32
    scf.for %scan3A_76 = %scan3A_24 to %scan3A_26 step %scan3A_27  : i32 {
      %mul3A_77 = arith.constant 1 : i32
      %mul3A_78 = arith.muli %scan3A_76, %mul3A_77 : i32
      %add3A_79 = arith.constant 0 : i32
      %add3A_80 = arith.addi %add3A_79, %mul3A_78 : i32
      %mul3A_81 = arith.constant 4 : i32
      %mul3A_82 = arith.muli %add3A_80, %mul3A_81 : i32
      %add3A_83 = arith.constant 0 : i32
      %add3A_84 = arith.addi %mul3A_82, %add3A_83 : i32
      %ge3A = arith.constant 4 : i32
      %ge3A_85 = arith.cmpi sge, %add3A_84, %ge3A : i32
      %convert_element_type3A = arith.extui %ge3A_85 : i1 to i32
      %cond3A = arith.constant 0 : i32
      %cond3A_86 = arith.cmpi ne, %convert_element_type3A, %cond3A : i32
      scf.if %cond3A_86 {
        %sub3A = arith.constant 4 : i32
        %sub3A_144 = arith.subi %add3A_84, %sub3A : i32
        %mul3A_145 = arith.constant 80 : i32
        %mul3A_146 = arith.muli %sub3A_144, %mul3A_145 : i32
        %dma_wait3A_147 = arith.constant 0 : i32
        %dma_wait3A_148 = tpu.memref_slice %arg4[%mul3A_146] : memref<10000xi32, #tpu.memory_space<vmem>> -> memref<80xi32, #tpu.memory_space<vmem>>
        %dma_wait3A_149 = arith.constant 0 : i32
        %dma_wait3A_150 = arith.constant 0 : i32
        %dma_wait3A_151 = tpu.memref_slice %arg7[%dma_wait3A_149, %dma_wait3A_150] : memref<10240x16xf32, #tpu.memory_space<vmem_shared>> -> memref<10240x16xf32, #tpu.memory_space<vmem_shared>>
        %dma_wait3A_152 = tpu.memref_slice %arg8[%dma_wait3A_147] : memref<4x!tpu.dma_semaphore, #tpu.memory_space<semaphore_mem>> -> memref<1x!tpu.dma_semaphore, #tpu.memory_space<semaphore_mem>>
        %dma_wait3A_153 = tpu.memref_squeeze %dma_wait3A_152 : memref<1x!tpu.dma_semaphore, #tpu.memory_space<semaphore_mem>> -> memref<!tpu.dma_semaphore, #tpu.memory_space<semaphore_mem>>
        tpu.wait_indirect_dma semaphore(%dma_wait3A_153 : memref<!tpu.dma_semaphore, #tpu.memory_space<semaphore_mem>>) src(%arg5 : memref<80x16xf32, #tpu.memory_space<vmem>>) dst(%dma_wait3A_151 : memref<10240x16xf32, #tpu.memory_space<vmem_shared>>)
      } else {
      }
      %mul3A_87 = arith.constant 80 : i32
      %mul3A_88 = arith.muli %add3A_84, %mul3A_87 : i32
      %dma_start3A_89 = arith.constant 0 : i32
      %dma_start3A_90 = tpu.memref_slice %arg4[%mul3A_88] : memref<10000xi32, #tpu.memory_space<vmem>> -> memref<80xi32, #tpu.memory_space<vmem>>
      %dma_start3A_91 = arith.constant 0 : i32
      %dma_start3A_92 = arith.constant 0 : i32
      %dma_start3A_93 = tpu.memref_slice %arg7[%dma_start3A_91, %dma_start3A_92] : memref<10240x16xf32, #tpu.memory_space<vmem_shared>> -> memref<10240x16xf32, #tpu.memory_space<vmem_shared>>
      %dma_start3A_94 = tpu.memref_slice %arg8[%dma_start3A_89] : memref<4x!tpu.dma_semaphore, #tpu.memory_space<semaphore_mem>> -> memref<1x!tpu.dma_semaphore, #tpu.memory_space<semaphore_mem>>
      %dma_start3A_95 = tpu.memref_squeeze %dma_start3A_94 : memref<1x!tpu.dma_semaphore, #tpu.memory_space<semaphore_mem>> -> memref<!tpu.dma_semaphore, #tpu.memory_space<semaphore_mem>>
      tpu.enqueue_indirect_dma source(%arg5 : memref<80x16xf32, #tpu.memory_space<vmem>>) target(%dma_start3A_93 : memref<10240x16xf32, #tpu.memory_space<vmem_shared>>) offsets(%dma_start3A_90 : memref<80xi32, #tpu.memory_space<vmem>>) semaphore(%dma_start3A_95 : memref<!tpu.dma_semaphore, #tpu.memory_space<semaphore_mem>>) {add = true}
      %add3A_96 = arith.constant 1 : i32
      %add3A_97 = arith.addi %mul3A_82, %add3A_96 : i32
      %ge3A_98 = arith.constant 4 : i32
      %ge3A_99 = arith.cmpi sge, %add3A_97, %ge3A_98 : i32
      %convert_element_type3A_100 = arith.extui %ge3A_99 : i1 to i32
      %cond3A_101 = arith.constant 0 : i32
      %cond3A_102 = arith.cmpi ne, %convert_element_type3A_100, %cond3A_101 : i32
      scf.if %cond3A_102 {
        %sub3A = arith.constant 4 : i32
        %sub3A_144 = arith.subi %add3A_97, %sub3A : i32
        %mul3A_145 = arith.constant 80 : i32
        %mul3A_146 = arith.muli %sub3A_144, %mul3A_145 : i32
        %dma_wait3A_147 = arith.constant 1 : i32
        %dma_wait3A_148 = tpu.memref_slice %arg4[%mul3A_146] : memref<10000xi32, #tpu.memory_space<vmem>> -> memref<80xi32, #tpu.memory_space<vmem>>
        %dma_wait3A_149 = arith.constant 0 : i32
        %dma_wait3A_150 = arith.constant 0 : i32
        %dma_wait3A_151 = tpu.memref_slice %arg7[%dma_wait3A_149, %dma_wait3A_150] : memref<10240x16xf32, #tpu.memory_space<vmem_shared>> -> memref<10240x16xf32, #tpu.memory_space<vmem_shared>>
        %dma_wait3A_152 = tpu.memref_slice %arg8[%dma_wait3A_147] : memref<4x!tpu.dma_semaphore, #tpu.memory_space<semaphore_mem>> -> memref<1x!tpu.dma_semaphore, #tpu.memory_space<semaphore_mem>>
        %dma_wait3A_153 = tpu.memref_squeeze %dma_wait3A_152 : memref<1x!tpu.dma_semaphore, #tpu.memory_space<semaphore_mem>> -> memref<!tpu.dma_semaphore, #tpu.memory_space<semaphore_mem>>
        tpu.wait_indirect_dma semaphore(%dma_wait3A_153 : memref<!tpu.dma_semaphore, #tpu.memory_space<semaphore_mem>>) src(%arg5 : memref<80x16xf32, #tpu.memory_space<vmem>>) dst(%dma_wait3A_151 : memref<10240x16xf32, #tpu.memory_space<vmem_shared>>)
      } else {
      }
      %mul3A_103 = arith.constant 80 : i32
      %mul3A_104 = arith.muli %add3A_97, %mul3A_103 : i32
      %dma_start3A_105 = arith.constant 1 : i32
      %dma_start3A_106 = tpu.memref_slice %arg4[%mul3A_104] : memref<10000xi32, #tpu.memory_space<vmem>> -> memref<80xi32, #tpu.memory_space<vmem>>
      %dma_start3A_107 = arith.constant 0 : i32
      %dma_start3A_108 = arith.constant 0 : i32
      %dma_start3A_109 = tpu.memref_slice %arg7[%dma_start3A_107, %dma_start3A_108] : memref<10240x16xf32, #tpu.memory_space<vmem_shared>> -> memref<10240x16xf32, #tpu.memory_space<vmem_shared>>
      %dma_start3A_110 = tpu.memref_slice %arg8[%dma_start3A_105] : memref<4x!tpu.dma_semaphore, #tpu.memory_space<semaphore_mem>> -> memref<1x!tpu.dma_semaphore, #tpu.memory_space<semaphore_mem>>
      %dma_start3A_111 = tpu.memref_squeeze %dma_start3A_110 : memref<1x!tpu.dma_semaphore, #tpu.memory_space<semaphore_mem>> -> memref<!tpu.dma_semaphore, #tpu.memory_space<semaphore_mem>>
      tpu.enqueue_indirect_dma source(%arg5 : memref<80x16xf32, #tpu.memory_space<vmem>>) target(%dma_start3A_109 : memref<10240x16xf32, #tpu.memory_space<vmem_shared>>) offsets(%dma_start3A_106 : memref<80xi32, #tpu.memory_space<vmem>>) semaphore(%dma_start3A_111 : memref<!tpu.dma_semaphore, #tpu.memory_space<semaphore_mem>>) {add = true}
      %add3A_112 = arith.constant 2 : i32
      %add3A_113 = arith.addi %mul3A_82, %add3A_112 : i32
      %ge3A_114 = arith.constant 4 : i32
      %ge3A_115 = arith.cmpi sge, %add3A_113, %ge3A_114 : i32
      %convert_element_type3A_116 = arith.extui %ge3A_115 : i1 to i32
      %cond3A_117 = arith.constant 0 : i32
      %cond3A_118 = arith.cmpi ne, %convert_element_type3A_116, %cond3A_117 : i32
      scf.if %cond3A_118 {
        %sub3A = arith.constant 4 : i32
        %sub3A_144 = arith.subi %add3A_113, %sub3A : i32
        %mul3A_145 = arith.constant 80 : i32
        %mul3A_146 = arith.muli %sub3A_144, %mul3A_145 : i32
        %dma_wait3A_147 = arith.constant 2 : i32
        %dma_wait3A_148 = tpu.memref_slice %arg4[%mul3A_146] : memref<10000xi32, #tpu.memory_space<vmem>> -> memref<80xi32, #tpu.memory_space<vmem>>
        %dma_wait3A_149 = arith.constant 0 : i32
        %dma_wait3A_150 = arith.constant 0 : i32
        %dma_wait3A_151 = tpu.memref_slice %arg7[%dma_wait3A_149, %dma_wait3A_150] : memref<10240x16xf32, #tpu.memory_space<vmem_shared>> -> memref<10240x16xf32, #tpu.memory_space<vmem_shared>>
        %dma_wait3A_152 = tpu.memref_slice %arg8[%dma_wait3A_147] : memref<4x!tpu.dma_semaphore, #tpu.memory_space<semaphore_mem>> -> memref<1x!tpu.dma_semaphore, #tpu.memory_space<semaphore_mem>>
        %dma_wait3A_153 = tpu.memref_squeeze %dma_wait3A_152 : memref<1x!tpu.dma_semaphore, #tpu.memory_space<semaphore_mem>> -> memref<!tpu.dma_semaphore, #tpu.memory_space<semaphore_mem>>
        tpu.wait_indirect_dma semaphore(%dma_wait3A_153 : memref<!tpu.dma_semaphore, #tpu.memory_space<semaphore_mem>>) src(%arg5 : memref<80x16xf32, #tpu.memory_space<vmem>>) dst(%dma_wait3A_151 : memref<10240x16xf32, #tpu.memory_space<vmem_shared>>)
      } else {
      }
      %mul3A_119 = arith.constant 80 : i32
      %mul3A_120 = arith.muli %add3A_113, %mul3A_119 : i32
      %dma_start3A_121 = arith.constant 2 : i32
      %dma_start3A_122 = tpu.memref_slice %arg4[%mul3A_120] : memref<10000xi32, #tpu.memory_space<vmem>> -> memref<80xi32, #tpu.memory_space<vmem>>
      %dma_start3A_123 = arith.constant 0 : i32
      %dma_start3A_124 = arith.constant 0 : i32
      %dma_start3A_125 = tpu.memref_slice %arg7[%dma_start3A_123, %dma_start3A_124] : memref<10240x16xf32, #tpu.memory_space<vmem_shared>> -> memref<10240x16xf32, #tpu.memory_space<vmem_shared>>
      %dma_start3A_126 = tpu.memref_slice %arg8[%dma_start3A_121] : memref<4x!tpu.dma_semaphore, #tpu.memory_space<semaphore_mem>> -> memref<1x!tpu.dma_semaphore, #tpu.memory_space<semaphore_mem>>
      %dma_start3A_127 = tpu.memref_squeeze %dma_start3A_126 : memref<1x!tpu.dma_semaphore, #tpu.memory_space<semaphore_mem>> -> memref<!tpu.dma_semaphore, #tpu.memory_space<semaphore_mem>>
      tpu.enqueue_indirect_dma source(%arg5 : memref<80x16xf32, #tpu.memory_space<vmem>>) target(%dma_start3A_125 : memref<10240x16xf32, #tpu.memory_space<vmem_shared>>) offsets(%dma_start3A_122 : memref<80xi32, #tpu.memory_space<vmem>>) semaphore(%dma_start3A_127 : memref<!tpu.dma_semaphore, #tpu.memory_space<semaphore_mem>>) {add = true}
      %add3A_128 = arith.constant 3 : i32
      %add3A_129 = arith.addi %mul3A_82, %add3A_128 : i32
      %ge3A_130 = arith.constant 4 : i32
      %ge3A_131 = arith.cmpi sge, %add3A_129, %ge3A_130 : i32
      %convert_element_type3A_132 = arith.extui %ge3A_131 : i1 to i32
      %cond3A_133 = arith.constant 0 : i32
      %cond3A_134 = arith.cmpi ne, %convert_element_type3A_132, %cond3A_133 : i32
      scf.if %cond3A_134 {
        %sub3A = arith.constant 4 : i32
        %sub3A_144 = arith.subi %add3A_129, %sub3A : i32
        %mul3A_145 = arith.constant 80 : i32
        %mul3A_146 = arith.muli %sub3A_144, %mul3A_145 : i32
        %dma_wait3A_147 = arith.constant 3 : i32
        %dma_wait3A_148 = tpu.memref_slice %arg4[%mul3A_146] : memref<10000xi32, #tpu.memory_space<vmem>> -> memref<80xi32, #tpu.memory_space<vmem>>
        %dma_wait3A_149 = arith.constant 0 : i32
        %dma_wait3A_150 = arith.constant 0 : i32
        %dma_wait3A_151 = tpu.memref_slice %arg7[%dma_wait3A_149, %dma_wait3A_150] : memref<10240x16xf32, #tpu.memory_space<vmem_shared>> -> memref<10240x16xf32, #tpu.memory_space<vmem_shared>>
        %dma_wait3A_152 = tpu.memref_slice %arg8[%dma_wait3A_147] : memref<4x!tpu.dma_semaphore, #tpu.memory_space<semaphore_mem>> -> memref<1x!tpu.dma_semaphore, #tpu.memory_space<semaphore_mem>>
        %dma_wait3A_153 = tpu.memref_squeeze %dma_wait3A_152 : memref<1x!tpu.dma_semaphore, #tpu.memory_space<semaphore_mem>> -> memref<!tpu.dma_semaphore, #tpu.memory_space<semaphore_mem>>
        tpu.wait_indirect_dma semaphore(%dma_wait3A_153 : memref<!tpu.dma_semaphore, #tpu.memory_space<semaphore_mem>>) src(%arg5 : memref<80x16xf32, #tpu.memory_space<vmem>>) dst(%dma_wait3A_151 : memref<10240x16xf32, #tpu.memory_space<vmem_shared>>)
      } else {
      }
      %mul3A_135 = arith.constant 80 : i32
      %mul3A_136 = arith.muli %add3A_129, %mul3A_135 : i32
      %dma_start3A_137 = arith.constant 3 : i32
      %dma_start3A_138 = tpu.memref_slice %arg4[%mul3A_136] : memref<10000xi32, #tpu.memory_space<vmem>> -> memref<80xi32, #tpu.memory_space<vmem>>
      %dma_start3A_139 = arith.constant 0 : i32
      %dma_start3A_140 = arith.constant 0 : i32
      %dma_start3A_141 = tpu.memref_slice %arg7[%dma_start3A_139, %dma_start3A_140] : memref<10240x16xf32, #tpu.memory_space<vmem_shared>> -> memref<10240x16xf32, #tpu.memory_space<vmem_shared>>
      %dma_start3A_142 = tpu.memref_slice %arg8[%dma_start3A_137] : memref<4x!tpu.dma_semaphore, #tpu.memory_space<semaphore_mem>> -> memref<1x!tpu.dma_semaphore, #tpu.memory_space<semaphore_mem>>
      %dma_start3A_143 = tpu.memref_squeeze %dma_start3A_142 : memref<1x!tpu.dma_semaphore, #tpu.memory_space<semaphore_mem>> -> memref<!tpu.dma_semaphore, #tpu.memory_space<semaphore_mem>>
      tpu.enqueue_indirect_dma source(%arg5 : memref<80x16xf32, #tpu.memory_space<vmem>>) target(%dma_start3A_141 : memref<10240x16xf32, #tpu.memory_space<vmem_shared>>) offsets(%dma_start3A_138 : memref<80xi32, #tpu.memory_space<vmem>>) semaphore(%dma_start3A_143 : memref<!tpu.dma_semaphore, #tpu.memory_space<semaphore_mem>>) {add = true}
    }
    %scan3A_28 = arith.constant 31 : i32
    %dma_wait3A = arith.constant 0 : i32
    %dma_wait3A_29 = arith.constant 9600 : i32
    %dma_wait3A_30 = tpu.memref_slice %arg4[%dma_wait3A_29] : memref<10000xi32, #tpu.memory_space<vmem>> -> memref<80xi32, #tpu.memory_space<vmem>>
    %dma_wait3A_31 = arith.constant 0 : i32
    %dma_wait3A_32 = arith.constant 0 : i32
    %dma_wait3A_33 = tpu.memref_slice %arg7[%dma_wait3A_31, %dma_wait3A_32] : memref<10240x16xf32, #tpu.memory_space<vmem_shared>> -> memref<10240x16xf32, #tpu.memory_space<vmem_shared>>
    %dma_wait3A_34 = tpu.memref_slice %arg8[%dma_wait3A] : memref<4x!tpu.dma_semaphore, #tpu.memory_space<semaphore_mem>> -> memref<1x!tpu.dma_semaphore, #tpu.memory_space<semaphore_mem>>
    %dma_wait3A_35 = tpu.memref_squeeze %dma_wait3A_34 : memref<1x!tpu.dma_semaphore, #tpu.memory_space<semaphore_mem>> -> memref<!tpu.dma_semaphore, #tpu.memory_space<semaphore_mem>>
    tpu.wait_indirect_dma semaphore(%dma_wait3A_35 : memref<!tpu.dma_semaphore, #tpu.memory_space<semaphore_mem>>) src(%arg5 : memref<80x16xf32, #tpu.memory_space<vmem>>) dst(%dma_wait3A_33 : memref<10240x16xf32, #tpu.memory_space<vmem_shared>>)
    %dma_start3A = arith.constant 0 : i32
    %dma_start3A_36 = arith.constant 9920 : i32
    %dma_start3A_37 = tpu.memref_slice %arg4[%dma_start3A_36] : memref<10000xi32, #tpu.memory_space<vmem>> -> memref<80xi32, #tpu.memory_space<vmem>>
    %dma_start3A_38 = arith.constant 0 : i32
    %dma_start3A_39 = arith.constant 0 : i32
    %dma_start3A_40 = tpu.memref_slice %arg7[%dma_start3A_38, %dma_start3A_39] : memref<10240x16xf32, #tpu.memory_space<vmem_shared>> -> memref<10240x16xf32, #tpu.memory_space<vmem_shared>>
    %dma_start3A_41 = tpu.memref_slice %arg8[%dma_start3A] : memref<4x!tpu.dma_semaphore, #tpu.memory_space<semaphore_mem>> -> memref<1x!tpu.dma_semaphore, #tpu.memory_space<semaphore_mem>>
    %dma_start3A_42 = tpu.memref_squeeze %dma_start3A_41 : memref<1x!tpu.dma_semaphore, #tpu.memory_space<semaphore_mem>> -> memref<!tpu.dma_semaphore, #tpu.memory_space<semaphore_mem>>
    tpu.enqueue_indirect_dma source(%arg5 : memref<80x16xf32, #tpu.memory_space<vmem>>) target(%dma_start3A_40 : memref<10240x16xf32, #tpu.memory_space<vmem_shared>>) offsets(%dma_start3A_37 : memref<80xi32, #tpu.memory_space<vmem>>) semaphore(%dma_start3A_42 : memref<!tpu.dma_semaphore, #tpu.memory_space<semaphore_mem>>) {add = true}
    %dma_wait3A_43 = arith.constant 1 : i32
    %dma_wait3A_44 = arith.constant 9680 : i32
    %dma_wait3A_45 = tpu.memref_slice %arg4[%dma_wait3A_44] : memref<10000xi32, #tpu.memory_space<vmem>> -> memref<80xi32, #tpu.memory_space<vmem>>
    %dma_wait3A_46 = arith.constant 0 : i32
    %dma_wait3A_47 = arith.constant 0 : i32
    %dma_wait3A_48 = tpu.memref_slice %arg7[%dma_wait3A_46, %dma_wait3A_47] : memref<10240x16xf32, #tpu.memory_space<vmem_shared>> -> memref<10240x16xf32, #tpu.memory_space<vmem_shared>>
    %dma_wait3A_49 = tpu.memref_slice %arg8[%dma_wait3A_43] : memref<4x!tpu.dma_semaphore, #tpu.memory_space<semaphore_mem>> -> memref<1x!tpu.dma_semaphore, #tpu.memory_space<semaphore_mem>>
    %dma_wait3A_50 = tpu.memref_squeeze %dma_wait3A_49 : memref<1x!tpu.dma_semaphore, #tpu.memory_space<semaphore_mem>> -> memref<!tpu.dma_semaphore, #tpu.memory_space<semaphore_mem>>
    tpu.wait_indirect_dma semaphore(%dma_wait3A_50 : memref<!tpu.dma_semaphore, #tpu.memory_space<semaphore_mem>>) src(%arg5 : memref<80x16xf32, #tpu.memory_space<vmem>>) dst(%dma_wait3A_48 : memref<10240x16xf32, #tpu.memory_space<vmem_shared>>)
    %dma_wait3A_51 = arith.constant 2 : i32
    %dma_wait3A_52 = arith.constant 9760 : i32
    %dma_wait3A_53 = tpu.memref_slice %arg4[%dma_wait3A_52] : memref<10000xi32, #tpu.memory_space<vmem>> -> memref<80xi32, #tpu.memory_space<vmem>>
    %dma_wait3A_54 = arith.constant 0 : i32
    %dma_wait3A_55 = arith.constant 0 : i32
    %dma_wait3A_56 = tpu.memref_slice %arg7[%dma_wait3A_54, %dma_wait3A_55] : memref<10240x16xf32, #tpu.memory_space<vmem_shared>> -> memref<10240x16xf32, #tpu.memory_space<vmem_shared>>
    %dma_wait3A_57 = tpu.memref_slice %arg8[%dma_wait3A_51] : memref<4x!tpu.dma_semaphore, #tpu.memory_space<semaphore_mem>> -> memref<1x!tpu.dma_semaphore, #tpu.memory_space<semaphore_mem>>
    %dma_wait3A_58 = tpu.memref_squeeze %dma_wait3A_57 : memref<1x!tpu.dma_semaphore, #tpu.memory_space<semaphore_mem>> -> memref<!tpu.dma_semaphore, #tpu.memory_space<semaphore_mem>>
    tpu.wait_indirect_dma semaphore(%dma_wait3A_58 : memref<!tpu.dma_semaphore, #tpu.memory_space<semaphore_mem>>) src(%arg5 : memref<80x16xf32, #tpu.memory_space<vmem>>) dst(%dma_wait3A_56 : memref<10240x16xf32, #tpu.memory_space<vmem_shared>>)
    %dma_wait3A_59 = arith.constant 3 : i32
    %dma_wait3A_60 = arith.constant 9840 : i32
    %dma_wait3A_61 = tpu.memref_slice %arg4[%dma_wait3A_60] : memref<10000xi32, #tpu.memory_space<vmem>> -> memref<80xi32, #tpu.memory_space<vmem>>
    %dma_wait3A_62 = arith.constant 0 : i32
    %dma_wait3A_63 = arith.constant 0 : i32
    %dma_wait3A_64 = tpu.memref_slice %arg7[%dma_wait3A_62, %dma_wait3A_63] : memref<10240x16xf32, #tpu.memory_space<vmem_shared>> -> memref<10240x16xf32, #tpu.memory_space<vmem_shared>>
    %dma_wait3A_65 = tpu.memref_slice %arg8[%dma_wait3A_59] : memref<4x!tpu.dma_semaphore, #tpu.memory_space<semaphore_mem>> -> memref<1x!tpu.dma_semaphore, #tpu.memory_space<semaphore_mem>>
    %dma_wait3A_66 = tpu.memref_squeeze %dma_wait3A_65 : memref<1x!tpu.dma_semaphore, #tpu.memory_space<semaphore_mem>> -> memref<!tpu.dma_semaphore, #tpu.memory_space<semaphore_mem>>
    tpu.wait_indirect_dma semaphore(%dma_wait3A_66 : memref<!tpu.dma_semaphore, #tpu.memory_space<semaphore_mem>>) src(%arg5 : memref<80x16xf32, #tpu.memory_space<vmem>>) dst(%dma_wait3A_64 : memref<10240x16xf32, #tpu.memory_space<vmem_shared>>)
    %dma_wait3A_67 = arith.constant 0 : i32
    %dma_wait3A_68 = arith.constant 9920 : i32
    %dma_wait3A_69 = tpu.memref_slice %arg4[%dma_wait3A_68] : memref<10000xi32, #tpu.memory_space<vmem>> -> memref<80xi32, #tpu.memory_space<vmem>>
    %dma_wait3A_70 = arith.constant 0 : i32
    %dma_wait3A_71 = arith.constant 0 : i32
    %dma_wait3A_72 = tpu.memref_slice %arg7[%dma_wait3A_70, %dma_wait3A_71] : memref<10240x16xf32, #tpu.memory_space<vmem_shared>> -> memref<10240x16xf32, #tpu.memory_space<vmem_shared>>
    %dma_wait3A_73 = tpu.memref_slice %arg8[%dma_wait3A_67] : memref<4x!tpu.dma_semaphore, #tpu.memory_space<semaphore_mem>> -> memref<1x!tpu.dma_semaphore, #tpu.memory_space<semaphore_mem>>
    %dma_wait3A_74 = tpu.memref_squeeze %dma_wait3A_73 : memref<1x!tpu.dma_semaphore, #tpu.memory_space<semaphore_mem>> -> memref<!tpu.dma_semaphore, #tpu.memory_space<semaphore_mem>>
    tpu.wait_indirect_dma semaphore(%dma_wait3A_74 : memref<!tpu.dma_semaphore, #tpu.memory_space<semaphore_mem>>) src(%arg5 : memref<80x16xf32, #tpu.memory_space<vmem>>) dst(%dma_wait3A_72 : memref<10240x16xf32, #tpu.memory_space<vmem_shared>>)
    %barrier3A_75 = arith.constant 0 : index
    tpu.barrier barrier_id(%barrier3A_75)
    "tpu.region"() ({
      %run_scoped3A = tpu.sem_alloc : memref<!tpu.dma_semaphore, #tpu.memory_space<semaphore_mem>>
      %dma_start3A_76 = arith.constant 0 : i32
      %dma_start3A_77 = arith.constant 0 : i32
      %dma_start3A_78 = tpu.memref_slice %arg3[%arg0, %dma_start3A_76, %dma_start3A_77] : memref<2x10240x16xf32, #tpu.memory_space<hbm>> -> memref<1x10240x16xf32, #tpu.memory_space<hbm>>
      %dma_start3A_79 = tpu.memref_squeeze %dma_start3A_78 : memref<1x10240x16xf32, #tpu.memory_space<hbm>> -> memref<10240x16xf32, #tpu.memory_space<hbm>>
      %dma_start3A_80 = arith.constant 0 : i32
      %dma_start3A_81 = tpu.memref_slice %dma_start3A_79[%mul3A_2, %dma_start3A_80] : memref<10240x16xf32, #tpu.memory_space<hbm>> -> memref<640x16xf32, #tpu.memory_space<hbm>>
      %dma_start3A_82 = arith.constant 0 : i32
      %dma_start3A_83 = tpu.memref_slice %arg7[%mul3A_2, %dma_start3A_82] : memref<10240x16xf32, #tpu.memory_space<vmem_shared>> -> memref<640x16xf32, #tpu.memory_space<vmem_shared>>
      tpu.enqueue_dma source(%dma_start3A_83 : memref<640x16xf32, #tpu.memory_space<vmem_shared>>) target(%dma_start3A_81 : memref<640x16xf32, #tpu.memory_space<hbm>>) target_semaphore(%run_scoped3A : memref<!tpu.dma_semaphore, #tpu.memory_space<semaphore_mem>>)
      %dma_wait3A_84 = arith.constant 0 : i32
      %dma_wait3A_85 = arith.constant 0 : i32
      %dma_wait3A_86 = tpu.memref_slice %arg3[%arg0, %dma_wait3A_84, %dma_wait3A_85] : memref<2x10240x16xf32, #tpu.memory_space<hbm>> -> memref<1x10240x16xf32, #tpu.memory_space<hbm>>
      %dma_wait3A_87 = tpu.memref_squeeze %dma_wait3A_86 : memref<1x10240x16xf32, #tpu.memory_space<hbm>> -> memref<10240x16xf32, #tpu.memory_space<hbm>>
      %dma_wait3A_88 = arith.constant 0 : i32
      %dma_wait3A_89 = tpu.memref_slice %dma_wait3A_87[%mul3A_2, %dma_wait3A_88] : memref<10240x16xf32, #tpu.memory_space<hbm>> -> memref<640x16xf32, #tpu.memory_space<hbm>>
      %dma_wait3A_90 = arith.constant 0 : i32
      %dma_wait3A_91 = tpu.memref_slice %arg7[%mul3A_2, %dma_wait3A_90] : memref<10240x16xf32, #tpu.memory_space<vmem_shared>> -> memref<640x16xf32, #tpu.memory_space<vmem_shared>>
      tpu.wait_dma2 semaphore(%run_scoped3A : memref<!tpu.dma_semaphore, #tpu.memory_space<semaphore_mem>>) src(%dma_wait3A_91 : memref<640x16xf32, #tpu.memory_space<vmem_shared>>) dst(%dma_wait3A_89 : memref<640x16xf32, #tpu.memory_space<hbm>>)
      tpu.yield
    }) : () -> ()
    return
  }
}

#map = affine_map<(d0, d1) -> (0, 0)>
#map1 = affine_map<(d0, d1) -> (0)>
#map2 = affine_map<(d0, d1) -> (0, 0, 0)>
module attributes {stable_mosaic.version = 14 : i64} {
  func.func @agg(%arg0: i32, %arg1: i32, %arg2: memref<10000x16xf32, #tpu.memory_space<hbm>>, %arg3: memref<320000xi32, #tpu.memory_space<hbm>>, %arg4: memref<320000xi32, #tpu.memory_space<hbm>>, %arg5: memref<2x10240x16xf32, #tpu.memory_space<hbm>>, %arg6: memref<10000xi32, #tpu.memory_space<vmem>>, %arg7: memref<10000xi32, #tpu.memory_space<vmem>>, %arg8: memref<80x16xf32, #tpu.memory_space<vmem>>, %arg9: memref<80x16xf32, #tpu.memory_space<vmem>>, %arg10: memref<80x16xf32, #tpu.memory_space<vmem>>, %arg11: memref<80x16xf32, #tpu.memory_space<vmem>>, %arg12: memref<80x16xf32, #tpu.memory_space<vmem>>, %arg13: memref<16x16xf32, #tpu.memory_space<vmem>>, %arg14: memref<10240x16xf32, #tpu.memory_space<vmem_shared>>, %arg15: memref<6x!tpu.dma_semaphore, #tpu.memory_space<semaphore_mem>>, %arg16: memref<5x!tpu.dma_semaphore, #tpu.memory_space<semaphore_mem>>, %arg17: memref<5x!tpu.dma_semaphore, #tpu.memory_space<semaphore_mem>>, %arg18: memref<!tpu.dma_semaphore, #tpu.memory_space<semaphore_mem>>, %arg19: memref<10000x16xf32, #tpu.memory_space<vmem_shared>>) attributes {dimension_semantics = [#tpu.dimension_semantics<core_parallel>, #tpu.dimension_semantics<subcore_parallel>], iteration_bounds = array<i64: 2, 16>, scalar_prefetch = 0 : i64, scratch_operands = 14 : i64, tpu.core_type = #tpu.core_type<sc_vector_subcore>, window_params = [{transform_indices = #map}, {transform_indices = #map1}, {transform_indices = #map1}, {transform_indices = #map2}]} {
    %mul3A = arith.constant 16 : i32
    %mul3A_0 = arith.muli %arg0, %mul3A : i32
    %add3A = arith.addi %mul3A_0, %arg1 : i32
    %mul3A_1 = arith.constant 640 : i32
    %mul3A_2 = arith.muli %arg1, %mul3A_1 : i32
    %eq3A = arith.constant 0 : i32
    %eq3A_3 = arith.cmpi eq, %arg1, %eq3A : i32
    %convert_element_type3A = arith.extui %eq3A_3 : i1 to i32
    %cond3A = arith.constant 0 : i32
    %cond3A_4 = arith.cmpi ne, %convert_element_type3A, %cond3A : i32
    scf.if %cond3A_4 {
      "tpu.region"() ({
        %run_scoped3A = tpu.sem_alloc : memref<!tpu.dma_semaphore, #tpu.memory_space<semaphore_mem>>
        tpu.enqueue_dma source(%arg2 : memref<10000x16xf32, #tpu.memory_space<hbm>>) target(%arg19 : memref<10000x16xf32, #tpu.memory_space<vmem_shared>>) target_semaphore(%run_scoped3A : memref<!tpu.dma_semaphore, #tpu.memory_space<semaphore_mem>>)
        tpu.wait_dma2 semaphore(%run_scoped3A : memref<!tpu.dma_semaphore, #tpu.memory_space<semaphore_mem>>) src(%arg2 : memref<10000x16xf32, #tpu.memory_space<hbm>>) dst(%arg19 : memref<10000x16xf32, #tpu.memory_space<vmem_shared>>)
        tpu.yield
      }) : () -> ()
    } else {
    }
    %mul3A_5 = arith.constant 10000 : i32
    %mul3A_6 = arith.muli %add3A, %mul3A_5 : i32
    "tpu.region"() ({
      %run_scoped3A = tpu.sem_alloc : memref<!tpu.dma_semaphore, #tpu.memory_space<semaphore_mem>>
      %dma_start3A_97 = tpu.memref_slice %arg4[%mul3A_6] : memref<320000xi32, #tpu.memory_space<hbm>> -> memref<10000xi32, #tpu.memory_space<hbm>>
      %dma_start3A_98 = tpu.memref_slice %arg4[%mul3A_6] : memref<320000xi32, #tpu.memory_space<hbm>> -> memref<10000xi32, #tpu.memory_space<hbm>>
      tpu.enqueue_dma source(%dma_start3A_98 : memref<10000xi32, #tpu.memory_space<hbm>>) target(%arg7 : memref<10000xi32, #tpu.memory_space<vmem>>) target_semaphore(%run_scoped3A : memref<!tpu.dma_semaphore, #tpu.memory_space<semaphore_mem>>)
      %dma_wait3A_99 = tpu.memref_slice %arg4[%mul3A_6] : memref<320000xi32, #tpu.memory_space<hbm>> -> memref<10000xi32, #tpu.memory_space<hbm>>
      %dma_wait3A_100 = tpu.memref_slice %arg4[%mul3A_6] : memref<320000xi32, #tpu.memory_space<hbm>> -> memref<10000xi32, #tpu.memory_space<hbm>>
      tpu.wait_dma2 semaphore(%run_scoped3A : memref<!tpu.dma_semaphore, #tpu.memory_space<semaphore_mem>>) src(%dma_wait3A_100 : memref<10000xi32, #tpu.memory_space<hbm>>) dst(%arg7 : memref<10000xi32, #tpu.memory_space<vmem>>)
      tpu.yield
    }) : () -> ()
    %scan3A = arith.constant 0 : i32
    %scan3A_7 = arith.constant 16 : i32
    %scan3A_8 = arith.addi %scan3A, %scan3A_7 : i32
    %scan3A_9 = arith.constant 1 : i32
    scf.for %scan3A_97 = %scan3A to %scan3A_8 step %scan3A_9  : i32 {
      %mul3A_98 = arith.constant 1 : i32
      %mul3A_99 = arith.muli %scan3A_97, %mul3A_98 : i32
      %add3A_100 = arith.constant 0 : i32
      %add3A_101 = arith.addi %add3A_100, %mul3A_99 : i32
      %scan3A_102 = arith.constant 0 : i32
      %mul3A_103 = arith.constant 1 : i32
      %mul3A_104 = arith.muli %scan3A_102, %mul3A_103 : i32
      %add3A_105 = arith.constant 0 : i32
      %add3A_106 = arith.addi %add3A_105, %mul3A_104 : i32
      %broadcast_in_dim3A = arith.constant 0.000000e+00 : f32
      %broadcast_in_dim3A_107 = vector.broadcast %broadcast_in_dim3A : f32 to vector<16xf32>
      %mul3A_108 = arith.constant 16 : i32
      %mul3A_109 = arith.muli %add3A_106, %mul3A_108 : i32
      %swap3A = arith.index_cast %add3A_101 : i32 to index
      %swap3A_110 = arith.index_cast %mul3A_109 : i32 to index
      %swap3A_111 = tpu.vector_load %arg13[%swap3A, %swap3A_110] {strides = array<i32>} : memref<16x16xf32, #tpu.memory_space<vmem>>, vector<1x16xf32>,
      %swap3A_112 = vector.shape_cast %swap3A_111 : vector<1x16xf32> to vector<16xf32>
      %swap3A_113 = vector.shape_cast %broadcast_in_dim3A_107 : vector<16xf32> to vector<1x16xf32>
      tpu.vector_store %arg13[%swap3A, %swap3A_110], %swap3A_113 {strides = array<i32>} : memref<16x16xf32, #tpu.memory_space<vmem>>, vector<1x16xf32>,
      %scan3A_114 = arith.constant 1 : i32
    }
    %scan3A_10 = arith.constant 16 : i32
    %scan3A_11 = arith.constant 0 : i32
    %scan3A_12 = arith.constant 40 : i32
    %scan3A_13 = arith.addi %scan3A_11, %scan3A_12 : i32
    %scan3A_14 = arith.constant 1 : i32
    scf.for %scan3A_97 = %scan3A_11 to %scan3A_13 step %scan3A_14  : i32 {
      %mul3A_98 = arith.constant 1 : i32
      %mul3A_99 = arith.muli %scan3A_97, %mul3A_98 : i32
      %add3A_100 = arith.constant 0 : i32
      %add3A_101 = arith.addi %add3A_100, %mul3A_99 : i32
      %mul3A_102 = arith.constant 16 : i32
      %mul3A_103 = arith.muli %add3A_101, %mul3A_102 : i32
      %add3A_104 = arith.addi %mul3A_2, %mul3A_103 : i32
      %dma_start3A_105 = arith.constant 0 : i32
      %dma_start3A_106 = tpu.memref_slice %arg14[%add3A_104, %dma_start3A_105] : memref<10240x16xf32, #tpu.memory_space<vmem_shared>> -> memref<16x16xf32, #tpu.memory_space<vmem_shared>>
      %dma_start3A_107 = arith.constant 0 : i32
      %dma_start3A_108 = tpu.memref_slice %arg14[%add3A_104, %dma_start3A_107] : memref<10240x16xf32, #tpu.memory_space<vmem_shared>> -> memref<16x16xf32, #tpu.memory_space<vmem_shared>>
      tpu.enqueue_dma source(%arg13 : memref<16x16xf32, #tpu.memory_space<vmem>>) target(%dma_start3A_108 : memref<16x16xf32, #tpu.memory_space<vmem_shared>>) target_semaphore(%arg18 : memref<!tpu.dma_semaphore, #tpu.memory_space<semaphore_mem>>)
    }
    %scan3A_15 = arith.constant 40 : i32
    %scan3A_16 = arith.constant 0 : i32
    %scan3A_17 = arith.constant 40 : i32
    %scan3A_18 = arith.addi %scan3A_16, %scan3A_17 : i32
    %scan3A_19 = arith.constant 1 : i32
    scf.for %scan3A_97 = %scan3A_16 to %scan3A_18 step %scan3A_19  : i32 {
      %mul3A_98 = arith.constant 1 : i32
      %mul3A_99 = arith.muli %scan3A_97, %mul3A_98 : i32
      %add3A_100 = arith.constant 0 : i32
      %add3A_101 = arith.addi %add3A_100, %mul3A_99 : i32
      %mul3A_102 = arith.constant 16 : i32
      %mul3A_103 = arith.muli %add3A_101, %mul3A_102 : i32
      %add3A_104 = arith.addi %mul3A_2, %mul3A_103 : i32
      %dma_wait3A_105 = arith.constant 0 : i32
      %dma_wait3A_106 = tpu.memref_slice %arg14[%add3A_104, %dma_wait3A_105] : memref<10240x16xf32, #tpu.memory_space<vmem_shared>> -> memref<16x16xf32, #tpu.memory_space<vmem_shared>>
      %dma_wait3A_107 = arith.constant 0 : i32
      %dma_wait3A_108 = tpu.memref_slice %arg14[%add3A_104, %dma_wait3A_107] : memref<10240x16xf32, #tpu.memory_space<vmem_shared>> -> memref<16x16xf32, #tpu.memory_space<vmem_shared>>
      tpu.wait_dma2 semaphore(%arg18 : memref<!tpu.dma_semaphore, #tpu.memory_space<semaphore_mem>>) src(%arg13 : memref<16x16xf32, #tpu.memory_space<vmem>>) dst(%dma_wait3A_108 : memref<16x16xf32, #tpu.memory_space<vmem_shared>>)
    }
    %scan3A_20 = arith.constant 40 : i32
    %barrier3A = arith.constant 0 : index
    tpu.barrier barrier_id(%barrier3A)
    "tpu.region"() ({
      %run_scoped3A = tpu.sem_alloc : memref<!tpu.dma_semaphore, #tpu.memory_space<semaphore_mem>>
      %dma_start3A_97 = tpu.memref_slice %arg3[%mul3A_6] : memref<320000xi32, #tpu.memory_space<hbm>> -> memref<10000xi32, #tpu.memory_space<hbm>>
      %dma_start3A_98 = tpu.memref_slice %arg3[%mul3A_6] : memref<320000xi32, #tpu.memory_space<hbm>> -> memref<10000xi32, #tpu.memory_space<hbm>>
      tpu.enqueue_dma source(%dma_start3A_98 : memref<10000xi32, #tpu.memory_space<hbm>>) target(%arg6 : memref<10000xi32, #tpu.memory_space<vmem>>) target_semaphore(%run_scoped3A : memref<!tpu.dma_semaphore, #tpu.memory_space<semaphore_mem>>)
      %dma_wait3A_99 = tpu.memref_slice %arg3[%mul3A_6] : memref<320000xi32, #tpu.memory_space<hbm>> -> memref<10000xi32, #tpu.memory_space<hbm>>
      %dma_wait3A_100 = tpu.memref_slice %arg3[%mul3A_6] : memref<320000xi32, #tpu.memory_space<hbm>> -> memref<10000xi32, #tpu.memory_space<hbm>>
      tpu.wait_dma2 semaphore(%run_scoped3A : memref<!tpu.dma_semaphore, #tpu.memory_space<semaphore_mem>>) src(%dma_wait3A_100 : memref<10000xi32, #tpu.memory_space<hbm>>) dst(%arg6 : memref<10000xi32, #tpu.memory_space<vmem>>)
      tpu.yield
    }) : () -> ()
    %scan3A_21 = arith.constant 0 : i32
    %scan3A_22 = arith.constant 25 : i32
    %scan3A_23 = arith.addi %scan3A_21, %scan3A_22 : i32
    %scan3A_24 = arith.constant 1 : i32
    scf.for %scan3A_97 = %scan3A_21 to %scan3A_23 step %scan3A_24  : i32 {
      %mul3A_98 = arith.constant 1 : i32
      %mul3A_99 = arith.muli %scan3A_97, %mul3A_98 : i32
      %add3A_100 = arith.constant 0 : i32
      %add3A_101 = arith.addi %add3A_100, %mul3A_99 : i32
      %mul3A_102 = arith.constant 5 : i32
      %mul3A_103 = arith.muli %add3A_101, %mul3A_102 : i32
      %add3A_104 = arith.constant 0 : i32
      %add3A_105 = arith.addi %mul3A_103, %add3A_104 : i32
      %ge3A = arith.constant 5 : i32
      %ge3A_106 = arith.cmpi sge, %add3A_105, %ge3A : i32
      %convert_element_type3A_107 = arith.extui %ge3A_106 : i1 to i32
      %cond3A_108 = arith.constant 0 : i32
      %cond3A_109 = arith.cmpi ne, %convert_element_type3A_107, %cond3A_108 : i32
      scf.if %cond3A_109 {
        %sub3A = arith.constant 5 : i32
        %sub3A_208 = arith.subi %add3A_105, %sub3A : i32
        %mul3A_209 = arith.constant 80 : i32
        %mul3A_210 = arith.muli %sub3A_208, %mul3A_209 : i32
        %dma_wait3A_211 = arith.constant 0 : i32
        %dma_wait3A_212 = tpu.memref_slice %arg7[%mul3A_210] : memref<10000xi32, #tpu.memory_space<vmem>> -> memref<80xi32, #tpu.memory_space<vmem>>
        %dma_wait3A_213 = arith.constant 0 : i32
        %dma_wait3A_214 = arith.constant 0 : i32
        %dma_wait3A_215 = tpu.memref_slice %arg14[%dma_wait3A_213, %dma_wait3A_214] : memref<10240x16xf32, #tpu.memory_space<vmem_shared>> -> memref<10240x16xf32, #tpu.memory_space<vmem_shared>>
        %dma_wait3A_216 = tpu.memref_slice %arg17[%dma_wait3A_211] : memref<5x!tpu.dma_semaphore, #tpu.memory_space<semaphore_mem>> -> memref<1x!tpu.dma_semaphore, #tpu.memory_space<semaphore_mem>>
        %dma_wait3A_217 = tpu.memref_squeeze %dma_wait3A_216 : memref<1x!tpu.dma_semaphore, #tpu.memory_space<semaphore_mem>> -> memref<!tpu.dma_semaphore, #tpu.memory_space<semaphore_mem>>
        tpu.wait_indirect_dma semaphore(%dma_wait3A_217 : memref<!tpu.dma_semaphore, #tpu.memory_space<semaphore_mem>>) src(%arg8 : memref<80x16xf32, #tpu.memory_space<vmem>>) dst(%dma_wait3A_215 : memref<10240x16xf32, #tpu.memory_space<vmem_shared>>)
      } else {
      }
      %mul3A_110 = arith.constant 80 : i32
      %mul3A_111 = arith.muli %add3A_105, %mul3A_110 : i32
      %dma_start3A_112 = arith.constant 0 : i32
      %dma_start3A_113 = tpu.memref_slice %arg6[%mul3A_111] : memref<10000xi32, #tpu.memory_space<vmem>> -> memref<80xi32, #tpu.memory_space<vmem>>
      %dma_start3A_114 = arith.constant 0 : i32
      %dma_start3A_115 = arith.constant 0 : i32
      %dma_start3A_116 = tpu.memref_slice %arg19[%dma_start3A_114, %dma_start3A_115] : memref<10000x16xf32, #tpu.memory_space<vmem_shared>> -> memref<10000x16xf32, #tpu.memory_space<vmem_shared>>
      %dma_start3A_117 = tpu.memref_slice %arg16[%dma_start3A_112] : memref<5x!tpu.dma_semaphore, #tpu.memory_space<semaphore_mem>> -> memref<1x!tpu.dma_semaphore, #tpu.memory_space<semaphore_mem>>
      %dma_start3A_118 = tpu.memref_squeeze %dma_start3A_117 : memref<1x!tpu.dma_semaphore, #tpu.memory_space<semaphore_mem>> -> memref<!tpu.dma_semaphore, #tpu.memory_space<semaphore_mem>>
      tpu.enqueue_indirect_dma source(%dma_start3A_116 : memref<10000x16xf32, #tpu.memory_space<vmem_shared>>) target(%arg8 : memref<80x16xf32, #tpu.memory_space<vmem>>) offsets(%dma_start3A_113 : memref<80xi32, #tpu.memory_space<vmem>>) semaphore(%dma_start3A_118 : memref<!tpu.dma_semaphore, #tpu.memory_space<semaphore_mem>>)
      %ge3A_119 = arith.constant 2 : i32
      %ge3A_120 = arith.cmpi sge, %add3A_105, %ge3A_119 : i32
      %convert_element_type3A_121 = arith.extui %ge3A_120 : i1 to i32
      %cond3A_122 = arith.constant 0 : i32
      %cond3A_123 = arith.cmpi ne, %convert_element_type3A_121, %cond3A_122 : i32
      scf.if %cond3A_123 {
        %sub3A = arith.constant 2 : i32
        %sub3A_208 = arith.subi %add3A_105, %sub3A : i32
        %mul3A_209 = arith.constant 80 : i32
        %mul3A_210 = arith.muli %sub3A_208, %mul3A_209 : i32
        %dma_wait3A_211 = arith.constant 3 : i32
        %dma_wait3A_212 = tpu.memref_slice %arg6[%mul3A_210] : memref<10000xi32, #tpu.memory_space<vmem>> -> memref<80xi32, #tpu.memory_space<vmem>>
        %dma_wait3A_213 = arith.constant 0 : i32
        %dma_wait3A_214 = arith.constant 0 : i32
        %dma_wait3A_215 = tpu.memref_slice %arg19[%dma_wait3A_213, %dma_wait3A_214] : memref<10000x16xf32, #tpu.memory_space<vmem_shared>> -> memref<10000x16xf32, #tpu.memory_space<vmem_shared>>
        %dma_wait3A_216 = tpu.memref_slice %arg16[%dma_wait3A_211] : memref<5x!tpu.dma_semaphore, #tpu.memory_space<semaphore_mem>> -> memref<1x!tpu.dma_semaphore, #tpu.memory_space<semaphore_mem>>
        %dma_wait3A_217 = tpu.memref_squeeze %dma_wait3A_216 : memref<1x!tpu.dma_semaphore, #tpu.memory_space<semaphore_mem>> -> memref<!tpu.dma_semaphore, #tpu.memory_space<semaphore_mem>>
        tpu.wait_indirect_dma semaphore(%dma_wait3A_217 : memref<!tpu.dma_semaphore, #tpu.memory_space<semaphore_mem>>) src(%dma_wait3A_215 : memref<10000x16xf32, #tpu.memory_space<vmem_shared>>) dst(%arg11 : memref<80x16xf32, #tpu.memory_space<vmem>>)
        %sub3A_218 = arith.constant 2 : i32
        %sub3A_219 = arith.subi %add3A_105, %sub3A_218 : i32
        %mul3A_220 = arith.constant 80 : i32
        %mul3A_221 = arith.muli %sub3A_219, %mul3A_220 : i32
        %dma_start3A_222 = arith.constant 3 : i32
        %dma_start3A_223 = tpu.memref_slice %arg7[%mul3A_221] : memref<10000xi32, #tpu.memory_space<vmem>> -> memref<80xi32, #tpu.memory_space<vmem>>
        %dma_start3A_224 = arith.constant 0 : i32
        %dma_start3A_225 = arith.constant 0 : i32
        %dma_start3A_226 = tpu.memref_slice %arg14[%dma_start3A_224, %dma_start3A_225] : memref<10240x16xf32, #tpu.memory_space<vmem_shared>> -> memref<10240x16xf32, #tpu.memory_space<vmem_shared>>
        %dma_start3A_227 = tpu.memref_slice %arg17[%dma_start3A_222] : memref<5x!tpu.dma_semaphore, #tpu.memory_space<semaphore_mem>> -> memref<1x!tpu.dma_semaphore, #tpu.memory_space<semaphore_mem>>
        %dma_start3A_228 = tpu.memref_squeeze %dma_start3A_227 : memref<1x!tpu.dma_semaphore, #tpu.memory_space<semaphore_mem>> -> memref<!tpu.dma_semaphore, #tpu.memory_space<semaphore_mem>>
        tpu.enqueue_indirect_dma source(%arg11 : memref<80x16xf32, #tpu.memory_space<vmem>>) target(%dma_start3A_226 : memref<10240x16xf32, #tpu.memory_space<vmem_shared>>) offsets(%dma_start3A_223 : memref<80xi32, #tpu.memory_space<vmem>>) semaphore(%dma_start3A_228 : memref<!tpu.dma_semaphore, #tpu.memory_space<semaphore_mem>>) {add = true}
      } else {
      }
      %add3A_124 = arith.constant 1 : i32
      %add3A_125 = arith.addi %mul3A_103, %add3A_124 : i32
      %ge3A_126 = arith.constant 5 : i32
      %ge3A_127 = arith.cmpi sge, %add3A_125, %ge3A_126 : i32
      %convert_element_type3A_128 = arith.extui %ge3A_127 : i1 to i32
      %cond3A_129 = arith.constant 0 : i32
      %cond3A_130 = arith.cmpi ne, %convert_element_type3A_128, %cond3A_129 : i32
      scf.if %cond3A_130 {
        %sub3A = arith.constant 5 : i32
        %sub3A_208 = arith.subi %add3A_125, %sub3A : i32
        %mul3A_209 = arith.constant 80 : i32
        %mul3A_210 = arith.muli %sub3A_208, %mul3A_209 : i32
        %dma_wait3A_211 = arith.constant 1 : i32
        %dma_wait3A_212 = tpu.memref_slice %arg7[%mul3A_210] : memref<10000xi32, #tpu.memory_space<vmem>> -> memref<80xi32, #tpu.memory_space<vmem>>
        %dma_wait3A_213 = arith.constant 0 : i32
        %dma_wait3A_214 = arith.constant 0 : i32
        %dma_wait3A_215 = tpu.memref_slice %arg14[%dma_wait3A_213, %dma_wait3A_214] : memref<10240x16xf32, #tpu.memory_space<vmem_shared>> -> memref<10240x16xf32, #tpu.memory_space<vmem_shared>>
        %dma_wait3A_216 = tpu.memref_slice %arg17[%dma_wait3A_211] : memref<5x!tpu.dma_semaphore, #tpu.memory_space<semaphore_mem>> -> memref<1x!tpu.dma_semaphore, #tpu.memory_space<semaphore_mem>>
        %dma_wait3A_217 = tpu.memref_squeeze %dma_wait3A_216 : memref<1x!tpu.dma_semaphore, #tpu.memory_space<semaphore_mem>> -> memref<!tpu.dma_semaphore, #tpu.memory_space<semaphore_mem>>
        tpu.wait_indirect_dma semaphore(%dma_wait3A_217 : memref<!tpu.dma_semaphore, #tpu.memory_space<semaphore_mem>>) src(%arg9 : memref<80x16xf32, #tpu.memory_space<vmem>>) dst(%dma_wait3A_215 : memref<10240x16xf32, #tpu.memory_space<vmem_shared>>)
      } else {
      }
      %mul3A_131 = arith.constant 80 : i32
      %mul3A_132 = arith.muli %add3A_125, %mul3A_131 : i32
      %dma_start3A_133 = arith.constant 1 : i32
      %dma_start3A_134 = tpu.memref_slice %arg6[%mul3A_132] : memref<10000xi32, #tpu.memory_space<vmem>> -> memref<80xi32, #tpu.memory_space<vmem>>
      %dma_start3A_135 = arith.constant 0 : i32
      %dma_start3A_136 = arith.constant 0 : i32
      %dma_start3A_137 = tpu.memref_slice %arg19[%dma_start3A_135, %dma_start3A_136] : memref<10000x16xf32, #tpu.memory_space<vmem_shared>> -> memref<10000x16xf32, #tpu.memory_space<vmem_shared>>
      %dma_start3A_138 = tpu.memref_slice %arg16[%dma_start3A_133] : memref<5x!tpu.dma_semaphore, #tpu.memory_space<semaphore_mem>> -> memref<1x!tpu.dma_semaphore, #tpu.memory_space<semaphore_mem>>
      %dma_start3A_139 = tpu.memref_squeeze %dma_start3A_138 : memref<1x!tpu.dma_semaphore, #tpu.memory_space<semaphore_mem>> -> memref<!tpu.dma_semaphore, #tpu.memory_space<semaphore_mem>>
      tpu.enqueue_indirect_dma source(%dma_start3A_137 : memref<10000x16xf32, #tpu.memory_space<vmem_shared>>) target(%arg9 : memref<80x16xf32, #tpu.memory_space<vmem>>) offsets(%dma_start3A_134 : memref<80xi32, #tpu.memory_space<vmem>>) semaphore(%dma_start3A_139 : memref<!tpu.dma_semaphore, #tpu.memory_space<semaphore_mem>>)
      %ge3A_140 = arith.constant 2 : i32
      %ge3A_141 = arith.cmpi sge, %add3A_125, %ge3A_140 : i32
      %convert_element_type3A_142 = arith.extui %ge3A_141 : i1 to i32
      %cond3A_143 = arith.constant 0 : i32
      %cond3A_144 = arith.cmpi ne, %convert_element_type3A_142, %cond3A_143 : i32
      scf.if %cond3A_144 {
        %sub3A = arith.constant 2 : i32
        %sub3A_208 = arith.subi %add3A_125, %sub3A : i32
        %mul3A_209 = arith.constant 80 : i32
        %mul3A_210 = arith.muli %sub3A_208, %mul3A_209 : i32
        %dma_wait3A_211 = arith.constant 4 : i32
        %dma_wait3A_212 = tpu.memref_slice %arg6[%mul3A_210] : memref<10000xi32, #tpu.memory_space<vmem>> -> memref<80xi32, #tpu.memory_space<vmem>>
        %dma_wait3A_213 = arith.constant 0 : i32
        %dma_wait3A_214 = arith.constant 0 : i32
        %dma_wait3A_215 = tpu.memref_slice %arg19[%dma_wait3A_213, %dma_wait3A_214] : memref<10000x16xf32, #tpu.memory_space<vmem_shared>> -> memref<10000x16xf32, #tpu.memory_space<vmem_shared>>
        %dma_wait3A_216 = tpu.memref_slice %arg16[%dma_wait3A_211] : memref<5x!tpu.dma_semaphore, #tpu.memory_space<semaphore_mem>> -> memref<1x!tpu.dma_semaphore, #tpu.memory_space<semaphore_mem>>
        %dma_wait3A_217 = tpu.memref_squeeze %dma_wait3A_216 : memref<1x!tpu.dma_semaphore, #tpu.memory_space<semaphore_mem>> -> memref<!tpu.dma_semaphore, #tpu.memory_space<semaphore_mem>>
        tpu.wait_indirect_dma semaphore(%dma_wait3A_217 : memref<!tpu.dma_semaphore, #tpu.memory_space<semaphore_mem>>) src(%dma_wait3A_215 : memref<10000x16xf32, #tpu.memory_space<vmem_shared>>) dst(%arg12 : memref<80x16xf32, #tpu.memory_space<vmem>>)
        %sub3A_218 = arith.constant 2 : i32
        %sub3A_219 = arith.subi %add3A_125, %sub3A_218 : i32
        %mul3A_220 = arith.constant 80 : i32
        %mul3A_221 = arith.muli %sub3A_219, %mul3A_220 : i32
        %dma_start3A_222 = arith.constant 4 : i32
        %dma_start3A_223 = tpu.memref_slice %arg7[%mul3A_221] : memref<10000xi32, #tpu.memory_space<vmem>> -> memref<80xi32, #tpu.memory_space<vmem>>
        %dma_start3A_224 = arith.constant 0 : i32
        %dma_start3A_225 = arith.constant 0 : i32
        %dma_start3A_226 = tpu.memref_slice %arg14[%dma_start3A_224, %dma_start3A_225] : memref<10240x16xf32, #tpu.memory_space<vmem_shared>> -> memref<10240x16xf32, #tpu.memory_space<vmem_shared>>
        %dma_start3A_227 = tpu.memref_slice %arg17[%dma_start3A_222] : memref<5x!tpu.dma_semaphore, #tpu.memory_space<semaphore_mem>> -> memref<1x!tpu.dma_semaphore, #tpu.memory_space<semaphore_mem>>
        %dma_start3A_228 = tpu.memref_squeeze %dma_start3A_227 : memref<1x!tpu.dma_semaphore, #tpu.memory_space<semaphore_mem>> -> memref<!tpu.dma_semaphore, #tpu.memory_space<semaphore_mem>>
        tpu.enqueue_indirect_dma source(%arg12 : memref<80x16xf32, #tpu.memory_space<vmem>>) target(%dma_start3A_226 : memref<10240x16xf32, #tpu.memory_space<vmem_shared>>) offsets(%dma_start3A_223 : memref<80xi32, #tpu.memory_space<vmem>>) semaphore(%dma_start3A_228 : memref<!tpu.dma_semaphore, #tpu.memory_space<semaphore_mem>>) {add = true}
      } else {
      }
      %add3A_145 = arith.constant 2 : i32
      %add3A_146 = arith.addi %mul3A_103, %add3A_145 : i32
      %ge3A_147 = arith.constant 5 : i32
      %ge3A_148 = arith.cmpi sge, %add3A_146, %ge3A_147 : i32
      %convert_element_type3A_149 = arith.extui %ge3A_148 : i1 to i32
      %cond3A_150 = arith.constant 0 : i32
      %cond3A_151 = arith.cmpi ne, %convert_element_type3A_149, %cond3A_150 : i32
      scf.if %cond3A_151 {
        %sub3A = arith.constant 5 : i32
        %sub3A_208 = arith.subi %add3A_146, %sub3A : i32
        %mul3A_209 = arith.constant 80 : i32
        %mul3A_210 = arith.muli %sub3A_208, %mul3A_209 : i32
        %dma_wait3A_211 = arith.constant 2 : i32
        %dma_wait3A_212 = tpu.memref_slice %arg7[%mul3A_210] : memref<10000xi32, #tpu.memory_space<vmem>> -> memref<80xi32, #tpu.memory_space<vmem>>
        %dma_wait3A_213 = arith.constant 0 : i32
        %dma_wait3A_214 = arith.constant 0 : i32
        %dma_wait3A_215 = tpu.memref_slice %arg14[%dma_wait3A_213, %dma_wait3A_214] : memref<10240x16xf32, #tpu.memory_space<vmem_shared>> -> memref<10240x16xf32, #tpu.memory_space<vmem_shared>>
        %dma_wait3A_216 = tpu.memref_slice %arg17[%dma_wait3A_211] : memref<5x!tpu.dma_semaphore, #tpu.memory_space<semaphore_mem>> -> memref<1x!tpu.dma_semaphore, #tpu.memory_space<semaphore_mem>>
        %dma_wait3A_217 = tpu.memref_squeeze %dma_wait3A_216 : memref<1x!tpu.dma_semaphore, #tpu.memory_space<semaphore_mem>> -> memref<!tpu.dma_semaphore, #tpu.memory_space<semaphore_mem>>
        tpu.wait_indirect_dma semaphore(%dma_wait3A_217 : memref<!tpu.dma_semaphore, #tpu.memory_space<semaphore_mem>>) src(%arg10 : memref<80x16xf32, #tpu.memory_space<vmem>>) dst(%dma_wait3A_215 : memref<10240x16xf32, #tpu.memory_space<vmem_shared>>)
      } else {
      }
      %mul3A_152 = arith.constant 80 : i32
      %mul3A_153 = arith.muli %add3A_146, %mul3A_152 : i32
      %dma_start3A_154 = arith.constant 2 : i32
      %dma_start3A_155 = tpu.memref_slice %arg6[%mul3A_153] : memref<10000xi32, #tpu.memory_space<vmem>> -> memref<80xi32, #tpu.memory_space<vmem>>
      %dma_start3A_156 = arith.constant 0 : i32
      %dma_start3A_157 = arith.constant 0 : i32
      %dma_start3A_158 = tpu.memref_slice %arg19[%dma_start3A_156, %dma_start3A_157] : memref<10000x16xf32, #tpu.memory_space<vmem_shared>> -> memref<10000x16xf32, #tpu.memory_space<vmem_shared>>
      %dma_start3A_159 = tpu.memref_slice %arg16[%dma_start3A_154] : memref<5x!tpu.dma_semaphore, #tpu.memory_space<semaphore_mem>> -> memref<1x!tpu.dma_semaphore, #tpu.memory_space<semaphore_mem>>
      %dma_start3A_160 = tpu.memref_squeeze %dma_start3A_159 : memref<1x!tpu.dma_semaphore, #tpu.memory_space<semaphore_mem>> -> memref<!tpu.dma_semaphore, #tpu.memory_space<semaphore_mem>>
      tpu.enqueue_indirect_dma source(%dma_start3A_158 : memref<10000x16xf32, #tpu.memory_space<vmem_shared>>) target(%arg10 : memref<80x16xf32, #tpu.memory_space<vmem>>) offsets(%dma_start3A_155 : memref<80xi32, #tpu.memory_space<vmem>>) semaphore(%dma_start3A_160 : memref<!tpu.dma_semaphore, #tpu.memory_space<semaphore_mem>>)
      %ge3A_161 = arith.constant 2 : i32
      %ge3A_162 = arith.cmpi sge, %add3A_146, %ge3A_161 : i32
      %convert_element_type3A_163 = arith.extui %ge3A_162 : i1 to i32
      %cond3A_164 = arith.constant 0 : i32
      %cond3A_165 = arith.cmpi ne, %convert_element_type3A_163, %cond3A_164 : i32
      scf.if %cond3A_165 {
        %sub3A = arith.constant 2 : i32
        %sub3A_208 = arith.subi %add3A_146, %sub3A : i32
        %mul3A_209 = arith.constant 80 : i32
        %mul3A_210 = arith.muli %sub3A_208, %mul3A_209 : i32
        %dma_wait3A_211 = arith.constant 0 : i32
        %dma_wait3A_212 = tpu.memref_slice %arg6[%mul3A_210] : memref<10000xi32, #tpu.memory_space<vmem>> -> memref<80xi32, #tpu.memory_space<vmem>>
        %dma_wait3A_213 = arith.constant 0 : i32
        %dma_wait3A_214 = arith.constant 0 : i32
        %dma_wait3A_215 = tpu.memref_slice %arg19[%dma_wait3A_213, %dma_wait3A_214] : memref<10000x16xf32, #tpu.memory_space<vmem_shared>> -> memref<10000x16xf32, #tpu.memory_space<vmem_shared>>
        %dma_wait3A_216 = tpu.memref_slice %arg16[%dma_wait3A_211] : memref<5x!tpu.dma_semaphore, #tpu.memory_space<semaphore_mem>> -> memref<1x!tpu.dma_semaphore, #tpu.memory_space<semaphore_mem>>
        %dma_wait3A_217 = tpu.memref_squeeze %dma_wait3A_216 : memref<1x!tpu.dma_semaphore, #tpu.memory_space<semaphore_mem>> -> memref<!tpu.dma_semaphore, #tpu.memory_space<semaphore_mem>>
        tpu.wait_indirect_dma semaphore(%dma_wait3A_217 : memref<!tpu.dma_semaphore, #tpu.memory_space<semaphore_mem>>) src(%dma_wait3A_215 : memref<10000x16xf32, #tpu.memory_space<vmem_shared>>) dst(%arg8 : memref<80x16xf32, #tpu.memory_space<vmem>>)
        %sub3A_218 = arith.constant 2 : i32
        %sub3A_219 = arith.subi %add3A_146, %sub3A_218 : i32
        %mul3A_220 = arith.constant 80 : i32
        %mul3A_221 = arith.muli %sub3A_219, %mul3A_220 : i32
        %dma_start3A_222 = arith.constant 0 : i32
        %dma_start3A_223 = tpu.memref_slice %arg7[%mul3A_221] : memref<10000xi32, #tpu.memory_space<vmem>> -> memref<80xi32, #tpu.memory_space<vmem>>
        %dma_start3A_224 = arith.constant 0 : i32
        %dma_start3A_225 = arith.constant 0 : i32
        %dma_start3A_226 = tpu.memref_slice %arg14[%dma_start3A_224, %dma_start3A_225] : memref<10240x16xf32, #tpu.memory_space<vmem_shared>> -> memref<10240x16xf32, #tpu.memory_space<vmem_shared>>
        %dma_start3A_227 = tpu.memref_slice %arg17[%dma_start3A_222] : memref<5x!tpu.dma_semaphore, #tpu.memory_space<semaphore_mem>> -> memref<1x!tpu.dma_semaphore, #tpu.memory_space<semaphore_mem>>
        %dma_start3A_228 = tpu.memref_squeeze %dma_start3A_227 : memref<1x!tpu.dma_semaphore, #tpu.memory_space<semaphore_mem>> -> memref<!tpu.dma_semaphore, #tpu.memory_space<semaphore_mem>>
        tpu.enqueue_indirect_dma source(%arg8 : memref<80x16xf32, #tpu.memory_space<vmem>>) target(%dma_start3A_226 : memref<10240x16xf32, #tpu.memory_space<vmem_shared>>) offsets(%dma_start3A_223 : memref<80xi32, #tpu.memory_space<vmem>>) semaphore(%dma_start3A_228 : memref<!tpu.dma_semaphore, #tpu.memory_space<semaphore_mem>>) {add = true}
      } else {
      }
      %add3A_166 = arith.constant 3 : i32
      %add3A_167 = arith.addi %mul3A_103, %add3A_166 : i32
      %ge3A_168 = arith.constant 5 : i32
      %ge3A_169 = arith.cmpi sge, %add3A_167, %ge3A_168 : i32
      %convert_element_type3A_170 = arith.extui %ge3A_169 : i1 to i32
      %cond3A_171 = arith.constant 0 : i32
      %cond3A_172 = arith.cmpi ne, %convert_element_type3A_170, %cond3A_171 : i32
      scf.if %cond3A_172 {
        %sub3A = arith.constant 5 : i32
        %sub3A_208 = arith.subi %add3A_167, %sub3A : i32
        %mul3A_209 = arith.constant 80 : i32
        %mul3A_210 = arith.muli %sub3A_208, %mul3A_209 : i32
        %dma_wait3A_211 = arith.constant 3 : i32
        %dma_wait3A_212 = tpu.memref_slice %arg7[%mul3A_210] : memref<10000xi32, #tpu.memory_space<vmem>> -> memref<80xi32, #tpu.memory_space<vmem>>
        %dma_wait3A_213 = arith.constant 0 : i32
        %dma_wait3A_214 = arith.constant 0 : i32
        %dma_wait3A_215 = tpu.memref_slice %arg14[%dma_wait3A_213, %dma_wait3A_214] : memref<10240x16xf32, #tpu.memory_space<vmem_shared>> -> memref<10240x16xf32, #tpu.memory_space<vmem_shared>>
        %dma_wait3A_216 = tpu.memref_slice %arg17[%dma_wait3A_211] : memref<5x!tpu.dma_semaphore, #tpu.memory_space<semaphore_mem>> -> memref<1x!tpu.dma_semaphore, #tpu.memory_space<semaphore_mem>>
        %dma_wait3A_217 = tpu.memref_squeeze %dma_wait3A_216 : memref<1x!tpu.dma_semaphore, #tpu.memory_space<semaphore_mem>> -> memref<!tpu.dma_semaphore, #tpu.memory_space<semaphore_mem>>
        tpu.wait_indirect_dma semaphore(%dma_wait3A_217 : memref<!tpu.dma_semaphore, #tpu.memory_space<semaphore_mem>>) src(%arg11 : memref<80x16xf32, #tpu.memory_space<vmem>>) dst(%dma_wait3A_215 : memref<10240x16xf32, #tpu.memory_space<vmem_shared>>)
      } else {
      }
      %mul3A_173 = arith.constant 80 : i32
      %mul3A_174 = arith.muli %add3A_167, %mul3A_173 : i32
      %dma_start3A_175 = arith.constant 3 : i32
      %dma_start3A_176 = tpu.memref_slice %arg6[%mul3A_174] : memref<10000xi32, #tpu.memory_space<vmem>> -> memref<80xi32, #tpu.memory_space<vmem>>
      %dma_start3A_177 = arith.constant 0 : i32
      %dma_start3A_178 = arith.constant 0 : i32
      %dma_start3A_179 = tpu.memref_slice %arg19[%dma_start3A_177, %dma_start3A_178] : memref<10000x16xf32, #tpu.memory_space<vmem_shared>> -> memref<10000x16xf32, #tpu.memory_space<vmem_shared>>
      %dma_start3A_180 = tpu.memref_slice %arg16[%dma_start3A_175] : memref<5x!tpu.dma_semaphore, #tpu.memory_space<semaphore_mem>> -> memref<1x!tpu.dma_semaphore, #tpu.memory_space<semaphore_mem>>
      %dma_start3A_181 = tpu.memref_squeeze %dma_start3A_180 : memref<1x!tpu.dma_semaphore, #tpu.memory_space<semaphore_mem>> -> memref<!tpu.dma_semaphore, #tpu.memory_space<semaphore_mem>>
      tpu.enqueue_indirect_dma source(%dma_start3A_179 : memref<10000x16xf32, #tpu.memory_space<vmem_shared>>) target(%arg11 : memref<80x16xf32, #tpu.memory_space<vmem>>) offsets(%dma_start3A_176 : memref<80xi32, #tpu.memory_space<vmem>>) semaphore(%dma_start3A_181 : memref<!tpu.dma_semaphore, #tpu.memory_space<semaphore_mem>>)
      %ge3A_182 = arith.constant 2 : i32
      %ge3A_183 = arith.cmpi sge, %add3A_167, %ge3A_182 : i32
      %convert_element_type3A_184 = arith.extui %ge3A_183 : i1 to i32
      %cond3A_185 = arith.constant 0 : i32
      %cond3A_186 = arith.cmpi ne, %convert_element_type3A_184, %cond3A_185 : i32
      scf.if %cond3A_186 {
        %sub3A = arith.constant 2 : i32
        %sub3A_208 = arith.subi %add3A_167, %sub3A : i32
        %mul3A_209 = arith.constant 80 : i32
        %mul3A_210 = arith.muli %sub3A_208, %mul3A_209 : i32
        %dma_wait3A_211 = arith.constant 1 : i32
        %dma_wait3A_212 = tpu.memref_slice %arg6[%mul3A_210] : memref<10000xi32, #tpu.memory_space<vmem>> -> memref<80xi32, #tpu.memory_space<vmem>>
        %dma_wait3A_213 = arith.constant 0 : i32
        %dma_wait3A_214 = arith.constant 0 : i32
        %dma_wait3A_215 = tpu.memref_slice %arg19[%dma_wait3A_213, %dma_wait3A_214] : memref<10000x16xf32, #tpu.memory_space<vmem_shared>> -> memref<10000x16xf32, #tpu.memory_space<vmem_shared>>
        %dma_wait3A_216 = tpu.memref_slice %arg16[%dma_wait3A_211] : memref<5x!tpu.dma_semaphore, #tpu.memory_space<semaphore_mem>> -> memref<1x!tpu.dma_semaphore, #tpu.memory_space<semaphore_mem>>
        %dma_wait3A_217 = tpu.memref_squeeze %dma_wait3A_216 : memref<1x!tpu.dma_semaphore, #tpu.memory_space<semaphore_mem>> -> memref<!tpu.dma_semaphore, #tpu.memory_space<semaphore_mem>>
        tpu.wait_indirect_dma semaphore(%dma_wait3A_217 : memref<!tpu.dma_semaphore, #tpu.memory_space<semaphore_mem>>) src(%dma_wait3A_215 : memref<10000x16xf32, #tpu.memory_space<vmem_shared>>) dst(%arg9 : memref<80x16xf32, #tpu.memory_space<vmem>>)
        %sub3A_218 = arith.constant 2 : i32
        %sub3A_219 = arith.subi %add3A_167, %sub3A_218 : i32
        %mul3A_220 = arith.constant 80 : i32
        %mul3A_221 = arith.muli %sub3A_219, %mul3A_220 : i32
        %dma_start3A_222 = arith.constant 1 : i32
        %dma_start3A_223 = tpu.memref_slice %arg7[%mul3A_221] : memref<10000xi32, #tpu.memory_space<vmem>> -> memref<80xi32, #tpu.memory_space<vmem>>
        %dma_start3A_224 = arith.constant 0 : i32
        %dma_start3A_225 = arith.constant 0 : i32
        %dma_start3A_226 = tpu.memref_slice %arg14[%dma_start3A_224, %dma_start3A_225] : memref<10240x16xf32, #tpu.memory_space<vmem_shared>> -> memref<10240x16xf32, #tpu.memory_space<vmem_shared>>
        %dma_start3A_227 = tpu.memref_slice %arg17[%dma_start3A_222] : memref<5x!tpu.dma_semaphore, #tpu.memory_space<semaphore_mem>> -> memref<1x!tpu.dma_semaphore, #tpu.memory_space<semaphore_mem>>
        %dma_start3A_228 = tpu.memref_squeeze %dma_start3A_227 : memref<1x!tpu.dma_semaphore, #tpu.memory_space<semaphore_mem>> -> memref<!tpu.dma_semaphore, #tpu.memory_space<semaphore_mem>>
        tpu.enqueue_indirect_dma source(%arg9 : memref<80x16xf32, #tpu.memory_space<vmem>>) target(%dma_start3A_226 : memref<10240x16xf32, #tpu.memory_space<vmem_shared>>) offsets(%dma_start3A_223 : memref<80xi32, #tpu.memory_space<vmem>>) semaphore(%dma_start3A_228 : memref<!tpu.dma_semaphore, #tpu.memory_space<semaphore_mem>>) {add = true}
      } else {
      }
      %add3A_187 = arith.constant 4 : i32
      %add3A_188 = arith.addi %mul3A_103, %add3A_187 : i32
      %ge3A_189 = arith.constant 5 : i32
      %ge3A_190 = arith.cmpi sge, %add3A_188, %ge3A_189 : i32
      %convert_element_type3A_191 = arith.extui %ge3A_190 : i1 to i32
      %cond3A_192 = arith.constant 0 : i32
      %cond3A_193 = arith.cmpi ne, %convert_element_type3A_191, %cond3A_192 : i32
      scf.if %cond3A_193 {
        %sub3A = arith.constant 5 : i32
        %sub3A_208 = arith.subi %add3A_188, %sub3A : i32
        %mul3A_209 = arith.constant 80 : i32
        %mul3A_210 = arith.muli %sub3A_208, %mul3A_209 : i32
        %dma_wait3A_211 = arith.constant 4 : i32
        %dma_wait3A_212 = tpu.memref_slice %arg7[%mul3A_210] : memref<10000xi32, #tpu.memory_space<vmem>> -> memref<80xi32, #tpu.memory_space<vmem>>
        %dma_wait3A_213 = arith.constant 0 : i32
        %dma_wait3A_214 = arith.constant 0 : i32
        %dma_wait3A_215 = tpu.memref_slice %arg14[%dma_wait3A_213, %dma_wait3A_214] : memref<10240x16xf32, #tpu.memory_space<vmem_shared>> -> memref<10240x16xf32, #tpu.memory_space<vmem_shared>>
        %dma_wait3A_216 = tpu.memref_slice %arg17[%dma_wait3A_211] : memref<5x!tpu.dma_semaphore, #tpu.memory_space<semaphore_mem>> -> memref<1x!tpu.dma_semaphore, #tpu.memory_space<semaphore_mem>>
        %dma_wait3A_217 = tpu.memref_squeeze %dma_wait3A_216 : memref<1x!tpu.dma_semaphore, #tpu.memory_space<semaphore_mem>> -> memref<!tpu.dma_semaphore, #tpu.memory_space<semaphore_mem>>
        tpu.wait_indirect_dma semaphore(%dma_wait3A_217 : memref<!tpu.dma_semaphore, #tpu.memory_space<semaphore_mem>>) src(%arg12 : memref<80x16xf32, #tpu.memory_space<vmem>>) dst(%dma_wait3A_215 : memref<10240x16xf32, #tpu.memory_space<vmem_shared>>)
      } else {
      }
      %mul3A_194 = arith.constant 80 : i32
      %mul3A_195 = arith.muli %add3A_188, %mul3A_194 : i32
      %dma_start3A_196 = arith.constant 4 : i32
      %dma_start3A_197 = tpu.memref_slice %arg6[%mul3A_195] : memref<10000xi32, #tpu.memory_space<vmem>> -> memref<80xi32, #tpu.memory_space<vmem>>
      %dma_start3A_198 = arith.constant 0 : i32
      %dma_start3A_199 = arith.constant 0 : i32
      %dma_start3A_200 = tpu.memref_slice %arg19[%dma_start3A_198, %dma_start3A_199] : memref<10000x16xf32, #tpu.memory_space<vmem_shared>> -> memref<10000x16xf32, #tpu.memory_space<vmem_shared>>
      %dma_start3A_201 = tpu.memref_slice %arg16[%dma_start3A_196] : memref<5x!tpu.dma_semaphore, #tpu.memory_space<semaphore_mem>> -> memref<1x!tpu.dma_semaphore, #tpu.memory_space<semaphore_mem>>
      %dma_start3A_202 = tpu.memref_squeeze %dma_start3A_201 : memref<1x!tpu.dma_semaphore, #tpu.memory_space<semaphore_mem>> -> memref<!tpu.dma_semaphore, #tpu.memory_space<semaphore_mem>>
      tpu.enqueue_indirect_dma source(%dma_start3A_200 : memref<10000x16xf32, #tpu.memory_space<vmem_shared>>) target(%arg12 : memref<80x16xf32, #tpu.memory_space<vmem>>) offsets(%dma_start3A_197 : memref<80xi32, #tpu.memory_space<vmem>>) semaphore(%dma_start3A_202 : memref<!tpu.dma_semaphore, #tpu.memory_space<semaphore_mem>>)
      %ge3A_203 = arith.constant 2 : i32
      %ge3A_204 = arith.cmpi sge, %add3A_188, %ge3A_203 : i32
      %convert_element_type3A_205 = arith.extui %ge3A_204 : i1 to i32
      %cond3A_206 = arith.constant 0 : i32
      %cond3A_207 = arith.cmpi ne, %convert_element_type3A_205, %cond3A_206 : i32
      scf.if %cond3A_207 {
        %sub3A = arith.constant 2 : i32
        %sub3A_208 = arith.subi %add3A_188, %sub3A : i32
        %mul3A_209 = arith.constant 80 : i32
        %mul3A_210 = arith.muli %sub3A_208, %mul3A_209 : i32
        %dma_wait3A_211 = arith.constant 2 : i32
        %dma_wait3A_212 = tpu.memref_slice %arg6[%mul3A_210] : memref<10000xi32, #tpu.memory_space<vmem>> -> memref<80xi32, #tpu.memory_space<vmem>>
        %dma_wait3A_213 = arith.constant 0 : i32
        %dma_wait3A_214 = arith.constant 0 : i32
        %dma_wait3A_215 = tpu.memref_slice %arg19[%dma_wait3A_213, %dma_wait3A_214] : memref<10000x16xf32, #tpu.memory_space<vmem_shared>> -> memref<10000x16xf32, #tpu.memory_space<vmem_shared>>
        %dma_wait3A_216 = tpu.memref_slice %arg16[%dma_wait3A_211] : memref<5x!tpu.dma_semaphore, #tpu.memory_space<semaphore_mem>> -> memref<1x!tpu.dma_semaphore, #tpu.memory_space<semaphore_mem>>
        %dma_wait3A_217 = tpu.memref_squeeze %dma_wait3A_216 : memref<1x!tpu.dma_semaphore, #tpu.memory_space<semaphore_mem>> -> memref<!tpu.dma_semaphore, #tpu.memory_space<semaphore_mem>>
        tpu.wait_indirect_dma semaphore(%dma_wait3A_217 : memref<!tpu.dma_semaphore, #tpu.memory_space<semaphore_mem>>) src(%dma_wait3A_215 : memref<10000x16xf32, #tpu.memory_space<vmem_shared>>) dst(%arg10 : memref<80x16xf32, #tpu.memory_space<vmem>>)
        %sub3A_218 = arith.constant 2 : i32
        %sub3A_219 = arith.subi %add3A_188, %sub3A_218 : i32
        %mul3A_220 = arith.constant 80 : i32
        %mul3A_221 = arith.muli %sub3A_219, %mul3A_220 : i32
        %dma_start3A_222 = arith.constant 2 : i32
        %dma_start3A_223 = tpu.memref_slice %arg7[%mul3A_221] : memref<10000xi32, #tpu.memory_space<vmem>> -> memref<80xi32, #tpu.memory_space<vmem>>
        %dma_start3A_224 = arith.constant 0 : i32
        %dma_start3A_225 = arith.constant 0 : i32
        %dma_start3A_226 = tpu.memref_slice %arg14[%dma_start3A_224, %dma_start3A_225] : memref<10240x16xf32, #tpu.memory_space<vmem_shared>> -> memref<10240x16xf32, #tpu.memory_space<vmem_shared>>
        %dma_start3A_227 = tpu.memref_slice %arg17[%dma_start3A_222] : memref<5x!tpu.dma_semaphore, #tpu.memory_space<semaphore_mem>> -> memref<1x!tpu.dma_semaphore, #tpu.memory_space<semaphore_mem>>
        %dma_start3A_228 = tpu.memref_squeeze %dma_start3A_227 : memref<1x!tpu.dma_semaphore, #tpu.memory_space<semaphore_mem>> -> memref<!tpu.dma_semaphore, #tpu.memory_space<semaphore_mem>>
        tpu.enqueue_indirect_dma source(%arg10 : memref<80x16xf32, #tpu.memory_space<vmem>>) target(%dma_start3A_226 : memref<10240x16xf32, #tpu.memory_space<vmem_shared>>) offsets(%dma_start3A_223 : memref<80xi32, #tpu.memory_space<vmem>>) semaphore(%dma_start3A_228 : memref<!tpu.dma_semaphore, #tpu.memory_space<semaphore_mem>>) {add = true}
      } else {
      }
    }
    %scan3A_25 = arith.constant 25 : i32
    %dma_wait3A = arith.constant 3 : i32
    %dma_wait3A_26 = arith.constant 9840 : i32
    %dma_wait3A_27 = tpu.memref_slice %arg6[%dma_wait3A_26] : memref<10000xi32, #tpu.memory_space<vmem>> -> memref<80xi32, #tpu.memory_space<vmem>>
    %dma_wait3A_28 = arith.constant 0 : i32
    %dma_wait3A_29 = arith.constant 0 : i32
    %dma_wait3A_30 = tpu.memref_slice %arg19[%dma_wait3A_28, %dma_wait3A_29] : memref<10000x16xf32, #tpu.memory_space<vmem_shared>> -> memref<10000x16xf32, #tpu.memory_space<vmem_shared>>
    %dma_wait3A_31 = tpu.memref_slice %arg16[%dma_wait3A] : memref<5x!tpu.dma_semaphore, #tpu.memory_space<semaphore_mem>> -> memref<1x!tpu.dma_semaphore, #tpu.memory_space<semaphore_mem>>
    %dma_wait3A_32 = tpu.memref_squeeze %dma_wait3A_31 : memref<1x!tpu.dma_semaphore, #tpu.memory_space<semaphore_mem>> -> memref<!tpu.dma_semaphore, #tpu.memory_space<semaphore_mem>>
    tpu.wait_indirect_dma semaphore(%dma_wait3A_32 : memref<!tpu.dma_semaphore, #tpu.memory_space<semaphore_mem>>) src(%dma_wait3A_30 : memref<10000x16xf32, #tpu.memory_space<vmem_shared>>) dst(%arg11 : memref<80x16xf32, #tpu.memory_space<vmem>>)
    %dma_start3A = arith.constant 3 : i32
    %dma_start3A_33 = arith.constant 9840 : i32
    %dma_start3A_34 = tpu.memref_slice %arg7[%dma_start3A_33] : memref<10000xi32, #tpu.memory_space<vmem>> -> memref<80xi32, #tpu.memory_space<vmem>>
    %dma_start3A_35 = arith.constant 0 : i32
    %dma_start3A_36 = arith.constant 0 : i32
    %dma_start3A_37 = tpu.memref_slice %arg14[%dma_start3A_35, %dma_start3A_36] : memref<10240x16xf32, #tpu.memory_space<vmem_shared>> -> memref<10240x16xf32, #tpu.memory_space<vmem_shared>>
    %dma_start3A_38 = tpu.memref_slice %arg17[%dma_start3A] : memref<5x!tpu.dma_semaphore, #tpu.memory_space<semaphore_mem>> -> memref<1x!tpu.dma_semaphore, #tpu.memory_space<semaphore_mem>>
    %dma_start3A_39 = tpu.memref_squeeze %dma_start3A_38 : memref<1x!tpu.dma_semaphore, #tpu.memory_space<semaphore_mem>> -> memref<!tpu.dma_semaphore, #tpu.memory_space<semaphore_mem>>
    tpu.enqueue_indirect_dma source(%arg11 : memref<80x16xf32, #tpu.memory_space<vmem>>) target(%dma_start3A_37 : memref<10240x16xf32, #tpu.memory_space<vmem_shared>>) offsets(%dma_start3A_34 : memref<80xi32, #tpu.memory_space<vmem>>) semaphore(%dma_start3A_39 : memref<!tpu.dma_semaphore, #tpu.memory_space<semaphore_mem>>) {add = true}
    %dma_wait3A_40 = arith.constant 4 : i32
    %dma_wait3A_41 = arith.constant 9920 : i32
    %dma_wait3A_42 = tpu.memref_slice %arg6[%dma_wait3A_41] : memref<10000xi32, #tpu.memory_space<vmem>> -> memref<80xi32, #tpu.memory_space<vmem>>
    %dma_wait3A_43 = arith.constant 0 : i32
    %dma_wait3A_44 = arith.constant 0 : i32
    %dma_wait3A_45 = tpu.memref_slice %arg19[%dma_wait3A_43, %dma_wait3A_44] : memref<10000x16xf32, #tpu.memory_space<vmem_shared>> -> memref<10000x16xf32, #tpu.memory_space<vmem_shared>>
    %dma_wait3A_46 = tpu.memref_slice %arg16[%dma_wait3A_40] : memref<5x!tpu.dma_semaphore, #tpu.memory_space<semaphore_mem>> -> memref<1x!tpu.dma_semaphore, #tpu.memory_space<semaphore_mem>>
    %dma_wait3A_47 = tpu.memref_squeeze %dma_wait3A_46 : memref<1x!tpu.dma_semaphore, #tpu.memory_space<semaphore_mem>> -> memref<!tpu.dma_semaphore, #tpu.memory_space<semaphore_mem>>
    tpu.wait_indirect_dma semaphore(%dma_wait3A_47 : memref<!tpu.dma_semaphore, #tpu.memory_space<semaphore_mem>>) src(%dma_wait3A_45 : memref<10000x16xf32, #tpu.memory_space<vmem_shared>>) dst(%arg12 : memref<80x16xf32, #tpu.memory_space<vmem>>)
    %dma_start3A_48 = arith.constant 4 : i32
    %dma_start3A_49 = arith.constant 9920 : i32
    %dma_start3A_50 = tpu.memref_slice %arg7[%dma_start3A_49] : memref<10000xi32, #tpu.memory_space<vmem>> -> memref<80xi32, #tpu.memory_space<vmem>>
    %dma_start3A_51 = arith.constant 0 : i32
    %dma_start3A_52 = arith.constant 0 : i32
    %dma_start3A_53 = tpu.memref_slice %arg14[%dma_start3A_51, %dma_start3A_52] : memref<10240x16xf32, #tpu.memory_space<vmem_shared>> -> memref<10240x16xf32, #tpu.memory_space<vmem_shared>>
    %dma_start3A_54 = tpu.memref_slice %arg17[%dma_start3A_48] : memref<5x!tpu.dma_semaphore, #tpu.memory_space<semaphore_mem>> -> memref<1x!tpu.dma_semaphore, #tpu.memory_space<semaphore_mem>>
    %dma_start3A_55 = tpu.memref_squeeze %dma_start3A_54 : memref<1x!tpu.dma_semaphore, #tpu.memory_space<semaphore_mem>> -> memref<!tpu.dma_semaphore, #tpu.memory_space<semaphore_mem>>
    tpu.enqueue_indirect_dma source(%arg12 : memref<80x16xf32, #tpu.memory_space<vmem>>) target(%dma_start3A_53 : memref<10240x16xf32, #tpu.memory_space<vmem_shared>>) offsets(%dma_start3A_50 : memref<80xi32, #tpu.memory_space<vmem>>) semaphore(%dma_start3A_55 : memref<!tpu.dma_semaphore, #tpu.memory_space<semaphore_mem>>) {add = true}
    %dma_wait3A_56 = arith.constant 0 : i32
    %dma_wait3A_57 = arith.constant 9600 : i32
    %dma_wait3A_58 = tpu.memref_slice %arg7[%dma_wait3A_57] : memref<10000xi32, #tpu.memory_space<vmem>> -> memref<80xi32, #tpu.memory_space<vmem>>
    %dma_wait3A_59 = arith.constant 0 : i32
    %dma_wait3A_60 = arith.constant 0 : i32
    %dma_wait3A_61 = tpu.memref_slice %arg14[%dma_wait3A_59, %dma_wait3A_60] : memref<10240x16xf32, #tpu.memory_space<vmem_shared>> -> memref<10240x16xf32, #tpu.memory_space<vmem_shared>>
    %dma_wait3A_62 = tpu.memref_slice %arg17[%dma_wait3A_56] : memref<5x!tpu.dma_semaphore, #tpu.memory_space<semaphore_mem>> -> memref<1x!tpu.dma_semaphore, #tpu.memory_space<semaphore_mem>>
    %dma_wait3A_63 = tpu.memref_squeeze %dma_wait3A_62 : memref<1x!tpu.dma_semaphore, #tpu.memory_space<semaphore_mem>> -> memref<!tpu.dma_semaphore, #tpu.memory_space<semaphore_mem>>
    tpu.wait_indirect_dma semaphore(%dma_wait3A_63 : memref<!tpu.dma_semaphore, #tpu.memory_space<semaphore_mem>>) src(%arg8 : memref<80x16xf32, #tpu.memory_space<vmem>>) dst(%dma_wait3A_61 : memref<10240x16xf32, #tpu.memory_space<vmem_shared>>)
    %dma_wait3A_64 = arith.constant 1 : i32
    %dma_wait3A_65 = arith.constant 9680 : i32
    %dma_wait3A_66 = tpu.memref_slice %arg7[%dma_wait3A_65] : memref<10000xi32, #tpu.memory_space<vmem>> -> memref<80xi32, #tpu.memory_space<vmem>>
    %dma_wait3A_67 = arith.constant 0 : i32
    %dma_wait3A_68 = arith.constant 0 : i32
    %dma_wait3A_69 = tpu.memref_slice %arg14[%dma_wait3A_67, %dma_wait3A_68] : memref<10240x16xf32, #tpu.memory_space<vmem_shared>> -> memref<10240x16xf32, #tpu.memory_space<vmem_shared>>
    %dma_wait3A_70 = tpu.memref_slice %arg17[%dma_wait3A_64] : memref<5x!tpu.dma_semaphore, #tpu.memory_space<semaphore_mem>> -> memref<1x!tpu.dma_semaphore, #tpu.memory_space<semaphore_mem>>
    %dma_wait3A_71 = tpu.memref_squeeze %dma_wait3A_70 : memref<1x!tpu.dma_semaphore, #tpu.memory_space<semaphore_mem>> -> memref<!tpu.dma_semaphore, #tpu.memory_space<semaphore_mem>>
    tpu.wait_indirect_dma semaphore(%dma_wait3A_71 : memref<!tpu.dma_semaphore, #tpu.memory_space<semaphore_mem>>) src(%arg9 : memref<80x16xf32, #tpu.memory_space<vmem>>) dst(%dma_wait3A_69 : memref<10240x16xf32, #tpu.memory_space<vmem_shared>>)
    %dma_wait3A_72 = arith.constant 2 : i32
    %dma_wait3A_73 = arith.constant 9760 : i32
    %dma_wait3A_74 = tpu.memref_slice %arg7[%dma_wait3A_73] : memref<10000xi32, #tpu.memory_space<vmem>> -> memref<80xi32, #tpu.memory_space<vmem>>
    %dma_wait3A_75 = arith.constant 0 : i32
    %dma_wait3A_76 = arith.constant 0 : i32
    %dma_wait3A_77 = tpu.memref_slice %arg14[%dma_wait3A_75, %dma_wait3A_76] : memref<10240x16xf32, #tpu.memory_space<vmem_shared>> -> memref<10240x16xf32, #tpu.memory_space<vmem_shared>>
    %dma_wait3A_78 = tpu.memref_slice %arg17[%dma_wait3A_72] : memref<5x!tpu.dma_semaphore, #tpu.memory_space<semaphore_mem>> -> memref<1x!tpu.dma_semaphore, #tpu.memory_space<semaphore_mem>>
    %dma_wait3A_79 = tpu.memref_squeeze %dma_wait3A_78 : memref<1x!tpu.dma_semaphore, #tpu.memory_space<semaphore_mem>> -> memref<!tpu.dma_semaphore, #tpu.memory_space<semaphore_mem>>
    tpu.wait_indirect_dma semaphore(%dma_wait3A_79 : memref<!tpu.dma_semaphore, #tpu.memory_space<semaphore_mem>>) src(%arg10 : memref<80x16xf32, #tpu.memory_space<vmem>>) dst(%dma_wait3A_77 : memref<10240x16xf32, #tpu.memory_space<vmem_shared>>)
    %dma_wait3A_80 = arith.constant 3 : i32
    %dma_wait3A_81 = arith.constant 9840 : i32
    %dma_wait3A_82 = tpu.memref_slice %arg7[%dma_wait3A_81] : memref<10000xi32, #tpu.memory_space<vmem>> -> memref<80xi32, #tpu.memory_space<vmem>>
    %dma_wait3A_83 = arith.constant 0 : i32
    %dma_wait3A_84 = arith.constant 0 : i32
    %dma_wait3A_85 = tpu.memref_slice %arg14[%dma_wait3A_83, %dma_wait3A_84] : memref<10240x16xf32, #tpu.memory_space<vmem_shared>> -> memref<10240x16xf32, #tpu.memory_space<vmem_shared>>
    %dma_wait3A_86 = tpu.memref_slice %arg17[%dma_wait3A_80] : memref<5x!tpu.dma_semaphore, #tpu.memory_space<semaphore_mem>> -> memref<1x!tpu.dma_semaphore, #tpu.memory_space<semaphore_mem>>
    %dma_wait3A_87 = tpu.memref_squeeze %dma_wait3A_86 : memref<1x!tpu.dma_semaphore, #tpu.memory_space<semaphore_mem>> -> memref<!tpu.dma_semaphore, #tpu.memory_space<semaphore_mem>>
    tpu.wait_indirect_dma semaphore(%dma_wait3A_87 : memref<!tpu.dma_semaphore, #tpu.memory_space<semaphore_mem>>) src(%arg11 : memref<80x16xf32, #tpu.memory_space<vmem>>) dst(%dma_wait3A_85 : memref<10240x16xf32, #tpu.memory_space<vmem_shared>>)
    %dma_wait3A_88 = arith.constant 4 : i32
    %dma_wait3A_89 = arith.constant 9920 : i32
    %dma_wait3A_90 = tpu.memref_slice %arg7[%dma_wait3A_89] : memref<10000xi32, #tpu.memory_space<vmem>> -> memref<80xi32, #tpu.memory_space<vmem>>
    %dma_wait3A_91 = arith.constant 0 : i32
    %dma_wait3A_92 = arith.constant 0 : i32
    %dma_wait3A_93 = tpu.memref_slice %arg14[%dma_wait3A_91, %dma_wait3A_92] : memref<10240x16xf32, #tpu.memory_space<vmem_shared>> -> memref<10240x16xf32, #tpu.memory_space<vmem_shared>>
    %dma_wait3A_94 = tpu.memref_slice %arg17[%dma_wait3A_88] : memref<5x!tpu.dma_semaphore, #tpu.memory_space<semaphore_mem>> -> memref<1x!tpu.dma_semaphore, #tpu.memory_space<semaphore_mem>>
    %dma_wait3A_95 = tpu.memref_squeeze %dma_wait3A_94 : memref<1x!tpu.dma_semaphore, #tpu.memory_space<semaphore_mem>> -> memref<!tpu.dma_semaphore, #tpu.memory_space<semaphore_mem>>
    tpu.wait_indirect_dma semaphore(%dma_wait3A_95 : memref<!tpu.dma_semaphore, #tpu.memory_space<semaphore_mem>>) src(%arg12 : memref<80x16xf32, #tpu.memory_space<vmem>>) dst(%dma_wait3A_93 : memref<10240x16xf32, #tpu.memory_space<vmem_shared>>)
    %barrier3A_96 = arith.constant 0 : index
    tpu.barrier barrier_id(%barrier3A_96)
    "tpu.region"() ({
      %run_scoped3A = tpu.sem_alloc : memref<!tpu.dma_semaphore, #tpu.memory_space<semaphore_mem>>
      %dma_start3A_97 = arith.constant 0 : i32
      %dma_start3A_98 = arith.constant 0 : i32
      %dma_start3A_99 = tpu.memref_slice %arg5[%arg0, %dma_start3A_97, %dma_start3A_98] : memref<2x10240x16xf32, #tpu.memory_space<hbm>> -> memref<1x10240x16xf32, #tpu.memory_space<hbm>>
      %dma_start3A_100 = tpu.memref_squeeze %dma_start3A_99 : memref<1x10240x16xf32, #tpu.memory_space<hbm>> -> memref<10240x16xf32, #tpu.memory_space<hbm>>
      %dma_start3A_101 = arith.constant 0 : i32
      %dma_start3A_102 = tpu.memref_slice %dma_start3A_100[%mul3A_2, %dma_start3A_101] : memref<10240x16xf32, #tpu.memory_space<hbm>> -> memref<640x16xf32, #tpu.memory_space<hbm>>
      %dma_start3A_103 = arith.constant 0 : i32
      %dma_start3A_104 = tpu.memref_slice %arg14[%mul3A_2, %dma_start3A_103] : memref<10240x16xf32, #tpu.memory_space<vmem_shared>> -> memref<640x16xf32, #tpu.memory_space<vmem_shared>>
      tpu.enqueue_dma source(%dma_start3A_104 : memref<640x16xf32, #tpu.memory_space<vmem_shared>>) target(%dma_start3A_102 : memref<640x16xf32, #tpu.memory_space<hbm>>) target_semaphore(%run_scoped3A : memref<!tpu.dma_semaphore, #tpu.memory_space<semaphore_mem>>)
      %dma_wait3A_105 = arith.constant 0 : i32
      %dma_wait3A_106 = arith.constant 0 : i32
      %dma_wait3A_107 = tpu.memref_slice %arg5[%arg0, %dma_wait3A_105, %dma_wait3A_106] : memref<2x10240x16xf32, #tpu.memory_space<hbm>> -> memref<1x10240x16xf32, #tpu.memory_space<hbm>>
      %dma_wait3A_108 = tpu.memref_squeeze %dma_wait3A_107 : memref<1x10240x16xf32, #tpu.memory_space<hbm>> -> memref<10240x16xf32, #tpu.memory_space<hbm>>
      %dma_wait3A_109 = arith.constant 0 : i32
      %dma_wait3A_110 = tpu.memref_slice %dma_wait3A_108[%mul3A_2, %dma_wait3A_109] : memref<10240x16xf32, #tpu.memory_space<hbm>> -> memref<640x16xf32, #tpu.memory_space<hbm>>
      %dma_wait3A_111 = arith.constant 0 : i32
      %dma_wait3A_112 = tpu.memref_slice %arg14[%mul3A_2, %dma_wait3A_111] : memref<10240x16xf32, #tpu.memory_space<vmem_shared>> -> memref<640x16xf32, #tpu.memory_space<vmem_shared>>
      tpu.wait_dma2 semaphore(%run_scoped3A : memref<!tpu.dma_semaphore, #tpu.memory_space<semaphore_mem>>) src(%dma_wait3A_112 : memref<640x16xf32, #tpu.memory_space<vmem_shared>>) dst(%dma_wait3A_110 : memref<640x16xf32, #tpu.memory_space<hbm>>)
      tpu.yield
    }) : () -> ()
    return
  }
}

module attributes {stable_mosaic.version = 14 : i64} {
  func.func @_tc1b_body(%arg0: memref<10000x128xf32, #tpu.memory_space<vmem>>, %arg1: memref<2x10240x16xf32, #tpu.memory_space<vmem>>, %arg2: memref<10000x128xf32, #tpu.memory_space<vmem>>, %arg3: memref<10000x1xf32, #tpu.memory_space<vmem>>) attributes {dimension_semantics = [], scalar_prefetch = 0 : i64, scratch_operands = 0 : i64, tpu.core_type = #tpu.core_type<tc>} {
    %get3A = arith.constant 0 : index
    %get3A_0 = arith.constant 0 : index
    %get3A_1 = arith.constant 0 : index
    %get3A_2 = vector.load %arg1[%get3A, %get3A_0, %get3A_1] : memref<2x10240x16xf32, #tpu.memory_space<vmem>>, vector<1x10000x1xf32>
    %get3A_3 = vector.shape_cast %get3A_2 : vector<1x10000x1xf32> to vector<10000x1xf32>
    %get3A_4 = arith.constant 1 : index
    %get3A_5 = arith.constant 0 : index
    %get3A_6 = arith.constant 0 : index
    %get3A_7 = vector.load %arg1[%get3A_4, %get3A_5, %get3A_6] : memref<2x10240x16xf32, #tpu.memory_space<vmem>>, vector<1x10000x1xf32>
    %get3A_8 = vector.shape_cast %get3A_7 : vector<1x10000x1xf32> to vector<10000x1xf32>
    %add3A = arith.addf %get3A_3, %get3A_8 : vector<10000x1xf32>
    %add3A_9 = arith.constant 1.000000e+00 : f32
    %add3A_10 = vector.broadcast %add3A_9 : f32 to vector<10000x1xf32>
    %add3A_11 = arith.addf %add3A, %add3A_10 : vector<10000x1xf32>
    %rsqrt3A = math.rsqrt %add3A_11 : vector<10000x1xf32>
    %swap3A = arith.constant 0 : index
    %swap3A_12 = arith.constant 0 : index
    %swap3A_13 = vector.load %arg3[%swap3A, %swap3A_12] : memref<10000x1xf32, #tpu.memory_space<vmem>>, vector<10000x1xf32>
    tpu.vector_store %arg3[%swap3A, %swap3A_12], %rsqrt3A {strides = array<i32>} : memref<10000x1xf32, #tpu.memory_space<vmem>>, vector<10000x1xf32>,
    %get3A_14 = arith.constant 0 : index
    %get3A_15 = arith.constant 0 : index
    %get3A_16 = vector.load %arg0[%get3A_14, %get3A_15] : memref<10000x128xf32, #tpu.memory_space<vmem>>, vector<10000x128xf32>
    %mul3A = vector.broadcast %rsqrt3A : vector<10000x1xf32> to vector<10000x128xf32>
    %mul3A_17 = arith.mulf %get3A_16, %mul3A : vector<10000x128xf32>
    %swap3A_18 = arith.constant 0 : index
    %swap3A_19 = arith.constant 0 : index
    %swap3A_20 = vector.load %arg2[%swap3A_18, %swap3A_19] : memref<10000x128xf32, #tpu.memory_space<vmem>>, vector<10000x128xf32>
    tpu.vector_store %arg2[%swap3A_18, %swap3A_19], %mul3A_17 {strides = array<i32>} : memref<10000x128xf32, #tpu.memory_space<vmem>>, vector<10000x128xf32>,
    return
  }
}

module attributes {stable_mosaic.version = 14 : i64} {
  func.func @_tc1a_body(%arg0: memref<10000x128xf32, #tpu.memory_space<vmem>>, %arg1: memref<128x128xf32, #tpu.memory_space<vmem>>, %arg2: memref<10000x128xf32, #tpu.memory_space<vmem>>) attributes {dimension_semantics = [], scalar_prefetch = 0 : i64, scratch_operands = 0 : i64, tpu.core_type = #tpu.core_type<tc>} {
    %get3A = arith.constant 0 : index
    %get3A_0 = arith.constant 0 : index
    %get3A_1 = vector.load %arg0[%get3A, %get3A_0] : memref<10000x128xf32, #tpu.memory_space<vmem>>, vector<10000x128xf32>
    %get3A_2 = arith.constant 0 : index
    %get3A_3 = arith.constant 0 : index
    %get3A_4 = vector.load %arg1[%get3A_2, %get3A_3] : memref<128x128xf32, #tpu.memory_space<vmem>>, vector<128x128xf32>
    %dot_general3A = arith.constant dense<0.000000e+00> : vector<10000x128xf32>
    %dot_general3A_5 = tpu.matmul %get3A_1, %get3A_4, %dot_general3A {dimension_numbers = #tpu.dot_dimension_numbers<[1], [0], [0], [1], [0, 0, 1, 1], [], []>, transpose_lhs_hint = false} : vector<10000x128xf32>, vector<128x128xf32>, vector<10000x128xf32> -> vector<10000x128xf32>
    %swap3A = arith.constant 0 : index
    %swap3A_6 = arith.constant 0 : index
    %swap3A_7 = vector.load %arg2[%swap3A, %swap3A_6] : memref<10000x128xf32, #tpu.memory_space<vmem>>, vector<10000x128xf32>
    tpu.vector_store %arg2[%swap3A, %swap3A_6], %dot_general3A_5 {strides = array<i32>} : memref<10000x128xf32, #tpu.memory_space<vmem>>, vector<10000x128xf32>,
    return
  }
}

module attributes {stable_mosaic.version = 14 : i64} {
  func.func @_tc2_body(%arg0: memref<2x10240x128xf32, #tpu.memory_space<vmem>>, %arg1: memref<10000x128xf32, #tpu.memory_space<vmem>>, %arg2: memref<10000x1xf32, #tpu.memory_space<vmem>>, %arg3: memref<128x16xf32, #tpu.memory_space<vmem>>, %arg4: memref<1x128xf32, #tpu.memory_space<vmem>>, %arg5: memref<10000x16xf32, #tpu.memory_space<vmem>>) attributes {dimension_semantics = [], scalar_prefetch = 0 : i64, scratch_operands = 0 : i64, tpu.core_type = #tpu.core_type<tc>} {
    %get3A = arith.constant 0 : index
    %get3A_0 = arith.constant 0 : index
    %get3A_1 = vector.load %arg2[%get3A, %get3A_0] : memref<10000x1xf32, #tpu.memory_space<vmem>>, vector<10000x1xf32>
    %get3A_2 = arith.constant 0 : index
    %get3A_3 = arith.constant 0 : index
    %get3A_4 = arith.constant 0 : index
    %get3A_5 = vector.load %arg0[%get3A_2, %get3A_3, %get3A_4] : memref<2x10240x128xf32, #tpu.memory_space<vmem>>, vector<1x10000x128xf32>
    %get3A_6 = vector.shape_cast %get3A_5 : vector<1x10000x128xf32> to vector<10000x128xf32>
    %get3A_7 = arith.constant 1 : index
    %get3A_8 = arith.constant 0 : index
    %get3A_9 = arith.constant 0 : index
    %get3A_10 = vector.load %arg0[%get3A_7, %get3A_8, %get3A_9] : memref<2x10240x128xf32, #tpu.memory_space<vmem>>, vector<1x10000x128xf32>
    %get3A_11 = vector.shape_cast %get3A_10 : vector<1x10000x128xf32> to vector<10000x128xf32>
    %add3A = arith.addf %get3A_6, %get3A_11 : vector<10000x128xf32>
    %get3A_12 = arith.constant 0 : index
    %get3A_13 = arith.constant 0 : index
    %get3A_14 = vector.load %arg1[%get3A_12, %get3A_13] : memref<10000x128xf32, #tpu.memory_space<vmem>>, vector<10000x128xf32>
    %add3A_15 = arith.addf %add3A, %get3A_14 : vector<10000x128xf32>
    %mul3A = vector.broadcast %get3A_1 : vector<10000x1xf32> to vector<10000x128xf32>
    %mul3A_16 = arith.mulf %mul3A, %add3A_15 : vector<10000x128xf32>
    %get3A_17 = arith.constant 0 : index
    %get3A_18 = arith.constant 0 : index
    %get3A_19 = vector.load %arg4[%get3A_17, %get3A_18] : memref<1x128xf32, #tpu.memory_space<vmem>>, vector<1x128xf32>
    %add3A_20 = vector.broadcast %get3A_19 : vector<1x128xf32> to vector<10000x128xf32>
    %add3A_21 = arith.addf %mul3A_16, %add3A_20 : vector<10000x128xf32>
    %max3A = arith.constant 0.000000e+00 : f32
    %max3A_22 = vector.broadcast %max3A : f32 to vector<10000x128xf32>
    %max3A_23 = arith.maximumf %add3A_21, %max3A_22 : vector<10000x128xf32>
    %get3A_24 = arith.constant 0 : index
    %get3A_25 = arith.constant 0 : index
    %get3A_26 = vector.load %arg3[%get3A_24, %get3A_25] : memref<128x16xf32, #tpu.memory_space<vmem>>, vector<128x16xf32>
    %dot_general3A = arith.constant dense<0.000000e+00> : vector<10000x16xf32>
    %dot_general3A_27 = tpu.matmul %max3A_23, %get3A_26, %dot_general3A {dimension_numbers = #tpu.dot_dimension_numbers<[1], [0], [0], [1], [0, 0, 1, 1], [], []>, transpose_lhs_hint = false} : vector<10000x128xf32>, vector<128x16xf32>, vector<10000x16xf32> -> vector<10000x16xf32>
    %mul3A_28 = vector.broadcast %get3A_1 : vector<10000x1xf32> to vector<10000x16xf32>
    %mul3A_29 = arith.mulf %dot_general3A_27, %mul3A_28 : vector<10000x16xf32>
    %swap3A = arith.constant 0 : index
    %swap3A_30 = arith.constant 0 : index
    %swap3A_31 = vector.load %arg5[%swap3A, %swap3A_30] : memref<10000x16xf32, #tpu.memory_space<vmem>>, vector<10000x16xf32>
    tpu.vector_store %arg5[%swap3A, %swap3A_30], %mul3A_29 {strides = array<i32>} : memref<10000x16xf32, #tpu.memory_space<vmem>>, vector<10000x16xf32>,
    return
  }
}

module attributes {stable_mosaic.version = 14 : i64} {
  func.func @_tc3_body(%arg0: memref<2x10240x16xf32, #tpu.memory_space<vmem>>, %arg1: memref<10000x16xf32, #tpu.memory_space<vmem>>, %arg2: memref<10000x1xf32, #tpu.memory_space<vmem>>, %arg3: memref<1x16xf32, #tpu.memory_space<vmem>>, %arg4: memref<10000x16xf32, #tpu.memory_space<vmem>>) attributes {dimension_semantics = [], scalar_prefetch = 0 : i64, scratch_operands = 0 : i64, tpu.core_type = #tpu.core_type<tc>} {
    %get3A = arith.constant 0 : index
    %get3A_0 = arith.constant 0 : index
    %get3A_1 = vector.load %arg2[%get3A, %get3A_0] : memref<10000x1xf32, #tpu.memory_space<vmem>>, vector<10000x1xf32>
    %get3A_2 = arith.constant 0 : index
    %get3A_3 = arith.constant 0 : index
    %get3A_4 = arith.constant 0 : index
    %get3A_5 = vector.load %arg0[%get3A_2, %get3A_3, %get3A_4] : memref<2x10240x16xf32, #tpu.memory_space<vmem>>, vector<1x10000x16xf32>
    %get3A_6 = vector.shape_cast %get3A_5 : vector<1x10000x16xf32> to vector<10000x16xf32>
    %get3A_7 = arith.constant 1 : index
    %get3A_8 = arith.constant 0 : index
    %get3A_9 = arith.constant 0 : index
    %get3A_10 = vector.load %arg0[%get3A_7, %get3A_8, %get3A_9] : memref<2x10240x16xf32, #tpu.memory_space<vmem>>, vector<1x10000x16xf32>
    %get3A_11 = vector.shape_cast %get3A_10 : vector<1x10000x16xf32> to vector<10000x16xf32>
    %add3A = arith.addf %get3A_6, %get3A_11 : vector<10000x16xf32>
    %get3A_12 = arith.constant 0 : index
    %get3A_13 = arith.constant 0 : index
    %get3A_14 = vector.load %arg1[%get3A_12, %get3A_13] : memref<10000x16xf32, #tpu.memory_space<vmem>>, vector<10000x16xf32>
    %add3A_15 = arith.addf %add3A, %get3A_14 : vector<10000x16xf32>
    %mul3A = vector.broadcast %get3A_1 : vector<10000x1xf32> to vector<10000x16xf32>
    %mul3A_16 = arith.mulf %mul3A, %add3A_15 : vector<10000x16xf32>
    %get3A_17 = arith.constant 0 : index
    %get3A_18 = arith.constant 0 : index
    %get3A_19 = vector.load %arg3[%get3A_17, %get3A_18] : memref<1x16xf32, #tpu.memory_space<vmem>>, vector<1x16xf32>
    %add3A_20 = vector.broadcast %get3A_19 : vector<1x16xf32> to vector<10000x16xf32>
    %add3A_21 = arith.addf %mul3A_16, %add3A_20 : vector<10000x16xf32>
    %reduce_max3A = arith.constant dense<0xFF800000> : vector<10000xf32>
    %reduce_max3A_22 = vector.multi_reduction <maximumf>, %add3A_21, %reduce_max3A [1] : vector<10000x16xf32> to vector<10000xf32>
    %broadcast_in_dim3A = vector.shape_cast %reduce_max3A_22 : vector<10000xf32> to vector<10000x1xf32>
    %sub3A = vector.broadcast %broadcast_in_dim3A : vector<10000x1xf32> to vector<10000x16xf32>
    %sub3A_23 = arith.subf %add3A_21, %sub3A : vector<10000x16xf32>
    %exp3A = math.exp %sub3A_23 : vector<10000x16xf32>
    %reduce_sum3A = arith.constant dense<0.000000e+00> : vector<10000xf32>
    %reduce_sum3A_24 = vector.multi_reduction <add>, %exp3A, %reduce_sum3A [1] : vector<10000x16xf32> to vector<10000xf32>
    %broadcast_in_dim3A_25 = vector.shape_cast %reduce_sum3A_24 : vector<10000xf32> to vector<10000x1xf32>
    %div3A = arith.constant 1.000000e+00 : f32
    %div3A_26 = vector.broadcast %div3A : f32 to vector<10000x1xf32>
    %div3A_27 = arith.divf %div3A_26, %broadcast_in_dim3A_25 : vector<10000x1xf32>
    %mul3A_28 = vector.broadcast %div3A_27 : vector<10000x1xf32> to vector<10000x16xf32>
    %mul3A_29 = arith.mulf %exp3A, %mul3A_28 : vector<10000x16xf32>
    %swap3A = arith.constant 0 : index
    %swap3A_30 = arith.constant 0 : index
    %swap3A_31 = vector.load %arg4[%swap3A, %swap3A_30] : memref<10000x16xf32, #tpu.memory_space<vmem>>, vector<10000x16xf32>
    tpu.vector_store %arg4[%swap3A, %swap3A_30], %mul3A_29 {strides = array<i32>} : memref<10000x16xf32, #tpu.memory_space<vmem>>, vector<10000x16xf32>,
    return
  }
}

</mosaic_0001>

<sc_bundles>
// kernel: kernel.12.cloned.1.call-start
scs
__scs_entry_jumppad:
0x0: {  	(pc) =	sbr.rel $0x88, $3  }
0x1: {  	(tag) =	ssettag $0x0;
	lr =	simm.s32 $0x1  }
0x2: {  	[smem:$0x3F9B] =	sst lr;
	_ =	strace $0xD0000000  }
0x3: {  	_ = 	snop  }
0x4: {  	_ = 	snop  }
0x5: {  	_ = 	snop  }
0x6: {  	_ = 	snop  }
0x7: {  	_ = 	snop  }
__scs_overlays_trampoline_lowered:
0x8: {  	[smem:$0x3FAA] =	sst s0  }
0x9: {  	[smem:$0x3FAB] =	sst s1  }
0xa: {  	[smem:$0x3FAC] =	sst s2  }
0xb: {  	[smem:$0x3FAD] =	sst s3  }
0xc: {  	[smem:$0x3FAE] =	sst s4  }
0xd: {  	[smem:$0x3FAF] =	sst s5  }
0xe: {  	[smem:$0x3FB0] =	sst s6  }
0xf: {  	[smem:$0x3FB1] =	sst s7  }
0x10: {  	[smem:$0x3FB2] =	sst s8  }
0x11: {  	[smem:$0x3FB3] =	sst s9;
	s0 =	simm.s32 @!p0 $0x0  }
0x12: {  	s1 =	sld [smem:$0x3F99];
	s0 =	simm.s32 @p0 $0x1  }
0x13: {  	[smem:$0x3FB4] =	sst s0;
	s0 =	simm.s32 @!p1 $0x0  }
0x14: {  	s2 =	sld [smem:$0x3F98];
	s0 =	simm.s32 @p1 $0x1  }
0x15: {  	[smem:$0x3FB5] =	sst s0;
	s0 =	simm.s32 @!p2 $0x0  }
0x16: {  	s3 =	sld [smem:$0x3FDB];
	s0 =	simm.s32 @p2 $0x1  }
0x17: {  	s4 =	simm.s32 $0x1BF5;
	[smem:$0x3FB7] =	sst s0  }
0x18: {  	s0 =	sld [smem:$0x3F9A];
	_ =	swait.ge [sflag:s4], $0x0  }
0x19: {  	s7 =	sld [smem:$0x3F9B]  }
0x1a: {  	s8 =	sadd.s32 $0xFFFFE003, lr  }
0x1b: {  	s9 =	sadd.s32 $0xFFFFFEF7, lr;
	s5 =	simm.s32 $0xFFFFFFFF;
	p2 =	slt.u32 s8, $0xFFFFF086  }
0x1c: {  	p1 =	slt.u32 s9, $0xF7A;
	s5 =	simm.s32 @!p2 $0x0  }
0x1d: {  	s5 =	simm.s32 @p1 $0x1;
	p0 =	seq.s32 s7, s2  }
0x1e: {  	s7 =	smul.u32 @!p0 $0xF7A, s2;
	p2 =	seq.s32 @!p0 s5, $0x0  }
0x1f: {  	s9 =	smul.u32 $0xF7A, s1;
	s8 =	simm.s32 @!p0 $0x1BF5;
	p2 =	por !p2, p0  }
0x20: {  	[sflag:s8] =	ssyncset.s32 @!p0 $0xFFFFF086;
	s6 =	sadd.s32 @!p0 s3, s7;
	s7 =	simm.s32 @!p0 $0x108  }
0x21: {  	s3 =	sadd.s32 s3, s9;
	s6 =	sadd.s32 @!p0 $0x88, s6;
	s7 =	simm.s32 @p2 $0x1082  }
0x22: {  	[simem:s7], [sflag:s8] =	dma.local @!p0 [hbm:s6], $0xF7A  }
0x23: {  	s9 =	sor.u32 $0xD0000000, s2;
	s6 =	simm.s32 $0x108;
	_ =	swait.ge @!p0 [sflag:s8], $0x0  }
0x24: {  	s3 =	sadd.s32 $0x88, s3;
	s6 =	simm.s32 @!p1 $0x1082;
	[sflag:s4] =	ssyncset.s32 $0xFFFFF086  }
0x25: {  	[simem:s6], [sflag:s4] =	dma.local [hbm:s3], $0xF7A  }
0x26: {  	[smem:$0x3F9B] =	sst s1;
	(tag) =	ssettag s2;
	_ =	strace s9  }
0x27: {  	s1 =	sld [smem:$0x3FAB]  }
0x28: {  	s2 =	sld [smem:$0x3FAC]  }
0x29: {  	s4 =	sld [smem:$0x3FAE]  }
0x2a: {  	p0 =	seq.s32 s5, $0x0;
	s5 =	sld [smem:$0x3FAF]  }
0x2b: {  	s6 =	sld [smem:$0x3FB0]  }
0x2c: {  	s7 =	sld [smem:$0x3FB1]  }
0x2d: {  	s3 =	simm.s32 $0x108;
	s8 =	sld [smem:$0x3FB2]  }
0x2e: {  	s3 =	simm.s32 @!p0 $0x1082;
	s9 =	sld [smem:$0x3FB3]  }
0x2f: {  	lr =	sadd.s32 s0, s3;
	s0 =	sld [smem:$0x3FAA]  }
0x30: {  	s3 =	sld [smem:$0x3FAD]  }
0x31: {  	[smem:$0x3FB6] =	sst s10  }
0x32: {  	s10 =	sld [smem:$0x3FB4];
	_ =	sdelay $0x3  }
0x33: {  	p0 =	seq.s32 s10, $0x1;
	s10 =	sld [smem:$0x3FB6];
	_ =	sdelay $0x3  }
0x34: {  	[smem:$0x3FB6] =	sst s10  }
0x35: {  	s10 =	sld [smem:$0x3FB5];
	_ =	sdelay $0x3  }
0x36: {  	p1 =	seq.s32 s10, $0x1;
	s10 =	sld [smem:$0x3FB6];
	_ =	sdelay $0x3  }
0x37: {  	[smem:$0x3FB6] =	sst s10  }
0x38: {  	s10 =	sld [smem:$0x3FB7]  }
0x39: {  	_ = 	snop;
	(pc) =	sbr.ind lr, $3  }
0x3a: {  	_ = 	snop  }
0x3b: {  	_ = 	snop  }
0x3c: {  	p2 =	seq.s32 s10, $0x1;
	s10 =	sld [smem:$0x3FB6]  }
0x3d: {  	_ =	shalt  }
0x3e: {  	_ =	shalt  }
0x3f: {  	_ =	shalt  }
0x40: {  	_ =	shalt  }
0x41: {  	_ =	shalt  }
0x42: {  	_ =	shalt  }
0x43: {  	_ =	shalt  }
0x44: {  	_ =	shalt  }
0x45: {  	_ =	shalt  }
0x46: {  	_ =	shalt  }
0x47: {  	_ =	shalt  }
0x48: {  	_ =	shalt  }
0x49: {  	_ =	shalt  }
0x4a: {  	_ =	shalt  }
0x4b: {  	_ =	shalt  }
0x4c: {  	_ =	shalt  }
0x4d: {  	_ =	shalt  }
0x4e: {  	_ =	shalt  }
0x4f: {  	_ =	shalt  }
0x50: {  	_ =	shalt  }
0x51: {  	_ =	shalt  }
0x52: {  	_ =	shalt  }
0x53: {  	_ =	shalt  }
0x54: {  	_ =	shalt  }
0x55: {  	_ =	shalt  }
0x56: {  	_ =	shalt  }
0x57: {  	_ =	shalt  }
0x58: {  	_ =	shalt  }
0x59: {  	_ =	shalt  }
0x5a: {  	_ =	shalt  }
0x5b: {  	_ =	shalt  }
0x5c: {  	_ =	shalt  }
0x5d: {  	_ =	shalt  }
0x5e: {  	_ =	shalt  }
0x5f: {  	_ =	shalt  }
0x60: {  	_ =	shalt  }
0x61: {  	_ =	shalt  }
0x62: {  	_ =	shalt  }
0x63: {  	_ =	shalt  }
0x64: {  	_ =	shalt  }
0x65: {  	_ =	shalt  }
0x66: {  	_ =	shalt  }
0x67: {  	_ =	shalt  }
0x68: {  	_ =	shalt  }
0x69: {  	_ =	shalt  }
0x6a: {  	_ =	shalt  }
0x6b: {  	_ =	shalt  }
0x6c: {  	_ =	shalt  }
0x6d: {  	_ =	shalt  }
0x6e: {  	_ =	shalt  }
0x6f: {  	_ =	shalt  }
0x70: {  	_ =	shalt  }
0x71: {  	_ =	shalt  }
0x72: {  	_ =	shalt  }
0x73: {  	_ =	shalt  }
0x74: {  	_ =	shalt  }
0x75: {  	_ =	shalt  }
0x76: {  	_ =	shalt  }
0x77: {  	_ =	shalt  }
0x78: {  	_ =	shalt  }
0x79: {  	_ =	shalt  }
0x7a: {  	_ =	shalt  }
0x7b: {  	_ =	shalt  }
0x7c: {  	_ =	shalt  }
0x7d: {  	_ =	shalt  }
0x7e: {  	_ =	shalt  }
0x7f: {  	_ =	shalt  }
0x80: {  	_ =	shalt  }
0x81: {  	_ =	shalt  }
0x82: {  	_ =	shalt  }
0x83: {  	_ =	shalt  }
0x84: {  	_ =	shalt  }
0x85: {  	_ =	shalt  }
0x86: {  	_ =	shalt  }
0x87: {  	_ =	shalt  }
.Lfunc_end0:
.L_simem_size_0:
called_computation.1_lowered:
.L_overlay_start_0:
0x88: {  	s2 =	sld [smem:$0x3FD9]  }
0x89: {  	s3 =	sld [smem:$0x3FFE];
	_ =	sdelay $0x1  }
0x8a: {  	s1 =	srdreg.scid  }
0x8b: {  	s0 =	sand.u32 $0x1, s1  }
0x8c: {  	s16 =	sshll.u32 s0, $0xA;
	s2 =	sadd.s32 s3, s2  }
0x8d: {  	s2 =	sadd.s32 s2, s16  }
0x8e: {  	[smem:$0x3FC2] =	sst s2  }
0x8f: {  	_ = 	snop  }
0x90: {  	(tm) =	ssettm $0x1  }
0x91: {  	s17 =	sld [smem:$0x3FFB];
	_ =	sdelay $0x3  }
0x92: {  	_ =	strace s17  }
0x93: {  	s2 =	sld [smem:$0x3FFC];
	_ =	sdelay $0x3  }
0x94: {  	_ =	strace s2  }
0x95: {  	s2 =	sld [smem:$0x3FFD];
	_ =	sdelay $0x3  }
0x96: {  	_ =	strace s2  }
0x97: {  	_ =	strace $0x8FFFFFFF  }
0x98: {  	s18 =	sld [smem:$0x3FDB];
	_ =	sdelay $0x1  }
0x99: {  	s19 =	simm.s32 $_scs_section_size  }
0x9a: {  	s4 =	simm.s32 $_size__tile_overlayer_lowered;
	s5 =	simm.s32 $_tile_overlayer_lowered  }
0x9b: {  	s22 =	simm.s32 $0x1BFF;
	s21 =	sshll.u32 s5, $0x1;
	s2 =	sadd.s32 s19, s18  }
0x9c: {  	s6 =	simm.s32 $0x0;
	s20 =	sshll.u32 s4, $0x1;
	s4 =	sadd.s32 s21, s2  }
0x9d: {  	[timem:s6], [sflag:s22] =	dma.local [hbm:s4], s20  }
0x9e: {  	_ =	swait.ge [sflag:s22], s20  }
0x9f: {  	s3 =	ssub.s32 $0x0, s20;
	[sflag:s22] =	ssyncset.done $0x0  }
0xa0: {  	[sflag:s22] =	ssyncadd.s32 s3;
	_ =	sdelay $0x1  }
0xa1: {  	s23 =	simm.s32 $0x1B8B  }
0xa2: {  	_ =	swait.ge [sflag:s23], $0x1  }
0xa3: {  	[sflag:s23] =	ssyncset.done $0x0  }
0xa4: {  	s25 =	simm.s32 $0x1B8E;
	s24 =	sld [smem:$0x3FFE];
	[sflag:s23] =	ssyncadd.s32 $0xFFFFFFFF  }
0xa5: {  	s26 =	simm.s32 $execute0_lowered;
	[smem:$0x3FD2] =	sst s25  }
0xa6: {  	s4 =	sshll.u32 s26, $0x1;
	_ =	strace $0x80000049;
	[dreg:$0x1] =	wrdreg $0xFFFFFFFF  }
0xa7: {  	s28 =	simm.s32 $_size_execute0_lowered;
	s2 =	sadd.s32 s2, s4;
	[dreg:$0x0] =	wrdreg $0x0  }
0xa8: {  	s4 =	sshll.u32 s28, $0x1;
	[dreg:$0x2] =	wrdreg s2  }
0xa9: {  	[dreg:$0x3] =	wrdreg s4  }
0xaa: {  	[dreg:$0x4] =	wrdreg $0xC0  }
0xab: {  	_ =	task [dreg:s6], $0x5FFFF  }
0xac: {  	[dreg:$0x1] =	wrdreg $0xFFFFFFFF  }
0xad: {  	[dreg:$0x0] =	wrdreg $0x60  }
0xae: {  	[dreg:$0x2] =	wrdreg s24  }
0xaf: {  	[dreg:$0x3] =	wrdreg $0xA8F00  }
0xb0: {  	[dreg:$0x4] =	wrdreg $0x9  }
0xb1: {  	_ =	task.clear_ibuf [dreg:s6], $0x5FFFF;
	_ =	strace $0x90000049  }
0xb2: {  	s29 =	simm.s32 $0x9;
	_ =	strace $0x8000004B  }
0xb3: {  	_ =	swait.ge [sflag:s29], $0x1  }
0xb4: {  	[sflag:s29] =	ssyncadd.s32 $0xFFFFFFFF  }
0xb5: {  	_ =	strace $0x9000004B  }
0xb6: {  	_ =	sfence  }
0xb7: {  	s30 =	sld [smem:$0x0];
	_ =	sdelay $0x2  }
0xb8: {  	s31 =	sshll.u32 s1, $0xD;
	s1 =	sshrl.u32 s1, $0x2  }
0xb9: {  	s3 =	sand.u32 $0x4000, s31;
	s1 =	sadd.s32 s1, s30  }
0xba: {  	s0 =	sor.u32 s3, s0;
	s1 =	sshll.u32 s1, $0x11  }
0xbb: {  	s0 =	sor.u32 s1, s0  }
0xbc: {  	s0 =	sadd.s32 $0x8F2B, s0  }
0xbd: {  	[sflag:s0] =	ssyncadd.remote.s32 $0x1  }
0xbe: {  	_ =	sfence.sel $0xFFFF  }
0xbf: {  	[dreg:$0x0] =	wrdreg $0xFFFFFFFF;
	(pc) =	sbr.abs _section_cstart, $3  }
0xc0: {  	[dreg:$0x1] =	wrdreg $0xFFFFFFFF  }
0xc1: {  	_ =	task.clear_ibuf [dreg:s6], $0x2FFFF;
	_ =	strace $0x9FFFFFFF  }
0xc2: {  	(tm) =	ssettm $0x7FFFFFFF  }
0xc3: {  	_ =	shalt  }
tec
execute0_lowered:
.L_overlay_start_1:
0x0: {  	(tag) =	ssettag $0x1  }
0x1: {  	s0 =	rddreg [dreg:$0x0]  }
0x2: {  	s1 =	rddreg [dreg:$0x1]  }
0x3: {  	s2 =	srdreg.scid;
	s11 =	stileid.u32  }
0x4: {  	s3 =	simm.s32 $0x0;
	s2 =	sand.u32 $0x1, s2;
	s18 =	smul.u32 $0x2710, s11  }
0x5: {  	[smem:$0x7FF] =	sst s3;
	s6 =	smul.u32 $0x28000, s2  }
0x6: {  	s4 =	sshll.u32 s2, $0x4;
	s7 =	ssub.s32 $0x2, s2;
	s2 =	smul.u32 $0x27100, s2  }
0x7: {  	s13 =	sadd.s32 $0x2000, s0;
	_ =	strace $0x8000004A;
	s5 =	sor.u32 s11, s4  }
0x8: {  	s8 =	sshrl.u32 s7, $0x1;
	s5 =	smul.u32 $0x2710, s5;
	s2 =	sadd.s32 s18, s2  }
0x9: {  	s4 =	sadd.s32 $0x15C00, s0;
	s26 =	ssub.s32 s7, s8;
	s7 =	sadd.s32 $0x190, s2  }
0xa: {  	s25 =	sadd.s32 $0x1E0, s2;
	s5 =	sshrl.u32 s5, $0x3;
	s7 =	sshrl.u32 s7, $0x3  }
0xb: {  	[dreg:$0x10] =	wrdreg s25;
	s10 =	sadd.s32 s5, s0;
	s12 =	sadd.s32 s13, s5  }
0xc: {  	s0 =	sadd.s32 s6, s0;
	s6 =	smax.u32 s26, $0x1;
	[dreg:$0x4] =	wrdreg s12  }
0xd: {  	s26 =	sadd.s32 s7, s13;
	[dreg:$0xa] =	wrdreg s6  }
0xe: {  	s14 =	smul.u32 $0x14000, s11;
	s8 =	sadd.s32 $0xBE00, s10;
	[dreg:$0x11] =	wrdreg s26  }
0xf: {  	s9 =	smul.u32 $0x50000, s11;
	s5 =	sadd.s32 $0xA, s12;
	[dreg:$0x3] =	wrdreg s8  }
0x10: {  	s19 =	sshrl.u32 s14, $0x3;
	s15 =	sadd.s32 $0x4C4, s12;
	[dreg:$0x6] =	wrdreg s5  }
0x11: {  	s23 =	sadd.s32 $0x230, s2;
	s16 =	sadd.s32 $0x4CE, s12;
	[dreg:$0x7] =	wrdreg s15  }
0x12: {  	s17 =	sadd.s32 $0x4D8, s12;
	s6 =	sshrl.u32 s23, $0x3;
	[dreg:$0x8] =	wrdreg s16  }
0x13: {  	s0 =	sadd.s32 $0x3CE00, s0;
	[dreg:$0x9] =	wrdreg s17;
	s6 =	sadd.s32 s6, s13  }
0x14: {  	s10 =	sshrl.u32 s9, $0x2;
	s0 =	sadd.s32 s19, s0;
	[dreg:$0xf] =	wrdreg s6  }
0x15: {  	s9 =	sadd.s32 s10, s1;
	[dreg:$0x12] =	wrdreg s0  }
0x16: {  	s20 =	sadd.s32 $0x800, s9;
	[dreg:$0x5] =	wrdreg s9  }
0x17: {  	s21 =	sadd.s32 $0x1000, s9;
	[dreg:$0xb] =	wrdreg s20  }
0x18: {  	s22 =	sadd.s32 $0x1800, s9;
	[dreg:$0xc] =	wrdreg s21  }
0x19: {  	s5 =	sadd.s32 s14, s1;
	s24 =	sadd.s32 $0x2000, s9;
	[dreg:$0xd] =	wrdreg s22  }
0x1a: {  	s11 =	sshrl.u32 s5, $0x3;
	[dreg:$0xe] =	wrdreg s24  }
0x1b: {  	s12 =	sadd.s32 $0x2800, s9;
	[dreg:$0x16] =	wrdreg s11  }
0x1c: {  	s14 =	sadd.s32 $0x3000, s9;
	[dreg:$0x17] =	wrdreg s12  }
0x1d: {  	s15 =	sadd.s32 $0x3800, s9;
	[dreg:$0x18] =	wrdreg s14  }
0x1e: {  	s16 =	sadd.s32 $0x4000, s9;
	[dreg:$0x19] =	wrdreg s15  }
0x1f: {  	s17 =	sadd.s32 $0x4800, s9;
	[dreg:$0x1a] =	wrdreg s16  }
0x20: {  	s18 =	sadd.s32 $0x5000, s9;
	[dreg:$0x1b] =	wrdreg s17  }
0x21: {  	s19 =	sadd.s32 $0x5800, s9;
	[dreg:$0x1c] =	wrdreg s18  }
0x22: {  	s7 =	sadd.s32 $0x140, s2;
	s23 =	sadd.s32 $0x7800, s9;
	[dreg:$0x1d] =	wrdreg s19  }
0x23: {  	s8 =	sadd.s32 $0xF0, s2;
	s25 =	sadd.s32 $0x8800, s9;
	[smem:$0x7E5] =	sst s23  }
0x24: {  	s2 =	sadd.s32 $0xA0, s2;
	s26 =	sadd.s32 $0x9000, s9;
	[smem:$0x7E7] =	sst s25  }
0x25: {  	s10 =	sshrl.u32 s2, $0x3;
	s2 =	sadd.s32 $0x9800, s9;
	[smem:$0x7E8] =	sst s26  }
0x26: {  	s5 =	sadd.s32 $0xA000, s9;
	[smem:$0x7E9] =	sst s2  }
0x27: {  	s6 =	sshrl.u32 s7, $0x3;
	s7 =	sadd.s32 $0xB000, s9;
	[smem:$0x7EA] =	sst s5  }
0x28: {  	s0 =	sshrl.u32 s8, $0x3;
	s8 =	sadd.s32 $0xB800, s9;
	[smem:$0x7EC] =	sst s7  }
0x29: {  	s6 =	sadd.s32 s6, s13;
	[smem:$0x7ED] =	sst s8  }
0x2a: {  	s0 =	sadd.s32 s0, s13;
	[dreg:$0x13] =	wrdreg s6  }
0x2b: {  	s20 =	sadd.s32 $0x6000, s9;
	[dreg:$0x14] =	wrdreg s0  }
0x2c: {  	s21 =	sadd.s32 $0x6800, s9;
	[dreg:$0x1e] =	wrdreg s20  }
0x2d: {  	s22 =	sadd.s32 $0x7000, s9;
	[dreg:$0x1f] =	wrdreg s21  }
0x2e: {  	s29 =	simm.s32 $0xA0;
	s24 =	sadd.s32 $0x8000, s9;
	[smem:$0x7E4] =	sst s22  }
0x2f: {  	s31 =	simm.s32 $0x190;
	s11 =	sadd.s32 $0xC800, s9;
	[smem:$0x7E6] =	sst s24  }
0x30: {  	s28 =	simm.s32 $0x5;
	s12 =	sadd.s32 $0xD000, s9;
	[smem:$0x7EF] =	sst s11  }
0x31: {  	s30 =	simm.s32 $0x9;
	s14 =	sadd.s32 $0xD800, s9;
	[smem:$0x7F0] =	sst s12  }
0x32: {  	s15 =	sadd.s32 $0xE000, s9;
	s16 =	sadd.s32 $0xE800, s9;
	[smem:$0x7F1] =	sst s14  }
0x33: {  	s17 =	sadd.s32 $0xF000, s9;
	s18 =	sadd.s32 $0xF800, s9;
	[smem:$0x7F2] =	sst s15  }
0x34: {  	s19 =	sadd.s32 $0x10000, s9;
	s23 =	sadd.s32 $0x12000, s9;
	[smem:$0x7F3] =	sst s16  }
0x35: {  	s25 =	sadd.s32 $0x13000, s9;
	s26 =	sadd.s32 $0x13800, s9;
	[smem:$0x7F4] =	sst s17  }
0x36: {  	s5 =	simm.s32 $0xE;
	s8 =	simm.s32 $0xD;
	[smem:$0x7F5] =	sst s18  }
0x37: {  	s7 =	simm.s32 $0x3;
	s2 =	simm.s32 $0x0;
	[smem:$0x7F6] =	sst s19  }
0x38: {  	s0 =	sadd.s32 s10, s13;
	s6 =	sadd.s32 $0xA800, s9;
	[smem:$0x7FA] =	sst s23  }
0x39: {  	s10 =	sadd.s32 $0xC000, s9;
	s20 =	sadd.s32 $0x10800, s9;
	[smem:$0x7FC] =	sst s25  }
0x3a: {  	s21 =	sadd.s32 $0x11000, s9;
	s22 =	sadd.s32 $0x11800, s9;
	[smem:$0x7FD] =	sst s26  }
0x3b: {  	s24 =	sadd.s32 $0x12800, s9;
	s26 =	simm.s32 $0x50;
	[dreg:$0x15] =	wrdreg s0  }
0x3c: {  	s9 =	simm.s32 $0x1;
	s12 =	simm.s32 $0xF0;
	[smem:$0x7EB] =	sst s6  }
0x3d: {  	s14 =	simm.s32 $0x2;
	s15 =	simm.s32 $0x50F0;
	[smem:$0x7EE] =	sst s10  }
0x3e: {  	s23 =	simm.s32 $0x140;
	s16 =	simm.s32 $0x78F0;
	[smem:$0x7F7] =	sst s20  }
0x3f: {  	s11 =	simm.s32 $0x7;
	s18 =	simm.s32 $0xA;
	[smem:$0x7F8] =	sst s21  }
0x40: {  	s19 =	simm.s32 $0x4;
	s25 =	simm.s32 $0xB;
	[smem:$0x7F9] =	sst s22  }
0x41: {  	v0 =	vimm.f32 $0.0e+00;
	[smem:$0x7FB] =	sst s24;
	s20 =	simm.s32 $0x28F0;
	s24 =	simm.s32 $0x8  }
.LBB2_1:
0x42: {  	[smem:$0x7E3] =	sst s2  }
0x43: {  	s0 =	rddreg [dreg:$0x3];
	s22 =	simm.s32 $0x1E0  }
0x44: {  	[tilespmem:s22], [sflag:$0xE] =	stream.linear.gather [hbm4b:s0+s3], $0x2710, $0x38;
	[tilespmem:$0x1E8F0] =	vst v63  }
0x45: {  	_ =	swait.ge [sflag:s5], $0x2710  }
0x46: {  	[sflag:s5] =	ssyncset.done $0x0  }
0x47: {  	s6 =	simm.s32 $0x200;
	[sflag:s5] =	ssyncadd.s32 $0xFFFFD8F0;
	s5 =	simm.s32 $0x0  }
.LBB2_2:
0x48: {  	p0 =	sne.s32 s6, $0x1E00;
	[tilespmem:s5+$0xA160] =	vst v0  }
0x49: {  	[tilespmem:s5+$0xA0F0] =	vst v0  }
0x4a: {  	[tilespmem:s5+$0xA100] =	vst v0  }
.Ltmp0:
0x4b: {  	[tilespmem:s5+$0xA110] =	vst v0;
	(pc) =	sbr.rel @p0 .LBB2_2-.Ltmp0, $4  }
0x4c: {  	[tilespmem:s5+$0xA120] =	vst v0  }
0x4d: {  	[tilespmem:s5+$0xA130] =	vst v0  }
0x4e: {  	[tilespmem:s5+$0xA140] =	vst v0  }
0x4f: {  	[tilespmem:s5+$0xA150] =	vst v0;
	s5 =	sshra.s32 s6, $0x2;
	s6 =	sadd.s32 $0x200, s6  }
0x50: {  	[tilespmem:s5+$0xA160] =	vst v0  }
0x51: {  	[tilespmem:s5+$0xA0F0] =	vst v0  }
0x52: {  	[tilespmem:s5+$0xA100] =	vst v0  }
0x53: {  	[tilespmem:s5+$0xA110] =	vst v0  }
0x54: {  	[tilespmem:s5+$0xA120] =	vst v0  }
0x55: {  	[tilespmem:s5+$0xA130] =	vst v0  }
0x56: {  	[tilespmem:s5+$0xA140] =	vst v0;
	s0 =	rddreg [dreg:$0x5]  }
0x57: {  	[tilespmem:s5+$0xA150] =	vst v0;
	s2 =	simm.s32 $0xA0F0;
	s17 =	rddreg [dreg:$0xb]  }
0x58: {  	[spmem:s0] =	stream.linear.scatter [tilespmem:s2], [sflag:$0xD], $0x800, $0x38;
	[tilespmem:$0x1E8F0] =	vst v63  }
0x59: {  	s21 =	rddreg [dreg:$0xc]  }
0x5a: {  	[spmem:s17] =	stream.linear.scatter [tilespmem:s2], [sflag:$0xD], $0x800, $0x38;
	[tilespmem:$0x1E8F0] =	vst v63  }
0x5b: {  	s22 =	rddreg [dreg:$0xd]  }
0x5c: {  	[spmem:s21] =	stream.linear.scatter [tilespmem:s2], [sflag:$0xD], $0x800, $0x38;
	[tilespmem:$0x1E8F0] =	vst v63  }
0x5d: {  	s5 =	rddreg [dreg:$0xe]  }
0x5e: {  	[spmem:s22] =	stream.linear.scatter [tilespmem:s2], [sflag:$0xD], $0x800, $0x38;
	[tilespmem:$0x1E8F0] =	vst v63  }
0x5f: {  	s6 =	rddreg [dreg:$0x17]  }
0x60: {  	[spmem:s5] =	stream.linear.scatter [tilespmem:s2], [sflag:$0xD], $0x800, $0x38;
	[tilespmem:$0x1E8F0] =	vst v63  }
0x61: {  	s10 =	rddreg [dreg:$0x18]  }
0x62: {  	[spmem:s6] =	stream.linear.scatter [tilespmem:s2], [sflag:$0xD], $0x800, $0x38;
	[tilespmem:$0x1E8F0] =	vst v63  }
0x63: {  	s17 =	rddreg [dreg:$0x19]  }
0x64: {  	[spmem:s10] =	stream.linear.scatter [tilespmem:s2], [sflag:$0xD], $0x800, $0x38;
	[tilespmem:$0x1E8F0] =	vst v63  }
0x65: {  	s21 =	rddreg [dreg:$0x1a]  }
0x66: {  	[spmem:s17] =	stream.linear.scatter [tilespmem:s2], [sflag:$0xD], $0x800, $0x38;
	[tilespmem:$0x1E8F0] =	vst v63  }
0x67: {  	s22 =	rddreg [dreg:$0x1b]  }
0x68: {  	[spmem:s21] =	stream.linear.scatter [tilespmem:s2], [sflag:$0xD], $0x800, $0x38;
	[tilespmem:$0x1E8F0] =	vst v63  }
0x69: {  	s5 =	rddreg [dreg:$0x1c]  }
0x6a: {  	[spmem:s22] =	stream.linear.scatter [tilespmem:s2], [sflag:$0xD], $0x800, $0x38;
	[tilespmem:$0x1E8F0] =	vst v63  }
0x6b: {  	s6 =	rddreg [dreg:$0x1d]  }
0x6c: {  	[spmem:s5] =	stream.linear.scatter [tilespmem:s2], [sflag:$0xD], $0x800, $0x38;
	[tilespmem:$0x1E8F0] =	vst v63  }
0x6d: {  	s10 =	rddreg [dreg:$0x1e]  }
0x6e: {  	[spmem:s6] =	stream.linear.scatter [tilespmem:s2], [sflag:$0xD], $0x800, $0x38;
	[tilespmem:$0x1E8F0] =	vst v63  }
0x6f: {  	s17 =	rddreg [dreg:$0x1f]  }
0x70: {  	[spmem:s10] =	stream.linear.scatter [tilespmem:s2], [sflag:$0xD], $0x800, $0x38;
	[tilespmem:$0x1E8F0] =	vst v63  }
0x71: {  	s21 =	sld [smem:$0x7E4]  }
0x72: {  	[spmem:s17] =	stream.linear.scatter [tilespmem:s2], [sflag:$0xD], $0x800, $0x38;
	[tilespmem:$0x1E8F0] =	vst v63  }
0x73: {  	s22 =	sld [smem:$0x7E5]  }
0x74: {  	[spmem:s21] =	stream.linear.scatter [tilespmem:s2], [sflag:$0xD], $0x800, $0x38;
	[tilespmem:$0x1E8F0] =	vst v63  }
0x75: {  	s5 =	sld [smem:$0x7E6]  }
0x76: {  	[spmem:s22] =	stream.linear.scatter [tilespmem:s2], [sflag:$0xD], $0x800, $0x38;
	[tilespmem:$0x1E8F0] =	vst v63  }
0x77: {  	s6 =	sld [smem:$0x7E7]  }
0x78: {  	[spmem:s5] =	stream.linear.scatter [tilespmem:s2], [sflag:$0xD], $0x800, $0x38;
	[tilespmem:$0x1E8F0] =	vst v63  }
0x79: {  	s10 =	sld [smem:$0x7E8]  }
0x7a: {  	[spmem:s6] =	stream.linear.scatter [tilespmem:s2], [sflag:$0xD], $0x800, $0x38;
	[tilespmem:$0x1E8F0] =	vst v63  }
0x7b: {  	s17 =	sld [smem:$0x7E9]  }
0x7c: {  	[spmem:s10] =	stream.linear.scatter [tilespmem:s2], [sflag:$0xD], $0x800, $0x38;
	[tilespmem:$0x1E8F0] =	vst v63  }
0x7d: {  	s21 =	sld [smem:$0x7EA]  }
0x7e: {  	[spmem:s17] =	stream.linear.scatter [tilespmem:s2], [sflag:$0xD], $0x800, $0x38;
	[tilespmem:$0x1E8F0] =	vst v63  }
0x7f: {  	s22 =	sld [smem:$0x7EB]  }
0x80: {  	[spmem:s21] =	stream.linear.scatter [tilespmem:s2], [sflag:$0xD], $0x800, $0x38;
	[tilespmem:$0x1E8F0] =	vst v63  }
0x81: {  	s5 =	sld [smem:$0x7EC]  }
0x82: {  	[spmem:s22] =	stream.linear.scatter [tilespmem:s2], [sflag:$0xD], $0x800, $0x38;
	[tilespmem:$0x1E8F0] =	vst v63  }
0x83: {  	s6 =	sld [smem:$0x7ED]  }
0x84: {  	[spmem:s5] =	stream.linear.scatter [tilespmem:s2], [sflag:$0xD], $0x800, $0x38;
	[tilespmem:$0x1E8F0] =	vst v63  }
0x85: {  	s10 =	sld [smem:$0x7EE]  }
0x86: {  	[spmem:s6] =	stream.linear.scatter [tilespmem:s2], [sflag:$0xD], $0x800, $0x38;
	[tilespmem:$0x1E8F0] =	vst v63  }
0x87: {  	s17 =	sld [smem:$0x7EF]  }
0x88: {  	[spmem:s10] =	stream.linear.scatter [tilespmem:s2], [sflag:$0xD], $0x800, $0x38;
	[tilespmem:$0x1E8F0] =	vst v63  }
0x89: {  	s21 =	sld [smem:$0x7F0]  }
0x8a: {  	[spmem:s17] =	stream.linear.scatter [tilespmem:s2], [sflag:$0xD], $0x800, $0x38;
	[tilespmem:$0x1E8F0] =	vst v63  }
0x8b: {  	s22 =	sld [smem:$0x7F1]  }
0x8c: {  	[spmem:s21] =	stream.linear.scatter [tilespmem:s2], [sflag:$0xD], $0x800, $0x38;
	[tilespmem:$0x1E8F0] =	vst v63  }
0x8d: {  	s5 =	sld [smem:$0x7F2]  }
0x8e: {  	[spmem:s22] =	stream.linear.scatter [tilespmem:s2], [sflag:$0xD], $0x800, $0x38;
	[tilespmem:$0x1E8F0] =	vst v63  }
0x8f: {  	s6 =	sld [smem:$0x7F3]  }
0x90: {  	[spmem:s5] =	stream.linear.scatter [tilespmem:s2], [sflag:$0xD], $0x800, $0x38;
	[tilespmem:$0x1E8F0] =	vst v63  }
0x91: {  	s10 =	sld [smem:$0x7F4]  }
0x92: {  	[spmem:s6] =	stream.linear.scatter [tilespmem:s2], [sflag:$0xD], $0x800, $0x38;
	[tilespmem:$0x1E8F0] =	vst v63  }
0x93: {  	s17 =	sld [smem:$0x7F5]  }
0x94: {  	[spmem:s10] =	stream.linear.scatter [tilespmem:s2], [sflag:$0xD], $0x800, $0x38;
	[tilespmem:$0x1E8F0] =	vst v63  }
0x95: {  	s21 =	sld [smem:$0x7F6]  }
0x96: {  	[spmem:s17] =	stream.linear.scatter [tilespmem:s2], [sflag:$0xD], $0x800, $0x38;
	[tilespmem:$0x1E8F0] =	vst v63  }
0x97: {  	s22 =	sld [smem:$0x7F7]  }
0x98: {  	[spmem:s21] =	stream.linear.scatter [tilespmem:s2], [sflag:$0xD], $0x800, $0x38;
	[tilespmem:$0x1E8F0] =	vst v63  }
0x99: {  	s5 =	sld [smem:$0x7F8]  }
0x9a: {  	[spmem:s22] =	stream.linear.scatter [tilespmem:s2], [sflag:$0xD], $0x800, $0x38;
	[tilespmem:$0x1E8F0] =	vst v63  }
0x9b: {  	s6 =	sld [smem:$0x7F9]  }
0x9c: {  	[spmem:s5] =	stream.linear.scatter [tilespmem:s2], [sflag:$0xD], $0x800, $0x38;
	[tilespmem:$0x1E8F0] =	vst v63  }
0x9d: {  	s10 =	sld [smem:$0x7FA]  }
0x9e: {  	[spmem:s6] =	stream.linear.scatter [tilespmem:s2], [sflag:$0xD], $0x800, $0x38;
	[tilespmem:$0x1E8F0] =	vst v63  }
0x9f: {  	s17 =	sld [smem:$0x7FB]  }
0xa0: {  	[spmem:s10] =	stream.linear.scatter [tilespmem:s2], [sflag:$0xD], $0x800, $0x38;
	[tilespmem:$0x1E8F0] =	vst v63  }
0xa1: {  	s21 =	sld [smem:$0x7FC]  }
0xa2: {  	[spmem:s17] =	stream.linear.scatter [tilespmem:s2], [sflag:$0xD], $0x800, $0x38;
	[tilespmem:$0x1E8F0] =	vst v63  }
0xa3: {  	s22 =	sld [smem:$0x7FD]  }
0xa4: {  	[spmem:s21] =	stream.linear.scatter [tilespmem:s2], [sflag:$0xD], $0x800, $0x38;
	[tilespmem:$0x1E8F0] =	vst v63  }
0xa5: {  	_ = 	snop  }
0xa6: {  	[spmem:s22] =	stream.linear.scatter [tilespmem:s2], [sflag:$0xD], $0x800, $0x38;
	[tilespmem:$0x1E8F0] =	vst v63  }
0xa7: {  	_ =	swait.ge [sflag:s8], $0x800  }
0xa8: {  	s5 =	simm.s32 $0x27;
	[sflag:s8] =	ssyncset.done $0x0  }
.LBB2_4:
0xa9: {  	p0 =	sne.s32 s5, $0x1;
	s5 =	sadd.s32 $0xFFFFFFFF, s5;
	[sflag:s8] =	ssyncadd.s32 $0xFFFFF800  }
.Ltmp1:
0xaa: {  	(pc) =	sbr.rel @p0 .LBB2_4-.Ltmp1, $3  }
0xab: {  	_ =	sdelay $0x1  }
0xac: {  	_ =	swait.ge [sflag:s8], $0x800  }
0xad: {  	[sflag:s8] =	ssyncset.done $0x0  }
0xae: {  	[sflag:s8] =	ssyncadd.s32 $0xFFFFF800  }
0xaf: {  	[bflag:$0x0] =	sbarrier.arrive $0xFFFF  }
0xb0: {  	s5 =	simm.s32 $0x0;
	p0 =	por $0x1, $0x1;
	s0 =	rddreg [dreg:$0x4]  }
0xb1: {  	[tilespmem:s5], [sflag:$0x1] =	stream.linear.gather [hbm4b:s0+s5], $0x50, $0x38;
	[tilespmem:$0x1E8F0] =	vst v63  }
0xb2: {  	s6 =	simm.s32 @!p0 $0xA;
	s10 =	rddreg [dreg:$0x6]  }
0xb3: {  	[tilespmem:s26], [sflag:$0x2] =	stream.linear.gather [hbm4b:s10+s5], $0x50, $0x38;
	[tilespmem:$0x1E8F0] =	vst v63  }
0xb4: {  	_ =	swait.ge @!p0 [sflag:s6], $0x2800  }
0xb5: {  	[sflag:s6] =	ssyncset.done @!p0 $0x0  }
0xb6: {  	s22 =	rddreg [dreg:$0x15];
	[sflag:s6] =	ssyncadd.s32 @!p0 $0xFFFFD800  }
0xb7: {  	[tilespmem:s29], [sflag:$0x3] =	stream.linear.gather [hbm4b:s22+s3], $0x50, $0x38;
	[tilespmem:$0x1E8F0] =	vst v63  }
0xb8: {  	_ =	swait.ge [sflag:s9], $0x50  }
0xb9: {  	[sflag:s9] =	ssyncset.done $0x0  }
0xba: {  	s6 =	simm.s32 @!p0 $0x8;
	[sflag:s9] =	ssyncadd.s32 $0xFFFFFFB0  }
0xbb: {  	[tilespmem:s20], [sflag:$0x7] =	stream.indirect.gather [hbm4b:s4+s26], $0x80, s3, s26, $0xb8;
	[tilespmem:$0x1E8F0] =	vst v63  }
0xbc: {  	_ =	swait.ge @!p0 [sflag:s6], $0x2800  }
0xbd: {  	s8 =	simm.s32 @!p0 $0xB;
	s17 =	simm.s32 @!p0 $0x50F0;
	[sflag:s6] =	ssyncset.done @!p0 $0x0  }
0xbe: {  	s21 =	simm.s32 @!p0 $0x50;
	[sflag:s6] =	ssyncadd.s32 @!p0 $0xFFFFD800;
	s6 =	simm.s32 @!p0 $0x140  }
0xbf: {  	[spmem:s1] =	stream.indirect.scatter.add.f32 @!p0 [tilespmem:s17], [sflag:$0xB], $0x80, s6, s21, $0xb8;
	[tilespmem:$0x1E8F0] =	vst v63  }
0xc0: {  	_ =	swait.ge @!p0 [sflag:s8], $0x2800  }
0xc1: {  	[sflag:s8] =	ssyncset.done @!p0 $0x0  }
0xc2: {  	s9 =	rddreg [dreg:$0x14];
	[sflag:s8] =	ssyncadd.s32 @!p0 $0xFFFFD800  }
0xc3: {  	[tilespmem:s12], [sflag:$0x4] =	stream.linear.gather [hbm4b:s9+s3], $0x50, $0x38;
	[tilespmem:$0x1E8F0] =	vst v63  }
0xc4: {  	_ =	swait.ge [sflag:s14], $0x50  }
0xc5: {  	[sflag:s14] =	ssyncset.done $0x0  }
0xc6: {  	s6 =	simm.s32 @!p0 $0x9;
	[sflag:s14] =	ssyncadd.s32 $0xFFFFFFB0  }
0xc7: {  	[tilespmem:s15], [sflag:$0x8] =	stream.indirect.gather [hbm4b:s4+s26], $0x80, s26, s26, $0xb8;
	[tilespmem:$0x1E8F0] =	vst v63  }
0xc8: {  	_ =	swait.ge @!p0 [sflag:s6], $0x2800  }
0xc9: {  	s17 =	simm.s32 @!p0 $0xC;
	[sflag:s6] =	ssyncset.done @!p0 $0x0  }
0xca: {  	s8 =	simm.s32 @!p0 $0x190;
	[sflag:s6] =	ssyncadd.s32 @!p0 $0xFFFFD800;
	s6 =	simm.s32 @!p0 $0x78F0  }
0xcb: {  	[spmem:s1] =	stream.indirect.scatter.add.f32 @!p0 [tilespmem:s6], [sflag:$0xC], $0x80, s8, s21, $0xb8;
	[tilespmem:$0x1E8F0] =	vst v63  }
0xcc: {  	_ =	swait.ge @!p0 [sflag:s17], $0x2800  }
0xcd: {  	[sflag:s17] =	ssyncset.done @!p0 $0x0  }
0xce: {  	s8 =	rddreg [dreg:$0x13];
	[sflag:s17] =	ssyncadd.s32 @!p0 $0xFFFFD800  }
0xcf: {  	[tilespmem:s23], [sflag:$0x5] =	stream.linear.gather [hbm4b:s8+s3], $0x50, $0x38;
	[tilespmem:$0x1E8F0] =	vst v63  }
0xd0: {  	_ =	swait.ge [sflag:s7], $0x50  }
0xd1: {  	[sflag:s7] =	ssyncset.done $0x0  }
0xd2: {  	[sflag:s7] =	ssyncadd.s32 $0xFFFFFFB0  }
0xd3: {  	[tilespmem:s16], [sflag:$0x9] =	stream.indirect.gather [hbm4b:s4+s26], $0x80, s29, s26, $0xb8;
	[tilespmem:$0x1E8F0] =	vst v63  }
0xd4: {  	s5 =	simm.s32 @p0 $0x0;
	_ =	swait.ge [sflag:s11], $0x2800  }
0xd5: {  	s5 =	sshra.s32 s5, $0x2;
	[sflag:s11] =	ssyncset.done $0x0  }
0xd6: {  	s14 =	sadd.s32 $0x1E0, s5;
	[sflag:s11] =	ssyncadd.s32 $0xFFFFD800  }
0xd7: {  	[spmem:s1] =	stream.indirect.scatter.add.f32 [tilespmem:s20], [sflag:$0xA], $0x80, s14, s26, $0xb8;
	[tilespmem:$0x1E8F0] =	vst v63  }
0xd8: {  	_ =	swait.ge [sflag:s18], $0x2800  }
0xd9: {  	[sflag:s18] =	ssyncset.done $0x0  }
0xda: {  	s17 =	rddreg [dreg:$0x11];
	[sflag:s18] =	ssyncadd.s32 $0xFFFFD800  }
0xdb: {  	[tilespmem:s31], [sflag:$0x6] =	stream.linear.gather [hbm4b:s17+s3], $0x50, $0x38;
	[tilespmem:$0x1E8F0] =	vst v63  }
0xdc: {  	_ =	swait.ge [sflag:s19], $0x50  }
0xdd: {  	[sflag:s19] =	ssyncset.done $0x0  }
0xde: {  	[sflag:s19] =	ssyncadd.s32 $0xFFFFFFB0  }
0xdf: {  	[tilespmem:s20], [sflag:$0x7] =	stream.indirect.gather [hbm4b:s4+s26], $0x80, s12, s26, $0xb8;
	[tilespmem:$0x1E8F0] =	vst v63  }
0xe0: {  	_ =	swait.ge [sflag:s24], $0x2800  }
0xe1: {  	[sflag:s24] =	ssyncset.done $0x0  }
0xe2: {  	s5 =	sadd.s32 $0x230, s5;
	[sflag:s24] =	ssyncadd.s32 $0xFFFFD800  }
0xe3: {  	[spmem:s1] =	stream.indirect.scatter.add.f32 [tilespmem:s15], [sflag:$0xB], $0x80, s5, s26, $0xb8;
	[tilespmem:$0x1E8F0] =	vst v63  }
0xe4: {  	_ =	swait.ge [sflag:s25], $0x2800  }
0xe5: {  	s2 =	rddreg [dreg:$0x10]  }
0xe6: {  	[sflag:s25] =	ssyncset.done $0x0;
	s10 =	sshrl.u32 s2, $0x3  }
0xe7: {  	[sflag:s25] =	ssyncadd.s32 $0xFFFFD800;
	s5 =	sadd.s32 s13, s10  }
0xe8: {  	[tilespmem:s3], [sflag:$0x1] =	stream.linear.gather [hbm4b:s5+s3], $0x50, $0x38;
	[tilespmem:$0x1E8F0] =	vst v63  }
0xe9: {  	_ =	swait.ge [sflag:s28], $0x50  }
0xea: {  	[sflag:s28] =	ssyncset.done $0x0  }
0xeb: {  	[sflag:s28] =	ssyncadd.s32 $0xFFFFFFB0  }
0xec: {  	[tilespmem:s15], [sflag:$0x8] =	stream.indirect.gather [hbm4b:s4+s26], $0x80, s23, s26, $0xb8;
	[tilespmem:$0x1E8F0] =	vst v63  }
0xed: {  	p1 =	por $0x0, $0x0;
	s21 =	sadd.s32 $0x3C, s9;
	_ =	swait.ge [sflag:s30], $0x2800  }
0xee: {  	s6 =	simm.s32 $0x2D0;
	s7 =	simm.s32 $0x3;
	[sflag:s30] =	ssyncset.done $0x0  }
0xef: {  	s14 =	simm.s32 $0xC;
	s12 =	simm.s32 $0x280;
	[sflag:s30] =	ssyncadd.s32 $0xFFFFD800  }
0xf0: {  	[spmem:s1] =	stream.indirect.scatter.add.f32 [tilespmem:s16], [sflag:$0xC], $0x80, s12, s26, $0xb8;
	[tilespmem:$0x1E8F0] =	vst v63  }
0xf1: {  	s18 =	simm.s32 $0x9;
	s17 =	sadd.s32 $0x3C, s17;
	_ =	swait.ge [sflag:s14], $0x2800  }
0xf2: {  	s19 =	simm.s32 $0x4;
	s20 =	simm.s32 $0x28F0;
	[sflag:s14] =	ssyncset.done $0x0  }
0xf3: {  	s23 =	simm.s32 $0x6;
	s15 =	rddreg [dreg:$0xf];
	[sflag:s14] =	ssyncadd.s32 $0xFFFFD800  }
0xf4: {  	[tilespmem:s26], [sflag:$0x2] =	stream.linear.gather [hbm4b:s15+s3], $0x50, $0x38;
	[tilespmem:$0x1E8F0] =	vst v63  }
0xf5: {  	s24 =	simm.s32 $0x6;
	s25 =	simm.s32 $0x780;
	_ =	swait.ge [sflag:s23], $0x50  }
0xf6: {  	s5 =	sadd.s32 $0x3C, s22;
	s22 =	sadd.s32 $0x3C, s8;
	[sflag:s23] =	ssyncset.done $0x0  }
0xf7: {  	s8 =	sadd.s32 $0x1E0, s2;
	s28 =	simm.s32 $0xF00;
	[sflag:s24] =	ssyncadd.s32 $0xFFFFFFB0  }
0xf8: {  	[tilespmem:s16], [sflag:$0x9] =	stream.indirect.gather [hbm4b:s4+s26], $0x80, s31, s26, $0xb8;
	[tilespmem:$0x1E8F0] =	vst v63  }
0xf9: {  	s30 =	simm.s32 $0x5;
	s14 =	simm.s32 $0x2;
	_ =	swait.ge [sflag:s11], $0x2800  }
0xfa: {  	s24 =	sadd.s32 $0x3C, s15;
	s16 =	simm.s32 $0x78F0;
	[sflag:s11] =	ssyncset.done $0x0  }
.LBB2_6:
0xfb: {  	s9 =	smov.u32 s13;
	s13 =	simm.s32 @!p1 $0xA;
	s23 =	smov.u32 s25  }
0xfc: {  	[sflag:s11] =	ssyncadd.s32 $0xFFFFD800;
	s31 =	smov.u32 s28;
	s23 =	simm.s32 @p1 $0x0  }
0xfd: {  	[spmem:s1] =	stream.indirect.scatter.add.f32 [tilespmem:s20], [sflag:$0xA], $0x80, s6, s26, $0xb8;
	[tilespmem:$0x1E8F0] =	vst v63  }
0xfe: {  	s28 =	sadd.s32 $0x780, s28;
	s6 =	sshra.s32 s23, $0x2;
	_ =	swait.ge @!p1 [sflag:s13], $0x2800  }
0xff: {  	p0 =	sne.s32 s28, $0x9600;
	[sflag:s13] =	ssyncset.done @!p1 $0x0  }
0x100: {  	s0 =	simm.s32 $0x1;
	[sflag:s13] =	ssyncadd.s32 @!p1 $0xFFFFD800  }
0x101: {  	[tilespmem:s29], [sflag:$0x3] =	stream.linear.gather [hbm4b:s5+s3], $0x50, $0x38;
	[tilespmem:$0x1E8F0] =	vst v63  }
0x102: {  	_ =	swait.ge [sflag:s0], $0x50  }
0x103: {  	[sflag:s0] =	ssyncset.done $0x0  }
0x104: {  	s13 =	simm.s32 @!p1 $0x8;
	[sflag:s0] =	ssyncadd.s32 $0xFFFFFFB0  }
0x105: {  	[tilespmem:s20], [sflag:$0x7] =	stream.indirect.gather [hbm4b:s4+s26], $0x80, s3, s26, $0xb8;
	[tilespmem:$0x1E8F0] =	vst v63  }
0x106: {  	s23 =	simm.s32 @!p1 $0xB;
	_ =	swait.ge @!p1 [sflag:s13], $0x2800  }
0x107: {  	s29 =	sshra.s32 @!p1 s25, $0x2;
	s0 =	simm.s32 @!p1 $0x50F0;
	[sflag:s13] =	ssyncset.done @!p1 $0x0  }
0x108: {  	s2 =	simm.s32 @!p1 $0x50;
	[sflag:s13] =	ssyncadd.s32 @!p1 $0xFFFFD800;
	s13 =	sadd.s32 @!p1 $0x140, s29  }
0x109: {  	[spmem:s1] =	stream.indirect.scatter.add.f32 @!p1 [tilespmem:s0], [sflag:$0xB], $0x80, s13, s2, $0xb8;
	[tilespmem:$0x1E8F0] =	vst v63  }
0x10a: {  	s0 =	sadd.s32 @!p1 $0x190, s29;
	s29 =	simm.s32 $0xA0;
	_ =	swait.ge @!p1 [sflag:s23], $0x2800  }
0x10b: {  	[sflag:s23] =	ssyncset.done @!p1 $0x0  }
0x10c: {  	s10 =	simm.s32 $0xF0;
	[sflag:s23] =	ssyncadd.s32 @!p1 $0xFFFFD800  }
0x10d: {  	[tilespmem:s10], [sflag:$0x4] =	stream.linear.gather [hbm4b:s21+s3], $0x50, $0x38;
	[tilespmem:$0x1E8F0] =	vst v63  }
0x10e: {  	_ =	swait.ge [sflag:s14], $0x50  }
0x10f: {  	[sflag:s14] =	ssyncset.done $0x0  }
0x110: {  	s12 =	simm.s32 $0x50F0;
	s13 =	simm.s32 @!p1 $0x9;
	[sflag:s14] =	ssyncadd.s32 $0xFFFFFFB0  }
0x111: {  	[tilespmem:s12], [sflag:$0x8] =	stream.indirect.gather [hbm4b:s4+s26], $0x80, s26, s26, $0xb8;
	[tilespmem:$0x1E8F0] =	vst v63  }
0x112: {  	_ =	swait.ge @!p1 [sflag:s13], $0x2800  }
0x113: {  	[sflag:s13] =	ssyncset.done @!p1 $0x0  }
0x114: {  	s23 =	simm.s32 @!p1 $0xC;
	[sflag:s13] =	ssyncadd.s32 @!p1 $0xFFFFD800;
	s13 =	simm.s32 @!p1 $0x78F0  }
0x115: {  	[spmem:s1] =	stream.indirect.scatter.add.f32 @!p1 [tilespmem:s13], [sflag:$0xC], $0x80, s0, s2, $0xb8;
	[tilespmem:$0x1E8F0] =	vst v63  }
0x116: {  	s13 =	smov.u32 s9;
	s9 =	simm.s32 $0x6  }
0x117: {  	_ =	swait.ge @!p1 [sflag:s23], $0x2800  }
0x118: {  	[sflag:s23] =	ssyncset.done @!p1 $0x0  }
0x119: {  	[sflag:s23] =	ssyncadd.s32 @!p1 $0xFFFFD800;
	s23 =	simm.s32 $0x140  }
0x11a: {  	[tilespmem:s23], [sflag:$0x5] =	stream.linear.gather [hbm4b:s22+s3], $0x50, $0x38;
	[tilespmem:$0x1E8F0] =	vst v63  }
0x11b: {  	_ =	swait.ge [sflag:s7], $0x50  }
0x11c: {  	[sflag:s7] =	ssyncset.done $0x0  }
0x11d: {  	[sflag:s7] =	ssyncadd.s32 $0xFFFFFFB0  }
0x11e: {  	[tilespmem:s16], [sflag:$0x9] =	stream.indirect.gather [hbm4b:s4+s26], $0x80, s29, s26, $0xb8;
	[tilespmem:$0x1E8F0] =	vst v63  }
0x11f: {  	_ =	swait.ge [sflag:s11], $0x2800  }
0x120: {  	[sflag:s11] =	ssyncset.done $0x0  }
0x121: {  	s0 =	sadd.s32 $0x1E0, s6;
	[sflag:s11] =	ssyncadd.s32 $0xFFFFD800  }
0x122: {  	[spmem:s1] =	stream.indirect.scatter.add.f32 [tilespmem:s20], [sflag:$0xA], $0x80, s0, s26, $0xb8;
	[tilespmem:$0x1E8F0] =	vst v63  }
0x123: {  	s0 =	simm.s32 $0xA  }
0x124: {  	_ =	swait.ge [sflag:s0], $0x2800  }
0x125: {  	[sflag:s0] =	ssyncset.done $0x0  }
0x126: {  	s15 =	simm.s32 $0x190;
	[sflag:s0] =	ssyncadd.s32 $0xFFFFD800  }
0x127: {  	[tilespmem:s15], [sflag:$0x6] =	stream.linear.gather [hbm4b:s17+s3], $0x50, $0x38;
	[tilespmem:$0x1E8F0] =	vst v63  }
0x128: {  	_ =	swait.ge [sflag:s19], $0x50  }
0x129: {  	[sflag:s19] =	ssyncset.done $0x0  }
0x12a: {  	s0 =	simm.s32 $0x8;
	[sflag:s19] =	ssyncadd.s32 $0xFFFFFFB0  }
0x12b: {  	[tilespmem:s20], [sflag:$0x7] =	stream.indirect.gather [hbm4b:s4+s26], $0x80, s10, s26, $0xb8;
	[tilespmem:$0x1E8F0] =	vst v63  }
0x12c: {  	_ =	swait.ge [sflag:s0], $0x2800  }
0x12d: {  	[sflag:s0] =	ssyncset.done $0x0  }
0x12e: {  	s2 =	simm.s32 $0xB;
	[sflag:s0] =	ssyncadd.s32 $0xFFFFD800;
	s0 =	sadd.s32 $0x230, s6  }
0x12f: {  	[spmem:s1] =	stream.indirect.scatter.add.f32 [tilespmem:s12], [sflag:$0xB], $0x80, s0, s26, $0xb8;
	[tilespmem:$0x1E8F0] =	vst v63  }
0x130: {  	_ =	swait.ge [sflag:s2], $0x2800  }
0x131: {  	s0 =	sshrl.u32 s8, $0x3;
	[sflag:s2] =	ssyncset.done $0x0  }
0x132: {  	s0 =	sadd.s32 s13, s0;
	[sflag:s2] =	ssyncadd.s32 $0xFFFFD800  }
0x133: {  	[tilespmem:s3], [sflag:$0x1] =	stream.linear.gather [hbm4b:s0+s3], $0x50, $0x38;
	[tilespmem:$0x1E8F0] =	vst v63  }
0x134: {  	_ =	swait.ge [sflag:s30], $0x50  }
0x135: {  	[sflag:s30] =	ssyncset.done $0x0  }
0x136: {  	[sflag:s30] =	ssyncadd.s32 $0xFFFFFFB0  }
0x137: {  	[tilespmem:s12], [sflag:$0x8] =	stream.indirect.gather [hbm4b:s4+s26], $0x80, s23, s26, $0xb8;
	[tilespmem:$0x1E8F0] =	vst v63  }
0x138: {  	_ =	swait.ge [sflag:s18], $0x2800  }
0x139: {  	s0 =	sshra.s32 s25, $0x2;
	s25 =	smov.u32 s31;
	[sflag:s18] =	ssyncset.done $0x0  }
0x13a: {  	s2 =	sadd.s32 $0x280, s0;
	[sflag:s18] =	ssyncadd.s32 $0xFFFFD800  }
0x13b: {  	[spmem:s1] =	stream.indirect.scatter.add.f32 [tilespmem:s16], [sflag:$0xC], $0x80, s2, s26, $0xb8;
	[tilespmem:$0x1E8F0] =	vst v63  }
0x13c: {  	s2 =	simm.s32 $0xC  }
0x13d: {  	_ =	swait.ge [sflag:s2], $0x2800  }
0x13e: {  	[sflag:s2] =	ssyncset.done $0x0  }
0x13f: {  	[sflag:s2] =	ssyncadd.s32 $0xFFFFD800  }
0x140: {  	[tilespmem:s26], [sflag:$0x2] =	stream.linear.gather [hbm4b:s24+s3], $0x50, $0x38;
	[tilespmem:$0x1E8F0] =	vst v63  }
0x141: {  	s5 =	sadd.s32 $0x3C, s5;
	_ =	swait.ge [sflag:s9], $0x50  }
.Ltmp2:
0x142: {  	s21 =	sadd.s32 $0x3C, s21;
	[sflag:s9] =	ssyncset.done $0x0;
	(pc) =	sbr.rel @p0 .LBB2_6-.Ltmp2, $4  }
0x143: {  	s22 =	sadd.s32 $0x3C, s22;
	s17 =	sadd.s32 $0x3C, s17;
	[sflag:s9] =	ssyncadd.s32 $0xFFFFFFB0  }
0x144: {  	[tilespmem:s16], [sflag:$0x9] =	stream.indirect.gather [hbm4b:s4+s26], $0x80, s15, s26, $0xb8;
	[tilespmem:$0x1E8F0] =	vst v63  }
0x145: {  	s8 =	sadd.s32 $0x1E0, s8;
	s24 =	sadd.s32 $0x3C, s24;
	_ =	swait.ge [sflag:s11], $0x2800  }
0x146: {  	p1 =	seq.s32 s25, $0x0;
	s6 =	sadd.s32 $0x2D0, s0;
	[sflag:s11] =	ssyncset.done $0x0  }
0x147: {  	s0 =	simm.s32 @!p1 $0xA;
	[sflag:s11] =	ssyncadd.s32 $0xFFFFD800  }
0x148: {  	[spmem:s1] =	stream.indirect.scatter.add.f32 [tilespmem:s20], [sflag:$0xA], $0x80, s6, s26, $0xb8;
	[tilespmem:$0x1E8F0] =	vst v63  }
0x149: {  	_ =	swait.ge @!p1 [sflag:s0], $0x2800  }
0x14a: {  	[sflag:s0] =	ssyncset.done @!p1 $0x0  }
0x14b: {  	s10 =	simm.s32 $0x1;
	[sflag:s0] =	ssyncadd.s32 @!p1 $0xFFFFD800  }
0x14c: {  	[tilespmem:s29], [sflag:$0x3] =	stream.linear.gather [hbm4b:s5+s3], $0x50, $0x38;
	[tilespmem:$0x1E8F0] =	vst v63  }
0x14d: {  	_ =	swait.ge [sflag:s10], $0x50  }
0x14e: {  	[sflag:s10] =	ssyncset.done $0x0  }
0x14f: {  	s0 =	simm.s32 @!p1 $0x8;
	[sflag:s10] =	ssyncadd.s32 $0xFFFFFFB0  }
0x150: {  	[tilespmem:s20], [sflag:$0x7] =	stream.indirect.gather [hbm4b:s4+s26], $0x80, s3, s26, $0xb8;
	[tilespmem:$0x1E8F0] =	vst v63  }
0x151: {  	_ =	swait.ge @!p1 [sflag:s0], $0x2800  }
0x152: {  	s2 =	sshra.s32 @!p1 s25, $0x2;
	s6 =	simm.s32 @!p1 $0x50;
	[sflag:s0] =	ssyncset.done @!p1 $0x0  }
0x153: {  	s5 =	simm.s32 @!p1 $0x50F0;
	[sflag:s0] =	ssyncadd.s32 @!p1 $0xFFFFD800;
	s0 =	sadd.s32 @!p1 $0x140, s2  }
0x154: {  	[spmem:s1] =	stream.indirect.scatter.add.f32 @!p1 [tilespmem:s5], [sflag:$0xB], $0x80, s0, s6, $0xb8;
	[tilespmem:$0x1E8F0] =	vst v63  }
0x155: {  	s0 =	simm.s32 @!p1 $0xB  }
0x156: {  	_ =	swait.ge @!p1 [sflag:s0], $0x2800  }
0x157: {  	[sflag:s0] =	ssyncset.done @!p1 $0x0  }
0x158: {  	s28 =	simm.s32 $0xF0;
	[sflag:s0] =	ssyncadd.s32 @!p1 $0xFFFFD800  }
0x159: {  	[tilespmem:s28], [sflag:$0x4] =	stream.linear.gather [hbm4b:s21+s3], $0x50, $0x38;
	[tilespmem:$0x1E8F0] =	vst v63  }
0x15a: {  	_ =	swait.ge [sflag:s14], $0x50  }
0x15b: {  	[sflag:s14] =	ssyncset.done $0x0  }
0x15c: {  	s0 =	simm.s32 @!p1 $0x9;
	s21 =	simm.s32 $0x50F0;
	[sflag:s14] =	ssyncadd.s32 $0xFFFFFFB0  }
0x15d: {  	[tilespmem:s21], [sflag:$0x8] =	stream.indirect.gather [hbm4b:s4+s26], $0x80, s26, s26, $0xb8;
	[tilespmem:$0x1E8F0] =	vst v63  }
0x15e: {  	_ =	swait.ge @!p1 [sflag:s0], $0x2800  }
0x15f: {  	[sflag:s0] =	ssyncset.done @!p1 $0x0  }
0x160: {  	s2 =	sadd.s32 @!p1 $0x190, s2;
	[sflag:s0] =	ssyncadd.s32 @!p1 $0xFFFFD800;
	s0 =	simm.s32 @!p1 $0x78F0  }
0x161: {  	[spmem:s1] =	stream.indirect.scatter.add.f32 @!p1 [tilespmem:s0], [sflag:$0xC], $0x80, s2, s6, $0xb8;
	[tilespmem:$0x1E8F0] =	vst v63  }
0x162: {  	s0 =	simm.s32 @!p1 $0xC  }
0x163: {  	_ =	swait.ge @!p1 [sflag:s0], $0x2800  }
0x164: {  	[sflag:s0] =	ssyncset.done @!p1 $0x0  }
0x165: {  	[sflag:s0] =	ssyncadd.s32 @!p1 $0xFFFFD800  }
0x166: {  	[tilespmem:s23], [sflag:$0x5] =	stream.linear.gather [hbm4b:s22+s3], $0x50, $0x38;
	[tilespmem:$0x1E8F0] =	vst v63  }
0x167: {  	_ =	swait.ge [sflag:s7], $0x50  }
0x168: {  	[sflag:s7] =	ssyncset.done $0x0  }
0x169: {  	s0 =	smov.u32 s25;
	[sflag:s7] =	ssyncadd.s32 $0xFFFFFFB0  }
0x16a: {  	[tilespmem:s16], [sflag:$0x9] =	stream.indirect.gather [hbm4b:s4+s26], $0x80, s29, s26, $0xb8;
	[tilespmem:$0x1E8F0] =	vst v63  }
0x16b: {  	s0 =	simm.s32 @p1 $0x0;
	_ =	swait.ge [sflag:s11], $0x2800  }
0x16c: {  	s0 =	sshra.s32 s0, $0x2;
	[sflag:s11] =	ssyncset.done $0x0  }
0x16d: {  	s6 =	simm.s32 $0xA;
	s22 =	sadd.s32 $0x1E0, s0;
	[sflag:s11] =	ssyncadd.s32 $0xFFFFD800  }
0x16e: {  	[spmem:s1] =	stream.indirect.scatter.add.f32 [tilespmem:s20], [sflag:$0xA], $0x80, s22, s26, $0xb8;
	[tilespmem:$0x1E8F0] =	vst v63  }
0x16f: {  	_ =	swait.ge [sflag:s6], $0x2800  }
0x170: {  	[sflag:s6] =	ssyncset.done $0x0  }
0x171: {  	s15 =	simm.s32 $0x190;
	[sflag:s6] =	ssyncadd.s32 $0xFFFFD800  }
0x172: {  	[tilespmem:s15], [sflag:$0x6] =	stream.linear.gather [hbm4b:s17+s3], $0x50, $0x38;
	[tilespmem:$0x1E8F0] =	vst v63  }
0x173: {  	_ =	swait.ge [sflag:s19], $0x50  }
0x174: {  	[sflag:s19] =	ssyncset.done $0x0  }
0x175: {  	s12 =	simm.s32 $0x8;
	[sflag:s19] =	ssyncadd.s32 $0xFFFFFFB0  }
0x176: {  	[tilespmem:s20], [sflag:$0x7] =	stream.indirect.gather [hbm4b:s4+s26], $0x80, s28, s26, $0xb8;
	[tilespmem:$0x1E8F0] =	vst v63  }
0x177: {  	_ =	swait.ge [sflag:s12], $0x2800  }
0x178: {  	[sflag:s12] =	ssyncset.done $0x0  }
0x179: {  	s5 =	simm.s32 $0xB;
	s0 =	sadd.s32 $0x230, s0;
	[sflag:s12] =	ssyncadd.s32 $0xFFFFD800  }
0x17a: {  	[spmem:s1] =	stream.indirect.scatter.add.f32 [tilespmem:s21], [sflag:$0xB], $0x80, s0, s26, $0xb8;
	[tilespmem:$0x1E8F0] =	vst v63  }
0x17b: {  	_ =	swait.ge [sflag:s5], $0x2800  }
0x17c: {  	s2 =	sshrl.u32 s8, $0x3;
	[sflag:s5] =	ssyncset.done $0x0  }
0x17d: {  	s0 =	sadd.s32 s13, s2;
	[sflag:s5] =	ssyncadd.s32 $0xFFFFD800  }
0x17e: {  	[tilespmem:s3], [sflag:$0x1] =	stream.linear.gather [hbm4b:s0+s3], $0x50, $0x38;
	[tilespmem:$0x1E8F0] =	vst v63  }
0x17f: {  	_ =	swait.ge [sflag:s30], $0x50  }
0x180: {  	[sflag:s30] =	ssyncset.done $0x0  }
0x181: {  	[sflag:s30] =	ssyncadd.s32 $0xFFFFFFB0  }
0x182: {  	[tilespmem:s21], [sflag:$0x8] =	stream.indirect.gather [hbm4b:s4+s26], $0x80, s23, s26, $0xb8;
	[tilespmem:$0x1E8F0] =	vst v63  }
0x183: {  	_ =	swait.ge [sflag:s18], $0x2800  }
0x184: {  	s8 =	sshra.s32 s25, $0x2;
	[sflag:s18] =	ssyncset.done $0x0  }
0x185: {  	s22 =	simm.s32 $0xC;
	s17 =	sadd.s32 $0x280, s8;
	[sflag:s18] =	ssyncadd.s32 $0xFFFFD800  }
0x186: {  	[spmem:s1] =	stream.indirect.scatter.add.f32 [tilespmem:s16], [sflag:$0xC], $0x80, s17, s26, $0xb8;
	[tilespmem:$0x1E8F0] =	vst v63  }
0x187: {  	_ =	swait.ge [sflag:s22], $0x2800  }
0x188: {  	[sflag:s22] =	ssyncset.done $0x0  }
0x189: {  	[sflag:s22] =	ssyncadd.s32 $0xFFFFD800  }
0x18a: {  	[tilespmem:s26], [sflag:$0x2] =	stream.linear.gather [hbm4b:s24+s3], $0x50, $0x38;
	[tilespmem:$0x1E8F0] =	vst v63  }
0x18b: {  	_ =	swait.ge [sflag:s9], $0x50  }
0x18c: {  	[sflag:s9] =	ssyncset.done $0x0  }
0x18d: {  	[sflag:s9] =	ssyncadd.s32 $0xFFFFFFB0  }
0x18e: {  	[tilespmem:s16], [sflag:$0x9] =	stream.indirect.gather [hbm4b:s4+s26], $0x80, s15, s26, $0xb8;
	[tilespmem:$0x1E8F0] =	vst v63  }
0x18f: {  	_ =	swait.ge [sflag:s11], $0x2800  }
0x190: {  	[sflag:s11] =	ssyncset.done $0x0  }
0x191: {  	s0 =	sadd.s32 $0x2D0, s8;
	[sflag:s11] =	ssyncadd.s32 $0xFFFFD800  }
0x192: {  	[spmem:s1] =	stream.indirect.scatter.add.f32 [tilespmem:s20], [sflag:$0xA], $0x80, s0, s26, $0xb8;
	[tilespmem:$0x1E8F0] =	vst v63  }
0x193: {  	_ =	swait.ge [sflag:s6], $0x2800  }
0x194: {  	[sflag:s6] =	ssyncset.done $0x0  }
0x195: {  	s24 =	rddreg [dreg:$0x7];
	[sflag:s6] =	ssyncadd.s32 $0xFFFFD800  }
0x196: {  	[tilespmem:s29], [sflag:$0x3] =	stream.linear.gather [hbm4b:s24+s3], $0x50, $0x38;
	[tilespmem:$0x1E8F0] =	vst v63  }
0x197: {  	_ =	swait.ge [sflag:s10], $0x50  }
0x198: {  	[sflag:s10] =	ssyncset.done $0x0  }
0x199: {  	[sflag:s10] =	ssyncadd.s32 $0xFFFFFFB0  }
0x19a: {  	[tilespmem:s20], [sflag:$0x7] =	stream.indirect.gather [hbm4b:s4+s26], $0x80, s3, s26, $0xb8;
	[tilespmem:$0x1E8F0] =	vst v63  }
0x19b: {  	_ =	swait.ge [sflag:s12], $0x2800  }
0x19c: {  	[sflag:s12] =	ssyncset.done $0x0  }
0x19d: {  	s25 =	simm.s32 $0x26C0;
	[sflag:s12] =	ssyncadd.s32 $0xFFFFD800  }
0x19e: {  	[spmem:s1] =	stream.indirect.scatter.add.f32 [tilespmem:s21], [sflag:$0xB], $0x80, s25, s26, $0xb8;
	[tilespmem:$0x1E8F0] =	vst v63  }
0x19f: {  	_ =	swait.ge [sflag:s5], $0x2800  }
0x1a0: {  	[sflag:s5] =	ssyncset.done $0x0  }
0x1a1: {  	s8 =	rddreg [dreg:$0x8];
	[sflag:s5] =	ssyncadd.s32 $0xFFFFD800  }
0x1a2: {  	[tilespmem:s28], [sflag:$0x4] =	stream.linear.gather [hbm4b:s8+s3], $0x50, $0x38;
	[tilespmem:$0x1E8F0] =	vst v63  }
0x1a3: {  	_ =	swait.ge [sflag:s14], $0x50  }
0x1a4: {  	[sflag:s14] =	ssyncset.done $0x0  }
0x1a5: {  	[sflag:s14] =	ssyncadd.s32 $0xFFFFFFB0  }
0x1a6: {  	[tilespmem:s21], [sflag:$0x8] =	stream.indirect.gather [hbm4b:s4+s26], $0x80, s26, s26, $0xb8;
	[tilespmem:$0x1E8F0] =	vst v63  }
0x1a7: {  	_ =	swait.ge [sflag:s18], $0x2800  }
0x1a8: {  	[sflag:s18] =	ssyncset.done $0x0  }
0x1a9: {  	s9 =	simm.s32 $0x2710;
	[sflag:s18] =	ssyncadd.s32 $0xFFFFD800  }
0x1aa: {  	[spmem:s1] =	stream.indirect.scatter.add.f32 [tilespmem:s16], [sflag:$0xC], $0x80, s9, s26, $0xb8;
	[tilespmem:$0x1E8F0] =	vst v63  }
0x1ab: {  	_ =	swait.ge [sflag:s22], $0x2800  }
0x1ac: {  	[sflag:s22] =	ssyncset.done $0x0  }
0x1ad: {  	s10 =	rddreg [dreg:$0x9];
	[sflag:s22] =	ssyncadd.s32 $0xFFFFD800  }
0x1ae: {  	[tilespmem:s23], [sflag:$0x5] =	stream.linear.gather [hbm4b:s10+s3], $0x50, $0x38;
	[tilespmem:$0x1E8F0] =	vst v63  }
0x1af: {  	_ =	swait.ge [sflag:s7], $0x50  }
0x1b0: {  	[sflag:s7] =	ssyncset.done $0x0  }
0x1b1: {  	[sflag:s7] =	ssyncadd.s32 $0xFFFFFFB0  }
0x1b2: {  	[tilespmem:s16], [sflag:$0x9] =	stream.indirect.gather [hbm4b:s4+s26], $0x80, s29, s26, $0xb8;
	[tilespmem:$0x1E8F0] =	vst v63  }
0x1b3: {  	_ =	swait.ge [sflag:s11], $0x2800  }
0x1b4: {  	[sflag:s11] =	ssyncset.done $0x0  }
0x1b5: {  	s14 =	simm.s32 $0x2760;
	[sflag:s11] =	ssyncadd.s32 $0xFFFFD800  }
0x1b6: {  	[spmem:s1] =	stream.indirect.scatter.add.f32 [tilespmem:s20], [sflag:$0xA], $0x80, s14, s26, $0xb8;
	[tilespmem:$0x1E8F0] =	vst v63  }
0x1b7: {  	_ =	swait.ge [sflag:s6], $0x2800  }
0x1b8: {  	[sflag:s6] =	ssyncset.done $0x0  }
0x1b9: {  	[sflag:s6] =	ssyncadd.s32 $0xFFFFD800  }
0x1ba: {  	_ =	swait.ge [sflag:s19], $0x50  }
0x1bb: {  	[sflag:s19] =	ssyncset.done $0x0  }
0x1bc: {  	[sflag:s19] =	ssyncadd.s32 $0xFFFFFFB0  }
0x1bd: {  	[tilespmem:s20], [sflag:$0x7] =	stream.indirect.gather [hbm4b:s4+s26], $0x80, s28, s26, $0xb8;
	[tilespmem:$0x1E8F0] =	vst v63  }
0x1be: {  	_ =	swait.ge [sflag:s12], $0x2800  }
0x1bf: {  	[sflag:s12] =	ssyncset.done $0x0  }
0x1c0: {  	s15 =	simm.s32 $0x27B0;
	[sflag:s12] =	ssyncadd.s32 $0xFFFFD800  }
0x1c1: {  	[spmem:s1] =	stream.indirect.scatter.add.f32 [tilespmem:s21], [sflag:$0xB], $0x80, s15, s26, $0xb8;
	[tilespmem:$0x1E8F0] =	vst v63  }
0x1c2: {  	_ =	swait.ge [sflag:s5], $0x2800  }
0x1c3: {  	[sflag:s5] =	ssyncset.done $0x0  }
0x1c4: {  	[sflag:s5] =	ssyncadd.s32 $0xFFFFD800  }
0x1c5: {  	_ =	swait.ge [sflag:s30], $0x50  }
0x1c6: {  	[sflag:s30] =	ssyncset.done $0x0  }
0x1c7: {  	[sflag:s30] =	ssyncadd.s32 $0xFFFFFFB0  }
0x1c8: {  	[tilespmem:s21], [sflag:$0x8] =	stream.indirect.gather [hbm4b:s4+s26], $0x80, s23, s26, $0xb8;
	[tilespmem:$0x1E8F0] =	vst v63  }
0x1c9: {  	_ =	swait.ge [sflag:s18], $0x2800  }
0x1ca: {  	[sflag:s18] =	ssyncset.done $0x0  }
0x1cb: {  	s17 =	simm.s32 $0x2800;
	[sflag:s18] =	ssyncadd.s32 $0xFFFFD800  }
0x1cc: {  	[spmem:s1] =	stream.indirect.scatter.add.f32 [tilespmem:s16], [sflag:$0xC], $0x80, s17, s26, $0xb8;
	[tilespmem:$0x1E8F0] =	vst v63  }
0x1cd: {  	_ =	swait.ge [sflag:s11], $0x2800  }
0x1ce: {  	[sflag:s11] =	ssyncset.done $0x0  }
0x1cf: {  	s18 =	simm.s32 $0x2850;
	[sflag:s11] =	ssyncadd.s32 $0xFFFFD800  }
0x1d0: {  	[spmem:s1] =	stream.indirect.scatter.add.f32 [tilespmem:s20], [sflag:$0xA], $0x80, s18, s26, $0xb8;
	[tilespmem:$0x1E8F0] =	vst v63  }
0x1d1: {  	_ =	swait.ge [sflag:s12], $0x2800  }
0x1d2: {  	[sflag:s12] =	ssyncset.done $0x0  }
0x1d3: {  	s19 =	simm.s32 $0x28A0;
	[sflag:s12] =	ssyncadd.s32 $0xFFFFD800  }
0x1d4: {  	[spmem:s1] =	stream.indirect.scatter.add.f32 [tilespmem:s21], [sflag:$0xB], $0x80, s19, s26, $0xb8;
	[tilespmem:$0x1E8F0] =	vst v63  }
0x1d5: {  	_ =	swait.ge [sflag:s22], $0x2800  }
0x1d6: {  	[sflag:s22] =	ssyncset.done $0x0  }
0x1d7: {  	[sflag:s22] =	ssyncadd.s32 $0xFFFFD800  }
0x1d8: {  	_ =	swait.ge [sflag:s6], $0x2800  }
0x1d9: {  	[sflag:s6] =	ssyncset.done $0x0  }
0x1da: {  	[sflag:s6] =	ssyncadd.s32 $0xFFFFD800  }
0x1db: {  	_ =	swait.ge [sflag:s5], $0x2800  }
0x1dc: {  	[sflag:s5] =	ssyncset.done $0x0  }
0x1dd: {  	[sflag:s5] =	ssyncadd.s32 $0xFFFFD800  }
0x1de: {  	s20 =	stileid.u32;
	[bflag:$0x0] =	sbarrier.arrive $0xFFFF  }
0x1df: {  	s0 =	sshll.u32 s20, $0x6;
	s21 =	rddreg [dreg:$0x12]  }
0x1e0: {  	s0 =	sor.u32 $0x1C0E, s0;
	s5 =	simm.s32 $0xE;
	s22 =	rddreg [dreg:$0x16]  }
0x1e1: {  	[hbm:s21], [sflag:s0] =	dma.local [spmem:s22], $0x2800  }
0x1e2: {  	_ =	swait.ge [sflag:s5], $0x2800  }
0x1e3: {  	s24 =	sld [smem:$0x7E3];
	_ =	sdelay $0x2  }
0x1e4: {  	s31 =	simm.s32 $0x190;
	s25 =	rddreg [dreg:$0xa];
	s2 =	sadd.s32 $0x1, s24  }
0x1e5: {  	s8 =	simm.s32 $0xD;
	s9 =	simm.s32 $0x1;
	p0 =	sne.s32 s2, s25  }
.Ltmp3:
0x1e6: {  	s7 =	simm.s32 $0x3;
	s14 =	simm.s32 $0x2;
	(pc) =	sbr.rel @p0 .LBB2_1-.Ltmp3, $4  }
0x1e7: {  	s28 =	simm.s32 $0x5;
	s15 =	simm.s32 $0x50F0;
	s30 =	simm.s32 $0x9  }
0x1e8: {  	s16 =	simm.s32 $0x78F0;
	s18 =	simm.s32 $0xA;
	s20 =	simm.s32 $0x28F0  }
0x1e9: {  	s12 =	simm.s32 $0xF0;
	s19 =	simm.s32 $0x4;
	[sflag:s5] =	ssyncset.done $0x0  }
0x1ea: {  	[sflag:s5] =	ssyncadd.s32 $0xFFFFD800;
	s24 =	simm.s32 $0x8;
	s25 =	simm.s32 $0xB  }
0x1eb: {  	_ =	sfence.sel $0x180000  }
0x1ec: {  	[bflag:$0x0] =	sbarrier.arrive $0xFFFF  }
0x1ed: {  	_ =	strace $0x9000004A  }
0x1ee: {  	s0 =	stileid.u32;
	[bflag:$0x2] =	sbarrier.arrive $0xFFFF  }
0x1ef: {  	p0 =	sne.s32 s0, $0x0;
	s0 =	rddreg [dreg:$0x2]  }
0x1f0: {  	s0 =	sadd.s32 @!p0 $0x100000, s0  }
0x1f1: {  	[sflag:s0] =	ssyncadd.tile.s32 @!p0 $0x1;
	_ =	shalt  }
.Lfunc_end2:
_tile_overlayer_lowered:
.L_overlay_start_2:
0x1f2: {  	(tag) =	ssettag $0x2  }
0x1f3: {  	s0 =	rddreg [dreg:$0x0];
	s2 =	stileid.u32  }
0x1f4: {  	s1 =	rddreg [dreg:$0x1];
	p0 =	sne.s32 s2, $0x0  }
0x1f5: {  	s3 =	rddreg [dreg:$0x2];
	[bflag:$0x3] =	sbarrier.arrive $0xFFFF;
	s2 =	simm.s32 @!p0 $0x1C0E  }
0x1f6: {  	[timem:s3], [sflag:s2] =	dma.local @!p0 [hbm:s0], s1  }
0x1f7: {  	s0 =	simm.s32 @!p0 $0xE  }
0x1f8: {  	_ =	swait.ge @!p0 [sflag:s0], s1  }
0x1f9: {  	s1 =	ssub.s32 @!p0 $0x0, s1;
	[sflag:s0] =	ssyncset.done @!p0 $0x0  }
0x1fa: {  	[sflag:s0] =	ssyncadd.s32 @!p0 s1  }
0x1fb: {  	[bflag:$0x3] =	sbarrier.arrive $0xFFFF  }
0x1fc: {  	_ =	shalt  }

// kernel: kernel.15.cloned.1.call-start
scs
__scs_entry_jumppad:
0x0: {  	(pc) =	sbr.rel $0x88, $3  }
0x1: {  	(tag) =	ssettag $0x0;
	lr =	simm.s32 $0x1  }
0x2: {  	[smem:$0x3F9B] =	sst lr;
	_ =	strace $0xD0000000  }
0x3: {  	_ = 	snop  }
0x4: {  	_ = 	snop  }
0x5: {  	_ = 	snop  }
0x6: {  	_ = 	snop  }
0x7: {  	_ = 	snop  }
__scs_overlays_trampoline_lowered:
0x8: {  	[smem:$0x3FAA] =	sst s0  }
0x9: {  	[smem:$0x3FAB] =	sst s1  }
0xa: {  	[smem:$0x3FAC] =	sst s2  }
0xb: {  	[smem:$0x3FAD] =	sst s3  }
0xc: {  	[smem:$0x3FAE] =	sst s4  }
0xd: {  	[smem:$0x3FAF] =	sst s5  }
0xe: {  	[smem:$0x3FB0] =	sst s6  }
0xf: {  	[smem:$0x3FB1] =	sst s7  }
0x10: {  	[smem:$0x3FB2] =	sst s8  }
0x11: {  	[smem:$0x3FB3] =	sst s9;
	s0 =	simm.s32 @!p0 $0x0  }
0x12: {  	s1 =	sld [smem:$0x3F99];
	s0 =	simm.s32 @p0 $0x1  }
0x13: {  	[smem:$0x3FB4] =	sst s0;
	s0 =	simm.s32 @!p1 $0x0  }
0x14: {  	s2 =	sld [smem:$0x3F98];
	s0 =	simm.s32 @p1 $0x1  }
0x15: {  	[smem:$0x3FB5] =	sst s0;
	s0 =	simm.s32 @!p2 $0x0  }
0x16: {  	s3 =	sld [smem:$0x3FDB];
	s0 =	simm.s32 @p2 $0x1  }
0x17: {  	s4 =	simm.s32 $0x1BF5;
	[smem:$0x3FB7] =	sst s0  }
0x18: {  	s0 =	sld [smem:$0x3F9A];
	_ =	swait.ge [sflag:s4], $0x0  }
0x19: {  	s7 =	sld [smem:$0x3F9B]  }
0x1a: {  	s8 =	sadd.s32 $0xFFFFE003, lr  }
0x1b: {  	s9 =	sadd.s32 $0xFFFFFEF7, lr;
	s5 =	simm.s32 $0xFFFFFFFF;
	p2 =	slt.u32 s8, $0xFFFFF086  }
0x1c: {  	p1 =	slt.u32 s9, $0xF7A;
	s5 =	simm.s32 @!p2 $0x0  }
0x1d: {  	s5 =	simm.s32 @p1 $0x1;
	p0 =	seq.s32 s7, s2  }
0x1e: {  	s7 =	smul.u32 @!p0 $0xF7A, s2;
	p2 =	seq.s32 @!p0 s5, $0x0  }
0x1f: {  	s9 =	smul.u32 $0xF7A, s1;
	s8 =	simm.s32 @!p0 $0x1BF5;
	p2 =	por !p2, p0  }
0x20: {  	[sflag:s8] =	ssyncset.s32 @!p0 $0xFFFFF086;
	s6 =	sadd.s32 @!p0 s3, s7;
	s7 =	simm.s32 @!p0 $0x108  }
0x21: {  	s3 =	sadd.s32 s3, s9;
	s6 =	sadd.s32 @!p0 $0x88, s6;
	s7 =	simm.s32 @p2 $0x1082  }
0x22: {  	[simem:s7], [sflag:s8] =	dma.local @!p0 [hbm:s6], $0xF7A  }
0x23: {  	s9 =	sor.u32 $0xD0000000, s2;
	s6 =	simm.s32 $0x108;
	_ =	swait.ge @!p0 [sflag:s8], $0x0  }
0x24: {  	s3 =	sadd.s32 $0x88, s3;
	s6 =	simm.s32 @!p1 $0x1082;
	[sflag:s4] =	ssyncset.s32 $0xFFFFF086  }
0x25: {  	[simem:s6], [sflag:s4] =	dma.local [hbm:s3], $0xF7A  }
0x26: {  	[smem:$0x3F9B] =	sst s1;
	(tag) =	ssettag s2;
	_ =	strace s9  }
0x27: {  	s1 =	sld [smem:$0x3FAB]  }
0x28: {  	s2 =	sld [smem:$0x3FAC]  }
0x29: {  	s4 =	sld [smem:$0x3FAE]  }
0x2a: {  	p0 =	seq.s32 s5, $0x0;
	s5 =	sld [smem:$0x3FAF]  }
0x2b: {  	s6 =	sld [smem:$0x3FB0]  }
0x2c: {  	s7 =	sld [smem:$0x3FB1]  }
0x2d: {  	s3 =	simm.s32 $0x108;
	s8 =	sld [smem:$0x3FB2]  }
0x2e: {  	s3 =	simm.s32 @!p0 $0x1082;
	s9 =	sld [smem:$0x3FB3]  }
0x2f: {  	lr =	sadd.s32 s0, s3;
	s0 =	sld [smem:$0x3FAA]  }
0x30: {  	s3 =	sld [smem:$0x3FAD]  }
0x31: {  	[smem:$0x3FB6] =	sst s10  }
0x32: {  	s10 =	sld [smem:$0x3FB4];
	_ =	sdelay $0x3  }
0x33: {  	p0 =	seq.s32 s10, $0x1;
	s10 =	sld [smem:$0x3FB6];
	_ =	sdelay $0x3  }
0x34: {  	[smem:$0x3FB6] =	sst s10  }
0x35: {  	s10 =	sld [smem:$0x3FB5];
	_ =	sdelay $0x3  }
0x36: {  	p1 =	seq.s32 s10, $0x1;
	s10 =	sld [smem:$0x3FB6];
	_ =	sdelay $0x3  }
0x37: {  	[smem:$0x3FB6] =	sst s10  }
0x38: {  	s10 =	sld [smem:$0x3FB7]  }
0x39: {  	_ = 	snop;
	(pc) =	sbr.ind lr, $3  }
0x3a: {  	_ = 	snop  }
0x3b: {  	_ = 	snop  }
0x3c: {  	p2 =	seq.s32 s10, $0x1;
	s10 =	sld [smem:$0x3FB6]  }
0x3d: {  	_ =	shalt  }
0x3e: {  	_ =	shalt  }
0x3f: {  	_ =	shalt  }
0x40: {  	_ =	shalt  }
0x41: {  	_ =	shalt  }
0x42: {  	_ =	shalt  }
0x43: {  	_ =	shalt  }
0x44: {  	_ =	shalt  }
0x45: {  	_ =	shalt  }
0x46: {  	_ =	shalt  }
0x47: {  	_ =	shalt  }
0x48: {  	_ =	shalt  }
0x49: {  	_ =	shalt  }
0x4a: {  	_ =	shalt  }
0x4b: {  	_ =	shalt  }
0x4c: {  	_ =	shalt  }
0x4d: {  	_ =	shalt  }
0x4e: {  	_ =	shalt  }
0x4f: {  	_ =	shalt  }
0x50: {  	_ =	shalt  }
0x51: {  	_ =	shalt  }
0x52: {  	_ =	shalt  }
0x53: {  	_ =	shalt  }
0x54: {  	_ =	shalt  }
0x55: {  	_ =	shalt  }
0x56: {  	_ =	shalt  }
0x57: {  	_ =	shalt  }
0x58: {  	_ =	shalt  }
0x59: {  	_ =	shalt  }
0x5a: {  	_ =	shalt  }
0x5b: {  	_ =	shalt  }
0x5c: {  	_ =	shalt  }
0x5d: {  	_ =	shalt  }
0x5e: {  	_ =	shalt  }
0x5f: {  	_ =	shalt  }
0x60: {  	_ =	shalt  }
0x61: {  	_ =	shalt  }
0x62: {  	_ =	shalt  }
0x63: {  	_ =	shalt  }
0x64: {  	_ =	shalt  }
0x65: {  	_ =	shalt  }
0x66: {  	_ =	shalt  }
0x67: {  	_ =	shalt  }
0x68: {  	_ =	shalt  }
0x69: {  	_ =	shalt  }
0x6a: {  	_ =	shalt  }
0x6b: {  	_ =	shalt  }
0x6c: {  	_ =	shalt  }
0x6d: {  	_ =	shalt  }
0x6e: {  	_ =	shalt  }
0x6f: {  	_ =	shalt  }
0x70: {  	_ =	shalt  }
0x71: {  	_ =	shalt  }
0x72: {  	_ =	shalt  }
0x73: {  	_ =	shalt  }
0x74: {  	_ =	shalt  }
0x75: {  	_ =	shalt  }
0x76: {  	_ =	shalt  }
0x77: {  	_ =	shalt  }
0x78: {  	_ =	shalt  }
0x79: {  	_ =	shalt  }
0x7a: {  	_ =	shalt  }
0x7b: {  	_ =	shalt  }
0x7c: {  	_ =	shalt  }
0x7d: {  	_ =	shalt  }
0x7e: {  	_ =	shalt  }
0x7f: {  	_ =	shalt  }
0x80: {  	_ =	shalt  }
0x81: {  	_ =	shalt  }
0x82: {  	_ =	shalt  }
0x83: {  	_ =	shalt  }
0x84: {  	_ =	shalt  }
0x85: {  	_ =	shalt  }
0x86: {  	_ =	shalt  }
0x87: {  	_ =	shalt  }
.Lfunc_end0:
.L_simem_size_0:
called_computation.2_lowered:
.L_overlay_start_0:
0x88: {  	s2 =	sld [smem:$0x3FD9]  }
0x89: {  	s3 =	sld [smem:$0x3FFE];
	_ =	sdelay $0x1  }
0x8a: {  	s1 =	srdreg.scid  }
0x8b: {  	s0 =	sand.u32 $0x1, s1  }
0x8c: {  	s17 =	sshll.u32 s0, $0xA;
	s2 =	sadd.s32 s3, s2  }
0x8d: {  	s2 =	sadd.s32 s2, s17  }
0x8e: {  	[smem:$0x3FC2] =	sst s2  }
0x8f: {  	_ = 	snop  }
0x90: {  	s2 =	sld [smem:$0x3FD0];
	(tm) =	ssettm $0x1  }
0x91: {  	s18 =	sld [smem:$0x3FFB];
	_ =	sdelay $0x3  }
0x92: {  	_ =	strace s18  }
0x93: {  	s3 =	sld [smem:$0x3FFC];
	_ =	sdelay $0x3  }
0x94: {  	_ =	strace s3  }
0x95: {  	s3 =	sld [smem:$0x3FFD];
	_ =	sdelay $0x3  }
0x96: {  	_ =	strace s3  }
0x97: {  	_ =	strace $0x8FFFFFFF  }
0x98: {  	s19 =	sld [smem:$0x3FDB];
	_ =	sdelay $0x1  }
0x99: {  	s4 =	simm.s32 $_scs_section_size  }
0x9a: {  	s5 =	simm.s32 $_size__tile_overlayer_lowered;
	s6 =	simm.s32 $_tile_overlayer_lowered  }
0x9b: {  	s22 =	simm.s32 $0x1BFF;
	s21 =	sshll.u32 s6, $0x1;
	s3 =	sadd.s32 s4, s19  }
0x9c: {  	s7 =	simm.s32 $0x0;
	s20 =	sshll.u32 s5, $0x1;
	s5 =	sadd.s32 s21, s3  }
0x9d: {  	[timem:s7], [sflag:s22] =	dma.local [hbm:s5], s20  }
0x9e: {  	_ =	swait.ge [sflag:s22], s20  }
0x9f: {  	s4 =	ssub.s32 $0x0, s20;
	[sflag:s22] =	ssyncset.done $0x0  }
0xa0: {  	[sflag:s22] =	ssyncadd.s32 s4;
	_ =	sdelay $0x1  }
0xa1: {  	s23 =	simm.s32 $0x1B8B  }
0xa2: {  	_ =	swait.ge [sflag:s23], $0x1  }
0xa3: {  	[sflag:s23] =	ssyncset.done $0x0  }
0xa4: {  	s25 =	simm.s32 $0x1B8E;
	s24 =	sld [smem:$0x3FFE];
	[sflag:s23] =	ssyncadd.s32 $0xFFFFFFFF  }
0xa5: {  	s26 =	simm.s32 $execute0_lowered;
	[smem:$0x3FD2] =	sst s25  }
0xa6: {  	s5 =	sshll.u32 s26, $0x1;
	_ =	strace $0x8000004C;
	[dreg:$0x1] =	wrdreg $0xFFFFFFFF  }
0xa7: {  	s28 =	simm.s32 $_size_execute0_lowered;
	s3 =	sadd.s32 s3, s5;
	[dreg:$0x0] =	wrdreg $0x0  }
0xa8: {  	s5 =	sshll.u32 s28, $0x1;
	[dreg:$0x2] =	wrdreg s3  }
0xa9: {  	[dreg:$0x3] =	wrdreg s5  }
0xaa: {  	[dreg:$0x4] =	wrdreg $0xC0  }
0xab: {  	_ =	task [dreg:s7], $0x5FFFF  }
0xac: {  	[dreg:$0x1] =	wrdreg $0xFFFFFFFF  }
0xad: {  	[dreg:$0x0] =	wrdreg $0x60  }
0xae: {  	[dreg:$0x2] =	wrdreg s2  }
0xaf: {  	[dreg:$0x3] =	wrdreg s24  }
0xb0: {  	[dreg:$0x4] =	wrdreg $0x90200  }
0xb1: {  	[dreg:$0x5] =	wrdreg $0x68200  }
0xb2: {  	[dreg:$0x6] =	wrdreg $0x9  }
0xb3: {  	_ =	task.clear_ibuf [dreg:s7], $0x7FFFF;
	_ =	strace $0x9000004C  }
0xb4: {  	s29 =	simm.s32 $0x9;
	_ =	strace $0x8000004E  }
0xb5: {  	_ =	swait.ge [sflag:s29], $0x1  }
0xb6: {  	[sflag:s29] =	ssyncadd.s32 $0xFFFFFFFF  }
0xb7: {  	_ =	strace $0x9000004E  }
0xb8: {  	_ =	sfence  }
0xb9: {  	s30 =	sld [smem:$0x0];
	_ =	sdelay $0x2  }
0xba: {  	s31 =	sshll.u32 s1, $0xD;
	s1 =	sshrl.u32 s1, $0x2  }
0xbb: {  	s3 =	sand.u32 $0x4000, s31;
	s1 =	sadd.s32 s1, s30  }
0xbc: {  	s0 =	sor.u32 s3, s0;
	s1 =	sshll.u32 s1, $0x11  }
0xbd: {  	s0 =	sor.u32 s1, s0  }
0xbe: {  	s0 =	sadd.s32 $0x8F2B, s0  }
0xbf: {  	[sflag:s0] =	ssyncadd.remote.s32 $0x1  }
0xc0: {  	_ =	sfence.sel $0xFFFF  }
0xc1: {  	[dreg:$0x0] =	wrdreg $0xFFFFFFFF;
	(pc) =	sbr.abs _section_cstart, $3  }
0xc2: {  	[dreg:$0x1] =	wrdreg $0xFFFFFFFF  }
0xc3: {  	_ =	task.clear_ibuf [dreg:s7], $0x2FFFF;
	_ =	strace $0x9FFFFFFF  }
0xc4: {  	(tm) =	ssettm $0x7FFFFFFF  }
0xc5: {  	_ =	shalt  }
tec
execute0_lowered:
.L_overlay_start_1:
0x0: {  	(tag) =	ssettag $0x1  }
0x1: {  	s0 =	srdreg.scid  }
0x2: {  	s1 =	rddreg [dreg:$0x1];
	s9 =	stileid.u32  }
0x3: {  	s2 =	rddreg [dreg:$0x2];
	s0 =	sand.u32 $0x1, s0;
	s6 =	smul.u32 $0xA000, s9  }
0x4: {  	s3 =	sshll.u32 s0, $0x4;
	s8 =	smul.u32 $0x5000, s0;
	s0 =	ssub.s32 $0x2, s0  }
0x5: {  	s4 =	rddreg [dreg:$0x3];
	s10 =	sshrl.u32 s0, $0x1  }
0x6: {  	s5 =	simm.s32 $0x0;
	s6 =	sshrl.u32 s6, $0x2;
	s0 =	ssub.s32 s0, s10  }
0x7: {  	[smem:$0x7FF] =	sst s5;
	s7 =	sadd.s32 s6, s4;
	s0 =	smax.u32 s0, $0x1  }
0x8: {  	_ =	strace $0x8000004D;
	s14 =	sadd.s32 $0x100, s7;
	[dreg:$0x7] =	wrdreg s0  }
0x9: {  	s15 =	sadd.s32 $0x200, s7;
	[dreg:$0x8] =	wrdreg s14  }
0xa: {  	s16 =	sadd.s32 $0x300, s7;
	[dreg:$0x9] =	wrdreg s15  }
0xb: {  	s17 =	sadd.s32 $0x400, s7;
	[dreg:$0xa] =	wrdreg s16  }
0xc: {  	s18 =	sadd.s32 $0x500, s7;
	[dreg:$0xb] =	wrdreg s17  }
0xd: {  	s19 =	sadd.s32 $0x600, s7;
	[dreg:$0xc] =	wrdreg s18  }
0xe: {  	s20 =	sadd.s32 $0x700, s7;
	[dreg:$0xd] =	wrdreg s19  }
0xf: {  	s21 =	sadd.s32 $0x800, s7;
	[dreg:$0xe] =	wrdreg s20  }
0x10: {  	s22 =	sadd.s32 $0x900, s7;
	[dreg:$0xf] =	wrdreg s21  }
0x11: {  	s23 =	sadd.s32 $0xA00, s7;
	[dreg:$0x10] =	wrdreg s22  }
0x12: {  	p0 =	sne.s32 s9, $0x0;
	s24 =	sadd.s32 $0xB00, s7;
	[dreg:$0x11] =	wrdreg s23  }
0x13: {  	s3 =	sor.u32 s9, s3;
	s25 =	sadd.s32 $0xC00, s7;
	[dreg:$0x12] =	wrdreg s24  }
0x14: {  	s3 =	smul.u32 $0x4E2, s3;
	s26 =	sadd.s32 $0xD00, s7;
	[dreg:$0x13] =	wrdreg s25  }
0x15: {  	s6 =	sadd.s32 $0xF00, s7;
	s10 =	sadd.s32 $0x1200, s7;
	[dreg:$0x14] =	wrdreg s26  }
0x16: {  	s3 =	sadd.s32 s3, s1;
	s1 =	sadd.s32 s8, s1;
	[dreg:$0x18] =	wrdreg s6  }
0x17: {  	s8 =	smul.u32 $0x2800, s9;
	s9 =	sadd.s32 $0x1100, s7;
	[dreg:$0x1b] =	wrdreg s10  }
0x18: {  	s14 =	sadd.s32 $0x1600, s7;
	[dreg:$0x1a] =	wrdreg s9  }
0x19: {  	s15 =	sadd.s32 $0x1700, s7;
	[dreg:$0x1f] =	wrdreg s14  }
0x1a: {  	s16 =	sadd.s32 $0x1800, s7;
	[smem:$0x7F2] =	sst s15  }
0x1b: {  	s17 =	sadd.s32 $0x1900, s7;
	[smem:$0x7F3] =	sst s16  }
0x1c: {  	s18 =	sadd.s32 $0x1A00, s7;
	[smem:$0x7F4] =	sst s17  }
0x1d: {  	s28 =	simm.s32 $0x50;
	s19 =	sadd.s32 $0x1B00, s7;
	[smem:$0x7F5] =	sst s18  }
0x1e: {  	s29 =	simm.s32 $0x4E20;
	s20 =	sadd.s32 $0x1C00, s7;
	[smem:$0x7F6] =	sst s19  }
0x1f: {  	s30 =	simm.s32 $0x5320;
	s21 =	sadd.s32 $0x1D00, s7;
	[smem:$0x7F7] =	sst s20  }
0x20: {  	s31 =	simm.s32 $0x5820;
	s22 =	sadd.s32 $0x1E00, s7;
	[smem:$0x7F8] =	sst s21  }
0x21: {  	s23 =	sadd.s32 $0x1F00, s7;
	s24 =	sadd.s32 $0x2000, s7;
	[smem:$0x7F9] =	sst s22  }
0x22: {  	s25 =	sadd.s32 $0x2100, s7;
	s26 =	sadd.s32 $0x2200, s7;
	[smem:$0x7FA] =	sst s23  }
0x23: {  	s0 =	simm.s32 $0x5D20;
	s6 =	simm.s32 $0x3;
	[smem:$0x7FB] =	sst s24  }
0x24: {  	s10 =	simm.s32 $0x7;
	s11 =	sadd.s32 $0xBE00, s3;
	[smem:$0x7FC] =	sst s25  }
0x25: {  	s3 =	sadd.s32 $0x2000, s3;
	s1 =	sadd.s32 $0x15C00, s1;
	[smem:$0x7FD] =	sst s26  }
0x26: {  	s18 =	sadd.s32 $0x2300, s7;
	s19 =	sadd.s32 $0x2400, s7;
	s20 =	sadd.s32 $0x2500, s7  }
0x27: {  	s21 =	sadd.s32 $0x2600, s7;
	s22 =	sadd.s32 $0x2700, s7;
	s24 =	simm.s32 $0xC  }
0x28: {  	s25 =	simm.s32 $0x6720;
	s26 =	simm.s32 $0xB;
	[dreg:$0x5] =	wrdreg s11  }
0x29: {  	[dreg:$0x6] =	wrdreg s3;
	s12 =	sshrl.u32 s8, $0x3;
	s3 =	sadd.s32 $0xE00, s7  }
0x2a: {  	s13 =	sadd.s32 s8, s4;
	s8 =	sadd.s32 $0x1000, s7;
	[dreg:$0x16] =	wrdreg s3  }
0x2b: {  	s9 =	simm.s32 $0x4;
	s11 =	sadd.s32 $0x1300, s7;
	[dreg:$0x19] =	wrdreg s8  }
0x2c: {  	s14 =	simm.s32 $0xA;
	s1 =	sadd.s32 s12, s1;
	[dreg:$0x1c] =	wrdreg s11  }
0x2d: {  	s15 =	simm.s32 $0x0;
	s5 =	sshrl.u32 s13, $0x3;
	[dreg:$0x15] =	wrdreg s1  }
0x2e: {  	s12 =	sadd.s32 $0x1400, s7;
	s13 =	sadd.s32 $0x1500, s7;
	[dreg:$0x17] =	wrdreg s5  }
0x2f: {  	s3 =	simm.s32 $0x6220;
	s8 =	simm.s32 $0x6;
	[dreg:$0x1d] =	wrdreg s12  }
0x30: {  	s11 =	simm.s32 $0x5;
	[dreg:$0x1e] =	wrdreg s13;
	s1 =	simm.s32 $0x1  }
0x31: {  	v0 =	vimm.f32 $0.0e+00;
	s5 =	simm.s32 $0x2;
	s12 =	simm.s32 $0x8;
	s13 =	simm.s32 $0x9  }
.LBB2_1:
0x32: {  	s16 =	sshrl.u32 @!p0 s2, $0x3;
	s17 =	simm.s32 @!p0 $0x1C0C;
	s23 =	rddreg [dreg:$0x0]  }
0x33: {  	[spmem:s16], [sflag:s17] =	dma.local @!p0 [hbm:s23], $0x4E20  }
0x34: {  	s16 =	simm.s32 @!p0 $0xC  }
0x35: {  	_ =	swait.ge @!p0 [sflag:s16], $0x4E20  }
0x36: {  	s23 =	simm.s32 $0x2710;
	[sflag:s16] =	ssyncset.done @!p0 $0x0  }
0x37: {  	s17 =	rddreg [dreg:$0x5];
	[sflag:s16] =	ssyncadd.s32 @!p0 $0xFFFFB1E0;
	s16 =	simm.s32 $0x0  }
0x38: {  	[tilespmem:s23], [sflag:$0xC] =	stream.linear.gather [hbm4b:s17+s16], $0x2710, $0x38;
	[tilespmem:$0xB730] =	vst v63  }
0x39: {  	_ =	swait.ge [sflag:s24], $0x2710  }
0x3a: {  	[sflag:s24] =	ssyncset.done $0x0  }
0x3b: {  	[sflag:s24] =	ssyncadd.s32 $0xFFFFD8F0  }
0x3c: {  	[tilespmem:$0x6720] =	vst v0  }
0x3d: {  	[tilespmem:$0x6730] =	vst v0  }
0x3e: {  	[tilespmem:$0x6740] =	vst v0  }
0x3f: {  	[tilespmem:$0x6750] =	vst v0  }
0x40: {  	[tilespmem:$0x6760] =	vst v0  }
0x41: {  	[tilespmem:$0x6770] =	vst v0  }
0x42: {  	[tilespmem:$0x6780] =	vst v0  }
0x43: {  	[tilespmem:$0x6790] =	vst v0  }
0x44: {  	[tilespmem:$0x67A0] =	vst v0  }
0x45: {  	[tilespmem:$0x67B0] =	vst v0  }
0x46: {  	[tilespmem:$0x67C0] =	vst v0  }
0x47: {  	[tilespmem:$0x67D0] =	vst v0  }
0x48: {  	[tilespmem:$0x67E0] =	vst v0  }
0x49: {  	[tilespmem:$0x67F0] =	vst v0  }
0x4a: {  	[tilespmem:$0x6800] =	vst v0  }
0x4b: {  	s17 =	rddreg [dreg:$0x8];
	[tilespmem:$0x6810] =	vst v0  }
0x4c: {  	[spmem:s7] =	stream.linear.scatter [tilespmem:s25], [sflag:$0xB], $0x100, $0x38;
	[tilespmem:$0xB730] =	vst v63  }
0x4d: {  	s23 =	rddreg [dreg:$0x9]  }
0x4e: {  	[spmem:s17] =	stream.linear.scatter [tilespmem:s25], [sflag:$0xB], $0x100, $0x38;
	[tilespmem:$0xB730] =	vst v63  }
0x4f: {  	s17 =	rddreg [dreg:$0xa]  }
0x50: {  	[spmem:s23] =	stream.linear.scatter [tilespmem:s25], [sflag:$0xB], $0x100, $0x38;
	[tilespmem:$0xB730] =	vst v63  }
0x51: {  	s23 =	rddreg [dreg:$0xb]  }
0x52: {  	[spmem:s17] =	stream.linear.scatter [tilespmem:s25], [sflag:$0xB], $0x100, $0x38;
	[tilespmem:$0xB730] =	vst v63  }
0x53: {  	s17 =	rddreg [dreg:$0xc]  }
0x54: {  	[spmem:s23] =	stream.linear.scatter [tilespmem:s25], [sflag:$0xB], $0x100, $0x38;
	[tilespmem:$0xB730] =	vst v63  }
0x55: {  	s23 =	rddreg [dreg:$0xd]  }
0x56: {  	[spmem:s17] =	stream.linear.scatter [tilespmem:s25], [sflag:$0xB], $0x100, $0x38;
	[tilespmem:$0xB730] =	vst v63  }
0x57: {  	s17 =	rddreg [dreg:$0xe]  }
0x58: {  	[spmem:s23] =	stream.linear.scatter [tilespmem:s25], [sflag:$0xB], $0x100, $0x38;
	[tilespmem:$0xB730] =	vst v63  }
0x59: {  	s23 =	rddreg [dreg:$0xf]  }
0x5a: {  	[spmem:s17] =	stream.linear.scatter [tilespmem:s25], [sflag:$0xB], $0x100, $0x38;
	[tilespmem:$0xB730] =	vst v63  }
0x5b: {  	s17 =	rddreg [dreg:$0x10]  }
0x5c: {  	[spmem:s23] =	stream.linear.scatter [tilespmem:s25], [sflag:$0xB], $0x100, $0x38;
	[tilespmem:$0xB730] =	vst v63  }
0x5d: {  	s23 =	rddreg [dreg:$0x11]  }
0x5e: {  	[spmem:s17] =	stream.linear.scatter [tilespmem:s25], [sflag:$0xB], $0x100, $0x38;
	[tilespmem:$0xB730] =	vst v63  }
0x5f: {  	s17 =	rddreg [dreg:$0x12]  }
0x60: {  	[spmem:s23] =	stream.linear.scatter [tilespmem:s25], [sflag:$0xB], $0x100, $0x38;
	[tilespmem:$0xB730] =	vst v63  }
0x61: {  	s23 =	rddreg [dreg:$0x13]  }
0x62: {  	[spmem:s17] =	stream.linear.scatter [tilespmem:s25], [sflag:$0xB], $0x100, $0x38;
	[tilespmem:$0xB730] =	vst v63  }
0x63: {  	s17 =	rddreg [dreg:$0x14]  }
0x64: {  	[spmem:s23] =	stream.linear.scatter [tilespmem:s25], [sflag:$0xB], $0x100, $0x38;
	[tilespmem:$0xB730] =	vst v63  }
0x65: {  	s23 =	rddreg [dreg:$0x16]  }
0x66: {  	[spmem:s17] =	stream.linear.scatter [tilespmem:s25], [sflag:$0xB], $0x100, $0x38;
	[tilespmem:$0xB730] =	vst v63  }
0x67: {  	s17 =	rddreg [dreg:$0x18]  }
0x68: {  	[spmem:s23] =	stream.linear.scatter [tilespmem:s25], [sflag:$0xB], $0x100, $0x38;
	[tilespmem:$0xB730] =	vst v63  }
0x69: {  	s23 =	rddreg [dreg:$0x19]  }
0x6a: {  	[spmem:s17] =	stream.linear.scatter [tilespmem:s25], [sflag:$0xB], $0x100, $0x38;
	[tilespmem:$0xB730] =	vst v63  }
0x6b: {  	s17 =	rddreg [dreg:$0x1a]  }
0x6c: {  	[spmem:s23] =	stream.linear.scatter [tilespmem:s25], [sflag:$0xB], $0x100, $0x38;
	[tilespmem:$0xB730] =	vst v63  }
0x6d: {  	s23 =	rddreg [dreg:$0x1b]  }
0x6e: {  	[spmem:s17] =	stream.linear.scatter [tilespmem:s25], [sflag:$0xB], $0x100, $0x38;
	[tilespmem:$0xB730] =	vst v63  }
0x6f: {  	s17 =	rddreg [dreg:$0x1c]  }
0x70: {  	[spmem:s23] =	stream.linear.scatter [tilespmem:s25], [sflag:$0xB], $0x100, $0x38;
	[tilespmem:$0xB730] =	vst v63  }
0x71: {  	s23 =	rddreg [dreg:$0x1d]  }
0x72: {  	[spmem:s17] =	stream.linear.scatter [tilespmem:s25], [sflag:$0xB], $0x100, $0x38;
	[tilespmem:$0xB730] =	vst v63  }
0x73: {  	s17 =	rddreg [dreg:$0x1e]  }
0x74: {  	[spmem:s23] =	stream.linear.scatter [tilespmem:s25], [sflag:$0xB], $0x100, $0x38;
	[tilespmem:$0xB730] =	vst v63  }
0x75: {  	s23 =	rddreg [dreg:$0x1f]  }
0x76: {  	[spmem:s17] =	stream.linear.scatter [tilespmem:s25], [sflag:$0xB], $0x100, $0x38;
	[tilespmem:$0xB730] =	vst v63  }
0x77: {  	s17 =	sld [smem:$0x7F2]  }
0x78: {  	[spmem:s23] =	stream.linear.scatter [tilespmem:s25], [sflag:$0xB], $0x100, $0x38;
	[tilespmem:$0xB730] =	vst v63  }
0x79: {  	s23 =	sld [smem:$0x7F3]  }
0x7a: {  	[spmem:s17] =	stream.linear.scatter [tilespmem:s25], [sflag:$0xB], $0x100, $0x38;
	[tilespmem:$0xB730] =	vst v63  }
0x7b: {  	s17 =	sld [smem:$0x7F4]  }
0x7c: {  	[spmem:s23] =	stream.linear.scatter [tilespmem:s25], [sflag:$0xB], $0x100, $0x38;
	[tilespmem:$0xB730] =	vst v63  }
0x7d: {  	s23 =	sld [smem:$0x7F5]  }
0x7e: {  	[spmem:s17] =	stream.linear.scatter [tilespmem:s25], [sflag:$0xB], $0x100, $0x38;
	[tilespmem:$0xB730] =	vst v63  }
0x7f: {  	s17 =	sld [smem:$0x7F6]  }
0x80: {  	[spmem:s23] =	stream.linear.scatter [tilespmem:s25], [sflag:$0xB], $0x100, $0x38;
	[tilespmem:$0xB730] =	vst v63  }
0x81: {  	s23 =	sld [smem:$0x7F7]  }
0x82: {  	[spmem:s17] =	stream.linear.scatter [tilespmem:s25], [sflag:$0xB], $0x100, $0x38;
	[tilespmem:$0xB730] =	vst v63  }
0x83: {  	s17 =	sld [smem:$0x7F8]  }
0x84: {  	[spmem:s23] =	stream.linear.scatter [tilespmem:s25], [sflag:$0xB], $0x100, $0x38;
	[tilespmem:$0xB730] =	vst v63  }
0x85: {  	s23 =	sld [smem:$0x7F9]  }
0x86: {  	[spmem:s17] =	stream.linear.scatter [tilespmem:s25], [sflag:$0xB], $0x100, $0x38;
	[tilespmem:$0xB730] =	vst v63  }
0x87: {  	s17 =	sld [smem:$0x7FA]  }
0x88: {  	[spmem:s23] =	stream.linear.scatter [tilespmem:s25], [sflag:$0xB], $0x100, $0x38;
	[tilespmem:$0xB730] =	vst v63  }
0x89: {  	s23 =	sld [smem:$0x7FB]  }
0x8a: {  	[spmem:s17] =	stream.linear.scatter [tilespmem:s25], [sflag:$0xB], $0x100, $0x38;
	[tilespmem:$0xB730] =	vst v63  }
0x8b: {  	s17 =	sld [smem:$0x7FC]  }
0x8c: {  	[spmem:s23] =	stream.linear.scatter [tilespmem:s25], [sflag:$0xB], $0x100, $0x38;
	[tilespmem:$0xB730] =	vst v63  }
0x8d: {  	s23 =	sld [smem:$0x7FD]  }
0x8e: {  	[spmem:s17] =	stream.linear.scatter [tilespmem:s25], [sflag:$0xB], $0x100, $0x38;
	[tilespmem:$0xB730] =	vst v63  }
0x8f: {  	_ = 	snop  }
0x90: {  	[spmem:s23] =	stream.linear.scatter [tilespmem:s25], [sflag:$0xB], $0x100, $0x38;
	[tilespmem:$0xB730] =	vst v63  }
0x91: {  	_ = 	snop  }
0x92: {  	[spmem:s18] =	stream.linear.scatter [tilespmem:s25], [sflag:$0xB], $0x100, $0x38;
	[tilespmem:$0xB730] =	vst v63  }
0x93: {  	_ = 	snop  }
0x94: {  	[spmem:s19] =	stream.linear.scatter [tilespmem:s25], [sflag:$0xB], $0x100, $0x38;
	[tilespmem:$0xB730] =	vst v63  }
0x95: {  	_ = 	snop  }
0x96: {  	[spmem:s20] =	stream.linear.scatter [tilespmem:s25], [sflag:$0xB], $0x100, $0x38;
	[tilespmem:$0xB730] =	vst v63  }
0x97: {  	_ = 	snop  }
0x98: {  	[spmem:s21] =	stream.linear.scatter [tilespmem:s25], [sflag:$0xB], $0x100, $0x38;
	[tilespmem:$0xB730] =	vst v63  }
0x99: {  	_ = 	snop  }
0x9a: {  	[spmem:s22] =	stream.linear.scatter [tilespmem:s25], [sflag:$0xB], $0x100, $0x38;
	[tilespmem:$0xB730] =	vst v63  }
0x9b: {  	_ =	swait.ge [sflag:s26], $0x100  }
0x9c: {  	s16 =	simm.s32 $0x27;
	[sflag:s26] =	ssyncset.done $0x0  }
.LBB2_2:
0x9d: {  	p1 =	sne.s32 s16, $0x1;
	s16 =	sadd.s32 $0xFFFFFFFF, s16;
	[sflag:s26] =	ssyncadd.s32 $0xFFFFFF00  }
.Ltmp0:
0x9e: {  	(pc) =	sbr.rel @p1 .LBB2_2-.Ltmp0, $3  }
0x9f: {  	_ =	sdelay $0x1  }
0xa0: {  	_ =	swait.ge [sflag:s26], $0x100  }
0xa1: {  	[sflag:s26] =	ssyncset.done $0x0  }
0xa2: {  	[sflag:s26] =	ssyncadd.s32 $0xFFFFFF00  }
0xa3: {  	[bflag:$0x0] =	sbarrier.arrive $0xFFFF  }
0xa4: {  	s16 =	simm.s32 $0x0;
	s17 =	rddreg [dreg:$0x6]  }
0xa5: {  	[tilespmem:s16], [sflag:$0xC] =	stream.linear.gather [hbm4b:s17+s16], $0x2710, $0x38;
	[tilespmem:$0xB730] =	vst v63  }
0xa6: {  	_ =	swait.ge [sflag:s24], $0x2710  }
0xa7: {  	[sflag:s24] =	ssyncset.done $0x0  }
0xa8: {  	[sflag:s24] =	ssyncadd.s32 $0xFFFFD8F0  }
0xa9: {  	[tilespmem:s29], [sflag:$0x1] =	stream.indirect.gather [spmem:s2], $0x10, s16, s28, $0xb8;
	[tilespmem:$0xB730] =	vst v63  }
0xaa: {  	_ = 	snop  }
0xab: {  	[tilespmem:s30], [sflag:$0x2] =	stream.indirect.gather [spmem:s2], $0x10, s28, s28, $0xb8;
	[tilespmem:$0xB730] =	vst v63  }
0xac: {  	s23 =	simm.s32 $0xA0  }
0xad: {  	[tilespmem:s31], [sflag:$0x3] =	stream.indirect.gather [spmem:s2], $0x10, s23, s28, $0xb8;
	[tilespmem:$0xB730] =	vst v63  }
0xae: {  	_ =	swait.ge [sflag:s1], $0x500  }
0xaf: {  	[sflag:s1] =	ssyncset.done $0x0  }
0xb0: {  	s17 =	simm.s32 $0x2710;
	[sflag:s1] =	ssyncadd.s32 $0xFFFFFB00  }
0xb1: {  	[spmem:s4] =	stream.indirect.scatter.add.f32 [tilespmem:s29], [sflag:$0x6], $0x10, s17, s28, $0xb8;
	[tilespmem:$0xB730] =	vst v63  }
0xb2: {  	s23 =	simm.s32 $0xF0  }
0xb3: {  	[tilespmem:s0], [sflag:$0x4] =	stream.indirect.gather [spmem:s2], $0x10, s23, s28, $0xb8;
	[tilespmem:$0xB730] =	vst v63  }
0xb4: {  	_ =	swait.ge [sflag:s5], $0x500  }
0xb5: {  	[sflag:s5] =	ssyncset.done $0x0  }
0xb6: {  	s17 =	simm.s32 $0x2760;
	[sflag:s5] =	ssyncadd.s32 $0xFFFFFB00  }
0xb7: {  	[spmem:s4] =	stream.indirect.scatter.add.f32 [tilespmem:s30], [sflag:$0x7], $0x10, s17, s28, $0xb8;
	[tilespmem:$0xB730] =	vst v63  }
0xb8: {  	s23 =	simm.s32 $0x140  }
0xb9: {  	[tilespmem:s3], [sflag:$0x5] =	stream.indirect.gather [spmem:s2], $0x10, s23, s28, $0xb8;
	[tilespmem:$0xB730] =	vst v63  }
0xba: {  	_ =	swait.ge [sflag:s6], $0x500  }
0xbb: {  	[sflag:s6] =	ssyncset.done $0x0  }
0xbc: {  	s17 =	simm.s32 $0x27B0;
	[sflag:s6] =	ssyncadd.s32 $0xFFFFFB00  }
0xbd: {  	[spmem:s4] =	stream.indirect.scatter.add.f32 [tilespmem:s31], [sflag:$0x8], $0x10, s17, s28, $0xb8;
	[tilespmem:$0xB730] =	vst v63  }
0xbe: {  	_ =	swait.ge [sflag:s8], $0x500  }
0xbf: {  	[sflag:s8] =	ssyncset.done $0x0  }
0xc0: {  	s23 =	simm.s32 $0x190;
	[sflag:s8] =	ssyncadd.s32 $0xFFFFFB00  }
0xc1: {  	[tilespmem:s29], [sflag:$0x1] =	stream.indirect.gather [spmem:s2], $0x10, s23, s28, $0xb8;
	[tilespmem:$0xB730] =	vst v63  }
0xc2: {  	_ =	swait.ge [sflag:s9], $0x500  }
0xc3: {  	[sflag:s9] =	ssyncset.done $0x0  }
0xc4: {  	s17 =	simm.s32 $0x2800;
	[sflag:s9] =	ssyncadd.s32 $0xFFFFFB00  }
0xc5: {  	[spmem:s4] =	stream.indirect.scatter.add.f32 [tilespmem:s0], [sflag:$0x9], $0x10, s17, s28, $0xb8;
	[tilespmem:$0xB730] =	vst v63  }
0xc6: {  	_ =	swait.ge [sflag:s10], $0x500  }
0xc7: {  	[sflag:s10] =	ssyncset.done $0x0  }
0xc8: {  	s23 =	simm.s32 $0x1E0;
	[sflag:s10] =	ssyncadd.s32 $0xFFFFFB00  }
0xc9: {  	[tilespmem:s30], [sflag:$0x2] =	stream.indirect.gather [spmem:s2], $0x10, s23, s28, $0xb8;
	[tilespmem:$0xB730] =	vst v63  }
0xca: {  	_ =	swait.ge [sflag:s11], $0x500  }
0xcb: {  	[sflag:s11] =	ssyncset.done $0x0  }
0xcc: {  	s17 =	simm.s32 $0x2850;
	[sflag:s11] =	ssyncadd.s32 $0xFFFFFB00  }
0xcd: {  	[spmem:s4] =	stream.indirect.scatter.add.f32 [tilespmem:s3], [sflag:$0xA], $0x10, s17, s28, $0xb8;
	[tilespmem:$0xB730] =	vst v63  }
0xce: {  	_ =	swait.ge [sflag:s12], $0x500  }
0xcf: {  	[sflag:s12] =	ssyncset.done $0x0  }
0xd0: {  	s23 =	simm.s32 $0x230;
	[sflag:s12] =	ssyncadd.s32 $0xFFFFFB00  }
0xd1: {  	[tilespmem:s31], [sflag:$0x3] =	stream.indirect.gather [spmem:s2], $0x10, s23, s28, $0xb8;
	[tilespmem:$0xB730] =	vst v63  }
0xd2: {  	_ =	swait.ge [sflag:s1], $0x500  }
0xd3: {  	[sflag:s1] =	ssyncset.done $0x0  }
0xd4: {  	s17 =	simm.s32 $0x28A0;
	[sflag:s1] =	ssyncadd.s32 $0xFFFFFB00  }
0xd5: {  	[spmem:s4] =	stream.indirect.scatter.add.f32 [tilespmem:s29], [sflag:$0x6], $0x10, s17, s28, $0xb8;
	[tilespmem:$0xB730] =	vst v63  }
0xd6: {  	_ =	swait.ge [sflag:s13], $0x500  }
0xd7: {  	[sflag:s13] =	ssyncset.done $0x0  }
0xd8: {  	s23 =	simm.s32 $0x280;
	[sflag:s13] =	ssyncadd.s32 $0xFFFFFB00  }
0xd9: {  	[tilespmem:s0], [sflag:$0x4] =	stream.indirect.gather [spmem:s2], $0x10, s23, s28, $0xb8;
	[tilespmem:$0xB730] =	vst v63  }
0xda: {  	_ =	swait.ge [sflag:s5], $0x500  }
0xdb: {  	[sflag:s5] =	ssyncset.done $0x0  }
0xdc: {  	s17 =	simm.s32 $0x28F0;
	[sflag:s5] =	ssyncadd.s32 $0xFFFFFB00  }
0xdd: {  	[spmem:s4] =	stream.indirect.scatter.add.f32 [tilespmem:s30], [sflag:$0x7], $0x10, s17, s28, $0xb8;
	[tilespmem:$0xB730] =	vst v63  }
0xde: {  	_ =	swait.ge [sflag:s14], $0x500  }
0xdf: {  	[sflag:s14] =	ssyncset.done $0x0  }
0xe0: {  	s23 =	simm.s32 $0x2D0;
	[sflag:s14] =	ssyncadd.s32 $0xFFFFFB00  }
0xe1: {  	[tilespmem:s3], [sflag:$0x5] =	stream.indirect.gather [spmem:s2], $0x10, s23, s28, $0xb8;
	[tilespmem:$0xB730] =	vst v63  }
0xe2: {  	_ =	swait.ge [sflag:s6], $0x500  }
0xe3: {  	[sflag:s6] =	ssyncset.done $0x0  }
0xe4: {  	s16 =	simm.s32 $0x640;
	s17 =	simm.s32 $0x2940;
	[sflag:s6] =	ssyncadd.s32 $0xFFFFFB00  }
.LBB2_4:
0xe5: {  	[spmem:s4] =	stream.indirect.scatter.add.f32 [tilespmem:s31], [sflag:$0x8], $0x10, s17, s28, $0xb8;
	[tilespmem:$0xB730] =	vst v63  }
0xe6: {  	s17 =	smov.u32 s16  }
0xe7: {  	p1 =	sne.s32 s16, $0x8FC0;
	s16 =	sadd.s32 $0x640, s16;
	_ =	swait.ge [sflag:s8], $0x500  }
0xe8: {  	s17 =	sshra.s32 s17, $0x2;
	[sflag:s8] =	ssyncset.done $0x0  }
0xe9: {  	s23 =	sadd.s32 $0x190, s17;
	[sflag:s8] =	ssyncadd.s32 $0xFFFFFB00  }
0xea: {  	[tilespmem:s29], [sflag:$0x1] =	stream.indirect.gather [spmem:s2], $0x10, s23, s28, $0xb8;
	[tilespmem:$0xB730] =	vst v63  }
0xeb: {  	_ =	swait.ge [sflag:s9], $0x500  }
0xec: {  	[sflag:s9] =	ssyncset.done $0x0  }
0xed: {  	s23 =	sadd.s32 $0x2800, s17;
	[sflag:s9] =	ssyncadd.s32 $0xFFFFFB00  }
0xee: {  	[spmem:s4] =	stream.indirect.scatter.add.f32 [tilespmem:s0], [sflag:$0x9], $0x10, s23, s28, $0xb8;
	[tilespmem:$0xB730] =	vst v63  }
0xef: {  	_ =	swait.ge [sflag:s10], $0x500  }
0xf0: {  	[sflag:s10] =	ssyncset.done $0x0  }
0xf1: {  	s23 =	sadd.s32 $0x1E0, s17;
	[sflag:s10] =	ssyncadd.s32 $0xFFFFFB00  }
0xf2: {  	[tilespmem:s30], [sflag:$0x2] =	stream.indirect.gather [spmem:s2], $0x10, s23, s28, $0xb8;
	[tilespmem:$0xB730] =	vst v63  }
0xf3: {  	_ =	swait.ge [sflag:s11], $0x500  }
0xf4: {  	[sflag:s11] =	ssyncset.done $0x0  }
0xf5: {  	s23 =	sadd.s32 $0x2850, s17;
	[sflag:s11] =	ssyncadd.s32 $0xFFFFFB00  }
0xf6: {  	[spmem:s4] =	stream.indirect.scatter.add.f32 [tilespmem:s3], [sflag:$0xA], $0x10, s23, s28, $0xb8;
	[tilespmem:$0xB730] =	vst v63  }
0xf7: {  	_ =	swait.ge [sflag:s12], $0x500  }
0xf8: {  	[sflag:s12] =	ssyncset.done $0x0  }
0xf9: {  	s23 =	sadd.s32 $0x230, s17;
	[sflag:s12] =	ssyncadd.s32 $0xFFFFFB00  }
0xfa: {  	[tilespmem:s31], [sflag:$0x3] =	stream.indirect.gather [spmem:s2], $0x10, s23, s28, $0xb8;
	[tilespmem:$0xB730] =	vst v63  }
0xfb: {  	_ =	swait.ge [sflag:s1], $0x500  }
0xfc: {  	[sflag:s1] =	ssyncset.done $0x0  }
0xfd: {  	s23 =	sadd.s32 $0x28A0, s17;
	[sflag:s1] =	ssyncadd.s32 $0xFFFFFB00  }
0xfe: {  	[spmem:s4] =	stream.indirect.scatter.add.f32 [tilespmem:s29], [sflag:$0x6], $0x10, s23, s28, $0xb8;
	[tilespmem:$0xB730] =	vst v63  }
0xff: {  	_ =	swait.ge [sflag:s13], $0x500  }
0x100: {  	[sflag:s13] =	ssyncset.done $0x0  }
0x101: {  	s23 =	sadd.s32 $0x280, s17;
	[sflag:s13] =	ssyncadd.s32 $0xFFFFFB00  }
0x102: {  	[tilespmem:s0], [sflag:$0x4] =	stream.indirect.gather [spmem:s2], $0x10, s23, s28, $0xb8;
	[tilespmem:$0xB730] =	vst v63  }
0x103: {  	_ =	swait.ge [sflag:s5], $0x500  }
0x104: {  	[sflag:s5] =	ssyncset.done $0x0  }
0x105: {  	s23 =	sadd.s32 $0x28F0, s17;
	[sflag:s5] =	ssyncadd.s32 $0xFFFFFB00  }
0x106: {  	[spmem:s4] =	stream.indirect.scatter.add.f32 [tilespmem:s30], [sflag:$0x7], $0x10, s23, s28, $0xb8;
	[tilespmem:$0xB730] =	vst v63  }
0x107: {  	_ =	swait.ge [sflag:s14], $0x500  }
0x108: {  	[sflag:s14] =	ssyncset.done $0x0  }
.Ltmp1:
0x109: {  	s23 =	sadd.s32 $0x2D0, s17;
	[sflag:s14] =	ssyncadd.s32 $0xFFFFFB00;
	(pc) =	sbr.rel @p1 .LBB2_4-.Ltmp1, $4  }
0x10a: {  	[tilespmem:s3], [sflag:$0x5] =	stream.indirect.gather [spmem:s2], $0x10, s23, s28, $0xb8;
	[tilespmem:$0xB730] =	vst v63  }
0x10b: {  	_ =	swait.ge [sflag:s6], $0x500  }
0x10c: {  	[sflag:s6] =	ssyncset.done $0x0  }
0x10d: {  	s17 =	sadd.s32 $0x2940, s17;
	[sflag:s6] =	ssyncadd.s32 $0xFFFFFB00  }
0x10e: {  	[spmem:s4] =	stream.indirect.scatter.add.f32 [tilespmem:s31], [sflag:$0x8], $0x10, s17, s28, $0xb8;
	[tilespmem:$0xB730] =	vst v63  }
0x10f: {  	_ =	swait.ge [sflag:s9], $0x500  }
0x110: {  	[sflag:s9] =	ssyncset.done $0x0  }
0x111: {  	s16 =	simm.s32 $0x4D80;
	[sflag:s9] =	ssyncadd.s32 $0xFFFFFB00  }
0x112: {  	[spmem:s4] =	stream.indirect.scatter.add.f32 [tilespmem:s0], [sflag:$0x9], $0x10, s16, s28, $0xb8;
	[tilespmem:$0xB730] =	vst v63  }
0x113: {  	_ =	swait.ge [sflag:s11], $0x500  }
0x114: {  	[sflag:s11] =	ssyncset.done $0x0  }
0x115: {  	s23 =	simm.s32 $0x4DD0;
	[sflag:s11] =	ssyncadd.s32 $0xFFFFFB00  }
0x116: {  	[spmem:s4] =	stream.indirect.scatter.add.f32 [tilespmem:s3], [sflag:$0xA], $0x10, s23, s28, $0xb8;
	[tilespmem:$0xB730] =	vst v63  }
0x117: {  	_ =	swait.ge [sflag:s8], $0x500  }
0x118: {  	[sflag:s8] =	ssyncset.done $0x0  }
0x119: {  	[sflag:s8] =	ssyncadd.s32 $0xFFFFFB00  }
0x11a: {  	_ =	swait.ge [sflag:s10], $0x500  }
0x11b: {  	[sflag:s10] =	ssyncset.done $0x0  }
0x11c: {  	[sflag:s10] =	ssyncadd.s32 $0xFFFFFB00  }
0x11d: {  	_ =	swait.ge [sflag:s12], $0x500  }
0x11e: {  	[sflag:s12] =	ssyncset.done $0x0  }
0x11f: {  	[sflag:s12] =	ssyncadd.s32 $0xFFFFFB00  }
0x120: {  	_ =	swait.ge [sflag:s13], $0x500  }
0x121: {  	[sflag:s13] =	ssyncset.done $0x0  }
0x122: {  	[sflag:s13] =	ssyncadd.s32 $0xFFFFFB00  }
0x123: {  	_ =	swait.ge [sflag:s14], $0x500  }
0x124: {  	[sflag:s14] =	ssyncset.done $0x0  }
0x125: {  	[sflag:s14] =	ssyncadd.s32 $0xFFFFFB00  }
0x126: {  	s17 =	stileid.u32;
	[bflag:$0x0] =	sbarrier.arrive $0xFFFF  }
0x127: {  	s16 =	sshll.u32 s17, $0x6;
	s17 =	rddreg [dreg:$0x15]  }
0x128: {  	s16 =	sor.u32 $0x1C0C, s16;
	s23 =	rddreg [dreg:$0x17]  }
0x129: {  	[hbm:s17], [sflag:s16] =	dma.local [spmem:s23], $0x500  }
0x12a: {  	_ =	swait.ge [sflag:s24], $0x500  }
0x12b: {  	s15 =	sadd.s32 $0x1, s15;
	s23 =	rddreg [dreg:$0x7]  }
0x12c: {  	p1 =	sne.s32 s15, s23  }
.Ltmp2:
0x12d: {  	_ = 	snop;
	(pc) =	sbr.rel @p1 .LBB2_1-.Ltmp2, $3  }
0x12e: {  	_ =	sdelay $0x1  }
0x12f: {  	[sflag:s24] =	ssyncset.done $0x0  }
0x130: {  	[sflag:s24] =	ssyncadd.s32 $0xFFFFFB00  }
0x131: {  	_ =	sfence.sel $0x180000  }
0x132: {  	[bflag:$0x0] =	sbarrier.arrive $0xFFFF  }
0x133: {  	_ =	strace $0x9000004D  }
0x134: {  	[bflag:$0x2] =	sbarrier.arrive $0xFFFF  }
0x135: {  	s0 =	rddreg [dreg:$0x4]  }
0x136: {  	s0 =	sadd.s32 @!p0 $0x100000, s0  }
0x137: {  	[sflag:s0] =	ssyncadd.tile.s32 @!p0 $0x1;
	_ =	shalt  }
.Lfunc_end2:
_tile_overlayer_lowered:
.L_overlay_start_2:
0x138: {  	(tag) =	ssettag $0x2  }
0x139: {  	s0 =	rddreg [dreg:$0x0];
	s2 =	stileid.u32  }
0x13a: {  	s1 =	rddreg [dreg:$0x1];
	p0 =	sne.s32 s2, $0x0  }
0x13b: {  	s3 =	rddreg [dreg:$0x2];
	[bflag:$0x3] =	sbarrier.arrive $0xFFFF;
	s2 =	simm.s32 @!p0 $0x1C0C  }
0x13c: {  	[timem:s3], [sflag:s2] =	dma.local @!p0 [hbm:s0], s1  }
0x13d: {  	s0 =	simm.s32 @!p0 $0xC  }
0x13e: {  	_ =	swait.ge @!p0 [sflag:s0], s1  }
0x13f: {  	s1 =	ssub.s32 @!p0 $0x0, s1;
	[sflag:s0] =	ssyncset.done @!p0 $0x0  }
0x140: {  	[sflag:s0] =	ssyncadd.s32 @!p0 s1  }
0x141: {  	[bflag:$0x3] =	sbarrier.arrive $0xFFFF  }
0x142: {  	_ =	shalt  }

// kernel: kernel.9.cloned.1.call-start
scs
__scs_entry_jumppad:
0x0: {  	(pc) =	sbr.rel $0x88, $3  }
0x1: {  	(tag) =	ssettag $0x0;
	lr =	simm.s32 $0x1  }
0x2: {  	[smem:$0x3F9B] =	sst lr;
	_ =	strace $0xD0000000  }
0x3: {  	_ = 	snop  }
0x4: {  	_ = 	snop  }
0x5: {  	_ = 	snop  }
0x6: {  	_ = 	snop  }
0x7: {  	_ = 	snop  }
__scs_overlays_trampoline_lowered:
0x8: {  	[smem:$0x3FAA] =	sst s0  }
0x9: {  	[smem:$0x3FAB] =	sst s1  }
0xa: {  	[smem:$0x3FAC] =	sst s2  }
0xb: {  	[smem:$0x3FAD] =	sst s3  }
0xc: {  	[smem:$0x3FAE] =	sst s4  }
0xd: {  	[smem:$0x3FAF] =	sst s5  }
0xe: {  	[smem:$0x3FB0] =	sst s6  }
0xf: {  	[smem:$0x3FB1] =	sst s7  }
0x10: {  	[smem:$0x3FB2] =	sst s8  }
0x11: {  	[smem:$0x3FB3] =	sst s9;
	s0 =	simm.s32 @!p0 $0x0  }
0x12: {  	s1 =	sld [smem:$0x3F99];
	s0 =	simm.s32 @p0 $0x1  }
0x13: {  	[smem:$0x3FB4] =	sst s0;
	s0 =	simm.s32 @!p1 $0x0  }
0x14: {  	s2 =	sld [smem:$0x3F98];
	s0 =	simm.s32 @p1 $0x1  }
0x15: {  	[smem:$0x3FB5] =	sst s0;
	s0 =	simm.s32 @!p2 $0x0  }
0x16: {  	s3 =	sld [smem:$0x3FDB];
	s0 =	simm.s32 @p2 $0x1  }
0x17: {  	s4 =	simm.s32 $0x1BF5;
	[smem:$0x3FB7] =	sst s0  }
0x18: {  	s0 =	sld [smem:$0x3F9A];
	_ =	swait.ge [sflag:s4], $0x0  }
0x19: {  	s7 =	sld [smem:$0x3F9B]  }
0x1a: {  	s8 =	sadd.s32 $0xFFFFE003, lr  }
0x1b: {  	s9 =	sadd.s32 $0xFFFFFEF7, lr;
	s5 =	simm.s32 $0xFFFFFFFF;
	p2 =	slt.u32 s8, $0xFFFFF086  }
0x1c: {  	p1 =	slt.u32 s9, $0xF7A;
	s5 =	simm.s32 @!p2 $0x0  }
0x1d: {  	s5 =	simm.s32 @p1 $0x1;
	p0 =	seq.s32 s7, s2  }
0x1e: {  	s7 =	smul.u32 @!p0 $0xF7A, s2;
	p2 =	seq.s32 @!p0 s5, $0x0  }
0x1f: {  	s9 =	smul.u32 $0xF7A, s1;
	s8 =	simm.s32 @!p0 $0x1BF5;
	p2 =	por !p2, p0  }
0x20: {  	[sflag:s8] =	ssyncset.s32 @!p0 $0xFFFFF086;
	s6 =	sadd.s32 @!p0 s3, s7;
	s7 =	simm.s32 @!p0 $0x108  }
0x21: {  	s3 =	sadd.s32 s3, s9;
	s6 =	sadd.s32 @!p0 $0x88, s6;
	s7 =	simm.s32 @p2 $0x1082  }
0x22: {  	[simem:s7], [sflag:s8] =	dma.local @!p0 [hbm:s6], $0xF7A  }
0x23: {  	s9 =	sor.u32 $0xD0000000, s2;
	s6 =	simm.s32 $0x108;
	_ =	swait.ge @!p0 [sflag:s8], $0x0  }
0x24: {  	s3 =	sadd.s32 $0x88, s3;
	s6 =	simm.s32 @!p1 $0x1082;
	[sflag:s4] =	ssyncset.s32 $0xFFFFF086  }
0x25: {  	[simem:s6], [sflag:s4] =	dma.local [hbm:s3], $0xF7A  }
0x26: {  	[smem:$0x3F9B] =	sst s1;
	(tag) =	ssettag s2;
	_ =	strace s9  }
0x27: {  	s1 =	sld [smem:$0x3FAB]  }
0x28: {  	s2 =	sld [smem:$0x3FAC]  }
0x29: {  	s4 =	sld [smem:$0x3FAE]  }
0x2a: {  	p0 =	seq.s32 s5, $0x0;
	s5 =	sld [smem:$0x3FAF]  }
0x2b: {  	s6 =	sld [smem:$0x3FB0]  }
0x2c: {  	s7 =	sld [smem:$0x3FB1]  }
0x2d: {  	s3 =	simm.s32 $0x108;
	s8 =	sld [smem:$0x3FB2]  }
0x2e: {  	s3 =	simm.s32 @!p0 $0x1082;
	s9 =	sld [smem:$0x3FB3]  }
0x2f: {  	lr =	sadd.s32 s0, s3;
	s0 =	sld [smem:$0x3FAA]  }
0x30: {  	s3 =	sld [smem:$0x3FAD]  }
0x31: {  	[smem:$0x3FB6] =	sst s10  }
0x32: {  	s10 =	sld [smem:$0x3FB4];
	_ =	sdelay $0x3  }
0x33: {  	p0 =	seq.s32 s10, $0x1;
	s10 =	sld [smem:$0x3FB6];
	_ =	sdelay $0x3  }
0x34: {  	[smem:$0x3FB6] =	sst s10  }
0x35: {  	s10 =	sld [smem:$0x3FB5];
	_ =	sdelay $0x3  }
0x36: {  	p1 =	seq.s32 s10, $0x1;
	s10 =	sld [smem:$0x3FB6];
	_ =	sdelay $0x3  }
0x37: {  	[smem:$0x3FB6] =	sst s10  }
0x38: {  	s10 =	sld [smem:$0x3FB7]  }
0x39: {  	_ = 	snop;
	(pc) =	sbr.ind lr, $3  }
0x3a: {  	_ = 	snop  }
0x3b: {  	_ = 	snop  }
0x3c: {  	p2 =	seq.s32 s10, $0x1;
	s10 =	sld [smem:$0x3FB6]  }
0x3d: {  	_ =	shalt  }
0x3e: {  	_ =	shalt  }
0x3f: {  	_ =	shalt  }
0x40: {  	_ =	shalt  }
0x41: {  	_ =	shalt  }
0x42: {  	_ =	shalt  }
0x43: {  	_ =	shalt  }
0x44: {  	_ =	shalt  }
0x45: {  	_ =	shalt  }
0x46: {  	_ =	shalt  }
0x47: {  	_ =	shalt  }
0x48: {  	_ =	shalt  }
0x49: {  	_ =	shalt  }
0x4a: {  	_ =	shalt  }
0x4b: {  	_ =	shalt  }
0x4c: {  	_ =	shalt  }
0x4d: {  	_ =	shalt  }
0x4e: {  	_ =	shalt  }
0x4f: {  	_ =	shalt  }
0x50: {  	_ =	shalt  }
0x51: {  	_ =	shalt  }
0x52: {  	_ =	shalt  }
0x53: {  	_ =	shalt  }
0x54: {  	_ =	shalt  }
0x55: {  	_ =	shalt  }
0x56: {  	_ =	shalt  }
0x57: {  	_ =	shalt  }
0x58: {  	_ =	shalt  }
0x59: {  	_ =	shalt  }
0x5a: {  	_ =	shalt  }
0x5b: {  	_ =	shalt  }
0x5c: {  	_ =	shalt  }
0x5d: {  	_ =	shalt  }
0x5e: {  	_ =	shalt  }
0x5f: {  	_ =	shalt  }
0x60: {  	_ =	shalt  }
0x61: {  	_ =	shalt  }
0x62: {  	_ =	shalt  }
0x63: {  	_ =	shalt  }
0x64: {  	_ =	shalt  }
0x65: {  	_ =	shalt  }
0x66: {  	_ =	shalt  }
0x67: {  	_ =	shalt  }
0x68: {  	_ =	shalt  }
0x69: {  	_ =	shalt  }
0x6a: {  	_ =	shalt  }
0x6b: {  	_ =	shalt  }
0x6c: {  	_ =	shalt  }
0x6d: {  	_ =	shalt  }
0x6e: {  	_ =	shalt  }
0x6f: {  	_ =	shalt  }
0x70: {  	_ =	shalt  }
0x71: {  	_ =	shalt  }
0x72: {  	_ =	shalt  }
0x73: {  	_ =	shalt  }
0x74: {  	_ =	shalt  }
0x75: {  	_ =	shalt  }
0x76: {  	_ =	shalt  }
0x77: {  	_ =	shalt  }
0x78: {  	_ =	shalt  }
0x79: {  	_ =	shalt  }
0x7a: {  	_ =	shalt  }
0x7b: {  	_ =	shalt  }
0x7c: {  	_ =	shalt  }
0x7d: {  	_ =	shalt  }
0x7e: {  	_ =	shalt  }
0x7f: {  	_ =	shalt  }
0x80: {  	_ =	shalt  }
0x81: {  	_ =	shalt  }
0x82: {  	_ =	shalt  }
0x83: {  	_ =	shalt  }
0x84: {  	_ =	shalt  }
0x85: {  	_ =	shalt  }
0x86: {  	_ =	shalt  }
0x87: {  	_ =	shalt  }
.Lfunc_end0:
.L_simem_size_0:
called_computation_lowered:
.L_overlay_start_0:
0x88: {  	s2 =	sld [smem:$0x3FD9]  }
0x89: {  	s3 =	sld [smem:$0x3FFE];
	_ =	sdelay $0x1  }
0x8a: {  	s1 =	srdreg.scid  }
0x8b: {  	s0 =	sand.u32 $0x1, s1  }
0x8c: {  	s16 =	sshll.u32 s0, $0xA;
	s2 =	sadd.s32 s3, s2  }
0x8d: {  	s2 =	sadd.s32 s2, s16  }
0x8e: {  	[smem:$0x3FC2] =	sst s2  }
0x8f: {  	_ = 	snop  }
0x90: {  	(tm) =	ssettm $0x1  }
0x91: {  	s17 =	sld [smem:$0x3FFB];
	_ =	sdelay $0x3  }
0x92: {  	_ =	strace s17  }
0x93: {  	s2 =	sld [smem:$0x3FFC];
	_ =	sdelay $0x3  }
0x94: {  	_ =	strace s2  }
0x95: {  	s2 =	sld [smem:$0x3FFD];
	_ =	sdelay $0x3  }
0x96: {  	_ =	strace s2  }
0x97: {  	_ =	strace $0x8FFFFFFF  }
0x98: {  	s18 =	sld [smem:$0x3FDB];
	_ =	sdelay $0x1  }
0x99: {  	s19 =	simm.s32 $_scs_section_size  }
0x9a: {  	s4 =	simm.s32 $_size__tile_overlayer_lowered;
	s5 =	simm.s32 $_tile_overlayer_lowered  }
0x9b: {  	s22 =	simm.s32 $0x1BFF;
	s21 =	sshll.u32 s5, $0x1;
	s2 =	sadd.s32 s19, s18  }
0x9c: {  	s6 =	simm.s32 $0x0;
	s20 =	sshll.u32 s4, $0x1;
	s4 =	sadd.s32 s21, s2  }
0x9d: {  	[timem:s6], [sflag:s22] =	dma.local [hbm:s4], s20  }
0x9e: {  	_ =	swait.ge [sflag:s22], s20  }
0x9f: {  	s3 =	ssub.s32 $0x0, s20;
	[sflag:s22] =	ssyncset.done $0x0  }
0xa0: {  	[sflag:s22] =	ssyncadd.s32 s3;
	_ =	sdelay $0x1  }
0xa1: {  	s23 =	simm.s32 $0x1B8B  }
0xa2: {  	_ =	swait.ge [sflag:s23], $0x1  }
0xa3: {  	[sflag:s23] =	ssyncset.done $0x0  }
0xa4: {  	s25 =	simm.s32 $0x1B8E;
	s24 =	sld [smem:$0x3FFE];
	[sflag:s23] =	ssyncadd.s32 $0xFFFFFFFF  }
0xa5: {  	s26 =	simm.s32 $execute0_lowered;
	[smem:$0x3FD2] =	sst s25  }
0xa6: {  	s4 =	sshll.u32 s26, $0x1;
	_ =	strace $0x80000046;
	[dreg:$0x1] =	wrdreg $0xFFFFFFFF  }
0xa7: {  	s28 =	simm.s32 $_size_execute0_lowered;
	s2 =	sadd.s32 s2, s4;
	[dreg:$0x0] =	wrdreg $0x0  }
0xa8: {  	s4 =	sshll.u32 s28, $0x1;
	[dreg:$0x2] =	wrdreg s2  }
0xa9: {  	[dreg:$0x3] =	wrdreg s4  }
0xaa: {  	[dreg:$0x4] =	wrdreg $0xC0  }
0xab: {  	_ =	task [dreg:s6], $0x5FFFF  }
0xac: {  	[dreg:$0x1] =	wrdreg $0xFFFFFFFF  }
0xad: {  	[dreg:$0x0] =	wrdreg $0x60  }
0xae: {  	[dreg:$0x2] =	wrdreg s24  }
0xaf: {  	[dreg:$0x3] =	wrdreg $0x2D100  }
0xb0: {  	[dreg:$0x4] =	wrdreg $0x9  }
0xb1: {  	_ =	task.clear_ibuf [dreg:s6], $0x5FFFF;
	_ =	strace $0x90000046  }
0xb2: {  	s29 =	simm.s32 $0x9;
	_ =	strace $0x80000048  }
0xb3: {  	_ =	swait.ge [sflag:s29], $0x1  }
0xb4: {  	[sflag:s29] =	ssyncadd.s32 $0xFFFFFFFF  }
0xb5: {  	_ =	strace $0x90000048  }
0xb6: {  	_ =	sfence  }
0xb7: {  	s30 =	sld [smem:$0x0];
	_ =	sdelay $0x2  }
0xb8: {  	s31 =	sshll.u32 s1, $0xD;
	s1 =	sshrl.u32 s1, $0x2  }
0xb9: {  	s3 =	sand.u32 $0x4000, s31;
	s1 =	sadd.s32 s1, s30  }
0xba: {  	s0 =	sor.u32 s3, s0;
	s1 =	sshll.u32 s1, $0x11  }
0xbb: {  	s0 =	sor.u32 s1, s0  }
0xbc: {  	s0 =	sadd.s32 $0x8F2B, s0  }
0xbd: {  	[sflag:s0] =	ssyncadd.remote.s32 $0x1  }
0xbe: {  	_ =	sfence.sel $0xFFFF  }
0xbf: {  	[dreg:$0x0] =	wrdreg $0xFFFFFFFF;
	(pc) =	sbr.abs _section_cstart, $3  }
0xc0: {  	[dreg:$0x1] =	wrdreg $0xFFFFFFFF  }
0xc1: {  	_ =	task.clear_ibuf [dreg:s6], $0x2FFFF;
	_ =	strace $0x9FFFFFFF  }
0xc2: {  	(tm) =	ssettm $0x7FFFFFFF  }
0xc3: {  	_ =	shalt  }
tec
execute0_lowered:
.L_overlay_start_1:
0x0: {  	(tag) =	ssettag $0x1  }
0x1: {  	s0 =	srdreg.scid;
	s1 =	rddreg [dreg:$0x0]  }
0x2: {  	s6 =	stileid.u32;
	s2 =	rddreg [dreg:$0x1]  }
0x3: {  	s4 =	simm.s32 $0x0;
	s0 =	sand.u32 $0x1, s0;
	s5 =	smul.u32 $0xA000, s6  }
0x4: {  	s3 =	sshll.u32 s0, $0x4;
	s22 =	smul.u32 $0x5000, s0;
	s0 =	ssub.s32 $0x2, s0  }
0x5: {  	[smem:$0x7FF] =	sst s4;
	s23 =	sshrl.u32 s0, $0x1  }
0x6: {  	s3 =	sor.u32 s6, s3;
	s24 =	sshrl.u32 s5, $0x2;
	s0 =	ssub.s32 s0, s23  }
0x7: {  	s6 =	smul.u32 $0x2800, s6;
	s5 =	sadd.s32 s24, s2;
	s0 =	smax.u32 s0, $0x1  }
0x8: {  	_ =	strace $0x80000047;
	s30 =	sadd.s32 $0x100, s5;
	[dreg:$0x4] =	wrdreg s0  }
0x9: {  	s25 =	sshrl.u32 s6, $0x3;
	s31 =	sadd.s32 $0x200, s5;
	[dreg:$0x5] =	wrdreg s30  }
0xa: {  	s26 =	sadd.s32 s6, s2;
	s6 =	sadd.s32 $0x300, s5;
	[dreg:$0x6] =	wrdreg s31  }
0xb: {  	s7 =	sadd.s32 $0x400, s5;
	[dreg:$0x7] =	wrdreg s6  }
0xc: {  	s8 =	sadd.s32 $0x500, s5;
	[dreg:$0x8] =	wrdreg s7  }
0xd: {  	s9 =	sadd.s32 $0x600, s5;
	[dreg:$0x9] =	wrdreg s8  }
0xe: {  	s10 =	sadd.s32 $0x700, s5;
	[dreg:$0xa] =	wrdreg s9  }
0xf: {  	s11 =	sadd.s32 $0x800, s5;
	[dreg:$0xb] =	wrdreg s10  }
0x10: {  	s12 =	sadd.s32 $0x900, s5;
	[dreg:$0xc] =	wrdreg s11  }
0x11: {  	s13 =	sadd.s32 $0xA00, s5;
	[dreg:$0xd] =	wrdreg s12  }
0x12: {  	s14 =	sadd.s32 $0xB00, s5;
	[dreg:$0xe] =	wrdreg s13  }
0x13: {  	s15 =	sadd.s32 $0xC00, s5;
	[dreg:$0xf] =	wrdreg s14  }
0x14: {  	s16 =	sadd.s32 $0xD00, s5;
	[dreg:$0x10] =	wrdreg s15  }
0x15: {  	s28 =	simm.s32 $0x4;
	s17 =	sadd.s32 $0xE00, s5;
	[dreg:$0x11] =	wrdreg s16  }
0x16: {  	s29 =	simm.s32 $0x0;
	s18 =	sadd.s32 $0xF00, s5;
	[dreg:$0x12] =	wrdreg s17  }
0x17: {  	s3 =	smul.u32 $0x4E2, s3;
	s19 =	sadd.s32 $0x1000, s5;
	[dreg:$0x13] =	wrdreg s18  }
0x18: {  	s21 =	sadd.s32 $0x1100, s5;
	s23 =	sadd.s32 $0x1200, s5;
	[dreg:$0x14] =	wrdreg s19  }
0x19: {  	s24 =	sadd.s32 $0x1300, s5;
	s4 =	sadd.s32 $0x1A00, s5;
	[dreg:$0x16] =	wrdreg s21  }
0x1a: {  	s3 =	sadd.s32 s3, s1;
	s1 =	sadd.s32 s22, s1;
	[dreg:$0x18] =	wrdreg s23  }
0x1b: {  	s22 =	sshrl.u32 s26, $0x3;
	[dreg:$0x19] =	wrdreg s24;
	s26 =	sadd.s32 $0x1500, s5  }
0x1c: {  	s30 =	sadd.s32 $0x1600, s5;
	s31 =	sadd.s32 $0x1700, s5;
	s0 =	sadd.s32 $0x1800, s5  }
0x1d: {  	s6 =	sadd.s32 $0x1B00, s5;
	s7 =	sadd.s32 $0x1C00, s5;
	s8 =	sadd.s32 $0x1D00, s5  }
0x1e: {  	s9 =	sadd.s32 $0x1E00, s5;
	s10 =	sadd.s32 $0x1F00, s5;
	s11 =	sadd.s32 $0x2000, s5  }
0x1f: {  	s12 =	sadd.s32 $0x2100, s5;
	s13 =	sadd.s32 $0x2200, s5;
	s14 =	sadd.s32 $0x2300, s5  }
0x20: {  	s15 =	sadd.s32 $0x2400, s5;
	s16 =	sadd.s32 $0x2500, s5;
	s17 =	sadd.s32 $0x2600, s5  }
0x21: {  	s18 =	sadd.s32 $0x2700, s5;
	s19 =	simm.s32 $0x6;
	[dreg:$0x17] =	wrdreg s22  }
0x22: {  	s21 =	simm.s32 $0x5;
	s23 =	simm.s32 $0x2710;
	[dreg:$0x1b] =	wrdreg s26  }
0x23: {  	s24 =	simm.s32 $0x1;
	s3 =	sadd.s32 $0xBE00, s3;
	[dreg:$0x1c] =	wrdreg s30  }
0x24: {  	s1 =	sadd.s32 $0x15C00, s1;
	[dreg:$0x1d] =	wrdreg s31;
	s22 =	simm.s32 $0x50  }
0x25: {  	s26 =	simm.s32 $0x3;
	[dreg:$0x3] =	wrdreg s3;
	s20 =	sadd.s32 s25, s1  }
0x26: {  	s25 =	sadd.s32 $0x1400, s5;
	s3 =	sadd.s32 $0x1900, s5;
	[dreg:$0x15] =	wrdreg s20  }
0x27: {  	v0 =	vimm.f32 $0.0e+00;
	v1 =	vimm.f32 $1.000000000e+00;
	[dreg:$0x1a] =	wrdreg s25;
	s20 =	simm.s32 $0x2C10;
	s25 =	simm.s32 $0x2  }
.LBB2_1:
0x28: {  	s1 =	simm.s32 $0x0;
	s30 =	rddreg [dreg:$0x3]  }
0x29: {  	[tilespmem:s1], [sflag:$0x6] =	stream.linear.gather [hbm4b:s30+s1], $0x2710, $0x38;
	[tilespmem:$0x5510] =	vst v63  }
0x2a: {  	_ =	swait.ge [sflag:s19], $0x2710  }
0x2b: {  	[sflag:s19] =	ssyncset.done $0x0  }
0x2c: {  	[sflag:s19] =	ssyncadd.s32 $0xFFFFD8F0  }
0x2d: {  	[tilespmem:$0x2C10] =	vst v0  }
0x2e: {  	[tilespmem:$0x2C20] =	vst v0  }
0x2f: {  	[tilespmem:$0x2C30] =	vst v0  }
0x30: {  	[tilespmem:$0x2C40] =	vst v0  }
0x31: {  	[tilespmem:$0x2C50] =	vst v0  }
0x32: {  	[tilespmem:$0x2C60] =	vst v0  }
0x33: {  	[tilespmem:$0x2C70] =	vst v0  }
0x34: {  	[tilespmem:$0x2C80] =	vst v0  }
0x35: {  	[tilespmem:$0x2C90] =	vst v0  }
0x36: {  	[tilespmem:$0x2CA0] =	vst v0  }
0x37: {  	[tilespmem:$0x2CB0] =	vst v0  }
0x38: {  	[tilespmem:$0x2CC0] =	vst v0  }
0x39: {  	[tilespmem:$0x2CD0] =	vst v0  }
0x3a: {  	[tilespmem:$0x2CE0] =	vst v0  }
0x3b: {  	[tilespmem:$0x2CF0] =	vst v0  }
0x3c: {  	s31 =	simm.s32 $0x0;
	s30 =	simm.s32 $0x40;
	[tilespmem:$0x2D00] =	vst v0  }
.LBB2_2:
0x3d: {  	p0 =	sne.s32 s30, $0x13C0;
	[tilespmem:s31+$0x2710] =	vst v1;
	s31 =	smov.u32 s30;
	s30 =	sadd.s32 $0x40, s30  }
.Ltmp0:
0x3e: {  	(pc) =	sbr.rel @p0 .LBB2_2-.Ltmp0, $2  }
0x3f: {  	_ =	sdelay $0x2  }
0x40: {  	s31 =	sshra.s32 s31, $0x2  }
0x41: {  	[tilespmem:s31+$0x2710] =	vst v1  }
0x42: {  	[spmem:s5] =	stream.linear.scatter [tilespmem:s20], [sflag:$0x5], $0x100, $0x38;
	[tilespmem:$0x5510] =	vst v63  }
0x43: {  	s1 =	rddreg [dreg:$0x5]  }
0x44: {  	[spmem:s1] =	stream.linear.scatter [tilespmem:s20], [sflag:$0x5], $0x100, $0x38;
	[tilespmem:$0x5510] =	vst v63  }
0x45: {  	s31 =	rddreg [dreg:$0x6]  }
0x46: {  	[spmem:s31] =	stream.linear.scatter [tilespmem:s20], [sflag:$0x5], $0x100, $0x38;
	[tilespmem:$0x5510] =	vst v63  }
0x47: {  	s31 =	rddreg [dreg:$0x7]  }
0x48: {  	[spmem:s31] =	stream.linear.scatter [tilespmem:s20], [sflag:$0x5], $0x100, $0x38;
	[tilespmem:$0x5510] =	vst v63  }
0x49: {  	s31 =	rddreg [dreg:$0x8]  }
0x4a: {  	[spmem:s31] =	stream.linear.scatter [tilespmem:s20], [sflag:$0x5], $0x100, $0x38;
	[tilespmem:$0x5510] =	vst v63  }
0x4b: {  	s31 =	rddreg [dreg:$0x9]  }
0x4c: {  	[spmem:s31] =	stream.linear.scatter [tilespmem:s20], [sflag:$0x5], $0x100, $0x38;
	[tilespmem:$0x5510] =	vst v63  }
0x4d: {  	s31 =	rddreg [dreg:$0xa]  }
0x4e: {  	[spmem:s31] =	stream.linear.scatter [tilespmem:s20], [sflag:$0x5], $0x100, $0x38;
	[tilespmem:$0x5510] =	vst v63  }
0x4f: {  	s31 =	rddreg [dreg:$0xb]  }
0x50: {  	[spmem:s31] =	stream.linear.scatter [tilespmem:s20], [sflag:$0x5], $0x100, $0x38;
	[tilespmem:$0x5510] =	vst v63  }
0x51: {  	s31 =	rddreg [dreg:$0xc]  }
0x52: {  	[spmem:s31] =	stream.linear.scatter [tilespmem:s20], [sflag:$0x5], $0x100, $0x38;
	[tilespmem:$0x5510] =	vst v63  }
0x53: {  	s31 =	rddreg [dreg:$0xd]  }
0x54: {  	[spmem:s31] =	stream.linear.scatter [tilespmem:s20], [sflag:$0x5], $0x100, $0x38;
	[tilespmem:$0x5510] =	vst v63  }
0x55: {  	s31 =	rddreg [dreg:$0xe]  }
0x56: {  	[spmem:s31] =	stream.linear.scatter [tilespmem:s20], [sflag:$0x5], $0x100, $0x38;
	[tilespmem:$0x5510] =	vst v63  }
0x57: {  	s31 =	rddreg [dreg:$0xf]  }
0x58: {  	[spmem:s31] =	stream.linear.scatter [tilespmem:s20], [sflag:$0x5], $0x100, $0x38;
	[tilespmem:$0x5510] =	vst v63  }
0x59: {  	s31 =	rddreg [dreg:$0x10]  }
0x5a: {  	[spmem:s31] =	stream.linear.scatter [tilespmem:s20], [sflag:$0x5], $0x100, $0x38;
	[tilespmem:$0x5510] =	vst v63  }
0x5b: {  	s31 =	rddreg [dreg:$0x11]  }
0x5c: {  	[spmem:s31] =	stream.linear.scatter [tilespmem:s20], [sflag:$0x5], $0x100, $0x38;
	[tilespmem:$0x5510] =	vst v63  }
0x5d: {  	s31 =	rddreg [dreg:$0x12]  }
0x5e: {  	[spmem:s31] =	stream.linear.scatter [tilespmem:s20], [sflag:$0x5], $0x100, $0x38;
	[tilespmem:$0x5510] =	vst v63  }
0x5f: {  	s31 =	rddreg [dreg:$0x13]  }
0x60: {  	[spmem:s31] =	stream.linear.scatter [tilespmem:s20], [sflag:$0x5], $0x100, $0x38;
	[tilespmem:$0x5510] =	vst v63  }
0x61: {  	s31 =	rddreg [dreg:$0x14]  }
0x62: {  	[spmem:s31] =	stream.linear.scatter [tilespmem:s20], [sflag:$0x5], $0x100, $0x38;
	[tilespmem:$0x5510] =	vst v63  }
0x63: {  	s31 =	rddreg [dreg:$0x16]  }
0x64: {  	[spmem:s31] =	stream.linear.scatter [tilespmem:s20], [sflag:$0x5], $0x100, $0x38;
	[tilespmem:$0x5510] =	vst v63  }
0x65: {  	s31 =	rddreg [dreg:$0x18]  }
0x66: {  	[spmem:s31] =	stream.linear.scatter [tilespmem:s20], [sflag:$0x5], $0x100, $0x38;
	[tilespmem:$0x5510] =	vst v63  }
0x67: {  	s31 =	rddreg [dreg:$0x19]  }
0x68: {  	[spmem:s31] =	stream.linear.scatter [tilespmem:s20], [sflag:$0x5], $0x100, $0x38;
	[tilespmem:$0x5510] =	vst v63  }
0x69: {  	s31 =	rddreg [dreg:$0x1a]  }
0x6a: {  	[spmem:s31] =	stream.linear.scatter [tilespmem:s20], [sflag:$0x5], $0x100, $0x38;
	[tilespmem:$0x5510] =	vst v63  }
0x6b: {  	s31 =	rddreg [dreg:$0x1b]  }
0x6c: {  	[spmem:s31] =	stream.linear.scatter [tilespmem:s20], [sflag:$0x5], $0x100, $0x38;
	[tilespmem:$0x5510] =	vst v63  }
0x6d: {  	s31 =	rddreg [dreg:$0x1c]  }
0x6e: {  	[spmem:s31] =	stream.linear.scatter [tilespmem:s20], [sflag:$0x5], $0x100, $0x38;
	[tilespmem:$0x5510] =	vst v63  }
0x6f: {  	s31 =	rddreg [dreg:$0x1d]  }
0x70: {  	[spmem:s31] =	stream.linear.scatter [tilespmem:s20], [sflag:$0x5], $0x100, $0x38;
	[tilespmem:$0x5510] =	vst v63  }
0x71: {  	_ = 	snop  }
0x72: {  	[spmem:s0] =	stream.linear.scatter [tilespmem:s20], [sflag:$0x5], $0x100, $0x38;
	[tilespmem:$0x5510] =	vst v63  }
0x73: {  	_ = 	snop  }
0x74: {  	[spmem:s3] =	stream.linear.scatter [tilespmem:s20], [sflag:$0x5], $0x100, $0x38;
	[tilespmem:$0x5510] =	vst v63  }
0x75: {  	_ = 	snop  }
0x76: {  	[spmem:s4] =	stream.linear.scatter [tilespmem:s20], [sflag:$0x5], $0x100, $0x38;
	[tilespmem:$0x5510] =	vst v63  }
0x77: {  	_ = 	snop  }
0x78: {  	[spmem:s6] =	stream.linear.scatter [tilespmem:s20], [sflag:$0x5], $0x100, $0x38;
	[tilespmem:$0x5510] =	vst v63  }
0x79: {  	_ = 	snop  }
0x7a: {  	[spmem:s7] =	stream.linear.scatter [tilespmem:s20], [sflag:$0x5], $0x100, $0x38;
	[tilespmem:$0x5510] =	vst v63  }
0x7b: {  	_ = 	snop  }
0x7c: {  	[spmem:s8] =	stream.linear.scatter [tilespmem:s20], [sflag:$0x5], $0x100, $0x38;
	[tilespmem:$0x5510] =	vst v63  }
0x7d: {  	_ = 	snop  }
0x7e: {  	[spmem:s9] =	stream.linear.scatter [tilespmem:s20], [sflag:$0x5], $0x100, $0x38;
	[tilespmem:$0x5510] =	vst v63  }
0x7f: {  	_ = 	snop  }
0x80: {  	[spmem:s10] =	stream.linear.scatter [tilespmem:s20], [sflag:$0x5], $0x100, $0x38;
	[tilespmem:$0x5510] =	vst v63  }
0x81: {  	_ = 	snop  }
0x82: {  	[spmem:s11] =	stream.linear.scatter [tilespmem:s20], [sflag:$0x5], $0x100, $0x38;
	[tilespmem:$0x5510] =	vst v63  }
0x83: {  	_ = 	snop  }
0x84: {  	[spmem:s12] =	stream.linear.scatter [tilespmem:s20], [sflag:$0x5], $0x100, $0x38;
	[tilespmem:$0x5510] =	vst v63  }
0x85: {  	_ = 	snop  }
0x86: {  	[spmem:s13] =	stream.linear.scatter [tilespmem:s20], [sflag:$0x5], $0x100, $0x38;
	[tilespmem:$0x5510] =	vst v63  }
0x87: {  	_ = 	snop  }
0x88: {  	[spmem:s14] =	stream.linear.scatter [tilespmem:s20], [sflag:$0x5], $0x100, $0x38;
	[tilespmem:$0x5510] =	vst v63  }
0x89: {  	_ = 	snop  }
0x8a: {  	[spmem:s15] =	stream.linear.scatter [tilespmem:s20], [sflag:$0x5], $0x100, $0x38;
	[tilespmem:$0x5510] =	vst v63  }
0x8b: {  	_ = 	snop  }
0x8c: {  	[spmem:s16] =	stream.linear.scatter [tilespmem:s20], [sflag:$0x5], $0x100, $0x38;
	[tilespmem:$0x5510] =	vst v63  }
0x8d: {  	_ = 	snop  }
0x8e: {  	[spmem:s17] =	stream.linear.scatter [tilespmem:s20], [sflag:$0x5], $0x100, $0x38;
	[tilespmem:$0x5510] =	vst v63  }
0x8f: {  	_ = 	snop  }
0x90: {  	[spmem:s18] =	stream.linear.scatter [tilespmem:s20], [sflag:$0x5], $0x100, $0x38;
	[tilespmem:$0x5510] =	vst v63  }
0x91: {  	_ =	swait.ge [sflag:s21], $0x100  }
0x92: {  	s30 =	simm.s32 $0x27;
	[sflag:s21] =	ssyncset.done $0x0  }
.LBB2_4:
0x93: {  	p0 =	sne.s32 s30, $0x1;
	s30 =	sadd.s32 $0xFFFFFFFF, s30;
	[sflag:s21] =	ssyncadd.s32 $0xFFFFFF00  }
.Ltmp1:
0x94: {  	(pc) =	sbr.rel @p0 .LBB2_4-.Ltmp1, $3  }
0x95: {  	_ =	sdelay $0x1  }
0x96: {  	_ =	swait.ge [sflag:s21], $0x100  }
0x97: {  	[sflag:s21] =	ssyncset.done $0x0  }
0x98: {  	[sflag:s21] =	ssyncadd.s32 $0xFFFFFF00  }
0x99: {  	s1 =	simm.s32 $0x0;
	[bflag:$0x0] =	sbarrier.arrive $0xFFFF  }
0x9a: {  	[spmem:s2] =	stream.indirect.scatter.add.f32 [tilespmem:s23], [sflag:$0x1], $0x10, s1, s22, $0xb8;
	[tilespmem:$0x5510] =	vst v63  }
0x9b: {  	_ = 	snop  }
0x9c: {  	[spmem:s2] =	stream.indirect.scatter.add.f32 [tilespmem:s23], [sflag:$0x2], $0x10, s22, s22, $0xb8;
	[tilespmem:$0x5510] =	vst v63  }
0x9d: {  	s1 =	simm.s32 $0xA0  }
0x9e: {  	[spmem:s2] =	stream.indirect.scatter.add.f32 [tilespmem:s23], [sflag:$0x3], $0x10, s1, s22, $0xb8;
	[tilespmem:$0x5510] =	vst v63  }
0x9f: {  	s1 =	simm.s32 $0xF0  }
0xa0: {  	[spmem:s2] =	stream.indirect.scatter.add.f32 [tilespmem:s23], [sflag:$0x4], $0x10, s1, s22, $0xb8;
	[tilespmem:$0x5510] =	vst v63  }
0xa1: {  	_ =	swait.ge [sflag:s24], $0x500  }
0xa2: {  	[sflag:s24] =	ssyncset.done $0x0  }
0xa3: {  	s30 =	simm.s32 $0x140;
	[sflag:s24] =	ssyncadd.s32 $0xFFFFFB00  }
0xa4: {  	[spmem:s2] =	stream.indirect.scatter.add.f32 [tilespmem:s23], [sflag:$0x1], $0x10, s30, s22, $0xb8;
	[tilespmem:$0x5510] =	vst v63  }
0xa5: {  	_ =	swait.ge [sflag:s25], $0x500  }
0xa6: {  	[sflag:s25] =	ssyncset.done $0x0  }
0xa7: {  	s30 =	simm.s32 $0x190;
	[sflag:s25] =	ssyncadd.s32 $0xFFFFFB00  }
0xa8: {  	[spmem:s2] =	stream.indirect.scatter.add.f32 [tilespmem:s23], [sflag:$0x2], $0x10, s30, s22, $0xb8;
	[tilespmem:$0x5510] =	vst v63  }
0xa9: {  	_ =	swait.ge [sflag:s26], $0x500  }
0xaa: {  	[sflag:s26] =	ssyncset.done $0x0  }
0xab: {  	s30 =	simm.s32 $0x1E0;
	[sflag:s26] =	ssyncadd.s32 $0xFFFFFB00  }
0xac: {  	[spmem:s2] =	stream.indirect.scatter.add.f32 [tilespmem:s23], [sflag:$0x3], $0x10, s30, s22, $0xb8;
	[tilespmem:$0x5510] =	vst v63  }
0xad: {  	_ =	swait.ge [sflag:s28], $0x500  }
0xae: {  	[sflag:s28] =	ssyncset.done $0x0  }
0xaf: {  	s31 =	simm.s32 $0x230;
	s30 =	simm.s32 $0xFFFF6F00;
	[sflag:s28] =	ssyncadd.s32 $0xFFFFFB00  }
.LBB2_6:
0xb0: {  	[spmem:s2] =	stream.indirect.scatter.add.f32 [tilespmem:s23], [sflag:$0x4], $0x10, s31, s22, $0xb8;
	[tilespmem:$0x5510] =	vst v63  }
0xb1: {  	s31 =	smov.u32 s30  }
0xb2: {  	p0 =	sne.s32 s30, $0xFFFFFB00;
	s30 =	sadd.s32 $0x500, s30;
	_ =	swait.ge [sflag:s24], $0x500  }
0xb3: {  	s31 =	sshra.s32 s31, $0x2;
	[sflag:s24] =	ssyncset.done $0x0  }
0xb4: {  	s1 =	sadd.s32 $0x26C0, s31;
	[sflag:s24] =	ssyncadd.s32 $0xFFFFFB00  }
0xb5: {  	[spmem:s2] =	stream.indirect.scatter.add.f32 [tilespmem:s23], [sflag:$0x1], $0x10, s1, s22, $0xb8;
	[tilespmem:$0x5510] =	vst v63  }
0xb6: {  	_ =	swait.ge [sflag:s25], $0x500  }
0xb7: {  	[sflag:s25] =	ssyncset.done $0x0  }
0xb8: {  	s1 =	sadd.s32 $0x2710, s31;
	[sflag:s25] =	ssyncadd.s32 $0xFFFFFB00  }
0xb9: {  	[spmem:s2] =	stream.indirect.scatter.add.f32 [tilespmem:s23], [sflag:$0x2], $0x10, s1, s22, $0xb8;
	[tilespmem:$0x5510] =	vst v63  }
0xba: {  	_ =	swait.ge [sflag:s26], $0x500  }
0xbb: {  	[sflag:s26] =	ssyncset.done $0x0  }
.Ltmp2:
0xbc: {  	s1 =	sadd.s32 $0x2760, s31;
	[sflag:s26] =	ssyncadd.s32 $0xFFFFFB00;
	(pc) =	sbr.rel @p0 .LBB2_6-.Ltmp2, $4  }
0xbd: {  	[spmem:s2] =	stream.indirect.scatter.add.f32 [tilespmem:s23], [sflag:$0x3], $0x10, s1, s22, $0xb8;
	[tilespmem:$0x5510] =	vst v63  }
0xbe: {  	_ =	swait.ge [sflag:s28], $0x500  }
0xbf: {  	[sflag:s28] =	ssyncset.done $0x0  }
0xc0: {  	s31 =	sadd.s32 $0x27B0, s31;
	[sflag:s28] =	ssyncadd.s32 $0xFFFFFB00  }
0xc1: {  	[spmem:s2] =	stream.indirect.scatter.add.f32 [tilespmem:s23], [sflag:$0x4], $0x10, s31, s22, $0xb8;
	[tilespmem:$0x5510] =	vst v63  }
0xc2: {  	_ =	swait.ge [sflag:s24], $0x500  }
0xc3: {  	[sflag:s24] =	ssyncset.done $0x0  }
0xc4: {  	s1 =	simm.s32 $0x26C0;
	[sflag:s24] =	ssyncadd.s32 $0xFFFFFB00  }
0xc5: {  	[spmem:s2] =	stream.indirect.scatter.add.f32 [tilespmem:s23], [sflag:$0x1], $0x10, s1, s22, $0xb8;
	[tilespmem:$0x5510] =	vst v63  }
0xc6: {  	_ =	swait.ge [sflag:s25], $0x500  }
0xc7: {  	[sflag:s25] =	ssyncset.done $0x0  }
0xc8: {  	[sflag:s25] =	ssyncadd.s32 $0xFFFFFB00  }
0xc9: {  	_ =	swait.ge [sflag:s26], $0x500  }
0xca: {  	[sflag:s26] =	ssyncset.done $0x0  }
0xcb: {  	[sflag:s26] =	ssyncadd.s32 $0xFFFFFB00  }
0xcc: {  	_ =	swait.ge [sflag:s28], $0x500  }
0xcd: {  	[sflag:s28] =	ssyncset.done $0x0  }
0xce: {  	[sflag:s28] =	ssyncadd.s32 $0xFFFFFB00  }
0xcf: {  	_ =	swait.ge [sflag:s24], $0x500  }
0xd0: {  	[sflag:s24] =	ssyncset.done $0x0  }
0xd1: {  	[sflag:s24] =	ssyncadd.s32 $0xFFFFFB00  }
0xd2: {  	s30 =	stileid.u32;
	[bflag:$0x0] =	sbarrier.arrive $0xFFFF  }
0xd3: {  	s1 =	sshll.u32 s30, $0x6;
	s30 =	rddreg [dreg:$0x15]  }
0xd4: {  	s1 =	sor.u32 $0x1C06, s1;
	s31 =	rddreg [dreg:$0x17]  }
0xd5: {  	[hbm:s30], [sflag:s1] =	dma.local [spmem:s31], $0x500  }
0xd6: {  	_ =	swait.ge [sflag:s19], $0x500  }
0xd7: {  	s29 =	sadd.s32 $0x1, s29;
	s31 =	rddreg [dreg:$0x4]  }
0xd8: {  	p0 =	sne.s32 s29, s31  }
.Ltmp3:
0xd9: {  	_ = 	snop;
	(pc) =	sbr.rel @p0 .LBB2_1-.Ltmp3, $3  }
0xda: {  	_ =	sdelay $0x1  }
0xdb: {  	[sflag:s19] =	ssyncset.done $0x0  }
0xdc: {  	[sflag:s19] =	ssyncadd.s32 $0xFFFFFB00  }
0xdd: {  	_ =	sfence.sel $0x180000  }
0xde: {  	[bflag:$0x0] =	sbarrier.arrive $0xFFFF  }
0xdf: {  	_ =	strace $0x90000047  }
0xe0: {  	s0 =	stileid.u32;
	[bflag:$0x2] =	sbarrier.arrive $0xFFFF  }
0xe1: {  	p0 =	sne.s32 s0, $0x0;
	s0 =	rddreg [dreg:$0x2]  }
0xe2: {  	s0 =	sadd.s32 @!p0 $0x100000, s0  }
0xe3: {  	[sflag:s0] =	ssyncadd.tile.s32 @!p0 $0x1;
	_ =	shalt  }
.Lfunc_end2:
_tile_overlayer_lowered:
.L_overlay_start_2:
0xe4: {  	(tag) =	ssettag $0x2  }
0xe5: {  	s0 =	rddreg [dreg:$0x0];
	s2 =	stileid.u32  }
0xe6: {  	s1 =	rddreg [dreg:$0x1];
	p0 =	sne.s32 s2, $0x0  }
0xe7: {  	s3 =	rddreg [dreg:$0x2];
	[bflag:$0x3] =	sbarrier.arrive $0xFFFF;
	s2 =	simm.s32 @!p0 $0x1C06  }
0xe8: {  	[timem:s3], [sflag:s2] =	dma.local @!p0 [hbm:s0], s1  }
0xe9: {  	s0 =	simm.s32 @!p0 $0x6  }
0xea: {  	_ =	swait.ge @!p0 [sflag:s0], s1  }
0xeb: {  	s1 =	ssub.s32 @!p0 $0x0, s1;
	[sflag:s0] =	ssyncset.done @!p0 $0x0  }
0xec: {  	[sflag:s0] =	ssyncadd.s32 @!p0 s1  }
0xed: {  	[bflag:$0x3] =	sbarrier.arrive $0xFFFF  }
0xee: {  	_ =	shalt  }

</sc_bundles>
